<compile_context>
chip_gen: v7x
topology: tpu7x:2x2x1
jax: 0.10.2.dev20260603
libtpu: 0.0.44.dev20260713+nightly
codegen_flags: <defaults>
</compile_context>

<pallas_src>
import functools

import jax
import jax.numpy as jnp
from jax import lax
from jax.experimental import pallas as pl
from jax.experimental.pallas import tpu as pltpu
from jax.experimental.pallas import tpu_sc as plsc

N = 10000
E = 160000
C = 128
H = 8
DH = 16
CUTOFF = 5.0

NC = 2
NS = 16
NW = NC * NS

GB1 = 200
GB2 = 40
G_PER_W = E // NW
SB = 80
S_PER_T = E // NS
ROWS_PER_T = 624
ROWS_REM = N - NS * ROWS_PER_T
ZROWS = 48

BN = 400
BE = 400

_f32 = jnp.float32


def _silu(x):
    return x * jax.nn.sigmoid(x)


def _node_dense_body(s_ref, v_ref, ln_g, ln_b, wq, bq, wk, bk, wv1, bv1,
                     wv2, bv2, wvq, wvk,
                     q_ref, k_ref, val_ref, vq_ref, vdot_ref):
    s = s_ref[...]
    mu = jnp.mean(s, axis=-1, keepdims=True)
    xc = s - mu
    var = jnp.mean(xc * xc, axis=-1, keepdims=True)
    x = xc * lax.rsqrt(var + 1e-5) * ln_g[...] + ln_b[...]
    q_ref[...] = jnp.dot(x, wq[...], preferred_element_type=_f32) + bq[...]
    k_ref[...] = jnp.dot(x, wk[...], preferred_element_type=_f32) + bk[...]
    hv = _silu(jnp.dot(x, wv1[...], preferred_element_type=_f32) + bv1[...])
    val_ref[...] = jnp.dot(hv, wv2[...], preferred_element_type=_f32) + bv2[...]
    v2 = v_ref[...]
    vdot = jnp.zeros_like(s)
    for i in range(3):
        sl = slice(i * C, (i + 1) * C)
        vq_i = jnp.dot(v2[:, sl], wvq[...], preferred_element_type=_f32)
        vk_i = jnp.dot(v2[:, sl], wvk[...], preferred_element_type=_f32)
        vq_ref[:, sl] = vq_i
        vdot = vdot + vq_i * vk_i
    vdot_ref[...] = vdot


def _node_dense(s, v2d, p):
    grid = (N // BN,)
    row = lambda i: (i, 0)
    cst = lambda i: (0, 0)
    out = pl.pallas_call(
        _node_dense_body,
        grid=grid,
        in_specs=[
            pl.BlockSpec((BN, C), row), pl.BlockSpec((BN, 3 * C), row),
            pl.BlockSpec((1, C), cst), pl.BlockSpec((1, C), cst),
            pl.BlockSpec((C, C), cst), pl.BlockSpec((1, C), cst),
            pl.BlockSpec((C, C), cst), pl.BlockSpec((1, C), cst),
            pl.BlockSpec((C, C), cst), pl.BlockSpec((1, C), cst),
            pl.BlockSpec((C, 3 * C), cst), pl.BlockSpec((1, 3 * C), cst),
            pl.BlockSpec((C, C), cst), pl.BlockSpec((C, C), cst),
        ],
        out_specs=[
            pl.BlockSpec((BN, C), row), pl.BlockSpec((BN, C), row),
            pl.BlockSpec((BN, 3 * C), row), pl.BlockSpec((BN, 3 * C), row),
            pl.BlockSpec((BN, C), row),
        ],
        out_shape=[
            jax.ShapeDtypeStruct((N, C), _f32),
            jax.ShapeDtypeStruct((N, C), _f32),
            jax.ShapeDtypeStruct((N, 3 * C), _f32),
            jax.ShapeDtypeStruct((N, 3 * C), _f32),
            jax.ShapeDtypeStruct((N, C), _f32),
        ],
    )(s, v2d,
      p['ln_g'].reshape(1, C), p['ln_b'].reshape(1, C),
      p['Wq'], p['bq'].reshape(1, C), p['Wk'], p['bk'].reshape(1, C),
      p['Wv1'], p['bv1'].reshape(1, C), p['Wv2'], p['bv2'].reshape(1, 3 * C),
      p['Wvq'], p['Wvk'])
    return out


def _sc_gather(q, k, val, v2d, src, dst):
    mesh = plsc.VectorSubcoreMesh(core_axis_name="c", subcore_axis_name="s")

    @functools.partial(
        pl.kernel,
        mesh=mesh,
        out_type=[
            jax.ShapeDtypeStruct((E, C), _f32),
            jax.ShapeDtypeStruct((E, C), _f32),
            jax.ShapeDtypeStruct((E, 3 * C), _f32),
            jax.ShapeDtypeStruct((E, 3 * C), _f32),
        ],
        scratch_types=[
            pltpu.VMEM((GB1,), jnp.int32),
            pltpu.VMEM((GB1,), jnp.int32),
            pltpu.VMEM((GB2,), jnp.int32),
            pltpu.VMEM((GB2,), jnp.int32),
            pltpu.VMEM((GB1, C), _f32),
            pltpu.VMEM((GB1, C), _f32),
            pltpu.VMEM((GB2, 3 * C), _f32),
            pltpu.VMEM((GB2, 3 * C), _f32),
            pltpu.SemaphoreType.DMA,
            pltpu.SemaphoreType.DMA,
            pltpu.SemaphoreType.DMA,
            pltpu.SemaphoreType.DMA,
        ],
    )
    def gather_kernel(q_hbm, k_hbm, val_hbm, v_hbm, src_hbm, dst_hbm,
                      qd_hbm, ks_hbm, vals_hbm, vs_hbm,
                      ia0, ia1, ib0, ib1, a0, a1, b0, b1, sg0, sg1, ss0, ss1):
        wid = lax.axis_index("s") * NC + lax.axis_index("c")
        base = wid * G_PER_W

        def run_phase(tbl, out, idx_hbm, gb, ix0, ix1, buf0, buf1):
            nb = G_PER_W // gb

            def ldix(j, ix):
                pltpu.sync_copy(idx_hbm.at[pl.ds(base + j * gb, gb)], ix)

            def gat(ix, buf, sem):
                pltpu.async_copy(tbl.at[ix], buf, sem)

            def wait_g(ix, buf, sem):
                pltpu.make_async_copy(tbl.at[ix], buf, sem).wait()

            def sto(j, buf, sem):
                pltpu.async_copy(buf, out.at[pl.ds(base + j * gb, gb)], sem)

            def wait_s(j, buf, sem):
                pltpu.make_async_copy(buf, out.at[pl.ds(base + j * gb, gb)], sem).wait()

            ldix(0, ix0)
            gat(ix0, buf0, sg0)

            @pl.loop(0, (nb + 1) // 2)
            def _(t):
                j0 = 2 * t
                j1 = j0 + 1
                wait_g(ix0, buf0, sg0)
                sto(j0, buf0, ss0)

                @pl.when(j1 < nb)
                def _():
                    ldix(j1, ix1)
                    gat(ix1, buf1, sg1)
                wait_s(j0, buf0, ss0)

                @pl.when(j0 + 2 < nb)
                def _():
                    ldix(j0 + 2, ix0)
                    gat(ix0, buf0, sg0)

                @pl.when(j1 < nb)
                def _():
                    wait_g(ix1, buf1, sg1)
                    sto(j1, buf1, ss1)
                    wait_s(j1, buf1, ss1)

        run_phase(q_hbm, qd_hbm, dst_hbm, GB1, ia0, ia1, a0, a1)
        run_phase(k_hbm, ks_hbm, src_hbm, GB1, ia0, ia1, a0, a1)
        run_phase(val_hbm, vals_hbm, src_hbm, GB2, ib0, ib1, b0, b1)
        run_phase(v_hbm, vs_hbm, src_hbm, GB2, ib0, ib1, b0, b1)

    return gather_kernel(q, k, val, v2d, src, dst)


def _edge_body(r_ref, qd_ref, ks_ref, vals_ref, vs_ref, dir_ref, d_ref,
               wsig, bsig, wra, bra, sel,
               m0_ref, m1_ref, m2_ref, m3_ref):
    r = r_ref[...]
    rk = _silu(jnp.dot(r, wsig[...], preferred_element_type=_f32) + bsig[...])
    ra = jnp.dot(r, wra[...], preferred_element_type=_f32) + bra[...]
    prod = qd_ref[...] * ks_ref[...] * rk
    attn_b = jnp.dot(prod, sel[...], preferred_element_type=_f32)
    d = d_ref[...]
    cc = 0.5 * (jnp.cos(d * (jnp.pi / CUTOFF)) + 1.0) * (d < CUTOFF).astype(_f32)
    attn128 = _silu(attn_b) * cc
    val_j = vals_ref[...] * ra
    m0_ref[...] = val_j[:, :C] * attn128
    vec1 = val_j[:, C:2 * C]
    vec2 = val_j[:, 2 * C:]
    vs = vs_ref[...]
    dirs = dir_ref[...]
    m1_ref[...] = vs[:, :C] * vec1 + dirs[:, 0:1] * vec2
    m2_ref[...] = vs[:, C:2 * C] * vec1 + dirs[:, 1:2] * vec2
    m3_ref[...] = vs[:, 2 * C:] * vec1 + dirs[:, 2:3] * vec2


def _edge_stage(r_ij, qd, ks, vals, vs, dir_ij, d2, p):
    grid = (E // BE,)
    row = lambda i: (i, 0)
    cst = lambda i: (0, 0)
    return pl.pallas_call(
        _edge_body,
        grid=grid,
        in_specs=[
            pl.BlockSpec((BE, C), row), pl.BlockSpec((BE, C), row),
            pl.BlockSpec((BE, C), row), pl.BlockSpec((BE, 3 * C), row),
            pl.BlockSpec((BE, 3 * C), row), pl.BlockSpec((BE, 3), row),
            pl.BlockSpec((BE, 1), row),
            pl.BlockSpec((C, C), cst), pl.BlockSpec((1, C), cst),
            pl.BlockSpec((C, 3 * C), cst), pl.BlockSpec((1, 3 * C), cst),
            pl.BlockSpec((C, C), cst),
        ],
        out_specs=[pl.BlockSpec((BE, C), row)] * 4,
        out_shape=[jax.ShapeDtypeStruct((E, C), _f32)] * 4,
    )(r_ij, qd, ks, vals, vs, dir_ij, d2,
      p['Wsig'], p['bsig'].reshape(1, C), p['Wra'], p['bra'].reshape(1, 3 * C),
      jnp.kron(jnp.eye(H, dtype=_f32), jnp.ones((DH, DH), _f32)))


def _sc_scatter(m0, m1, m2, m3, dst):
    mesh = plsc.VectorSubcoreMesh(core_axis_name="c", subcore_axis_name="s")
    nb = S_PER_T // SB

    @functools.partial(
        pl.kernel,
        mesh=mesh,
        out_type=[jax.ShapeDtypeStruct((N, C), _f32)] * 4,
        scratch_types=[
            pltpu.VMEM((SB,), jnp.int32),
            pltpu.VMEM((SB,), jnp.int32),
            pltpu.VMEM((SB, C), _f32),
            pltpu.VMEM((SB, C), _f32),
            pltpu.VMEM((ZROWS, C), _f32),
            pltpu.VMEM_SHARED((N, C), _f32),
            pltpu.SemaphoreType.DMA,
            pltpu.SemaphoreType.DMA,
            pltpu.SemaphoreType.DMA,
            pltpu.SemaphoreType.DMA,
        ],
    )
    def scatter_kernel(m0_hbm, m1_hbm, m2_hbm, m3_hbm, dst_hbm,
                       ds_hbm, dv0_hbm, dv1_hbm, dv2_hbm,
                       ix0, ix1, mb0, mb1, zbuf, acc, sl0, sl1, sa0, sa1):
        c = lax.axis_index("c")
        s = lax.axis_index("s")

        @pl.loop(0, ZROWS)
        def _(i):
            @pl.loop(0, C, step=16)
            def _(j):
                zbuf[i, pl.ds(j, 16)] = jnp.zeros((16,), _f32)

        def process(m_hbm, out_hbm):
            @pl.loop(0, ROWS_PER_T // ZROWS)
            def _(t):
                pltpu.sync_copy(zbuf, acc.at[pl.ds(s * ROWS_PER_T + t * ZROWS, ZROWS)])

            @pl.when(s == 0)
            def _():
                pltpu.sync_copy(zbuf.at[pl.ds(0, ROWS_REM)],
                                acc.at[pl.ds(NS * ROWS_PER_T, ROWS_REM)])
            plsc.subcore_barrier()

            def load(j, buf, sem):
                pltpu.async_copy(m_hbm.at[pl.ds(s * S_PER_T + j * SB, SB)], buf, sem)

            def wait_l(j, buf, sem):
                pltpu.make_async_copy(m_hbm.at[pl.ds(s * S_PER_T + j * SB, SB)],
                                      buf, sem).wait()

            load(0, mb0, sl0)

            @pl.loop(0, nb // 2)
            def _(t):
                j0 = 2 * t
                j1 = j0 + 1
                pltpu.sync_copy(dst_hbm.at[pl.ds(s * S_PER_T + j0 * SB, SB)], ix0)
                wait_l(j0, mb0, sl0)
                load(j1, mb1, sl1)
                pltpu.sync_copy(mb0, acc.at[ix0], add=True)
                pltpu.sync_copy(dst_hbm.at[pl.ds(s * S_PER_T + j1 * SB, SB)], ix1)
                wait_l(j1, mb1, sl1)

                @pl.when(j0 + 2 < nb)
                def _():
                    load(j0 + 2, mb0, sl0)
                pltpu.sync_copy(mb1, acc.at[ix1], add=True)

            if nb % 2 == 1:
                jt = nb - 1
                pltpu.sync_copy(dst_hbm.at[pl.ds(s * S_PER_T + jt * SB, SB)], ix0)
                wait_l(jt, mb0, sl0)
                pltpu.sync_copy(mb0, acc.at[ix0], add=True)
            plsc.subcore_barrier()
            pltpu.sync_copy(acc.at[pl.ds(s * ROWS_PER_T, ROWS_PER_T)],
                            out_hbm.at[pl.ds(s * ROWS_PER_T, ROWS_PER_T)])

            @pl.when(s == 0)
            def _():
                pltpu.sync_copy(acc.at[pl.ds(NS * ROWS_PER_T, ROWS_REM)],
                                out_hbm.at[pl.ds(NS * ROWS_PER_T, ROWS_REM)])
            plsc.subcore_barrier()

        @pl.when(c == 0)
        def _():
            process(m0_hbm, ds_hbm)
            process(m1_hbm, dv0_hbm)

        @pl.when(c == 1)
        def _():
            process(m2_hbm, dv1_hbm)
            process(m3_hbm, dv2_hbm)

    return scatter_kernel(m0, m1, m2, m3, dst)


def _post_body(ds_ref, dv0_ref, dv1_ref, dv2_ref, s_ref, v_ref, vq_ref,
               vdot_ref, ws1, bs1, ws2, bs2, sout_ref, vout_ref):
    hs = _silu(jnp.dot(ds_ref[...], ws1[...], preferred_element_type=_f32) + bs1[...])
    o = jnp.dot(hs, ws2[...], preferred_element_type=_f32) + bs2[...]
    o1 = o[:, :C]
    o2 = o[:, C:2 * C]
    o3 = o[:, 2 * C:]
    sout_ref[...] = s_ref[...] + o2 + o3 * vdot_ref[...]
    v2 = v_ref[...]
    vq = vq_ref[...]
    dvs = (dv0_ref, dv1_ref, dv2_ref)
    for i in range(3):
        sl = slice(i * C, (i + 1) * C)
        vout_ref[:, i, :] = v2[:, sl] + dvs[i][...] + o1 * vq[:, sl]


def _post_stage(ds, dv0, dv1, dv2, s, v2d, vq2d, vdot, p):
    grid = (N // BN,)
    row = lambda i: (i, 0)
    cst = lambda i: (0, 0)
    return pl.pallas_call(
        _post_body,
        grid=grid,
        in_specs=[
            pl.BlockSpec((BN, C), row), pl.BlockSpec((BN, C), row),
            pl.BlockSpec((BN, C), row), pl.BlockSpec((BN, C), row),
            pl.BlockSpec((BN, C), row), pl.BlockSpec((BN, 3 * C), row),
            pl.BlockSpec((BN, 3 * C), row), pl.BlockSpec((BN, C), row),
            pl.BlockSpec((C, C), cst), pl.BlockSpec((1, C), cst),
            pl.BlockSpec((C, 3 * C), cst), pl.BlockSpec((1, 3 * C), cst),
        ],
        out_specs=[
            pl.BlockSpec((BN, C), row),
            pl.BlockSpec((BN, 3, C), lambda i: (i, 0, 0)),
        ],
        out_shape=[
            jax.ShapeDtypeStruct((N, C), _f32),
            jax.ShapeDtypeStruct((N, 3, C), _f32),
        ],
    )(ds, dv0, dv1, dv2, s, v2d, vq2d, vdot,
      p['Ws1'], p['bs1'].reshape(1, C), p['Ws2'], p['bs2'].reshape(1, 3 * C))


@jax.jit
def _impl(edge_index, s, v, dir_ij, r_ij, d_ij, params):
    src = edge_index[0]
    dst = edge_index[1]
    v2d = v.reshape(N, 3 * C)
    d2 = d_ij.reshape(E, 1)

    q, k, val, vq2d, vdot = _node_dense(s, v2d, params)
    qd, ks, vals, vs = _sc_gather(q, k, val, v2d, src, dst)
    m0, m1, m2, m3 = _edge_stage(r_ij, qd, ks, vals, vs, dir_ij, d2, params)
    ds, dv0, dv1, dv2 = _sc_scatter(m0, m1, m2, m3, dst)
    s_out, v_out = _post_stage(ds, dv0, dv1, dv2, s, v2d, vq2d, vdot, params)
    return (s_out, v_out)


def kernel(edge_index, s, v, dir_ij, r_ij, d_ij, params):
    return _impl(edge_index, s, v, dir_ij, r_ij, d_ij, params)

# --- scband reference (transcript-rebuilt; emitter-appended) ---
"""Pipeline reference for scband-ginformer-32985348833839 (READ-ONLY COPY).

The authoritative reference and input builder live on the scoring server;
editing this copy changes nothing except your own understanding.
"""

import jax, jax.numpy as jnp
import numpy as np

N = 10000
E = 160000
C_H = 128
H = 8
DH = C_H // H
CUTOFF = 5.0


def _silu(x):
    return x * jax.nn.sigmoid(x)


def _dense(x, W, b=None):
    y = x @ W
    if b is not None:
        y = y + b
    return y


def _layer_norm(x, g, b, eps=1e-5):
    mu = jnp.mean(x, axis=-1, keepdims=True)
    var = jnp.var(x, axis=-1, keepdims=True)
    return (x - mu) / jnp.sqrt(var + eps) * g + b


def _cosine_cutoff(d):
    return 0.5 * (jnp.cos(d * np.pi / CUTOFF) + 1.0) * (d < CUTOFF).astype(d.dtype)


def _xavier(key, shape):
    lim = np.sqrt(6.0 / (shape[0] + shape[1]))
    return jax.random.uniform(key, shape, jnp.float32, -lim, lim)


def make_params(key):
    ks = jax.random.split(key, 16)
    return {
        'ln_g': jnp.ones((C_H,), jnp.float32),
        'ln_b': jnp.zeros((C_H,), jnp.float32),
        'Wq': _xavier(ks[0], (C_H, C_H)), 'bq': jnp.zeros((C_H,), jnp.float32),
        'Wk': _xavier(ks[1], (C_H, C_H)), 'bk': jnp.zeros((C_H,), jnp.float32),
        'Wsig': _xavier(ks[2], (C_H, C_H)), 'bsig': jnp.zeros((C_H,), jnp.float32),
        'Wv1': _xavier(ks[3], (C_H, C_H)), 'bv1': jnp.zeros((C_H,), jnp.float32),
        'Wv2': _xavier(ks[4], (C_H, 3 * C_H)), 'bv2': jnp.zeros((3 * C_H,), jnp.float32),
        'Wra': _xavier(ks[5], (C_H, 3 * C_H)), 'bra': jnp.zeros((3 * C_H,), jnp.float32),
        'Ws1': _xavier(ks[6], (C_H, C_H)), 'bs1': jnp.zeros((C_H,), jnp.float32),
        'Ws2': _xavier(ks[7], (C_H, 3 * C_H)), 'bs2': jnp.zeros((3 * C_H,), jnp.float32),
        'Wvq': _xavier(ks[8], (C_H, C_H)),
        'Wvk': _xavier(ks[9], (C_H, C_H)),
    }


def setup_inputs(seed: int = 0):
    key = jax.random.key(seed)
    ks = jax.random.split(key, 8)
    edge_index = jax.random.randint(ks[0], (2, E), 0, N, dtype=jnp.int32)
    s = jax.random.normal(ks[1], (N, C_H), jnp.float32)
    v = jax.random.normal(ks[2], (N, 3, C_H), jnp.float32) * 0.1
    dir_raw = jax.random.normal(ks[3], (E, 3), jnp.float32)
    dir_ij = dir_raw / (jnp.linalg.norm(dir_raw, axis=-1, keepdims=True) + 1e-8)
    r_ij = jax.random.uniform(ks[4], (E, C_H), jnp.float32)
    d_ij = jax.random.uniform(ks[5], (E,), jnp.float32) * CUTOFF
    params = make_params(ks[6])
    return {'edge_index': edge_index, 's': s, 'v': v, 'dir_ij': dir_ij, 'r_ij': r_ij, 'd_ij': d_ij, 'params': params}


def _forward(edge_index, s, v, dir_ij, r_ij, d_ij, params):
    src = edge_index[0]
    dst = edge_index[1]
    x = _layer_norm(s, params['ln_g'], params['ln_b'])
    q = _dense(x, params['Wq'], params['bq']).reshape(N, H, DH)
    k = _dense(x, params['Wk'], params['bk']).reshape(N, H, DH)
    hv = _silu(_dense(x, params['Wv1'], params['bv1']))
    val = _dense(hv, params['Wv2'], params['bv2'])
    rk = _silu(_dense(r_ij, params['Wsig'], params['bsig'])).reshape(E, H, DH)
    attn = jnp.sum(jnp.take(q, dst, axis=0) * jnp.take(k, src, axis=0) * rk, axis=-1)
    attn = _silu(attn) * _cosine_cutoff(d_ij)[:, None]
    ra = _dense(r_ij, params['Wra'], params['bra'])
    val_j = jnp.take(val, src, axis=0) * ra
    x_e, vec1, vec2 = jnp.split(val_j, 3, axis=-1)
    x_e = (x_e.reshape(E, H, DH) * attn[:, :, None]).reshape(E, C_H)
    vec_msg = jnp.take(v, src, axis=0) * vec1[:, None, :] + dir_ij[:, :, None] * vec2[:, None, :]
    ds = jax.ops.segment_sum(x_e, dst, num_segments=N)
    dv = jax.ops.segment_sum(vec_msg.reshape(E, 3 * C_H), dst, num_segments=N).reshape(N, 3, C_H)
    hs = _silu(_dense(ds, params['Ws1'], params['bs1']))
    o = _dense(hs, params['Ws2'], params['bs2'])
    o1, o2, o3 = jnp.split(o, 3, axis=-1)
    vq = jnp.einsum('nic,cd->nid', v, params['Wvq'])
    vk = jnp.einsum('nic,cd->nid', v, params['Wvk'])
    vec_dot = jnp.sum(vq * vk, axis=1)
    s_out = s + o2 + o3 * vec_dot
    v_out = v + dv + o1[:, None, :] * vq
    return (s_out, v_out)


def reference(edge_index, s, v, dir_ij, r_ij, d_ij, params):
    return _forward(edge_index, s, v, dir_ij, r_ij, d_ij, params)

if __name__ == "__main__":
    import jax
    _d = setup_inputs()
    print(jax.jit(kernel)(*tuple(_d.values())))

</pallas_src>

<mosaic_0001>
#map = affine_map<(d0, d1) -> (0, 0)>
#map1 = affine_map<(d0, d1) -> (0)>
module attributes {stable_mosaic.version = 14 : i64} {
  func.func @scatter_kernel(%arg0: i32, %arg1: i32, %arg2: memref<160000x128xf32, #tpu.memory_space<hbm>>, %arg3: memref<160000x128xf32, #tpu.memory_space<hbm>>, %arg4: memref<160000x128xf32, #tpu.memory_space<hbm>>, %arg5: memref<160000x128xf32, #tpu.memory_space<hbm>>, %arg6: memref<160000xi32, #tpu.memory_space<hbm>>, %arg7: memref<10000x128xf32, #tpu.memory_space<hbm>>, %arg8: memref<10000x128xf32, #tpu.memory_space<hbm>>, %arg9: memref<10000x128xf32, #tpu.memory_space<hbm>>, %arg10: memref<10000x128xf32, #tpu.memory_space<hbm>>, %arg11: memref<80xi32, #tpu.memory_space<vmem>>, %arg12: memref<80xi32, #tpu.memory_space<vmem>>, %arg13: memref<80x128xf32, #tpu.memory_space<vmem>>, %arg14: memref<80x128xf32, #tpu.memory_space<vmem>>, %arg15: memref<48x128xf32, #tpu.memory_space<vmem>>, %arg16: memref<10000x128xf32, #tpu.memory_space<vmem_shared>>, %arg17: memref<!tpu.dma_semaphore, #tpu.memory_space<semaphore_mem>>, %arg18: memref<!tpu.dma_semaphore, #tpu.memory_space<semaphore_mem>>, %arg19: memref<!tpu.dma_semaphore, #tpu.memory_space<semaphore_mem>>, %arg20: memref<!tpu.dma_semaphore, #tpu.memory_space<semaphore_mem>>) attributes {dimension_semantics = [#tpu.dimension_semantics<core_parallel>, #tpu.dimension_semantics<subcore_parallel>], iteration_bounds = array<i64: 2, 16>, scalar_prefetch = 0 : i64, scratch_operands = 10 : i64, tpu.core_type = #tpu.core_type<sc_vector_subcore>, window_params = [{transform_indices = #map}, {transform_indices = #map}, {transform_indices = #map}, {transform_indices = #map}, {transform_indices = #map1}, {transform_indices = #map}, {transform_indices = #map}, {transform_indices = #map}, {transform_indices = #map}]} {
    %scan3A = arith.constant 0 : i32
    %scan3A_0 = arith.constant 48 : i32
    %scan3A_1 = arith.addi %scan3A, %scan3A_0 : i32
    %scan3A_2 = arith.constant 1 : i32
    scf.for %scan3A_11 = %scan3A to %scan3A_1 step %scan3A_2  : i32 {
      %mul3A = arith.constant 1 : i32
      %mul3A_12 = arith.muli %scan3A_11, %mul3A : i32
      %add3A = arith.constant 0 : i32
      %add3A_13 = arith.addi %add3A, %mul3A_12 : i32
      %scan3A_14 = arith.constant 0 : i32
      %scan3A_15 = arith.constant 8 : i32
      %scan3A_16 = arith.addi %scan3A_14, %scan3A_15 : i32
      %scan3A_17 = arith.constant 1 : i32
      scf.for %scan3A_19 = %scan3A_14 to %scan3A_16 step %scan3A_17  : i32 {
        %mul3A_20 = arith.constant 16 : i32
        %mul3A_21 = arith.muli %scan3A_19, %mul3A_20 : i32
        %add3A_22 = arith.constant 0 : i32
        %add3A_23 = arith.addi %add3A_22, %mul3A_21 : i32
        %broadcast_in_dim3A = arith.constant 0.000000e+00 : f32
        %broadcast_in_dim3A_24 = vector.broadcast %broadcast_in_dim3A : f32 to vector<16xf32>
        %swap3A = arith.index_cast %add3A_13 : i32 to index
        %swap3A_25 = arith.index_cast %add3A_23 : i32 to index
        %swap3A_26 = tpu.vector_load %arg15[%swap3A, %swap3A_25] {strides = array<i32>} : memref<48x128xf32, #tpu.memory_space<vmem>>, vector<1x16xf32>,
        %swap3A_27 = vector.shape_cast %swap3A_26 : vector<1x16xf32> to vector<16xf32>
        %swap3A_28 = vector.shape_cast %broadcast_in_dim3A_24 : vector<16xf32> to vector<1x16xf32>
        tpu.vector_store %arg15[%swap3A, %swap3A_25], %swap3A_28 {strides = array<i32>} : memref<48x128xf32, #tpu.memory_space<vmem>>, vector<1x16xf32>,
      }
      %scan3A_18 = arith.constant 8 : i32
    }
    %scan3A_3 = arith.constant 48 : i32
    %eq3A = arith.constant 0 : i32
    %eq3A_4 = arith.cmpi eq, %arg0, %eq3A : i32
    %convert_element_type3A = arith.extui %eq3A_4 : i1 to i32
    %cond3A = arith.constant 0 : i32
    %cond3A_5 = arith.cmpi ne, %convert_element_type3A, %cond3A : i32
    scf.if %cond3A_5 {
      %scan3A_11 = arith.constant 0 : i32
      %scan3A_12 = arith.constant 13 : i32
      %scan3A_13 = arith.addi %scan3A_11, %scan3A_12 : i32
      %scan3A_14 = arith.constant 1 : i32
      scf.for %scan3A_100 = %scan3A_11 to %scan3A_13 step %scan3A_14  : i32 {
        %mul3A_101 = arith.constant 1 : i32
        %mul3A_102 = arith.muli %scan3A_100, %mul3A_101 : i32
        %add3A_103 = arith.constant 0 : i32
        %add3A_104 = arith.addi %add3A_103, %mul3A_102 : i32
        %mul3A_105 = arith.constant 624 : i32
        %mul3A_106 = arith.muli %arg1, %mul3A_105 : i32
        %mul3A_107 = arith.constant 48 : i32
        %mul3A_108 = arith.muli %add3A_104, %mul3A_107 : i32
        %add3A_109 = arith.addi %mul3A_106, %mul3A_108 : i32
        "tpu.region"() ({
          %run_scoped3A = tpu.sem_alloc : memref<!tpu.dma_semaphore, #tpu.memory_space<semaphore_mem>>
          %dma_start3A_110 = arith.constant 0 : i32
          %dma_start3A_111 = tpu.memref_slice %arg16[%add3A_109, %dma_start3A_110] : memref<10000x128xf32, #tpu.memory_space<vmem_shared>> -> memref<48x128xf32, #tpu.memory_space<vmem_shared>>
          %dma_start3A_112 = arith.constant 0 : i32
          %dma_start3A_113 = tpu.memref_slice %arg16[%add3A_109, %dma_start3A_112] : memref<10000x128xf32, #tpu.memory_space<vmem_shared>> -> memref<48x128xf32, #tpu.memory_space<vmem_shared>>
          tpu.enqueue_dma source(%arg15 : memref<48x128xf32, #tpu.memory_space<vmem>>) target(%dma_start3A_113 : memref<48x128xf32, #tpu.memory_space<vmem_shared>>) target_semaphore(%run_scoped3A : memref<!tpu.dma_semaphore, #tpu.memory_space<semaphore_mem>>)
          %dma_wait3A_114 = arith.constant 0 : i32
          %dma_wait3A_115 = tpu.memref_slice %arg16[%add3A_109, %dma_wait3A_114] : memref<10000x128xf32, #tpu.memory_space<vmem_shared>> -> memref<48x128xf32, #tpu.memory_space<vmem_shared>>
          %dma_wait3A_116 = arith.constant 0 : i32
          %dma_wait3A_117 = tpu.memref_slice %arg16[%add3A_109, %dma_wait3A_116] : memref<10000x128xf32, #tpu.memory_space<vmem_shared>> -> memref<48x128xf32, #tpu.memory_space<vmem_shared>>
          tpu.wait_dma2 semaphore(%run_scoped3A : memref<!tpu.dma_semaphore, #tpu.memory_space<semaphore_mem>>) src(%arg15 : memref<48x128xf32, #tpu.memory_space<vmem>>) dst(%dma_wait3A_117 : memref<48x128xf32, #tpu.memory_space<vmem_shared>>)
          tpu.yield
        }) : () -> ()
      }
      %scan3A_15 = arith.constant 13 : i32
      %eq3A_16 = arith.constant 0 : i32
      %eq3A_17 = arith.cmpi eq, %arg1, %eq3A_16 : i32
      %convert_element_type3A_18 = arith.extui %eq3A_17 : i1 to i32
      %cond3A_19 = arith.constant 0 : i32
      %cond3A_20 = arith.cmpi ne, %convert_element_type3A_18, %cond3A_19 : i32
      scf.if %cond3A_20 {
        "tpu.region"() ({
          %run_scoped3A = tpu.sem_alloc : memref<!tpu.dma_semaphore, #tpu.memory_space<semaphore_mem>>
          %dma_start3A_100 = arith.constant 0 : i32
          %dma_start3A_101 = arith.constant 0 : i32
          %dma_start3A_102 = tpu.memref_slice %arg15[%dma_start3A_100, %dma_start3A_101] : memref<48x128xf32, #tpu.memory_space<vmem>> -> memref<16x128xf32, #tpu.memory_space<vmem>>
          %dma_start3A_103 = arith.constant 9984 : i32
          %dma_start3A_104 = arith.constant 0 : i32
          %dma_start3A_105 = tpu.memref_slice %arg16[%dma_start3A_103, %dma_start3A_104] : memref<10000x128xf32, #tpu.memory_space<vmem_shared>> -> memref<16x128xf32, #tpu.memory_space<vmem_shared>>
          %dma_start3A_106 = arith.constant 9984 : i32
          %dma_start3A_107 = arith.constant 0 : i32
          %dma_start3A_108 = tpu.memref_slice %arg16[%dma_start3A_106, %dma_start3A_107] : memref<10000x128xf32, #tpu.memory_space<vmem_shared>> -> memref<16x128xf32, #tpu.memory_space<vmem_shared>>
          %dma_start3A_109 = arith.constant 0 : i32
          %dma_start3A_110 = arith.constant 0 : i32
          %dma_start3A_111 = tpu.memref_slice %arg15[%dma_start3A_109, %dma_start3A_110] : memref<48x128xf32, #tpu.memory_space<vmem>> -> memref<16x128xf32, #tpu.memory_space<vmem>>
          tpu.enqueue_dma source(%dma_start3A_111 : memref<16x128xf32, #tpu.memory_space<vmem>>) target(%dma_start3A_108 : memref<16x128xf32, #tpu.memory_space<vmem_shared>>) target_semaphore(%run_scoped3A : memref<!tpu.dma_semaphore, #tpu.memory_space<semaphore_mem>>)
          %dma_wait3A_112 = arith.constant 0 : i32
          %dma_wait3A_113 = arith.constant 0 : i32
          %dma_wait3A_114 = tpu.memref_slice %arg15[%dma_wait3A_112, %dma_wait3A_113] : memref<48x128xf32, #tpu.memory_space<vmem>> -> memref<16x128xf32, #tpu.memory_space<vmem>>
          %dma_wait3A_115 = arith.constant 9984 : i32
          %dma_wait3A_116 = arith.constant 0 : i32
          %dma_wait3A_117 = tpu.memref_slice %arg16[%dma_wait3A_115, %dma_wait3A_116] : memref<10000x128xf32, #tpu.memory_space<vmem_shared>> -> memref<16x128xf32, #tpu.memory_space<vmem_shared>>
          %dma_wait3A_118 = arith.constant 9984 : i32
          %dma_wait3A_119 = arith.constant 0 : i32
          %dma_wait3A_120 = tpu.memref_slice %arg16[%dma_wait3A_118, %dma_wait3A_119] : memref<10000x128xf32, #tpu.memory_space<vmem_shared>> -> memref<16x128xf32, #tpu.memory_space<vmem_shared>>
          %dma_wait3A_121 = arith.constant 0 : i32
          %dma_wait3A_122 = arith.constant 0 : i32
          %dma_wait3A_123 = tpu.memref_slice %arg15[%dma_wait3A_121, %dma_wait3A_122] : memref<48x128xf32, #tpu.memory_space<vmem>> -> memref<16x128xf32, #tpu.memory_space<vmem>>
          tpu.wait_dma2 semaphore(%run_scoped3A : memref<!tpu.dma_semaphore, #tpu.memory_space<semaphore_mem>>) src(%dma_wait3A_123 : memref<16x128xf32, #tpu.memory_space<vmem>>) dst(%dma_wait3A_120 : memref<16x128xf32, #tpu.memory_space<vmem_shared>>)
          tpu.yield
        }) : () -> ()
      } else {
      }
      %barrier3A = arith.constant 0 : index
      tpu.barrier barrier_id(%barrier3A)
      %mul3A = arith.constant 10000 : i32
      %mul3A_21 = arith.muli %arg1, %mul3A : i32
      %add3A = arith.constant 0 : i32
      %add3A_22 = arith.addi %mul3A_21, %add3A : i32
      %dma_start3A = arith.constant 0 : i32
      %dma_start3A_23 = tpu.memref_slice %arg2[%add3A_22, %dma_start3A] : memref<160000x128xf32, #tpu.memory_space<hbm>> -> memref<80x128xf32, #tpu.memory_space<hbm>>
      %dma_start3A_24 = arith.constant 0 : i32
      %dma_start3A_25 = tpu.memref_slice %arg2[%add3A_22, %dma_start3A_24] : memref<160000x128xf32, #tpu.memory_space<hbm>> -> memref<80x128xf32, #tpu.memory_space<hbm>>
      tpu.enqueue_dma source(%dma_start3A_25 : memref<80x128xf32, #tpu.memory_space<hbm>>) target(%arg13 : memref<80x128xf32, #tpu.memory_space<vmem>>) target_semaphore(%arg17 : memref<!tpu.dma_semaphore, #tpu.memory_space<semaphore_mem>>)
      %scan3A_26 = arith.constant 0 : i32
      %scan3A_27 = arith.constant 62 : i32
      %scan3A_28 = arith.addi %scan3A_26, %scan3A_27 : i32
      %scan3A_29 = arith.constant 1 : i32
      scf.for %scan3A_100 = %scan3A_26 to %scan3A_28 step %scan3A_29  : i32 {
        %mul3A_101 = arith.constant 1 : i32
        %mul3A_102 = arith.muli %scan3A_100, %mul3A_101 : i32
        %add3A_103 = arith.constant 0 : i32
        %add3A_104 = arith.addi %add3A_103, %mul3A_102 : i32
        %mul3A_105 = arith.constant 2 : i32
        %mul3A_106 = arith.muli %mul3A_105, %add3A_104 : i32
        %add3A_107 = arith.constant 1 : i32
        %add3A_108 = arith.addi %mul3A_106, %add3A_107 : i32
        %mul3A_109 = arith.constant 10000 : i32
        %mul3A_110 = arith.muli %arg1, %mul3A_109 : i32
        %mul3A_111 = arith.constant 80 : i32
        %mul3A_112 = arith.muli %mul3A_106, %mul3A_111 : i32
        %add3A_113 = arith.addi %mul3A_110, %mul3A_112 : i32
        "tpu.region"() ({
          %run_scoped3A = tpu.sem_alloc : memref<!tpu.dma_semaphore, #tpu.memory_space<semaphore_mem>>
          %dma_start3A_152 = tpu.memref_slice %arg6[%add3A_113] : memref<160000xi32, #tpu.memory_space<hbm>> -> memref<80xi32, #tpu.memory_space<hbm>>
          %dma_start3A_153 = tpu.memref_slice %arg6[%add3A_113] : memref<160000xi32, #tpu.memory_space<hbm>> -> memref<80xi32, #tpu.memory_space<hbm>>
          tpu.enqueue_dma source(%dma_start3A_153 : memref<80xi32, #tpu.memory_space<hbm>>) target(%arg11 : memref<80xi32, #tpu.memory_space<vmem>>) target_semaphore(%run_scoped3A : memref<!tpu.dma_semaphore, #tpu.memory_space<semaphore_mem>>)
          %dma_wait3A_154 = tpu.memref_slice %arg6[%add3A_113] : memref<160000xi32, #tpu.memory_space<hbm>> -> memref<80xi32, #tpu.memory_space<hbm>>
          %dma_wait3A_155 = tpu.memref_slice %arg6[%add3A_113] : memref<160000xi32, #tpu.memory_space<hbm>> -> memref<80xi32, #tpu.memory_space<hbm>>
          tpu.wait_dma2 semaphore(%run_scoped3A : memref<!tpu.dma_semaphore, #tpu.memory_space<semaphore_mem>>) src(%dma_wait3A_155 : memref<80xi32, #tpu.memory_space<hbm>>) dst(%arg11 : memref<80xi32, #tpu.memory_space<vmem>>)
          tpu.yield
        }) : () -> ()
        %mul3A_114 = arith.constant 10000 : i32
        %mul3A_115 = arith.muli %arg1, %mul3A_114 : i32
        %mul3A_116 = arith.constant 80 : i32
        %mul3A_117 = arith.muli %mul3A_106, %mul3A_116 : i32
        %add3A_118 = arith.addi %mul3A_115, %mul3A_117 : i32
        %dma_wait3A_119 = arith.constant 0 : i32
        %dma_wait3A_120 = tpu.memref_slice %arg2[%add3A_118, %dma_wait3A_119] : memref<160000x128xf32, #tpu.memory_space<hbm>> -> memref<80x128xf32, #tpu.memory_space<hbm>>
        %dma_wait3A_121 = arith.constant 0 : i32
        %dma_wait3A_122 = tpu.memref_slice %arg2[%add3A_118, %dma_wait3A_121] : memref<160000x128xf32, #tpu.memory_space<hbm>> -> memref<80x128xf32, #tpu.memory_space<hbm>>
        tpu.wait_dma2 semaphore(%arg17 : memref<!tpu.dma_semaphore, #tpu.memory_space<semaphore_mem>>) src(%dma_wait3A_122 : memref<80x128xf32, #tpu.memory_space<hbm>>) dst(%arg13 : memref<80x128xf32, #tpu.memory_space<vmem>>)
        %mul3A_123 = arith.constant 10000 : i32
        %mul3A_124 = arith.muli %arg1, %mul3A_123 : i32
        %mul3A_125 = arith.constant 80 : i32
        %mul3A_126 = arith.muli %add3A_108, %mul3A_125 : i32
        %add3A_127 = arith.addi %mul3A_124, %mul3A_126 : i32
        %dma_start3A_128 = arith.constant 0 : i32
        %dma_start3A_129 = tpu.memref_slice %arg2[%add3A_127, %dma_start3A_128] : memref<160000x128xf32, #tpu.memory_space<hbm>> -> memref<80x128xf32, #tpu.memory_space<hbm>>
        %dma_start3A_130 = arith.constant 0 : i32
        %dma_start3A_131 = tpu.memref_slice %arg2[%add3A_127, %dma_start3A_130] : memref<160000x128xf32, #tpu.memory_space<hbm>> -> memref<80x128xf32, #tpu.memory_space<hbm>>
        tpu.enqueue_dma source(%dma_start3A_131 : memref<80x128xf32, #tpu.memory_space<hbm>>) target(%arg14 : memref<80x128xf32, #tpu.memory_space<vmem>>) target_semaphore(%arg18 : memref<!tpu.dma_semaphore, #tpu.memory_space<semaphore_mem>>)
        "tpu.region"() ({
          %run_scoped3A = tpu.sem_alloc : memref<!tpu.dma_semaphore, #tpu.memory_space<semaphore_mem>>
          %dma_start3A_152 = arith.constant 0 : i32
          %dma_start3A_153 = arith.constant 0 : i32
          %dma_start3A_154 = tpu.memref_slice %arg16[%dma_start3A_152, %dma_start3A_153] : memref<10000x128xf32, #tpu.memory_space<vmem_shared>> -> memref<10000x128xf32, #tpu.memory_space<vmem_shared>>
          tpu.enqueue_indirect_dma source(%arg13 : memref<80x128xf32, #tpu.memory_space<vmem>>) target(%dma_start3A_154 : memref<10000x128xf32, #tpu.memory_space<vmem_shared>>) offsets(%arg11 : memref<80xi32, #tpu.memory_space<vmem>>) semaphore(%run_scoped3A : memref<!tpu.dma_semaphore, #tpu.memory_space<semaphore_mem>>) {add = true}
          %dma_wait3A_155 = arith.constant 0 : i32
          %dma_wait3A_156 = arith.constant 0 : i32
          %dma_wait3A_157 = tpu.memref_slice %arg16[%dma_wait3A_155, %dma_wait3A_156] : memref<10000x128xf32, #tpu.memory_space<vmem_shared>> -> memref<10000x128xf32, #tpu.memory_space<vmem_shared>>
          tpu.wait_indirect_dma semaphore(%run_scoped3A : memref<!tpu.dma_semaphore, #tpu.memory_space<semaphore_mem>>) src(%arg13 : memref<80x128xf32, #tpu.memory_space<vmem>>) dst(%dma_wait3A_157 : memref<10000x128xf32, #tpu.memory_space<vmem_shared>>)
          tpu.yield
        }) : () -> ()
        %mul3A_132 = arith.constant 10000 : i32
        %mul3A_133 = arith.muli %arg1, %mul3A_132 : i32
        %mul3A_134 = arith.constant 80 : i32
        %mul3A_135 = arith.muli %add3A_108, %mul3A_134 : i32
        %add3A_136 = arith.addi %mul3A_133, %mul3A_135 : i32
        "tpu.region"() ({
          %run_scoped3A = tpu.sem_alloc : memref<!tpu.dma_semaphore, #tpu.memory_space<semaphore_mem>>
          %dma_start3A_152 = tpu.memref_slice %arg6[%add3A_136] : memref<160000xi32, #tpu.memory_space<hbm>> -> memref<80xi32, #tpu.memory_space<hbm>>
          %dma_start3A_153 = tpu.memref_slice %arg6[%add3A_136] : memref<160000xi32, #tpu.memory_space<hbm>> -> memref<80xi32, #tpu.memory_space<hbm>>
          tpu.enqueue_dma source(%dma_start3A_153 : memref<80xi32, #tpu.memory_space<hbm>>) target(%arg12 : memref<80xi32, #tpu.memory_space<vmem>>) target_semaphore(%run_scoped3A : memref<!tpu.dma_semaphore, #tpu.memory_space<semaphore_mem>>)
          %dma_wait3A_154 = tpu.memref_slice %arg6[%add3A_136] : memref<160000xi32, #tpu.memory_space<hbm>> -> memref<80xi32, #tpu.memory_space<hbm>>
          %dma_wait3A_155 = tpu.memref_slice %arg6[%add3A_136] : memref<160000xi32, #tpu.memory_space<hbm>> -> memref<80xi32, #tpu.memory_space<hbm>>
          tpu.wait_dma2 semaphore(%run_scoped3A : memref<!tpu.dma_semaphore, #tpu.memory_space<semaphore_mem>>) src(%dma_wait3A_155 : memref<80xi32, #tpu.memory_space<hbm>>) dst(%arg12 : memref<80xi32, #tpu.memory_space<vmem>>)
          tpu.yield
        }) : () -> ()
        %mul3A_137 = arith.constant 10000 : i32
        %mul3A_138 = arith.muli %arg1, %mul3A_137 : i32
        %mul3A_139 = arith.constant 80 : i32
        %mul3A_140 = arith.muli %add3A_108, %mul3A_139 : i32
        %add3A_141 = arith.addi %mul3A_138, %mul3A_140 : i32
        %dma_wait3A_142 = arith.constant 0 : i32
        %dma_wait3A_143 = tpu.memref_slice %arg2[%add3A_141, %dma_wait3A_142] : memref<160000x128xf32, #tpu.memory_space<hbm>> -> memref<80x128xf32, #tpu.memory_space<hbm>>
        %dma_wait3A_144 = arith.constant 0 : i32
        %dma_wait3A_145 = tpu.memref_slice %arg2[%add3A_141, %dma_wait3A_144] : memref<160000x128xf32, #tpu.memory_space<hbm>> -> memref<80x128xf32, #tpu.memory_space<hbm>>
        tpu.wait_dma2 semaphore(%arg18 : memref<!tpu.dma_semaphore, #tpu.memory_space<semaphore_mem>>) src(%dma_wait3A_145 : memref<80x128xf32, #tpu.memory_space<hbm>>) dst(%arg14 : memref<80x128xf32, #tpu.memory_space<vmem>>)
        %add3A_146 = arith.constant 2 : i32
        %add3A_147 = arith.addi %mul3A_106, %add3A_146 : i32
        %lt3A = arith.constant 125 : i32
        %lt3A_148 = arith.cmpi slt, %add3A_147, %lt3A : i32
        %convert_element_type3A_149 = arith.extui %lt3A_148 : i1 to i32
        %cond3A_150 = arith.constant 0 : i32
        %cond3A_151 = arith.cmpi ne, %convert_element_type3A_149, %cond3A_150 : i32
        scf.if %cond3A_151 {
          %add3A_152 = arith.constant 2 : i32
          %add3A_153 = arith.addi %mul3A_106, %add3A_152 : i32
          %mul3A_154 = arith.constant 10000 : i32
          %mul3A_155 = arith.muli %arg1, %mul3A_154 : i32
          %mul3A_156 = arith.constant 80 : i32
          %mul3A_157 = arith.muli %add3A_153, %mul3A_156 : i32
          %add3A_158 = arith.addi %mul3A_155, %mul3A_157 : i32
          %dma_start3A_159 = arith.constant 0 : i32
          %dma_start3A_160 = tpu.memref_slice %arg2[%add3A_158, %dma_start3A_159] : memref<160000x128xf32, #tpu.memory_space<hbm>> -> memref<80x128xf32, #tpu.memory_space<hbm>>
          %dma_start3A_161 = arith.constant 0 : i32
          %dma_start3A_162 = tpu.memref_slice %arg2[%add3A_158, %dma_start3A_161] : memref<160000x128xf32, #tpu.memory_space<hbm>> -> memref<80x128xf32, #tpu.memory_space<hbm>>
          tpu.enqueue_dma source(%dma_start3A_162 : memref<80x128xf32, #tpu.memory_space<hbm>>) target(%arg13 : memref<80x128xf32, #tpu.memory_space<vmem>>) target_semaphore(%arg17 : memref<!tpu.dma_semaphore, #tpu.memory_space<semaphore_mem>>)
        } else {
        }
        "tpu.region"() ({
          %run_scoped3A = tpu.sem_alloc : memref<!tpu.dma_semaphore, #tpu.memory_space<semaphore_mem>>
          %dma_start3A_152 = arith.constant 0 : i32
          %dma_start3A_153 = arith.constant 0 : i32
          %dma_start3A_154 = tpu.memref_slice %arg16[%dma_start3A_152, %dma_start3A_153] : memref<10000x128xf32, #tpu.memory_space<vmem_shared>> -> memref<10000x128xf32, #tpu.memory_space<vmem_shared>>
          tpu.enqueue_indirect_dma source(%arg14 : memref<80x128xf32, #tpu.memory_space<vmem>>) target(%dma_start3A_154 : memref<10000x128xf32, #tpu.memory_space<vmem_shared>>) offsets(%arg12 : memref<80xi32, #tpu.memory_space<vmem>>) semaphore(%run_scoped3A : memref<!tpu.dma_semaphore, #tpu.memory_space<semaphore_mem>>) {add = true}
          %dma_wait3A_155 = arith.constant 0 : i32
          %dma_wait3A_156 = arith.constant 0 : i32
          %dma_wait3A_157 = tpu.memref_slice %arg16[%dma_wait3A_155, %dma_wait3A_156] : memref<10000x128xf32, #tpu.memory_space<vmem_shared>> -> memref<10000x128xf32, #tpu.memory_space<vmem_shared>>
          tpu.wait_indirect_dma semaphore(%run_scoped3A : memref<!tpu.dma_semaphore, #tpu.memory_space<semaphore_mem>>) src(%arg14 : memref<80x128xf32, #tpu.memory_space<vmem>>) dst(%dma_wait3A_157 : memref<10000x128xf32, #tpu.memory_space<vmem_shared>>)
          tpu.yield
        }) : () -> ()
      }
      %scan3A_30 = arith.constant 62 : i32
      %mul3A_31 = arith.constant 10000 : i32
      %mul3A_32 = arith.muli %arg1, %mul3A_31 : i32
      %add3A_33 = arith.constant 9920 : i32
      %add3A_34 = arith.addi %mul3A_32, %add3A_33 : i32
      "tpu.region"() ({
        %run_scoped3A = tpu.sem_alloc : memref<!tpu.dma_semaphore, #tpu.memory_space<semaphore_mem>>
        %dma_start3A_100 = tpu.memref_slice %arg6[%add3A_34] : memref<160000xi32, #tpu.memory_space<hbm>> -> memref<80xi32, #tpu.memory_space<hbm>>
        %dma_start3A_101 = tpu.memref_slice %arg6[%add3A_34] : memref<160000xi32, #tpu.memory_space<hbm>> -> memref<80xi32, #tpu.memory_space<hbm>>
        tpu.enqueue_dma source(%dma_start3A_101 : memref<80xi32, #tpu.memory_space<hbm>>) target(%arg11 : memref<80xi32, #tpu.memory_space<vmem>>) target_semaphore(%run_scoped3A : memref<!tpu.dma_semaphore, #tpu.memory_space<semaphore_mem>>)
        %dma_wait3A_102 = tpu.memref_slice %arg6[%add3A_34] : memref<160000xi32, #tpu.memory_space<hbm>> -> memref<80xi32, #tpu.memory_space<hbm>>
        %dma_wait3A_103 = tpu.memref_slice %arg6[%add3A_34] : memref<160000xi32, #tpu.memory_space<hbm>> -> memref<80xi32, #tpu.memory_space<hbm>>
        tpu.wait_dma2 semaphore(%run_scoped3A : memref<!tpu.dma_semaphore, #tpu.memory_space<semaphore_mem>>) src(%dma_wait3A_103 : memref<80xi32, #tpu.memory_space<hbm>>) dst(%arg11 : memref<80xi32, #tpu.memory_space<vmem>>)
        tpu.yield
      }) : () -> ()
      %mul3A_35 = arith.constant 10000 : i32
      %mul3A_36 = arith.muli %arg1, %mul3A_35 : i32
      %add3A_37 = arith.constant 9920 : i32
      %add3A_38 = arith.addi %mul3A_36, %add3A_37 : i32
      %dma_wait3A = arith.constant 0 : i32
      %dma_wait3A_39 = tpu.memref_slice %arg2[%add3A_38, %dma_wait3A] : memref<160000x128xf32, #tpu.memory_space<hbm>> -> memref<80x128xf32, #tpu.memory_space<hbm>>
      %dma_wait3A_40 = arith.constant 0 : i32
      %dma_wait3A_41 = tpu.memref_slice %arg2[%add3A_38, %dma_wait3A_40] : memref<160000x128xf32, #tpu.memory_space<hbm>> -> memref<80x128xf32, #tpu.memory_space<hbm>>
      tpu.wait_dma2 semaphore(%arg17 : memref<!tpu.dma_semaphore, #tpu.memory_space<semaphore_mem>>) src(%dma_wait3A_41 : memref<80x128xf32, #tpu.memory_space<hbm>>) dst(%arg13 : memref<80x128xf32, #tpu.memory_space<vmem>>)
      "tpu.region"() ({
        %run_scoped3A = tpu.sem_alloc : memref<!tpu.dma_semaphore, #tpu.memory_space<semaphore_mem>>
        %dma_start3A_100 = arith.constant 0 : i32
        %dma_start3A_101 = arith.constant 0 : i32
        %dma_start3A_102 = tpu.memref_slice %arg16[%dma_start3A_100, %dma_start3A_101] : memref<10000x128xf32, #tpu.memory_space<vmem_shared>> -> memref<10000x128xf32, #tpu.memory_space<vmem_shared>>
        tpu.enqueue_indirect_dma source(%arg13 : memref<80x128xf32, #tpu.memory_space<vmem>>) target(%dma_start3A_102 : memref<10000x128xf32, #tpu.memory_space<vmem_shared>>) offsets(%arg11 : memref<80xi32, #tpu.memory_space<vmem>>) semaphore(%run_scoped3A : memref<!tpu.dma_semaphore, #tpu.memory_space<semaphore_mem>>) {add = true}
        %dma_wait3A_103 = arith.constant 0 : i32
        %dma_wait3A_104 = arith.constant 0 : i32
        %dma_wait3A_105 = tpu.memref_slice %arg16[%dma_wait3A_103, %dma_wait3A_104] : memref<10000x128xf32, #tpu.memory_space<vmem_shared>> -> memref<10000x128xf32, #tpu.memory_space<vmem_shared>>
        tpu.wait_indirect_dma semaphore(%run_scoped3A : memref<!tpu.dma_semaphore, #tpu.memory_space<semaphore_mem>>) src(%arg13 : memref<80x128xf32, #tpu.memory_space<vmem>>) dst(%dma_wait3A_105 : memref<10000x128xf32, #tpu.memory_space<vmem_shared>>)
        tpu.yield
      }) : () -> ()
      %barrier3A_42 = arith.constant 0 : index
      tpu.barrier barrier_id(%barrier3A_42)
      %mul3A_43 = arith.constant 624 : i32
      %mul3A_44 = arith.muli %arg1, %mul3A_43 : i32
      %mul3A_45 = arith.constant 624 : i32
      %mul3A_46 = arith.muli %arg1, %mul3A_45 : i32
      "tpu.region"() ({
        %run_scoped3A = tpu.sem_alloc : memref<!tpu.dma_semaphore, #tpu.memory_space<semaphore_mem>>
        %dma_start3A_100 = arith.constant 0 : i32
        %dma_start3A_101 = tpu.memref_slice %arg7[%mul3A_46, %dma_start3A_100] : memref<10000x128xf32, #tpu.memory_space<hbm>> -> memref<624x128xf32, #tpu.memory_space<hbm>>
        %dma_start3A_102 = arith.constant 0 : i32
        %dma_start3A_103 = tpu.memref_slice %arg16[%mul3A_44, %dma_start3A_102] : memref<10000x128xf32, #tpu.memory_space<vmem_shared>> -> memref<624x128xf32, #tpu.memory_space<vmem_shared>>
        tpu.enqueue_dma source(%dma_start3A_103 : memref<624x128xf32, #tpu.memory_space<vmem_shared>>) target(%dma_start3A_101 : memref<624x128xf32, #tpu.memory_space<hbm>>) target_semaphore(%run_scoped3A : memref<!tpu.dma_semaphore, #tpu.memory_space<semaphore_mem>>)
        %dma_wait3A_104 = arith.constant 0 : i32
        %dma_wait3A_105 = tpu.memref_slice %arg7[%mul3A_46, %dma_wait3A_104] : memref<10000x128xf32, #tpu.memory_space<hbm>> -> memref<624x128xf32, #tpu.memory_space<hbm>>
        %dma_wait3A_106 = arith.constant 0 : i32
        %dma_wait3A_107 = tpu.memref_slice %arg16[%mul3A_44, %dma_wait3A_106] : memref<10000x128xf32, #tpu.memory_space<vmem_shared>> -> memref<624x128xf32, #tpu.memory_space<vmem_shared>>
        tpu.wait_dma2 semaphore(%run_scoped3A : memref<!tpu.dma_semaphore, #tpu.memory_space<semaphore_mem>>) src(%dma_wait3A_107 : memref<624x128xf32, #tpu.memory_space<vmem_shared>>) dst(%dma_wait3A_105 : memref<624x128xf32, #tpu.memory_space<hbm>>)
        tpu.yield
      }) : () -> ()
      %eq3A_47 = arith.constant 0 : i32
      %eq3A_48 = arith.cmpi eq, %arg1, %eq3A_47 : i32
      %convert_element_type3A_49 = arith.extui %eq3A_48 : i1 to i32
      %cond3A_50 = arith.constant 0 : i32
      %cond3A_51 = arith.cmpi ne, %convert_element_type3A_49, %cond3A_50 : i32
      scf.if %cond3A_51 {
        "tpu.region"() ({
          %run_scoped3A = tpu.sem_alloc : memref<!tpu.dma_semaphore, #tpu.memory_space<semaphore_mem>>
          %dma_start3A_100 = arith.constant 9984 : i32
          %dma_start3A_101 = arith.constant 0 : i32
          %dma_start3A_102 = tpu.memref_slice %arg7[%dma_start3A_100, %dma_start3A_101] : memref<10000x128xf32, #tpu.memory_space<hbm>> -> memref<16x128xf32, #tpu.memory_space<hbm>>
          %dma_start3A_103 = arith.constant 9984 : i32
          %dma_start3A_104 = arith.constant 0 : i32
          %dma_start3A_105 = tpu.memref_slice %arg16[%dma_start3A_103, %dma_start3A_104] : memref<10000x128xf32, #tpu.memory_space<vmem_shared>> -> memref<16x128xf32, #tpu.memory_space<vmem_shared>>
          tpu.enqueue_dma source(%dma_start3A_105 : memref<16x128xf32, #tpu.memory_space<vmem_shared>>) target(%dma_start3A_102 : memref<16x128xf32, #tpu.memory_space<hbm>>) target_semaphore(%run_scoped3A : memref<!tpu.dma_semaphore, #tpu.memory_space<semaphore_mem>>)
          %dma_wait3A_106 = arith.constant 9984 : i32
          %dma_wait3A_107 = arith.constant 0 : i32
          %dma_wait3A_108 = tpu.memref_slice %arg7[%dma_wait3A_106, %dma_wait3A_107] : memref<10000x128xf32, #tpu.memory_space<hbm>> -> memref<16x128xf32, #tpu.memory_space<hbm>>
          %dma_wait3A_109 = arith.constant 9984 : i32
          %dma_wait3A_110 = arith.constant 0 : i32
          %dma_wait3A_111 = tpu.memref_slice %arg16[%dma_wait3A_109, %dma_wait3A_110] : memref<10000x128xf32, #tpu.memory_space<vmem_shared>> -> memref<16x128xf32, #tpu.memory_space<vmem_shared>>
          tpu.wait_dma2 semaphore(%run_scoped3A : memref<!tpu.dma_semaphore, #tpu.memory_space<semaphore_mem>>) src(%dma_wait3A_111 : memref<16x128xf32, #tpu.memory_space<vmem_shared>>) dst(%dma_wait3A_108 : memref<16x128xf32, #tpu.memory_space<hbm>>)
          tpu.yield
        }) : () -> ()
      } else {
      }
      %barrier3A_52 = arith.constant 0 : index
      tpu.barrier barrier_id(%barrier3A_52)
      %scan3A_53 = arith.constant 0 : i32
      %scan3A_54 = arith.constant 13 : i32
      %scan3A_55 = arith.addi %scan3A_53, %scan3A_54 : i32
      %scan3A_56 = arith.constant 1 : i32
      scf.for %scan3A_100 = %scan3A_53 to %scan3A_55 step %scan3A_56  : i32 {
        %mul3A_101 = arith.constant 1 : i32
        %mul3A_102 = arith.muli %scan3A_100, %mul3A_101 : i32
        %add3A_103 = arith.constant 0 : i32
        %add3A_104 = arith.addi %add3A_103, %mul3A_102 : i32
        %mul3A_105 = arith.constant 624 : i32
        %mul3A_106 = arith.muli %arg1, %mul3A_105 : i32
        %mul3A_107 = arith.constant 48 : i32
        %mul3A_108 = arith.muli %add3A_104, %mul3A_107 : i32
        %add3A_109 = arith.addi %mul3A_106, %mul3A_108 : i32
        "tpu.region"() ({
          %run_scoped3A = tpu.sem_alloc : memref<!tpu.dma_semaphore, #tpu.memory_space<semaphore_mem>>
          %dma_start3A_110 = arith.constant 0 : i32
          %dma_start3A_111 = tpu.memref_slice %arg16[%add3A_109, %dma_start3A_110] : memref<10000x128xf32, #tpu.memory_space<vmem_shared>> -> memref<48x128xf32, #tpu.memory_space<vmem_shared>>
          %dma_start3A_112 = arith.constant 0 : i32
          %dma_start3A_113 = tpu.memref_slice %arg16[%add3A_109, %dma_start3A_112] : memref<10000x128xf32, #tpu.memory_space<vmem_shared>> -> memref<48x128xf32, #tpu.memory_space<vmem_shared>>
          tpu.enqueue_dma source(%arg15 : memref<48x128xf32, #tpu.memory_space<vmem>>) target(%dma_start3A_113 : memref<48x128xf32, #tpu.memory_space<vmem_shared>>) target_semaphore(%run_scoped3A : memref<!tpu.dma_semaphore, #tpu.memory_space<semaphore_mem>>)
          %dma_wait3A_114 = arith.constant 0 : i32
          %dma_wait3A_115 = tpu.memref_slice %arg16[%add3A_109, %dma_wait3A_114] : memref<10000x128xf32, #tpu.memory_space<vmem_shared>> -> memref<48x128xf32, #tpu.memory_space<vmem_shared>>
          %dma_wait3A_116 = arith.constant 0 : i32
          %dma_wait3A_117 = tpu.memref_slice %arg16[%add3A_109, %dma_wait3A_116] : memref<10000x128xf32, #tpu.memory_space<vmem_shared>> -> memref<48x128xf32, #tpu.memory_space<vmem_shared>>
          tpu.wait_dma2 semaphore(%run_scoped3A : memref<!tpu.dma_semaphore, #tpu.memory_space<semaphore_mem>>) src(%arg15 : memref<48x128xf32, #tpu.memory_space<vmem>>) dst(%dma_wait3A_117 : memref<48x128xf32, #tpu.memory_space<vmem_shared>>)
          tpu.yield
        }) : () -> ()
      }
      %scan3A_57 = arith.constant 13 : i32
      %eq3A_58 = arith.constant 0 : i32
      %eq3A_59 = arith.cmpi eq, %arg1, %eq3A_58 : i32
      %convert_element_type3A_60 = arith.extui %eq3A_59 : i1 to i32
      %cond3A_61 = arith.constant 0 : i32
      %cond3A_62 = arith.cmpi ne, %convert_element_type3A_60, %cond3A_61 : i32
      scf.if %cond3A_62 {
        "tpu.region"() ({
          %run_scoped3A = tpu.sem_alloc : memref<!tpu.dma_semaphore, #tpu.memory_space<semaphore_mem>>
          %dma_start3A_100 = arith.constant 0 : i32
          %dma_start3A_101 = arith.constant 0 : i32
          %dma_start3A_102 = tpu.memref_slice %arg15[%dma_start3A_100, %dma_start3A_101] : memref<48x128xf32, #tpu.memory_space<vmem>> -> memref<16x128xf32, #tpu.memory_space<vmem>>
          %dma_start3A_103 = arith.constant 9984 : i32
          %dma_start3A_104 = arith.constant 0 : i32
          %dma_start3A_105 = tpu.memref_slice %arg16[%dma_start3A_103, %dma_start3A_104] : memref<10000x128xf32, #tpu.memory_space<vmem_shared>> -> memref<16x128xf32, #tpu.memory_space<vmem_shared>>
          %dma_start3A_106 = arith.constant 9984 : i32
          %dma_start3A_107 = arith.constant 0 : i32
          %dma_start3A_108 = tpu.memref_slice %arg16[%dma_start3A_106, %dma_start3A_107] : memref<10000x128xf32, #tpu.memory_space<vmem_shared>> -> memref<16x128xf32, #tpu.memory_space<vmem_shared>>
          %dma_start3A_109 = arith.constant 0 : i32
          %dma_start3A_110 = arith.constant 0 : i32
          %dma_start3A_111 = tpu.memref_slice %arg15[%dma_start3A_109, %dma_start3A_110] : memref<48x128xf32, #tpu.memory_space<vmem>> -> memref<16x128xf32, #tpu.memory_space<vmem>>
          tpu.enqueue_dma source(%dma_start3A_111 : memref<16x128xf32, #tpu.memory_space<vmem>>) target(%dma_start3A_108 : memref<16x128xf32, #tpu.memory_space<vmem_shared>>) target_semaphore(%run_scoped3A : memref<!tpu.dma_semaphore, #tpu.memory_space<semaphore_mem>>)
          %dma_wait3A_112 = arith.constant 0 : i32
          %dma_wait3A_113 = arith.constant 0 : i32
          %dma_wait3A_114 = tpu.memref_slice %arg15[%dma_wait3A_112, %dma_wait3A_113] : memref<48x128xf32, #tpu.memory_space<vmem>> -> memref<16x128xf32, #tpu.memory_space<vmem>>
          %dma_wait3A_115 = arith.constant 9984 : i32
          %dma_wait3A_116 = arith.constant 0 : i32
          %dma_wait3A_117 = tpu.memref_slice %arg16[%dma_wait3A_115, %dma_wait3A_116] : memref<10000x128xf32, #tpu.memory_space<vmem_shared>> -> memref<16x128xf32, #tpu.memory_space<vmem_shared>>
          %dma_wait3A_118 = arith.constant 9984 : i32
          %dma_wait3A_119 = arith.constant 0 : i32
          %dma_wait3A_120 = tpu.memref_slice %arg16[%dma_wait3A_118, %dma_wait3A_119] : memref<10000x128xf32, #tpu.memory_space<vmem_shared>> -> memref<16x128xf32, #tpu.memory_space<vmem_shared>>
          %dma_wait3A_121 = arith.constant 0 : i32
          %dma_wait3A_122 = arith.constant 0 : i32
          %dma_wait3A_123 = tpu.memref_slice %arg15[%dma_wait3A_121, %dma_wait3A_122] : memref<48x128xf32, #tpu.memory_space<vmem>> -> memref<16x128xf32, #tpu.memory_space<vmem>>
          tpu.wait_dma2 semaphore(%run_scoped3A : memref<!tpu.dma_semaphore, #tpu.memory_space<semaphore_mem>>) src(%dma_wait3A_123 : memref<16x128xf32, #tpu.memory_space<vmem>>) dst(%dma_wait3A_120 : memref<16x128xf32, #tpu.memory_space<vmem_shared>>)
          tpu.yield
        }) : () -> ()
      } else {
      }
      %barrier3A_63 = arith.constant 0 : index
      tpu.barrier barrier_id(%barrier3A_63)
      %mul3A_64 = arith.constant 10000 : i32
      %mul3A_65 = arith.muli %arg1, %mul3A_64 : i32
      %add3A_66 = arith.constant 0 : i32
      %add3A_67 = arith.addi %mul3A_65, %add3A_66 : i32
      %dma_start3A_68 = arith.constant 0 : i32
      %dma_start3A_69 = tpu.memref_slice %arg3[%add3A_67, %dma_start3A_68] : memref<160000x128xf32, #tpu.memory_space<hbm>> -> memref<80x128xf32, #tpu.memory_space<hbm>>
      %dma_start3A_70 = arith.constant 0 : i32
      %dma_start3A_71 = tpu.memref_slice %arg3[%add3A_67, %dma_start3A_70] : memref<160000x128xf32, #tpu.memory_space<hbm>> -> memref<80x128xf32, #tpu.memory_space<hbm>>
      tpu.enqueue_dma source(%dma_start3A_71 : memref<80x128xf32, #tpu.memory_space<hbm>>) target(%arg13 : memref<80x128xf32, #tpu.memory_space<vmem>>) target_semaphore(%arg17 : memref<!tpu.dma_semaphore, #tpu.memory_space<semaphore_mem>>)
      %scan3A_72 = arith.constant 0 : i32
      %scan3A_73 = arith.constant 62 : i32
      %scan3A_74 = arith.addi %scan3A_72, %scan3A_73 : i32
      %scan3A_75 = arith.constant 1 : i32
      scf.for %scan3A_100 = %scan3A_72 to %scan3A_74 step %scan3A_75  : i32 {
        %mul3A_101 = arith.constant 1 : i32
        %mul3A_102 = arith.muli %scan3A_100, %mul3A_101 : i32
        %add3A_103 = arith.constant 0 : i32
        %add3A_104 = arith.addi %add3A_103, %mul3A_102 : i32
        %mul3A_105 = arith.constant 2 : i32
        %mul3A_106 = arith.muli %mul3A_105, %add3A_104 : i32
        %add3A_107 = arith.constant 1 : i32
        %add3A_108 = arith.addi %mul3A_106, %add3A_107 : i32
        %mul3A_109 = arith.constant 10000 : i32
        %mul3A_110 = arith.muli %arg1, %mul3A_109 : i32
        %mul3A_111 = arith.constant 80 : i32
        %mul3A_112 = arith.muli %mul3A_106, %mul3A_111 : i32
        %add3A_113 = arith.addi %mul3A_110, %mul3A_112 : i32
        "tpu.region"() ({
          %run_scoped3A = tpu.sem_alloc : memref<!tpu.dma_semaphore, #tpu.memory_space<semaphore_mem>>
          %dma_start3A_152 = tpu.memref_slice %arg6[%add3A_113] : memref<160000xi32, #tpu.memory_space<hbm>> -> memref<80xi32, #tpu.memory_space<hbm>>
          %dma_start3A_153 = tpu.memref_slice %arg6[%add3A_113] : memref<160000xi32, #tpu.memory_space<hbm>> -> memref<80xi32, #tpu.memory_space<hbm>>
          tpu.enqueue_dma source(%dma_start3A_153 : memref<80xi32, #tpu.memory_space<hbm>>) target(%arg11 : memref<80xi32, #tpu.memory_space<vmem>>) target_semaphore(%run_scoped3A : memref<!tpu.dma_semaphore, #tpu.memory_space<semaphore_mem>>)
          %dma_wait3A_154 = tpu.memref_slice %arg6[%add3A_113] : memref<160000xi32, #tpu.memory_space<hbm>> -> memref<80xi32, #tpu.memory_space<hbm>>
          %dma_wait3A_155 = tpu.memref_slice %arg6[%add3A_113] : memref<160000xi32, #tpu.memory_space<hbm>> -> memref<80xi32, #tpu.memory_space<hbm>>
          tpu.wait_dma2 semaphore(%run_scoped3A : memref<!tpu.dma_semaphore, #tpu.memory_space<semaphore_mem>>) src(%dma_wait3A_155 : memref<80xi32, #tpu.memory_space<hbm>>) dst(%arg11 : memref<80xi32, #tpu.memory_space<vmem>>)
          tpu.yield
        }) : () -> ()
        %mul3A_114 = arith.constant 10000 : i32
        %mul3A_115 = arith.muli %arg1, %mul3A_114 : i32
        %mul3A_116 = arith.constant 80 : i32
        %mul3A_117 = arith.muli %mul3A_106, %mul3A_116 : i32
        %add3A_118 = arith.addi %mul3A_115, %mul3A_117 : i32
        %dma_wait3A_119 = arith.constant 0 : i32
        %dma_wait3A_120 = tpu.memref_slice %arg3[%add3A_118, %dma_wait3A_119] : memref<160000x128xf32, #tpu.memory_space<hbm>> -> memref<80x128xf32, #tpu.memory_space<hbm>>
        %dma_wait3A_121 = arith.constant 0 : i32
        %dma_wait3A_122 = tpu.memref_slice %arg3[%add3A_118, %dma_wait3A_121] : memref<160000x128xf32, #tpu.memory_space<hbm>> -> memref<80x128xf32, #tpu.memory_space<hbm>>
        tpu.wait_dma2 semaphore(%arg17 : memref<!tpu.dma_semaphore, #tpu.memory_space<semaphore_mem>>) src(%dma_wait3A_122 : memref<80x128xf32, #tpu.memory_space<hbm>>) dst(%arg13 : memref<80x128xf32, #tpu.memory_space<vmem>>)
        %mul3A_123 = arith.constant 10000 : i32
        %mul3A_124 = arith.muli %arg1, %mul3A_123 : i32
        %mul3A_125 = arith.constant 80 : i32
        %mul3A_126 = arith.muli %add3A_108, %mul3A_125 : i32
        %add3A_127 = arith.addi %mul3A_124, %mul3A_126 : i32
        %dma_start3A_128 = arith.constant 0 : i32
        %dma_start3A_129 = tpu.memref_slice %arg3[%add3A_127, %dma_start3A_128] : memref<160000x128xf32, #tpu.memory_space<hbm>> -> memref<80x128xf32, #tpu.memory_space<hbm>>
        %dma_start3A_130 = arith.constant 0 : i32
        %dma_start3A_131 = tpu.memref_slice %arg3[%add3A_127, %dma_start3A_130] : memref<160000x128xf32, #tpu.memory_space<hbm>> -> memref<80x128xf32, #tpu.memory_space<hbm>>
        tpu.enqueue_dma source(%dma_start3A_131 : memref<80x128xf32, #tpu.memory_space<hbm>>) target(%arg14 : memref<80x128xf32, #tpu.memory_space<vmem>>) target_semaphore(%arg18 : memref<!tpu.dma_semaphore, #tpu.memory_space<semaphore_mem>>)
        "tpu.region"() ({
          %run_scoped3A = tpu.sem_alloc : memref<!tpu.dma_semaphore, #tpu.memory_space<semaphore_mem>>
          %dma_start3A_152 = arith.constant 0 : i32
          %dma_start3A_153 = arith.constant 0 : i32
          %dma_start3A_154 = tpu.memref_slice %arg16[%dma_start3A_152, %dma_start3A_153] : memref<10000x128xf32, #tpu.memory_space<vmem_shared>> -> memref<10000x128xf32, #tpu.memory_space<vmem_shared>>
          tpu.enqueue_indirect_dma source(%arg13 : memref<80x128xf32, #tpu.memory_space<vmem>>) target(%dma_start3A_154 : memref<10000x128xf32, #tpu.memory_space<vmem_shared>>) offsets(%arg11 : memref<80xi32, #tpu.memory_space<vmem>>) semaphore(%run_scoped3A : memref<!tpu.dma_semaphore, #tpu.memory_space<semaphore_mem>>) {add = true}
          %dma_wait3A_155 = arith.constant 0 : i32
          %dma_wait3A_156 = arith.constant 0 : i32
          %dma_wait3A_157 = tpu.memref_slice %arg16[%dma_wait3A_155, %dma_wait3A_156] : memref<10000x128xf32, #tpu.memory_space<vmem_shared>> -> memref<10000x128xf32, #tpu.memory_space<vmem_shared>>
          tpu.wait_indirect_dma semaphore(%run_scoped3A : memref<!tpu.dma_semaphore, #tpu.memory_space<semaphore_mem>>) src(%arg13 : memref<80x128xf32, #tpu.memory_space<vmem>>) dst(%dma_wait3A_157 : memref<10000x128xf32, #tpu.memory_space<vmem_shared>>)
          tpu.yield
        }) : () -> ()
        %mul3A_132 = arith.constant 10000 : i32
        %mul3A_133 = arith.muli %arg1, %mul3A_132 : i32
        %mul3A_134 = arith.constant 80 : i32
        %mul3A_135 = arith.muli %add3A_108, %mul3A_134 : i32
        %add3A_136 = arith.addi %mul3A_133, %mul3A_135 : i32
        "tpu.region"() ({
          %run_scoped3A = tpu.sem_alloc : memref<!tpu.dma_semaphore, #tpu.memory_space<semaphore_mem>>
          %dma_start3A_152 = tpu.memref_slice %arg6[%add3A_136] : memref<160000xi32, #tpu.memory_space<hbm>> -> memref<80xi32, #tpu.memory_space<hbm>>
          %dma_start3A_153 = tpu.memref_slice %arg6[%add3A_136] : memref<160000xi32, #tpu.memory_space<hbm>> -> memref<80xi32, #tpu.memory_space<hbm>>
          tpu.enqueue_dma source(%dma_start3A_153 : memref<80xi32, #tpu.memory_space<hbm>>) target(%arg12 : memref<80xi32, #tpu.memory_space<vmem>>) target_semaphore(%run_scoped3A : memref<!tpu.dma_semaphore, #tpu.memory_space<semaphore_mem>>)
          %dma_wait3A_154 = tpu.memref_slice %arg6[%add3A_136] : memref<160000xi32, #tpu.memory_space<hbm>> -> memref<80xi32, #tpu.memory_space<hbm>>
          %dma_wait3A_155 = tpu.memref_slice %arg6[%add3A_136] : memref<160000xi32, #tpu.memory_space<hbm>> -> memref<80xi32, #tpu.memory_space<hbm>>
          tpu.wait_dma2 semaphore(%run_scoped3A : memref<!tpu.dma_semaphore, #tpu.memory_space<semaphore_mem>>) src(%dma_wait3A_155 : memref<80xi32, #tpu.memory_space<hbm>>) dst(%arg12 : memref<80xi32, #tpu.memory_space<vmem>>)
          tpu.yield
        }) : () -> ()
        %mul3A_137 = arith.constant 10000 : i32
        %mul3A_138 = arith.muli %arg1, %mul3A_137 : i32
        %mul3A_139 = arith.constant 80 : i32
        %mul3A_140 = arith.muli %add3A_108, %mul3A_139 : i32
        %add3A_141 = arith.addi %mul3A_138, %mul3A_140 : i32
        %dma_wait3A_142 = arith.constant 0 : i32
        %dma_wait3A_143 = tpu.memref_slice %arg3[%add3A_141, %dma_wait3A_142] : memref<160000x128xf32, #tpu.memory_space<hbm>> -> memref<80x128xf32, #tpu.memory_space<hbm>>
        %dma_wait3A_144 = arith.constant 0 : i32
        %dma_wait3A_145 = tpu.memref_slice %arg3[%add3A_141, %dma_wait3A_144] : memref<160000x128xf32, #tpu.memory_space<hbm>> -> memref<80x128xf32, #tpu.memory_space<hbm>>
        tpu.wait_dma2 semaphore(%arg18 : memref<!tpu.dma_semaphore, #tpu.memory_space<semaphore_mem>>) src(%dma_wait3A_145 : memref<80x128xf32, #tpu.memory_space<hbm>>) dst(%arg14 : memref<80x128xf32, #tpu.memory_space<vmem>>)
        %add3A_146 = arith.constant 2 : i32
        %add3A_147 = arith.addi %mul3A_106, %add3A_146 : i32
        %lt3A = arith.constant 125 : i32
        %lt3A_148 = arith.cmpi slt, %add3A_147, %lt3A : i32
        %convert_element_type3A_149 = arith.extui %lt3A_148 : i1 to i32
        %cond3A_150 = arith.constant 0 : i32
        %cond3A_151 = arith.cmpi ne, %convert_element_type3A_149, %cond3A_150 : i32
        scf.if %cond3A_151 {
          %add3A_152 = arith.constant 2 : i32
          %add3A_153 = arith.addi %mul3A_106, %add3A_152 : i32
          %mul3A_154 = arith.constant 10000 : i32
          %mul3A_155 = arith.muli %arg1, %mul3A_154 : i32
          %mul3A_156 = arith.constant 80 : i32
          %mul3A_157 = arith.muli %add3A_153, %mul3A_156 : i32
          %add3A_158 = arith.addi %mul3A_155, %mul3A_157 : i32
          %dma_start3A_159 = arith.constant 0 : i32
          %dma_start3A_160 = tpu.memref_slice %arg3[%add3A_158, %dma_start3A_159] : memref<160000x128xf32, #tpu.memory_space<hbm>> -> memref<80x128xf32, #tpu.memory_space<hbm>>
          %dma_start3A_161 = arith.constant 0 : i32
          %dma_start3A_162 = tpu.memref_slice %arg3[%add3A_158, %dma_start3A_161] : memref<160000x128xf32, #tpu.memory_space<hbm>> -> memref<80x128xf32, #tpu.memory_space<hbm>>
          tpu.enqueue_dma source(%dma_start3A_162 : memref<80x128xf32, #tpu.memory_space<hbm>>) target(%arg13 : memref<80x128xf32, #tpu.memory_space<vmem>>) target_semaphore(%arg17 : memref<!tpu.dma_semaphore, #tpu.memory_space<semaphore_mem>>)
        } else {
        }
        "tpu.region"() ({
          %run_scoped3A = tpu.sem_alloc : memref<!tpu.dma_semaphore, #tpu.memory_space<semaphore_mem>>
          %dma_start3A_152 = arith.constant 0 : i32
          %dma_start3A_153 = arith.constant 0 : i32
          %dma_start3A_154 = tpu.memref_slice %arg16[%dma_start3A_152, %dma_start3A_153] : memref<10000x128xf32, #tpu.memory_space<vmem_shared>> -> memref<10000x128xf32, #tpu.memory_space<vmem_shared>>
          tpu.enqueue_indirect_dma source(%arg14 : memref<80x128xf32, #tpu.memory_space<vmem>>) target(%dma_start3A_154 : memref<10000x128xf32, #tpu.memory_space<vmem_shared>>) offsets(%arg12 : memref<80xi32, #tpu.memory_space<vmem>>) semaphore(%run_scoped3A : memref<!tpu.dma_semaphore, #tpu.memory_space<semaphore_mem>>) {add = true}
          %dma_wait3A_155 = arith.constant 0 : i32
          %dma_wait3A_156 = arith.constant 0 : i32
          %dma_wait3A_157 = tpu.memref_slice %arg16[%dma_wait3A_155, %dma_wait3A_156] : memref<10000x128xf32, #tpu.memory_space<vmem_shared>> -> memref<10000x128xf32, #tpu.memory_space<vmem_shared>>
          tpu.wait_indirect_dma semaphore(%run_scoped3A : memref<!tpu.dma_semaphore, #tpu.memory_space<semaphore_mem>>) src(%arg14 : memref<80x128xf32, #tpu.memory_space<vmem>>) dst(%dma_wait3A_157 : memref<10000x128xf32, #tpu.memory_space<vmem_shared>>)
          tpu.yield
        }) : () -> ()
      }
      %scan3A_76 = arith.constant 62 : i32
      %mul3A_77 = arith.constant 10000 : i32
      %mul3A_78 = arith.muli %arg1, %mul3A_77 : i32
      %add3A_79 = arith.constant 9920 : i32
      %add3A_80 = arith.addi %mul3A_78, %add3A_79 : i32
      "tpu.region"() ({
        %run_scoped3A = tpu.sem_alloc : memref<!tpu.dma_semaphore, #tpu.memory_space<semaphore_mem>>
        %dma_start3A_100 = tpu.memref_slice %arg6[%add3A_80] : memref<160000xi32, #tpu.memory_space<hbm>> -> memref<80xi32, #tpu.memory_space<hbm>>
        %dma_start3A_101 = tpu.memref_slice %arg6[%add3A_80] : memref<160000xi32, #tpu.memory_space<hbm>> -> memref<80xi32, #tpu.memory_space<hbm>>
        tpu.enqueue_dma source(%dma_start3A_101 : memref<80xi32, #tpu.memory_space<hbm>>) target(%arg11 : memref<80xi32, #tpu.memory_space<vmem>>) target_semaphore(%run_scoped3A : memref<!tpu.dma_semaphore, #tpu.memory_space<semaphore_mem>>)
        %dma_wait3A_102 = tpu.memref_slice %arg6[%add3A_80] : memref<160000xi32, #tpu.memory_space<hbm>> -> memref<80xi32, #tpu.memory_space<hbm>>
        %dma_wait3A_103 = tpu.memref_slice %arg6[%add3A_80] : memref<160000xi32, #tpu.memory_space<hbm>> -> memref<80xi32, #tpu.memory_space<hbm>>
        tpu.wait_dma2 semaphore(%run_scoped3A : memref<!tpu.dma_semaphore, #tpu.memory_space<semaphore_mem>>) src(%dma_wait3A_103 : memref<80xi32, #tpu.memory_space<hbm>>) dst(%arg11 : memref<80xi32, #tpu.memory_space<vmem>>)
        tpu.yield
      }) : () -> ()
      %mul3A_81 = arith.constant 10000 : i32
      %mul3A_82 = arith.muli %arg1, %mul3A_81 : i32
      %add3A_83 = arith.constant 9920 : i32
      %add3A_84 = arith.addi %mul3A_82, %add3A_83 : i32
      %dma_wait3A_85 = arith.constant 0 : i32
      %dma_wait3A_86 = tpu.memref_slice %arg3[%add3A_84, %dma_wait3A_85] : memref<160000x128xf32, #tpu.memory_space<hbm>> -> memref<80x128xf32, #tpu.memory_space<hbm>>
      %dma_wait3A_87 = arith.constant 0 : i32
      %dma_wait3A_88 = tpu.memref_slice %arg3[%add3A_84, %dma_wait3A_87] : memref<160000x128xf32, #tpu.memory_space<hbm>> -> memref<80x128xf32, #tpu.memory_space<hbm>>
      tpu.wait_dma2 semaphore(%arg17 : memref<!tpu.dma_semaphore, #tpu.memory_space<semaphore_mem>>) src(%dma_wait3A_88 : memref<80x128xf32, #tpu.memory_space<hbm>>) dst(%arg13 : memref<80x128xf32, #tpu.memory_space<vmem>>)
      "tpu.region"() ({
        %run_scoped3A = tpu.sem_alloc : memref<!tpu.dma_semaphore, #tpu.memory_space<semaphore_mem>>
        %dma_start3A_100 = arith.constant 0 : i32
        %dma_start3A_101 = arith.constant 0 : i32
        %dma_start3A_102 = tpu.memref_slice %arg16[%dma_start3A_100, %dma_start3A_101] : memref<10000x128xf32, #tpu.memory_space<vmem_shared>> -> memref<10000x128xf32, #tpu.memory_space<vmem_shared>>
        tpu.enqueue_indirect_dma source(%arg13 : memref<80x128xf32, #tpu.memory_space<vmem>>) target(%dma_start3A_102 : memref<10000x128xf32, #tpu.memory_space<vmem_shared>>) offsets(%arg11 : memref<80xi32, #tpu.memory_space<vmem>>) semaphore(%run_scoped3A : memref<!tpu.dma_semaphore, #tpu.memory_space<semaphore_mem>>) {add = true}
        %dma_wait3A_103 = arith.constant 0 : i32
        %dma_wait3A_104 = arith.constant 0 : i32
        %dma_wait3A_105 = tpu.memref_slice %arg16[%dma_wait3A_103, %dma_wait3A_104] : memref<10000x128xf32, #tpu.memory_space<vmem_shared>> -> memref<10000x128xf32, #tpu.memory_space<vmem_shared>>
        tpu.wait_indirect_dma semaphore(%run_scoped3A : memref<!tpu.dma_semaphore, #tpu.memory_space<semaphore_mem>>) src(%arg13 : memref<80x128xf32, #tpu.memory_space<vmem>>) dst(%dma_wait3A_105 : memref<10000x128xf32, #tpu.memory_space<vmem_shared>>)
        tpu.yield
      }) : () -> ()
      %barrier3A_89 = arith.constant 0 : index
      tpu.barrier barrier_id(%barrier3A_89)
      %mul3A_90 = arith.constant 624 : i32
      %mul3A_91 = arith.muli %arg1, %mul3A_90 : i32
      %mul3A_92 = arith.constant 624 : i32
      %mul3A_93 = arith.muli %arg1, %mul3A_92 : i32
      "tpu.region"() ({
        %run_scoped3A = tpu.sem_alloc : memref<!tpu.dma_semaphore, #tpu.memory_space<semaphore_mem>>
        %dma_start3A_100 = arith.constant 0 : i32
        %dma_start3A_101 = tpu.memref_slice %arg8[%mul3A_93, %dma_start3A_100] : memref<10000x128xf32, #tpu.memory_space<hbm>> -> memref<624x128xf32, #tpu.memory_space<hbm>>
        %dma_start3A_102 = arith.constant 0 : i32
        %dma_start3A_103 = tpu.memref_slice %arg16[%mul3A_91, %dma_start3A_102] : memref<10000x128xf32, #tpu.memory_space<vmem_shared>> -> memref<624x128xf32, #tpu.memory_space<vmem_shared>>
        tpu.enqueue_dma source(%dma_start3A_103 : memref<624x128xf32, #tpu.memory_space<vmem_shared>>) target(%dma_start3A_101 : memref<624x128xf32, #tpu.memory_space<hbm>>) target_semaphore(%run_scoped3A : memref<!tpu.dma_semaphore, #tpu.memory_space<semaphore_mem>>)
        %dma_wait3A_104 = arith.constant 0 : i32
        %dma_wait3A_105 = tpu.memref_slice %arg8[%mul3A_93, %dma_wait3A_104] : memref<10000x128xf32, #tpu.memory_space<hbm>> -> memref<624x128xf32, #tpu.memory_space<hbm>>
        %dma_wait3A_106 = arith.constant 0 : i32
        %dma_wait3A_107 = tpu.memref_slice %arg16[%mul3A_91, %dma_wait3A_106] : memref<10000x128xf32, #tpu.memory_space<vmem_shared>> -> memref<624x128xf32, #tpu.memory_space<vmem_shared>>
        tpu.wait_dma2 semaphore(%run_scoped3A : memref<!tpu.dma_semaphore, #tpu.memory_space<semaphore_mem>>) src(%dma_wait3A_107 : memref<624x128xf32, #tpu.memory_space<vmem_shared>>) dst(%dma_wait3A_105 : memref<624x128xf32, #tpu.memory_space<hbm>>)
        tpu.yield
      }) : () -> ()
      %eq3A_94 = arith.constant 0 : i32
      %eq3A_95 = arith.cmpi eq, %arg1, %eq3A_94 : i32
      %convert_element_type3A_96 = arith.extui %eq3A_95 : i1 to i32
      %cond3A_97 = arith.constant 0 : i32
      %cond3A_98 = arith.cmpi ne, %convert_element_type3A_96, %cond3A_97 : i32
      scf.if %cond3A_98 {
        "tpu.region"() ({
          %run_scoped3A = tpu.sem_alloc : memref<!tpu.dma_semaphore, #tpu.memory_space<semaphore_mem>>
          %dma_start3A_100 = arith.constant 9984 : i32
          %dma_start3A_101 = arith.constant 0 : i32
          %dma_start3A_102 = tpu.memref_slice %arg8[%dma_start3A_100, %dma_start3A_101] : memref<10000x128xf32, #tpu.memory_space<hbm>> -> memref<16x128xf32, #tpu.memory_space<hbm>>
          %dma_start3A_103 = arith.constant 9984 : i32
          %dma_start3A_104 = arith.constant 0 : i32
          %dma_start3A_105 = tpu.memref_slice %arg16[%dma_start3A_103, %dma_start3A_104] : memref<10000x128xf32, #tpu.memory_space<vmem_shared>> -> memref<16x128xf32, #tpu.memory_space<vmem_shared>>
          tpu.enqueue_dma source(%dma_start3A_105 : memref<16x128xf32, #tpu.memory_space<vmem_shared>>) target(%dma_start3A_102 : memref<16x128xf32, #tpu.memory_space<hbm>>) target_semaphore(%run_scoped3A : memref<!tpu.dma_semaphore, #tpu.memory_space<semaphore_mem>>)
          %dma_wait3A_106 = arith.constant 9984 : i32
          %dma_wait3A_107 = arith.constant 0 : i32
          %dma_wait3A_108 = tpu.memref_slice %arg8[%dma_wait3A_106, %dma_wait3A_107] : memref<10000x128xf32, #tpu.memory_space<hbm>> -> memref<16x128xf32, #tpu.memory_space<hbm>>
          %dma_wait3A_109 = arith.constant 9984 : i32
          %dma_wait3A_110 = arith.constant 0 : i32
          %dma_wait3A_111 = tpu.memref_slice %arg16[%dma_wait3A_109, %dma_wait3A_110] : memref<10000x128xf32, #tpu.memory_space<vmem_shared>> -> memref<16x128xf32, #tpu.memory_space<vmem_shared>>
          tpu.wait_dma2 semaphore(%run_scoped3A : memref<!tpu.dma_semaphore, #tpu.memory_space<semaphore_mem>>) src(%dma_wait3A_111 : memref<16x128xf32, #tpu.memory_space<vmem_shared>>) dst(%dma_wait3A_108 : memref<16x128xf32, #tpu.memory_space<hbm>>)
          tpu.yield
        }) : () -> ()
      } else {
      }
      %barrier3A_99 = arith.constant 0 : index
      tpu.barrier barrier_id(%barrier3A_99)
    } else {
    }
    %eq3A_6 = arith.constant 1 : i32
    %eq3A_7 = arith.cmpi eq, %arg0, %eq3A_6 : i32
    %convert_element_type3A_8 = arith.extui %eq3A_7 : i1 to i32
    %cond3A_9 = arith.constant 0 : i32
    %cond3A_10 = arith.cmpi ne, %convert_element_type3A_8, %cond3A_9 : i32
    scf.if %cond3A_10 {
      %scan3A_11 = arith.constant 0 : i32
      %scan3A_12 = arith.constant 13 : i32
      %scan3A_13 = arith.addi %scan3A_11, %scan3A_12 : i32
      %scan3A_14 = arith.constant 1 : i32
      scf.for %scan3A_100 = %scan3A_11 to %scan3A_13 step %scan3A_14  : i32 {
        %mul3A_101 = arith.constant 1 : i32
        %mul3A_102 = arith.muli %scan3A_100, %mul3A_101 : i32
        %add3A_103 = arith.constant 0 : i32
        %add3A_104 = arith.addi %add3A_103, %mul3A_102 : i32
        %mul3A_105 = arith.constant 624 : i32
        %mul3A_106 = arith.muli %arg1, %mul3A_105 : i32
        %mul3A_107 = arith.constant 48 : i32
        %mul3A_108 = arith.muli %add3A_104, %mul3A_107 : i32
        %add3A_109 = arith.addi %mul3A_106, %mul3A_108 : i32
        "tpu.region"() ({
          %run_scoped3A = tpu.sem_alloc : memref<!tpu.dma_semaphore, #tpu.memory_space<semaphore_mem>>
          %dma_start3A_110 = arith.constant 0 : i32
          %dma_start3A_111 = tpu.memref_slice %arg16[%add3A_109, %dma_start3A_110] : memref<10000x128xf32, #tpu.memory_space<vmem_shared>> -> memref<48x128xf32, #tpu.memory_space<vmem_shared>>
          %dma_start3A_112 = arith.constant 0 : i32
          %dma_start3A_113 = tpu.memref_slice %arg16[%add3A_109, %dma_start3A_112] : memref<10000x128xf32, #tpu.memory_space<vmem_shared>> -> memref<48x128xf32, #tpu.memory_space<vmem_shared>>
          tpu.enqueue_dma source(%arg15 : memref<48x128xf32, #tpu.memory_space<vmem>>) target(%dma_start3A_113 : memref<48x128xf32, #tpu.memory_space<vmem_shared>>) target_semaphore(%run_scoped3A : memref<!tpu.dma_semaphore, #tpu.memory_space<semaphore_mem>>)
          %dma_wait3A_114 = arith.constant 0 : i32
          %dma_wait3A_115 = tpu.memref_slice %arg16[%add3A_109, %dma_wait3A_114] : memref<10000x128xf32, #tpu.memory_space<vmem_shared>> -> memref<48x128xf32, #tpu.memory_space<vmem_shared>>
          %dma_wait3A_116 = arith.constant 0 : i32
          %dma_wait3A_117 = tpu.memref_slice %arg16[%add3A_109, %dma_wait3A_116] : memref<10000x128xf32, #tpu.memory_space<vmem_shared>> -> memref<48x128xf32, #tpu.memory_space<vmem_shared>>
          tpu.wait_dma2 semaphore(%run_scoped3A : memref<!tpu.dma_semaphore, #tpu.memory_space<semaphore_mem>>) src(%arg15 : memref<48x128xf32, #tpu.memory_space<vmem>>) dst(%dma_wait3A_117 : memref<48x128xf32, #tpu.memory_space<vmem_shared>>)
          tpu.yield
        }) : () -> ()
      }
      %scan3A_15 = arith.constant 13 : i32
      %eq3A_16 = arith.constant 0 : i32
      %eq3A_17 = arith.cmpi eq, %arg1, %eq3A_16 : i32
      %convert_element_type3A_18 = arith.extui %eq3A_17 : i1 to i32
      %cond3A_19 = arith.constant 0 : i32
      %cond3A_20 = arith.cmpi ne, %convert_element_type3A_18, %cond3A_19 : i32
      scf.if %cond3A_20 {
        "tpu.region"() ({
          %run_scoped3A = tpu.sem_alloc : memref<!tpu.dma_semaphore, #tpu.memory_space<semaphore_mem>>
          %dma_start3A_100 = arith.constant 0 : i32
          %dma_start3A_101 = arith.constant 0 : i32
          %dma_start3A_102 = tpu.memref_slice %arg15[%dma_start3A_100, %dma_start3A_101] : memref<48x128xf32, #tpu.memory_space<vmem>> -> memref<16x128xf32, #tpu.memory_space<vmem>>
          %dma_start3A_103 = arith.constant 9984 : i32
          %dma_start3A_104 = arith.constant 0 : i32
          %dma_start3A_105 = tpu.memref_slice %arg16[%dma_start3A_103, %dma_start3A_104] : memref<10000x128xf32, #tpu.memory_space<vmem_shared>> -> memref<16x128xf32, #tpu.memory_space<vmem_shared>>
          %dma_start3A_106 = arith.constant 9984 : i32
          %dma_start3A_107 = arith.constant 0 : i32
          %dma_start3A_108 = tpu.memref_slice %arg16[%dma_start3A_106, %dma_start3A_107] : memref<10000x128xf32, #tpu.memory_space<vmem_shared>> -> memref<16x128xf32, #tpu.memory_space<vmem_shared>>
          %dma_start3A_109 = arith.constant 0 : i32
          %dma_start3A_110 = arith.constant 0 : i32
          %dma_start3A_111 = tpu.memref_slice %arg15[%dma_start3A_109, %dma_start3A_110] : memref<48x128xf32, #tpu.memory_space<vmem>> -> memref<16x128xf32, #tpu.memory_space<vmem>>
          tpu.enqueue_dma source(%dma_start3A_111 : memref<16x128xf32, #tpu.memory_space<vmem>>) target(%dma_start3A_108 : memref<16x128xf32, #tpu.memory_space<vmem_shared>>) target_semaphore(%run_scoped3A : memref<!tpu.dma_semaphore, #tpu.memory_space<semaphore_mem>>)
          %dma_wait3A_112 = arith.constant 0 : i32
          %dma_wait3A_113 = arith.constant 0 : i32
          %dma_wait3A_114 = tpu.memref_slice %arg15[%dma_wait3A_112, %dma_wait3A_113] : memref<48x128xf32, #tpu.memory_space<vmem>> -> memref<16x128xf32, #tpu.memory_space<vmem>>
          %dma_wait3A_115 = arith.constant 9984 : i32
          %dma_wait3A_116 = arith.constant 0 : i32
          %dma_wait3A_117 = tpu.memref_slice %arg16[%dma_wait3A_115, %dma_wait3A_116] : memref<10000x128xf32, #tpu.memory_space<vmem_shared>> -> memref<16x128xf32, #tpu.memory_space<vmem_shared>>
          %dma_wait3A_118 = arith.constant 9984 : i32
          %dma_wait3A_119 = arith.constant 0 : i32
          %dma_wait3A_120 = tpu.memref_slice %arg16[%dma_wait3A_118, %dma_wait3A_119] : memref<10000x128xf32, #tpu.memory_space<vmem_shared>> -> memref<16x128xf32, #tpu.memory_space<vmem_shared>>
          %dma_wait3A_121 = arith.constant 0 : i32
          %dma_wait3A_122 = arith.constant 0 : i32
          %dma_wait3A_123 = tpu.memref_slice %arg15[%dma_wait3A_121, %dma_wait3A_122] : memref<48x128xf32, #tpu.memory_space<vmem>> -> memref<16x128xf32, #tpu.memory_space<vmem>>
          tpu.wait_dma2 semaphore(%run_scoped3A : memref<!tpu.dma_semaphore, #tpu.memory_space<semaphore_mem>>) src(%dma_wait3A_123 : memref<16x128xf32, #tpu.memory_space<vmem>>) dst(%dma_wait3A_120 : memref<16x128xf32, #tpu.memory_space<vmem_shared>>)
          tpu.yield
        }) : () -> ()
      } else {
      }
      %barrier3A = arith.constant 0 : index
      tpu.barrier barrier_id(%barrier3A)
      %mul3A = arith.constant 10000 : i32
      %mul3A_21 = arith.muli %arg1, %mul3A : i32
      %add3A = arith.constant 0 : i32
      %add3A_22 = arith.addi %mul3A_21, %add3A : i32
      %dma_start3A = arith.constant 0 : i32
      %dma_start3A_23 = tpu.memref_slice %arg4[%add3A_22, %dma_start3A] : memref<160000x128xf32, #tpu.memory_space<hbm>> -> memref<80x128xf32, #tpu.memory_space<hbm>>
      %dma_start3A_24 = arith.constant 0 : i32
      %dma_start3A_25 = tpu.memref_slice %arg4[%add3A_22, %dma_start3A_24] : memref<160000x128xf32, #tpu.memory_space<hbm>> -> memref<80x128xf32, #tpu.memory_space<hbm>>
      tpu.enqueue_dma source(%dma_start3A_25 : memref<80x128xf32, #tpu.memory_space<hbm>>) target(%arg13 : memref<80x128xf32, #tpu.memory_space<vmem>>) target_semaphore(%arg17 : memref<!tpu.dma_semaphore, #tpu.memory_space<semaphore_mem>>)
      %scan3A_26 = arith.constant 0 : i32
      %scan3A_27 = arith.constant 62 : i32
      %scan3A_28 = arith.addi %scan3A_26, %scan3A_27 : i32
      %scan3A_29 = arith.constant 1 : i32
      scf.for %scan3A_100 = %scan3A_26 to %scan3A_28 step %scan3A_29  : i32 {
        %mul3A_101 = arith.constant 1 : i32
        %mul3A_102 = arith.muli %scan3A_100, %mul3A_101 : i32
        %add3A_103 = arith.constant 0 : i32
        %add3A_104 = arith.addi %add3A_103, %mul3A_102 : i32
        %mul3A_105 = arith.constant 2 : i32
        %mul3A_106 = arith.muli %mul3A_105, %add3A_104 : i32
        %add3A_107 = arith.constant 1 : i32
        %add3A_108 = arith.addi %mul3A_106, %add3A_107 : i32
        %mul3A_109 = arith.constant 10000 : i32
        %mul3A_110 = arith.muli %arg1, %mul3A_109 : i32
        %mul3A_111 = arith.constant 80 : i32
        %mul3A_112 = arith.muli %mul3A_106, %mul3A_111 : i32
        %add3A_113 = arith.addi %mul3A_110, %mul3A_112 : i32
        "tpu.region"() ({
          %run_scoped3A = tpu.sem_alloc : memref<!tpu.dma_semaphore, #tpu.memory_space<semaphore_mem>>
          %dma_start3A_152 = tpu.memref_slice %arg6[%add3A_113] : memref<160000xi32, #tpu.memory_space<hbm>> -> memref<80xi32, #tpu.memory_space<hbm>>
          %dma_start3A_153 = tpu.memref_slice %arg6[%add3A_113] : memref<160000xi32, #tpu.memory_space<hbm>> -> memref<80xi32, #tpu.memory_space<hbm>>
          tpu.enqueue_dma source(%dma_start3A_153 : memref<80xi32, #tpu.memory_space<hbm>>) target(%arg11 : memref<80xi32, #tpu.memory_space<vmem>>) target_semaphore(%run_scoped3A : memref<!tpu.dma_semaphore, #tpu.memory_space<semaphore_mem>>)
          %dma_wait3A_154 = tpu.memref_slice %arg6[%add3A_113] : memref<160000xi32, #tpu.memory_space<hbm>> -> memref<80xi32, #tpu.memory_space<hbm>>
          %dma_wait3A_155 = tpu.memref_slice %arg6[%add3A_113] : memref<160000xi32, #tpu.memory_space<hbm>> -> memref<80xi32, #tpu.memory_space<hbm>>
          tpu.wait_dma2 semaphore(%run_scoped3A : memref<!tpu.dma_semaphore, #tpu.memory_space<semaphore_mem>>) src(%dma_wait3A_155 : memref<80xi32, #tpu.memory_space<hbm>>) dst(%arg11 : memref<80xi32, #tpu.memory_space<vmem>>)
          tpu.yield
        }) : () -> ()
        %mul3A_114 = arith.constant 10000 : i32
        %mul3A_115 = arith.muli %arg1, %mul3A_114 : i32
        %mul3A_116 = arith.constant 80 : i32
        %mul3A_117 = arith.muli %mul3A_106, %mul3A_116 : i32
        %add3A_118 = arith.addi %mul3A_115, %mul3A_117 : i32
        %dma_wait3A_119 = arith.constant 0 : i32
        %dma_wait3A_120 = tpu.memref_slice %arg4[%add3A_118, %dma_wait3A_119] : memref<160000x128xf32, #tpu.memory_space<hbm>> -> memref<80x128xf32, #tpu.memory_space<hbm>>
        %dma_wait3A_121 = arith.constant 0 : i32
        %dma_wait3A_122 = tpu.memref_slice %arg4[%add3A_118, %dma_wait3A_121] : memref<160000x128xf32, #tpu.memory_space<hbm>> -> memref<80x128xf32, #tpu.memory_space<hbm>>
        tpu.wait_dma2 semaphore(%arg17 : memref<!tpu.dma_semaphore, #tpu.memory_space<semaphore_mem>>) src(%dma_wait3A_122 : memref<80x128xf32, #tpu.memory_space<hbm>>) dst(%arg13 : memref<80x128xf32, #tpu.memory_space<vmem>>)
        %mul3A_123 = arith.constant 10000 : i32
        %mul3A_124 = arith.muli %arg1, %mul3A_123 : i32
        %mul3A_125 = arith.constant 80 : i32
        %mul3A_126 = arith.muli %add3A_108, %mul3A_125 : i32
        %add3A_127 = arith.addi %mul3A_124, %mul3A_126 : i32
        %dma_start3A_128 = arith.constant 0 : i32
        %dma_start3A_129 = tpu.memref_slice %arg4[%add3A_127, %dma_start3A_128] : memref<160000x128xf32, #tpu.memory_space<hbm>> -> memref<80x128xf32, #tpu.memory_space<hbm>>
        %dma_start3A_130 = arith.constant 0 : i32
        %dma_start3A_131 = tpu.memref_slice %arg4[%add3A_127, %dma_start3A_130] : memref<160000x128xf32, #tpu.memory_space<hbm>> -> memref<80x128xf32, #tpu.memory_space<hbm>>
        tpu.enqueue_dma source(%dma_start3A_131 : memref<80x128xf32, #tpu.memory_space<hbm>>) target(%arg14 : memref<80x128xf32, #tpu.memory_space<vmem>>) target_semaphore(%arg18 : memref<!tpu.dma_semaphore, #tpu.memory_space<semaphore_mem>>)
        "tpu.region"() ({
          %run_scoped3A = tpu.sem_alloc : memref<!tpu.dma_semaphore, #tpu.memory_space<semaphore_mem>>
          %dma_start3A_152 = arith.constant 0 : i32
          %dma_start3A_153 = arith.constant 0 : i32
          %dma_start3A_154 = tpu.memref_slice %arg16[%dma_start3A_152, %dma_start3A_153] : memref<10000x128xf32, #tpu.memory_space<vmem_shared>> -> memref<10000x128xf32, #tpu.memory_space<vmem_shared>>
          tpu.enqueue_indirect_dma source(%arg13 : memref<80x128xf32, #tpu.memory_space<vmem>>) target(%dma_start3A_154 : memref<10000x128xf32, #tpu.memory_space<vmem_shared>>) offsets(%arg11 : memref<80xi32, #tpu.memory_space<vmem>>) semaphore(%run_scoped3A : memref<!tpu.dma_semaphore, #tpu.memory_space<semaphore_mem>>) {add = true}
          %dma_wait3A_155 = arith.constant 0 : i32
          %dma_wait3A_156 = arith.constant 0 : i32
          %dma_wait3A_157 = tpu.memref_slice %arg16[%dma_wait3A_155, %dma_wait3A_156] : memref<10000x128xf32, #tpu.memory_space<vmem_shared>> -> memref<10000x128xf32, #tpu.memory_space<vmem_shared>>
          tpu.wait_indirect_dma semaphore(%run_scoped3A : memref<!tpu.dma_semaphore, #tpu.memory_space<semaphore_mem>>) src(%arg13 : memref<80x128xf32, #tpu.memory_space<vmem>>) dst(%dma_wait3A_157 : memref<10000x128xf32, #tpu.memory_space<vmem_shared>>)
          tpu.yield
        }) : () -> ()
        %mul3A_132 = arith.constant 10000 : i32
        %mul3A_133 = arith.muli %arg1, %mul3A_132 : i32
        %mul3A_134 = arith.constant 80 : i32
        %mul3A_135 = arith.muli %add3A_108, %mul3A_134 : i32
        %add3A_136 = arith.addi %mul3A_133, %mul3A_135 : i32
        "tpu.region"() ({
          %run_scoped3A = tpu.sem_alloc : memref<!tpu.dma_semaphore, #tpu.memory_space<semaphore_mem>>
          %dma_start3A_152 = tpu.memref_slice %arg6[%add3A_136] : memref<160000xi32, #tpu.memory_space<hbm>> -> memref<80xi32, #tpu.memory_space<hbm>>
          %dma_start3A_153 = tpu.memref_slice %arg6[%add3A_136] : memref<160000xi32, #tpu.memory_space<hbm>> -> memref<80xi32, #tpu.memory_space<hbm>>
          tpu.enqueue_dma source(%dma_start3A_153 : memref<80xi32, #tpu.memory_space<hbm>>) target(%arg12 : memref<80xi32, #tpu.memory_space<vmem>>) target_semaphore(%run_scoped3A : memref<!tpu.dma_semaphore, #tpu.memory_space<semaphore_mem>>)
          %dma_wait3A_154 = tpu.memref_slice %arg6[%add3A_136] : memref<160000xi32, #tpu.memory_space<hbm>> -> memref<80xi32, #tpu.memory_space<hbm>>
          %dma_wait3A_155 = tpu.memref_slice %arg6[%add3A_136] : memref<160000xi32, #tpu.memory_space<hbm>> -> memref<80xi32, #tpu.memory_space<hbm>>
          tpu.wait_dma2 semaphore(%run_scoped3A : memref<!tpu.dma_semaphore, #tpu.memory_space<semaphore_mem>>) src(%dma_wait3A_155 : memref<80xi32, #tpu.memory_space<hbm>>) dst(%arg12 : memref<80xi32, #tpu.memory_space<vmem>>)
          tpu.yield
        }) : () -> ()
        %mul3A_137 = arith.constant 10000 : i32
        %mul3A_138 = arith.muli %arg1, %mul3A_137 : i32
        %mul3A_139 = arith.constant 80 : i32
        %mul3A_140 = arith.muli %add3A_108, %mul3A_139 : i32
        %add3A_141 = arith.addi %mul3A_138, %mul3A_140 : i32
        %dma_wait3A_142 = arith.constant 0 : i32
        %dma_wait3A_143 = tpu.memref_slice %arg4[%add3A_141, %dma_wait3A_142] : memref<160000x128xf32, #tpu.memory_space<hbm>> -> memref<80x128xf32, #tpu.memory_space<hbm>>
        %dma_wait3A_144 = arith.constant 0 : i32
        %dma_wait3A_145 = tpu.memref_slice %arg4[%add3A_141, %dma_wait3A_144] : memref<160000x128xf32, #tpu.memory_space<hbm>> -> memref<80x128xf32, #tpu.memory_space<hbm>>
        tpu.wait_dma2 semaphore(%arg18 : memref<!tpu.dma_semaphore, #tpu.memory_space<semaphore_mem>>) src(%dma_wait3A_145 : memref<80x128xf32, #tpu.memory_space<hbm>>) dst(%arg14 : memref<80x128xf32, #tpu.memory_space<vmem>>)
        %add3A_146 = arith.constant 2 : i32
        %add3A_147 = arith.addi %mul3A_106, %add3A_146 : i32
        %lt3A = arith.constant 125 : i32
        %lt3A_148 = arith.cmpi slt, %add3A_147, %lt3A : i32
        %convert_element_type3A_149 = arith.extui %lt3A_148 : i1 to i32
        %cond3A_150 = arith.constant 0 : i32
        %cond3A_151 = arith.cmpi ne, %convert_element_type3A_149, %cond3A_150 : i32
        scf.if %cond3A_151 {
          %add3A_152 = arith.constant 2 : i32
          %add3A_153 = arith.addi %mul3A_106, %add3A_152 : i32
          %mul3A_154 = arith.constant 10000 : i32
          %mul3A_155 = arith.muli %arg1, %mul3A_154 : i32
          %mul3A_156 = arith.constant 80 : i32
          %mul3A_157 = arith.muli %add3A_153, %mul3A_156 : i32
          %add3A_158 = arith.addi %mul3A_155, %mul3A_157 : i32
          %dma_start3A_159 = arith.constant 0 : i32
          %dma_start3A_160 = tpu.memref_slice %arg4[%add3A_158, %dma_start3A_159] : memref<160000x128xf32, #tpu.memory_space<hbm>> -> memref<80x128xf32, #tpu.memory_space<hbm>>
          %dma_start3A_161 = arith.constant 0 : i32
          %dma_start3A_162 = tpu.memref_slice %arg4[%add3A_158, %dma_start3A_161] : memref<160000x128xf32, #tpu.memory_space<hbm>> -> memref<80x128xf32, #tpu.memory_space<hbm>>
          tpu.enqueue_dma source(%dma_start3A_162 : memref<80x128xf32, #tpu.memory_space<hbm>>) target(%arg13 : memref<80x128xf32, #tpu.memory_space<vmem>>) target_semaphore(%arg17 : memref<!tpu.dma_semaphore, #tpu.memory_space<semaphore_mem>>)
        } else {
        }
        "tpu.region"() ({
          %run_scoped3A = tpu.sem_alloc : memref<!tpu.dma_semaphore, #tpu.memory_space<semaphore_mem>>
          %dma_start3A_152 = arith.constant 0 : i32
          %dma_start3A_153 = arith.constant 0 : i32
          %dma_start3A_154 = tpu.memref_slice %arg16[%dma_start3A_152, %dma_start3A_153] : memref<10000x128xf32, #tpu.memory_space<vmem_shared>> -> memref<10000x128xf32, #tpu.memory_space<vmem_shared>>
          tpu.enqueue_indirect_dma source(%arg14 : memref<80x128xf32, #tpu.memory_space<vmem>>) target(%dma_start3A_154 : memref<10000x128xf32, #tpu.memory_space<vmem_shared>>) offsets(%arg12 : memref<80xi32, #tpu.memory_space<vmem>>) semaphore(%run_scoped3A : memref<!tpu.dma_semaphore, #tpu.memory_space<semaphore_mem>>) {add = true}
          %dma_wait3A_155 = arith.constant 0 : i32
          %dma_wait3A_156 = arith.constant 0 : i32
          %dma_wait3A_157 = tpu.memref_slice %arg16[%dma_wait3A_155, %dma_wait3A_156] : memref<10000x128xf32, #tpu.memory_space<vmem_shared>> -> memref<10000x128xf32, #tpu.memory_space<vmem_shared>>
          tpu.wait_indirect_dma semaphore(%run_scoped3A : memref<!tpu.dma_semaphore, #tpu.memory_space<semaphore_mem>>) src(%arg14 : memref<80x128xf32, #tpu.memory_space<vmem>>) dst(%dma_wait3A_157 : memref<10000x128xf32, #tpu.memory_space<vmem_shared>>)
          tpu.yield
        }) : () -> ()
      }
      %scan3A_30 = arith.constant 62 : i32
      %mul3A_31 = arith.constant 10000 : i32
      %mul3A_32 = arith.muli %arg1, %mul3A_31 : i32
      %add3A_33 = arith.constant 9920 : i32
      %add3A_34 = arith.addi %mul3A_32, %add3A_33 : i32
      "tpu.region"() ({
        %run_scoped3A = tpu.sem_alloc : memref<!tpu.dma_semaphore, #tpu.memory_space<semaphore_mem>>
        %dma_start3A_100 = tpu.memref_slice %arg6[%add3A_34] : memref<160000xi32, #tpu.memory_space<hbm>> -> memref<80xi32, #tpu.memory_space<hbm>>
        %dma_start3A_101 = tpu.memref_slice %arg6[%add3A_34] : memref<160000xi32, #tpu.memory_space<hbm>> -> memref<80xi32, #tpu.memory_space<hbm>>
        tpu.enqueue_dma source(%dma_start3A_101 : memref<80xi32, #tpu.memory_space<hbm>>) target(%arg11 : memref<80xi32, #tpu.memory_space<vmem>>) target_semaphore(%run_scoped3A : memref<!tpu.dma_semaphore, #tpu.memory_space<semaphore_mem>>)
        %dma_wait3A_102 = tpu.memref_slice %arg6[%add3A_34] : memref<160000xi32, #tpu.memory_space<hbm>> -> memref<80xi32, #tpu.memory_space<hbm>>
        %dma_wait3A_103 = tpu.memref_slice %arg6[%add3A_34] : memref<160000xi32, #tpu.memory_space<hbm>> -> memref<80xi32, #tpu.memory_space<hbm>>
        tpu.wait_dma2 semaphore(%run_scoped3A : memref<!tpu.dma_semaphore, #tpu.memory_space<semaphore_mem>>) src(%dma_wait3A_103 : memref<80xi32, #tpu.memory_space<hbm>>) dst(%arg11 : memref<80xi32, #tpu.memory_space<vmem>>)
        tpu.yield
      }) : () -> ()
      %mul3A_35 = arith.constant 10000 : i32
      %mul3A_36 = arith.muli %arg1, %mul3A_35 : i32
      %add3A_37 = arith.constant 9920 : i32
      %add3A_38 = arith.addi %mul3A_36, %add3A_37 : i32
      %dma_wait3A = arith.constant 0 : i32
      %dma_wait3A_39 = tpu.memref_slice %arg4[%add3A_38, %dma_wait3A] : memref<160000x128xf32, #tpu.memory_space<hbm>> -> memref<80x128xf32, #tpu.memory_space<hbm>>
      %dma_wait3A_40 = arith.constant 0 : i32
      %dma_wait3A_41 = tpu.memref_slice %arg4[%add3A_38, %dma_wait3A_40] : memref<160000x128xf32, #tpu.memory_space<hbm>> -> memref<80x128xf32, #tpu.memory_space<hbm>>
      tpu.wait_dma2 semaphore(%arg17 : memref<!tpu.dma_semaphore, #tpu.memory_space<semaphore_mem>>) src(%dma_wait3A_41 : memref<80x128xf32, #tpu.memory_space<hbm>>) dst(%arg13 : memref<80x128xf32, #tpu.memory_space<vmem>>)
      "tpu.region"() ({
        %run_scoped3A = tpu.sem_alloc : memref<!tpu.dma_semaphore, #tpu.memory_space<semaphore_mem>>
        %dma_start3A_100 = arith.constant 0 : i32
        %dma_start3A_101 = arith.constant 0 : i32
        %dma_start3A_102 = tpu.memref_slice %arg16[%dma_start3A_100, %dma_start3A_101] : memref<10000x128xf32, #tpu.memory_space<vmem_shared>> -> memref<10000x128xf32, #tpu.memory_space<vmem_shared>>
        tpu.enqueue_indirect_dma source(%arg13 : memref<80x128xf32, #tpu.memory_space<vmem>>) target(%dma_start3A_102 : memref<10000x128xf32, #tpu.memory_space<vmem_shared>>) offsets(%arg11 : memref<80xi32, #tpu.memory_space<vmem>>) semaphore(%run_scoped3A : memref<!tpu.dma_semaphore, #tpu.memory_space<semaphore_mem>>) {add = true}
        %dma_wait3A_103 = arith.constant 0 : i32
        %dma_wait3A_104 = arith.constant 0 : i32
        %dma_wait3A_105 = tpu.memref_slice %arg16[%dma_wait3A_103, %dma_wait3A_104] : memref<10000x128xf32, #tpu.memory_space<vmem_shared>> -> memref<10000x128xf32, #tpu.memory_space<vmem_shared>>
        tpu.wait_indirect_dma semaphore(%run_scoped3A : memref<!tpu.dma_semaphore, #tpu.memory_space<semaphore_mem>>) src(%arg13 : memref<80x128xf32, #tpu.memory_space<vmem>>) dst(%dma_wait3A_105 : memref<10000x128xf32, #tpu.memory_space<vmem_shared>>)
        tpu.yield
      }) : () -> ()
      %barrier3A_42 = arith.constant 0 : index
      tpu.barrier barrier_id(%barrier3A_42)
      %mul3A_43 = arith.constant 624 : i32
      %mul3A_44 = arith.muli %arg1, %mul3A_43 : i32
      %mul3A_45 = arith.constant 624 : i32
      %mul3A_46 = arith.muli %arg1, %mul3A_45 : i32
      "tpu.region"() ({
        %run_scoped3A = tpu.sem_alloc : memref<!tpu.dma_semaphore, #tpu.memory_space<semaphore_mem>>
        %dma_start3A_100 = arith.constant 0 : i32
        %dma_start3A_101 = tpu.memref_slice %arg9[%mul3A_46, %dma_start3A_100] : memref<10000x128xf32, #tpu.memory_space<hbm>> -> memref<624x128xf32, #tpu.memory_space<hbm>>
        %dma_start3A_102 = arith.constant 0 : i32
        %dma_start3A_103 = tpu.memref_slice %arg16[%mul3A_44, %dma_start3A_102] : memref<10000x128xf32, #tpu.memory_space<vmem_shared>> -> memref<624x128xf32, #tpu.memory_space<vmem_shared>>
        tpu.enqueue_dma source(%dma_start3A_103 : memref<624x128xf32, #tpu.memory_space<vmem_shared>>) target(%dma_start3A_101 : memref<624x128xf32, #tpu.memory_space<hbm>>) target_semaphore(%run_scoped3A : memref<!tpu.dma_semaphore, #tpu.memory_space<semaphore_mem>>)
        %dma_wait3A_104 = arith.constant 0 : i32
        %dma_wait3A_105 = tpu.memref_slice %arg9[%mul3A_46, %dma_wait3A_104] : memref<10000x128xf32, #tpu.memory_space<hbm>> -> memref<624x128xf32, #tpu.memory_space<hbm>>
        %dma_wait3A_106 = arith.constant 0 : i32
        %dma_wait3A_107 = tpu.memref_slice %arg16[%mul3A_44, %dma_wait3A_106] : memref<10000x128xf32, #tpu.memory_space<vmem_shared>> -> memref<624x128xf32, #tpu.memory_space<vmem_shared>>
        tpu.wait_dma2 semaphore(%run_scoped3A : memref<!tpu.dma_semaphore, #tpu.memory_space<semaphore_mem>>) src(%dma_wait3A_107 : memref<624x128xf32, #tpu.memory_space<vmem_shared>>) dst(%dma_wait3A_105 : memref<624x128xf32, #tpu.memory_space<hbm>>)
        tpu.yield
      }) : () -> ()
      %eq3A_47 = arith.constant 0 : i32
      %eq3A_48 = arith.cmpi eq, %arg1, %eq3A_47 : i32
      %convert_element_type3A_49 = arith.extui %eq3A_48 : i1 to i32
      %cond3A_50 = arith.constant 0 : i32
      %cond3A_51 = arith.cmpi ne, %convert_element_type3A_49, %cond3A_50 : i32
      scf.if %cond3A_51 {
        "tpu.region"() ({
          %run_scoped3A = tpu.sem_alloc : memref<!tpu.dma_semaphore, #tpu.memory_space<semaphore_mem>>
          %dma_start3A_100 = arith.constant 9984 : i32
          %dma_start3A_101 = arith.constant 0 : i32
          %dma_start3A_102 = tpu.memref_slice %arg9[%dma_start3A_100, %dma_start3A_101] : memref<10000x128xf32, #tpu.memory_space<hbm>> -> memref<16x128xf32, #tpu.memory_space<hbm>>
          %dma_start3A_103 = arith.constant 9984 : i32
          %dma_start3A_104 = arith.constant 0 : i32
          %dma_start3A_105 = tpu.memref_slice %arg16[%dma_start3A_103, %dma_start3A_104] : memref<10000x128xf32, #tpu.memory_space<vmem_shared>> -> memref<16x128xf32, #tpu.memory_space<vmem_shared>>
          tpu.enqueue_dma source(%dma_start3A_105 : memref<16x128xf32, #tpu.memory_space<vmem_shared>>) target(%dma_start3A_102 : memref<16x128xf32, #tpu.memory_space<hbm>>) target_semaphore(%run_scoped3A : memref<!tpu.dma_semaphore, #tpu.memory_space<semaphore_mem>>)
          %dma_wait3A_106 = arith.constant 9984 : i32
          %dma_wait3A_107 = arith.constant 0 : i32
          %dma_wait3A_108 = tpu.memref_slice %arg9[%dma_wait3A_106, %dma_wait3A_107] : memref<10000x128xf32, #tpu.memory_space<hbm>> -> memref<16x128xf32, #tpu.memory_space<hbm>>
          %dma_wait3A_109 = arith.constant 9984 : i32
          %dma_wait3A_110 = arith.constant 0 : i32
          %dma_wait3A_111 = tpu.memref_slice %arg16[%dma_wait3A_109, %dma_wait3A_110] : memref<10000x128xf32, #tpu.memory_space<vmem_shared>> -> memref<16x128xf32, #tpu.memory_space<vmem_shared>>
          tpu.wait_dma2 semaphore(%run_scoped3A : memref<!tpu.dma_semaphore, #tpu.memory_space<semaphore_mem>>) src(%dma_wait3A_111 : memref<16x128xf32, #tpu.memory_space<vmem_shared>>) dst(%dma_wait3A_108 : memref<16x128xf32, #tpu.memory_space<hbm>>)
          tpu.yield
        }) : () -> ()
      } else {
      }
      %barrier3A_52 = arith.constant 0 : index
      tpu.barrier barrier_id(%barrier3A_52)
      %scan3A_53 = arith.constant 0 : i32
      %scan3A_54 = arith.constant 13 : i32
      %scan3A_55 = arith.addi %scan3A_53, %scan3A_54 : i32
      %scan3A_56 = arith.constant 1 : i32
      scf.for %scan3A_100 = %scan3A_53 to %scan3A_55 step %scan3A_56  : i32 {
        %mul3A_101 = arith.constant 1 : i32
        %mul3A_102 = arith.muli %scan3A_100, %mul3A_101 : i32
        %add3A_103 = arith.constant 0 : i32
        %add3A_104 = arith.addi %add3A_103, %mul3A_102 : i32
        %mul3A_105 = arith.constant 624 : i32
        %mul3A_106 = arith.muli %arg1, %mul3A_105 : i32
        %mul3A_107 = arith.constant 48 : i32
        %mul3A_108 = arith.muli %add3A_104, %mul3A_107 : i32
        %add3A_109 = arith.addi %mul3A_106, %mul3A_108 : i32
        "tpu.region"() ({
          %run_scoped3A = tpu.sem_alloc : memref<!tpu.dma_semaphore, #tpu.memory_space<semaphore_mem>>
          %dma_start3A_110 = arith.constant 0 : i32
          %dma_start3A_111 = tpu.memref_slice %arg16[%add3A_109, %dma_start3A_110] : memref<10000x128xf32, #tpu.memory_space<vmem_shared>> -> memref<48x128xf32, #tpu.memory_space<vmem_shared>>
          %dma_start3A_112 = arith.constant 0 : i32
          %dma_start3A_113 = tpu.memref_slice %arg16[%add3A_109, %dma_start3A_112] : memref<10000x128xf32, #tpu.memory_space<vmem_shared>> -> memref<48x128xf32, #tpu.memory_space<vmem_shared>>
          tpu.enqueue_dma source(%arg15 : memref<48x128xf32, #tpu.memory_space<vmem>>) target(%dma_start3A_113 : memref<48x128xf32, #tpu.memory_space<vmem_shared>>) target_semaphore(%run_scoped3A : memref<!tpu.dma_semaphore, #tpu.memory_space<semaphore_mem>>)
          %dma_wait3A_114 = arith.constant 0 : i32
          %dma_wait3A_115 = tpu.memref_slice %arg16[%add3A_109, %dma_wait3A_114] : memref<10000x128xf32, #tpu.memory_space<vmem_shared>> -> memref<48x128xf32, #tpu.memory_space<vmem_shared>>
          %dma_wait3A_116 = arith.constant 0 : i32
          %dma_wait3A_117 = tpu.memref_slice %arg16[%add3A_109, %dma_wait3A_116] : memref<10000x128xf32, #tpu.memory_space<vmem_shared>> -> memref<48x128xf32, #tpu.memory_space<vmem_shared>>
          tpu.wait_dma2 semaphore(%run_scoped3A : memref<!tpu.dma_semaphore, #tpu.memory_space<semaphore_mem>>) src(%arg15 : memref<48x128xf32, #tpu.memory_space<vmem>>) dst(%dma_wait3A_117 : memref<48x128xf32, #tpu.memory_space<vmem_shared>>)
          tpu.yield
        }) : () -> ()
      }
      %scan3A_57 = arith.constant 13 : i32
      %eq3A_58 = arith.constant 0 : i32
      %eq3A_59 = arith.cmpi eq, %arg1, %eq3A_58 : i32
      %convert_element_type3A_60 = arith.extui %eq3A_59 : i1 to i32
      %cond3A_61 = arith.constant 0 : i32
      %cond3A_62 = arith.cmpi ne, %convert_element_type3A_60, %cond3A_61 : i32
      scf.if %cond3A_62 {
        "tpu.region"() ({
          %run_scoped3A = tpu.sem_alloc : memref<!tpu.dma_semaphore, #tpu.memory_space<semaphore_mem>>
          %dma_start3A_100 = arith.constant 0 : i32
          %dma_start3A_101 = arith.constant 0 : i32
          %dma_start3A_102 = tpu.memref_slice %arg15[%dma_start3A_100, %dma_start3A_101] : memref<48x128xf32, #tpu.memory_space<vmem>> -> memref<16x128xf32, #tpu.memory_space<vmem>>
          %dma_start3A_103 = arith.constant 9984 : i32
          %dma_start3A_104 = arith.constant 0 : i32
          %dma_start3A_105 = tpu.memref_slice %arg16[%dma_start3A_103, %dma_start3A_104] : memref<10000x128xf32, #tpu.memory_space<vmem_shared>> -> memref<16x128xf32, #tpu.memory_space<vmem_shared>>
          %dma_start3A_106 = arith.constant 9984 : i32
          %dma_start3A_107 = arith.constant 0 : i32
          %dma_start3A_108 = tpu.memref_slice %arg16[%dma_start3A_106, %dma_start3A_107] : memref<10000x128xf32, #tpu.memory_space<vmem_shared>> -> memref<16x128xf32, #tpu.memory_space<vmem_shared>>
          %dma_start3A_109 = arith.constant 0 : i32
          %dma_start3A_110 = arith.constant 0 : i32
          %dma_start3A_111 = tpu.memref_slice %arg15[%dma_start3A_109, %dma_start3A_110] : memref<48x128xf32, #tpu.memory_space<vmem>> -> memref<16x128xf32, #tpu.memory_space<vmem>>
          tpu.enqueue_dma source(%dma_start3A_111 : memref<16x128xf32, #tpu.memory_space<vmem>>) target(%dma_start3A_108 : memref<16x128xf32, #tpu.memory_space<vmem_shared>>) target_semaphore(%run_scoped3A : memref<!tpu.dma_semaphore, #tpu.memory_space<semaphore_mem>>)
          %dma_wait3A_112 = arith.constant 0 : i32
          %dma_wait3A_113 = arith.constant 0 : i32
          %dma_wait3A_114 = tpu.memref_slice %arg15[%dma_wait3A_112, %dma_wait3A_113] : memref<48x128xf32, #tpu.memory_space<vmem>> -> memref<16x128xf32, #tpu.memory_space<vmem>>
          %dma_wait3A_115 = arith.constant 9984 : i32
          %dma_wait3A_116 = arith.constant 0 : i32
          %dma_wait3A_117 = tpu.memref_slice %arg16[%dma_wait3A_115, %dma_wait3A_116] : memref<10000x128xf32, #tpu.memory_space<vmem_shared>> -> memref<16x128xf32, #tpu.memory_space<vmem_shared>>
          %dma_wait3A_118 = arith.constant 9984 : i32
          %dma_wait3A_119 = arith.constant 0 : i32
          %dma_wait3A_120 = tpu.memref_slice %arg16[%dma_wait3A_118, %dma_wait3A_119] : memref<10000x128xf32, #tpu.memory_space<vmem_shared>> -> memref<16x128xf32, #tpu.memory_space<vmem_shared>>
          %dma_wait3A_121 = arith.constant 0 : i32
          %dma_wait3A_122 = arith.constant 0 : i32
          %dma_wait3A_123 = tpu.memref_slice %arg15[%dma_wait3A_121, %dma_wait3A_122] : memref<48x128xf32, #tpu.memory_space<vmem>> -> memref<16x128xf32, #tpu.memory_space<vmem>>
          tpu.wait_dma2 semaphore(%run_scoped3A : memref<!tpu.dma_semaphore, #tpu.memory_space<semaphore_mem>>) src(%dma_wait3A_123 : memref<16x128xf32, #tpu.memory_space<vmem>>) dst(%dma_wait3A_120 : memref<16x128xf32, #tpu.memory_space<vmem_shared>>)
          tpu.yield
        }) : () -> ()
      } else {
      }
      %barrier3A_63 = arith.constant 0 : index
      tpu.barrier barrier_id(%barrier3A_63)
      %mul3A_64 = arith.constant 10000 : i32
      %mul3A_65 = arith.muli %arg1, %mul3A_64 : i32
      %add3A_66 = arith.constant 0 : i32
      %add3A_67 = arith.addi %mul3A_65, %add3A_66 : i32
      %dma_start3A_68 = arith.constant 0 : i32
      %dma_start3A_69 = tpu.memref_slice %arg5[%add3A_67, %dma_start3A_68] : memref<160000x128xf32, #tpu.memory_space<hbm>> -> memref<80x128xf32, #tpu.memory_space<hbm>>
      %dma_start3A_70 = arith.constant 0 : i32
      %dma_start3A_71 = tpu.memref_slice %arg5[%add3A_67, %dma_start3A_70] : memref<160000x128xf32, #tpu.memory_space<hbm>> -> memref<80x128xf32, #tpu.memory_space<hbm>>
      tpu.enqueue_dma source(%dma_start3A_71 : memref<80x128xf32, #tpu.memory_space<hbm>>) target(%arg13 : memref<80x128xf32, #tpu.memory_space<vmem>>) target_semaphore(%arg17 : memref<!tpu.dma_semaphore, #tpu.memory_space<semaphore_mem>>)
      %scan3A_72 = arith.constant 0 : i32
      %scan3A_73 = arith.constant 62 : i32
      %scan3A_74 = arith.addi %scan3A_72, %scan3A_73 : i32
      %scan3A_75 = arith.constant 1 : i32
      scf.for %scan3A_100 = %scan3A_72 to %scan3A_74 step %scan3A_75  : i32 {
        %mul3A_101 = arith.constant 1 : i32
        %mul3A_102 = arith.muli %scan3A_100, %mul3A_101 : i32
        %add3A_103 = arith.constant 0 : i32
        %add3A_104 = arith.addi %add3A_103, %mul3A_102 : i32
        %mul3A_105 = arith.constant 2 : i32
        %mul3A_106 = arith.muli %mul3A_105, %add3A_104 : i32
        %add3A_107 = arith.constant 1 : i32
        %add3A_108 = arith.addi %mul3A_106, %add3A_107 : i32
        %mul3A_109 = arith.constant 10000 : i32
        %mul3A_110 = arith.muli %arg1, %mul3A_109 : i32
        %mul3A_111 = arith.constant 80 : i32
        %mul3A_112 = arith.muli %mul3A_106, %mul3A_111 : i32
        %add3A_113 = arith.addi %mul3A_110, %mul3A_112 : i32
        "tpu.region"() ({
          %run_scoped3A = tpu.sem_alloc : memref<!tpu.dma_semaphore, #tpu.memory_space<semaphore_mem>>
          %dma_start3A_152 = tpu.memref_slice %arg6[%add3A_113] : memref<160000xi32, #tpu.memory_space<hbm>> -> memref<80xi32, #tpu.memory_space<hbm>>
          %dma_start3A_153 = tpu.memref_slice %arg6[%add3A_113] : memref<160000xi32, #tpu.memory_space<hbm>> -> memref<80xi32, #tpu.memory_space<hbm>>
          tpu.enqueue_dma source(%dma_start3A_153 : memref<80xi32, #tpu.memory_space<hbm>>) target(%arg11 : memref<80xi32, #tpu.memory_space<vmem>>) target_semaphore(%run_scoped3A : memref<!tpu.dma_semaphore, #tpu.memory_space<semaphore_mem>>)
          %dma_wait3A_154 = tpu.memref_slice %arg6[%add3A_113] : memref<160000xi32, #tpu.memory_space<hbm>> -> memref<80xi32, #tpu.memory_space<hbm>>
          %dma_wait3A_155 = tpu.memref_slice %arg6[%add3A_113] : memref<160000xi32, #tpu.memory_space<hbm>> -> memref<80xi32, #tpu.memory_space<hbm>>
          tpu.wait_dma2 semaphore(%run_scoped3A : memref<!tpu.dma_semaphore, #tpu.memory_space<semaphore_mem>>) src(%dma_wait3A_155 : memref<80xi32, #tpu.memory_space<hbm>>) dst(%arg11 : memref<80xi32, #tpu.memory_space<vmem>>)
          tpu.yield
        }) : () -> ()
        %mul3A_114 = arith.constant 10000 : i32
        %mul3A_115 = arith.muli %arg1, %mul3A_114 : i32
        %mul3A_116 = arith.constant 80 : i32
        %mul3A_117 = arith.muli %mul3A_106, %mul3A_116 : i32
        %add3A_118 = arith.addi %mul3A_115, %mul3A_117 : i32
        %dma_wait3A_119 = arith.constant 0 : i32
        %dma_wait3A_120 = tpu.memref_slice %arg5[%add3A_118, %dma_wait3A_119] : memref<160000x128xf32, #tpu.memory_space<hbm>> -> memref<80x128xf32, #tpu.memory_space<hbm>>
        %dma_wait3A_121 = arith.constant 0 : i32
        %dma_wait3A_122 = tpu.memref_slice %arg5[%add3A_118, %dma_wait3A_121] : memref<160000x128xf32, #tpu.memory_space<hbm>> -> memref<80x128xf32, #tpu.memory_space<hbm>>
        tpu.wait_dma2 semaphore(%arg17 : memref<!tpu.dma_semaphore, #tpu.memory_space<semaphore_mem>>) src(%dma_wait3A_122 : memref<80x128xf32, #tpu.memory_space<hbm>>) dst(%arg13 : memref<80x128xf32, #tpu.memory_space<vmem>>)
        %mul3A_123 = arith.constant 10000 : i32
        %mul3A_124 = arith.muli %arg1, %mul3A_123 : i32
        %mul3A_125 = arith.constant 80 : i32
        %mul3A_126 = arith.muli %add3A_108, %mul3A_125 : i32
        %add3A_127 = arith.addi %mul3A_124, %mul3A_126 : i32
        %dma_start3A_128 = arith.constant 0 : i32
        %dma_start3A_129 = tpu.memref_slice %arg5[%add3A_127, %dma_start3A_128] : memref<160000x128xf32, #tpu.memory_space<hbm>> -> memref<80x128xf32, #tpu.memory_space<hbm>>
        %dma_start3A_130 = arith.constant 0 : i32
        %dma_start3A_131 = tpu.memref_slice %arg5[%add3A_127, %dma_start3A_130] : memref<160000x128xf32, #tpu.memory_space<hbm>> -> memref<80x128xf32, #tpu.memory_space<hbm>>
        tpu.enqueue_dma source(%dma_start3A_131 : memref<80x128xf32, #tpu.memory_space<hbm>>) target(%arg14 : memref<80x128xf32, #tpu.memory_space<vmem>>) target_semaphore(%arg18 : memref<!tpu.dma_semaphore, #tpu.memory_space<semaphore_mem>>)
        "tpu.region"() ({
          %run_scoped3A = tpu.sem_alloc : memref<!tpu.dma_semaphore, #tpu.memory_space<semaphore_mem>>
          %dma_start3A_152 = arith.constant 0 : i32
          %dma_start3A_153 = arith.constant 0 : i32
          %dma_start3A_154 = tpu.memref_slice %arg16[%dma_start3A_152, %dma_start3A_153] : memref<10000x128xf32, #tpu.memory_space<vmem_shared>> -> memref<10000x128xf32, #tpu.memory_space<vmem_shared>>
          tpu.enqueue_indirect_dma source(%arg13 : memref<80x128xf32, #tpu.memory_space<vmem>>) target(%dma_start3A_154 : memref<10000x128xf32, #tpu.memory_space<vmem_shared>>) offsets(%arg11 : memref<80xi32, #tpu.memory_space<vmem>>) semaphore(%run_scoped3A : memref<!tpu.dma_semaphore, #tpu.memory_space<semaphore_mem>>) {add = true}
          %dma_wait3A_155 = arith.constant 0 : i32
          %dma_wait3A_156 = arith.constant 0 : i32
          %dma_wait3A_157 = tpu.memref_slice %arg16[%dma_wait3A_155, %dma_wait3A_156] : memref<10000x128xf32, #tpu.memory_space<vmem_shared>> -> memref<10000x128xf32, #tpu.memory_space<vmem_shared>>
          tpu.wait_indirect_dma semaphore(%run_scoped3A : memref<!tpu.dma_semaphore, #tpu.memory_space<semaphore_mem>>) src(%arg13 : memref<80x128xf32, #tpu.memory_space<vmem>>) dst(%dma_wait3A_157 : memref<10000x128xf32, #tpu.memory_space<vmem_shared>>)
          tpu.yield
        }) : () -> ()
        %mul3A_132 = arith.constant 10000 : i32
        %mul3A_133 = arith.muli %arg1, %mul3A_132 : i32
        %mul3A_134 = arith.constant 80 : i32
        %mul3A_135 = arith.muli %add3A_108, %mul3A_134 : i32
        %add3A_136 = arith.addi %mul3A_133, %mul3A_135 : i32
        "tpu.region"() ({
          %run_scoped3A = tpu.sem_alloc : memref<!tpu.dma_semaphore, #tpu.memory_space<semaphore_mem>>
          %dma_start3A_152 = tpu.memref_slice %arg6[%add3A_136] : memref<160000xi32, #tpu.memory_space<hbm>> -> memref<80xi32, #tpu.memory_space<hbm>>
          %dma_start3A_153 = tpu.memref_slice %arg6[%add3A_136] : memref<160000xi32, #tpu.memory_space<hbm>> -> memref<80xi32, #tpu.memory_space<hbm>>
          tpu.enqueue_dma source(%dma_start3A_153 : memref<80xi32, #tpu.memory_space<hbm>>) target(%arg12 : memref<80xi32, #tpu.memory_space<vmem>>) target_semaphore(%run_scoped3A : memref<!tpu.dma_semaphore, #tpu.memory_space<semaphore_mem>>)
          %dma_wait3A_154 = tpu.memref_slice %arg6[%add3A_136] : memref<160000xi32, #tpu.memory_space<hbm>> -> memref<80xi32, #tpu.memory_space<hbm>>
          %dma_wait3A_155 = tpu.memref_slice %arg6[%add3A_136] : memref<160000xi32, #tpu.memory_space<hbm>> -> memref<80xi32, #tpu.memory_space<hbm>>
          tpu.wait_dma2 semaphore(%run_scoped3A : memref<!tpu.dma_semaphore, #tpu.memory_space<semaphore_mem>>) src(%dma_wait3A_155 : memref<80xi32, #tpu.memory_space<hbm>>) dst(%arg12 : memref<80xi32, #tpu.memory_space<vmem>>)
          tpu.yield
        }) : () -> ()
        %mul3A_137 = arith.constant 10000 : i32
        %mul3A_138 = arith.muli %arg1, %mul3A_137 : i32
        %mul3A_139 = arith.constant 80 : i32
        %mul3A_140 = arith.muli %add3A_108, %mul3A_139 : i32
        %add3A_141 = arith.addi %mul3A_138, %mul3A_140 : i32
        %dma_wait3A_142 = arith.constant 0 : i32
        %dma_wait3A_143 = tpu.memref_slice %arg5[%add3A_141, %dma_wait3A_142] : memref<160000x128xf32, #tpu.memory_space<hbm>> -> memref<80x128xf32, #tpu.memory_space<hbm>>
        %dma_wait3A_144 = arith.constant 0 : i32
        %dma_wait3A_145 = tpu.memref_slice %arg5[%add3A_141, %dma_wait3A_144] : memref<160000x128xf32, #tpu.memory_space<hbm>> -> memref<80x128xf32, #tpu.memory_space<hbm>>
        tpu.wait_dma2 semaphore(%arg18 : memref<!tpu.dma_semaphore, #tpu.memory_space<semaphore_mem>>) src(%dma_wait3A_145 : memref<80x128xf32, #tpu.memory_space<hbm>>) dst(%arg14 : memref<80x128xf32, #tpu.memory_space<vmem>>)
        %add3A_146 = arith.constant 2 : i32
        %add3A_147 = arith.addi %mul3A_106, %add3A_146 : i32
        %lt3A = arith.constant 125 : i32
        %lt3A_148 = arith.cmpi slt, %add3A_147, %lt3A : i32
        %convert_element_type3A_149 = arith.extui %lt3A_148 : i1 to i32
        %cond3A_150 = arith.constant 0 : i32
        %cond3A_151 = arith.cmpi ne, %convert_element_type3A_149, %cond3A_150 : i32
        scf.if %cond3A_151 {
          %add3A_152 = arith.constant 2 : i32
          %add3A_153 = arith.addi %mul3A_106, %add3A_152 : i32
          %mul3A_154 = arith.constant 10000 : i32
          %mul3A_155 = arith.muli %arg1, %mul3A_154 : i32
          %mul3A_156 = arith.constant 80 : i32
          %mul3A_157 = arith.muli %add3A_153, %mul3A_156 : i32
          %add3A_158 = arith.addi %mul3A_155, %mul3A_157 : i32
          %dma_start3A_159 = arith.constant 0 : i32
          %dma_start3A_160 = tpu.memref_slice %arg5[%add3A_158, %dma_start3A_159] : memref<160000x128xf32, #tpu.memory_space<hbm>> -> memref<80x128xf32, #tpu.memory_space<hbm>>
          %dma_start3A_161 = arith.constant 0 : i32
          %dma_start3A_162 = tpu.memref_slice %arg5[%add3A_158, %dma_start3A_161] : memref<160000x128xf32, #tpu.memory_space<hbm>> -> memref<80x128xf32, #tpu.memory_space<hbm>>
          tpu.enqueue_dma source(%dma_start3A_162 : memref<80x128xf32, #tpu.memory_space<hbm>>) target(%arg13 : memref<80x128xf32, #tpu.memory_space<vmem>>) target_semaphore(%arg17 : memref<!tpu.dma_semaphore, #tpu.memory_space<semaphore_mem>>)
        } else {
        }
        "tpu.region"() ({
          %run_scoped3A = tpu.sem_alloc : memref<!tpu.dma_semaphore, #tpu.memory_space<semaphore_mem>>
          %dma_start3A_152 = arith.constant 0 : i32
          %dma_start3A_153 = arith.constant 0 : i32
          %dma_start3A_154 = tpu.memref_slice %arg16[%dma_start3A_152, %dma_start3A_153] : memref<10000x128xf32, #tpu.memory_space<vmem_shared>> -> memref<10000x128xf32, #tpu.memory_space<vmem_shared>>
          tpu.enqueue_indirect_dma source(%arg14 : memref<80x128xf32, #tpu.memory_space<vmem>>) target(%dma_start3A_154 : memref<10000x128xf32, #tpu.memory_space<vmem_shared>>) offsets(%arg12 : memref<80xi32, #tpu.memory_space<vmem>>) semaphore(%run_scoped3A : memref<!tpu.dma_semaphore, #tpu.memory_space<semaphore_mem>>) {add = true}
          %dma_wait3A_155 = arith.constant 0 : i32
          %dma_wait3A_156 = arith.constant 0 : i32
          %dma_wait3A_157 = tpu.memref_slice %arg16[%dma_wait3A_155, %dma_wait3A_156] : memref<10000x128xf32, #tpu.memory_space<vmem_shared>> -> memref<10000x128xf32, #tpu.memory_space<vmem_shared>>
          tpu.wait_indirect_dma semaphore(%run_scoped3A : memref<!tpu.dma_semaphore, #tpu.memory_space<semaphore_mem>>) src(%arg14 : memref<80x128xf32, #tpu.memory_space<vmem>>) dst(%dma_wait3A_157 : memref<10000x128xf32, #tpu.memory_space<vmem_shared>>)
          tpu.yield
        }) : () -> ()
      }
      %scan3A_76 = arith.constant 62 : i32
      %mul3A_77 = arith.constant 10000 : i32
      %mul3A_78 = arith.muli %arg1, %mul3A_77 : i32
      %add3A_79 = arith.constant 9920 : i32
      %add3A_80 = arith.addi %mul3A_78, %add3A_79 : i32
      "tpu.region"() ({
        %run_scoped3A = tpu.sem_alloc : memref<!tpu.dma_semaphore, #tpu.memory_space<semaphore_mem>>
        %dma_start3A_100 = tpu.memref_slice %arg6[%add3A_80] : memref<160000xi32, #tpu.memory_space<hbm>> -> memref<80xi32, #tpu.memory_space<hbm>>
        %dma_start3A_101 = tpu.memref_slice %arg6[%add3A_80] : memref<160000xi32, #tpu.memory_space<hbm>> -> memref<80xi32, #tpu.memory_space<hbm>>
        tpu.enqueue_dma source(%dma_start3A_101 : memref<80xi32, #tpu.memory_space<hbm>>) target(%arg11 : memref<80xi32, #tpu.memory_space<vmem>>) target_semaphore(%run_scoped3A : memref<!tpu.dma_semaphore, #tpu.memory_space<semaphore_mem>>)
        %dma_wait3A_102 = tpu.memref_slice %arg6[%add3A_80] : memref<160000xi32, #tpu.memory_space<hbm>> -> memref<80xi32, #tpu.memory_space<hbm>>
        %dma_wait3A_103 = tpu.memref_slice %arg6[%add3A_80] : memref<160000xi32, #tpu.memory_space<hbm>> -> memref<80xi32, #tpu.memory_space<hbm>>
        tpu.wait_dma2 semaphore(%run_scoped3A : memref<!tpu.dma_semaphore, #tpu.memory_space<semaphore_mem>>) src(%dma_wait3A_103 : memref<80xi32, #tpu.memory_space<hbm>>) dst(%arg11 : memref<80xi32, #tpu.memory_space<vmem>>)
        tpu.yield
      }) : () -> ()
      %mul3A_81 = arith.constant 10000 : i32
      %mul3A_82 = arith.muli %arg1, %mul3A_81 : i32
      %add3A_83 = arith.constant 9920 : i32
      %add3A_84 = arith.addi %mul3A_82, %add3A_83 : i32
      %dma_wait3A_85 = arith.constant 0 : i32
      %dma_wait3A_86 = tpu.memref_slice %arg5[%add3A_84, %dma_wait3A_85] : memref<160000x128xf32, #tpu.memory_space<hbm>> -> memref<80x128xf32, #tpu.memory_space<hbm>>
      %dma_wait3A_87 = arith.constant 0 : i32
      %dma_wait3A_88 = tpu.memref_slice %arg5[%add3A_84, %dma_wait3A_87] : memref<160000x128xf32, #tpu.memory_space<hbm>> -> memref<80x128xf32, #tpu.memory_space<hbm>>
      tpu.wait_dma2 semaphore(%arg17 : memref<!tpu.dma_semaphore, #tpu.memory_space<semaphore_mem>>) src(%dma_wait3A_88 : memref<80x128xf32, #tpu.memory_space<hbm>>) dst(%arg13 : memref<80x128xf32, #tpu.memory_space<vmem>>)
      "tpu.region"() ({
        %run_scoped3A = tpu.sem_alloc : memref<!tpu.dma_semaphore, #tpu.memory_space<semaphore_mem>>
        %dma_start3A_100 = arith.constant 0 : i32
        %dma_start3A_101 = arith.constant 0 : i32
        %dma_start3A_102 = tpu.memref_slice %arg16[%dma_start3A_100, %dma_start3A_101] : memref<10000x128xf32, #tpu.memory_space<vmem_shared>> -> memref<10000x128xf32, #tpu.memory_space<vmem_shared>>
        tpu.enqueue_indirect_dma source(%arg13 : memref<80x128xf32, #tpu.memory_space<vmem>>) target(%dma_start3A_102 : memref<10000x128xf32, #tpu.memory_space<vmem_shared>>) offsets(%arg11 : memref<80xi32, #tpu.memory_space<vmem>>) semaphore(%run_scoped3A : memref<!tpu.dma_semaphore, #tpu.memory_space<semaphore_mem>>) {add = true}
        %dma_wait3A_103 = arith.constant 0 : i32
        %dma_wait3A_104 = arith.constant 0 : i32
        %dma_wait3A_105 = tpu.memref_slice %arg16[%dma_wait3A_103, %dma_wait3A_104] : memref<10000x128xf32, #tpu.memory_space<vmem_shared>> -> memref<10000x128xf32, #tpu.memory_space<vmem_shared>>
        tpu.wait_indirect_dma semaphore(%run_scoped3A : memref<!tpu.dma_semaphore, #tpu.memory_space<semaphore_mem>>) src(%arg13 : memref<80x128xf32, #tpu.memory_space<vmem>>) dst(%dma_wait3A_105 : memref<10000x128xf32, #tpu.memory_space<vmem_shared>>)
        tpu.yield
      }) : () -> ()
      %barrier3A_89 = arith.constant 0 : index
      tpu.barrier barrier_id(%barrier3A_89)
      %mul3A_90 = arith.constant 624 : i32
      %mul3A_91 = arith.muli %arg1, %mul3A_90 : i32
      %mul3A_92 = arith.constant 624 : i32
      %mul3A_93 = arith.muli %arg1, %mul3A_92 : i32
      "tpu.region"() ({
        %run_scoped3A = tpu.sem_alloc : memref<!tpu.dma_semaphore, #tpu.memory_space<semaphore_mem>>
        %dma_start3A_100 = arith.constant 0 : i32
        %dma_start3A_101 = tpu.memref_slice %arg10[%mul3A_93, %dma_start3A_100] : memref<10000x128xf32, #tpu.memory_space<hbm>> -> memref<624x128xf32, #tpu.memory_space<hbm>>
        %dma_start3A_102 = arith.constant 0 : i32
        %dma_start3A_103 = tpu.memref_slice %arg16[%mul3A_91, %dma_start3A_102] : memref<10000x128xf32, #tpu.memory_space<vmem_shared>> -> memref<624x128xf32, #tpu.memory_space<vmem_shared>>
        tpu.enqueue_dma source(%dma_start3A_103 : memref<624x128xf32, #tpu.memory_space<vmem_shared>>) target(%dma_start3A_101 : memref<624x128xf32, #tpu.memory_space<hbm>>) target_semaphore(%run_scoped3A : memref<!tpu.dma_semaphore, #tpu.memory_space<semaphore_mem>>)
        %dma_wait3A_104 = arith.constant 0 : i32
        %dma_wait3A_105 = tpu.memref_slice %arg10[%mul3A_93, %dma_wait3A_104] : memref<10000x128xf32, #tpu.memory_space<hbm>> -> memref<624x128xf32, #tpu.memory_space<hbm>>
        %dma_wait3A_106 = arith.constant 0 : i32
        %dma_wait3A_107 = tpu.memref_slice %arg16[%mul3A_91, %dma_wait3A_106] : memref<10000x128xf32, #tpu.memory_space<vmem_shared>> -> memref<624x128xf32, #tpu.memory_space<vmem_shared>>
        tpu.wait_dma2 semaphore(%run_scoped3A : memref<!tpu.dma_semaphore, #tpu.memory_space<semaphore_mem>>) src(%dma_wait3A_107 : memref<624x128xf32, #tpu.memory_space<vmem_shared>>) dst(%dma_wait3A_105 : memref<624x128xf32, #tpu.memory_space<hbm>>)
        tpu.yield
      }) : () -> ()
      %eq3A_94 = arith.constant 0 : i32
      %eq3A_95 = arith.cmpi eq, %arg1, %eq3A_94 : i32
      %convert_element_type3A_96 = arith.extui %eq3A_95 : i1 to i32
      %cond3A_97 = arith.constant 0 : i32
      %cond3A_98 = arith.cmpi ne, %convert_element_type3A_96, %cond3A_97 : i32
      scf.if %cond3A_98 {
        "tpu.region"() ({
          %run_scoped3A = tpu.sem_alloc : memref<!tpu.dma_semaphore, #tpu.memory_space<semaphore_mem>>
          %dma_start3A_100 = arith.constant 9984 : i32
          %dma_start3A_101 = arith.constant 0 : i32
          %dma_start3A_102 = tpu.memref_slice %arg10[%dma_start3A_100, %dma_start3A_101] : memref<10000x128xf32, #tpu.memory_space<hbm>> -> memref<16x128xf32, #tpu.memory_space<hbm>>
          %dma_start3A_103 = arith.constant 9984 : i32
          %dma_start3A_104 = arith.constant 0 : i32
          %dma_start3A_105 = tpu.memref_slice %arg16[%dma_start3A_103, %dma_start3A_104] : memref<10000x128xf32, #tpu.memory_space<vmem_shared>> -> memref<16x128xf32, #tpu.memory_space<vmem_shared>>
          tpu.enqueue_dma source(%dma_start3A_105 : memref<16x128xf32, #tpu.memory_space<vmem_shared>>) target(%dma_start3A_102 : memref<16x128xf32, #tpu.memory_space<hbm>>) target_semaphore(%run_scoped3A : memref<!tpu.dma_semaphore, #tpu.memory_space<semaphore_mem>>)
          %dma_wait3A_106 = arith.constant 9984 : i32
          %dma_wait3A_107 = arith.constant 0 : i32
          %dma_wait3A_108 = tpu.memref_slice %arg10[%dma_wait3A_106, %dma_wait3A_107] : memref<10000x128xf32, #tpu.memory_space<hbm>> -> memref<16x128xf32, #tpu.memory_space<hbm>>
          %dma_wait3A_109 = arith.constant 9984 : i32
          %dma_wait3A_110 = arith.constant 0 : i32
          %dma_wait3A_111 = tpu.memref_slice %arg16[%dma_wait3A_109, %dma_wait3A_110] : memref<10000x128xf32, #tpu.memory_space<vmem_shared>> -> memref<16x128xf32, #tpu.memory_space<vmem_shared>>
          tpu.wait_dma2 semaphore(%run_scoped3A : memref<!tpu.dma_semaphore, #tpu.memory_space<semaphore_mem>>) src(%dma_wait3A_111 : memref<16x128xf32, #tpu.memory_space<vmem_shared>>) dst(%dma_wait3A_108 : memref<16x128xf32, #tpu.memory_space<hbm>>)
          tpu.yield
        }) : () -> ()
      } else {
      }
      %barrier3A_99 = arith.constant 0 : index
      tpu.barrier barrier_id(%barrier3A_99)
    } else {
    }
    return
  }
}

#map = affine_map<(d0, d1) -> (0, 0)>
#map1 = affine_map<(d0, d1) -> (0)>
module attributes {stable_mosaic.version = 14 : i64} {
  func.func @gather_kernel(%arg0: i32, %arg1: i32, %arg2: memref<10000x128xf32, #tpu.memory_space<hbm>>, %arg3: memref<10000x128xf32, #tpu.memory_space<hbm>>, %arg4: memref<10000x384xf32, #tpu.memory_space<hbm>>, %arg5: memref<10000x384xf32, #tpu.memory_space<hbm>>, %arg6: memref<160000xi32, #tpu.memory_space<hbm>>, %arg7: memref<160000xi32, #tpu.memory_space<hbm>>, %arg8: memref<160000x128xf32, #tpu.memory_space<hbm>>, %arg9: memref<160000x128xf32, #tpu.memory_space<hbm>>, %arg10: memref<160000x384xf32, #tpu.memory_space<hbm>>, %arg11: memref<160000x384xf32, #tpu.memory_space<hbm>>, %arg12: memref<200xi32, #tpu.memory_space<vmem>>, %arg13: memref<200xi32, #tpu.memory_space<vmem>>, %arg14: memref<40xi32, #tpu.memory_space<vmem>>, %arg15: memref<40xi32, #tpu.memory_space<vmem>>, %arg16: memref<200x128xf32, #tpu.memory_space<vmem>>, %arg17: memref<200x128xf32, #tpu.memory_space<vmem>>, %arg18: memref<40x384xf32, #tpu.memory_space<vmem>>, %arg19: memref<40x384xf32, #tpu.memory_space<vmem>>, %arg20: memref<!tpu.dma_semaphore, #tpu.memory_space<semaphore_mem>>, %arg21: memref<!tpu.dma_semaphore, #tpu.memory_space<semaphore_mem>>, %arg22: memref<!tpu.dma_semaphore, #tpu.memory_space<semaphore_mem>>, %arg23: memref<!tpu.dma_semaphore, #tpu.memory_space<semaphore_mem>>) attributes {dimension_semantics = [#tpu.dimension_semantics<core_parallel>, #tpu.dimension_semantics<subcore_parallel>], iteration_bounds = array<i64: 2, 16>, scalar_prefetch = 0 : i64, scratch_operands = 12 : i64, tpu.core_type = #tpu.core_type<sc_vector_subcore>, window_params = [{transform_indices = #map}, {transform_indices = #map}, {transform_indices = #map}, {transform_indices = #map}, {transform_indices = #map1}, {transform_indices = #map1}, {transform_indices = #map}, {transform_indices = #map}, {transform_indices = #map}, {transform_indices = #map}]} {
    %mul3A = arith.constant 2 : i32
    %mul3A_0 = arith.muli %arg1, %mul3A : i32
    %add3A = arith.addi %mul3A_0, %arg0 : i32
    %mul3A_1 = arith.constant 5000 : i32
    %mul3A_2 = arith.muli %add3A, %mul3A_1 : i32
    %add3A_3 = arith.constant 0 : i32
    %add3A_4 = arith.addi %mul3A_2, %add3A_3 : i32
    "tpu.region"() ({
      %run_scoped3A = tpu.sem_alloc : memref<!tpu.dma_semaphore, #tpu.memory_space<semaphore_mem>>
      %dma_start3A_41 = tpu.memref_slice %arg7[%add3A_4] : memref<160000xi32, #tpu.memory_space<hbm>> -> memref<200xi32, #tpu.memory_space<hbm>>
      %dma_start3A_42 = tpu.memref_slice %arg7[%add3A_4] : memref<160000xi32, #tpu.memory_space<hbm>> -> memref<200xi32, #tpu.memory_space<hbm>>
      tpu.enqueue_dma source(%dma_start3A_42 : memref<200xi32, #tpu.memory_space<hbm>>) target(%arg12 : memref<200xi32, #tpu.memory_space<vmem>>) target_semaphore(%run_scoped3A : memref<!tpu.dma_semaphore, #tpu.memory_space<semaphore_mem>>)
      %dma_wait3A = tpu.memref_slice %arg7[%add3A_4] : memref<160000xi32, #tpu.memory_space<hbm>> -> memref<200xi32, #tpu.memory_space<hbm>>
      %dma_wait3A_43 = tpu.memref_slice %arg7[%add3A_4] : memref<160000xi32, #tpu.memory_space<hbm>> -> memref<200xi32, #tpu.memory_space<hbm>>
      tpu.wait_dma2 semaphore(%run_scoped3A : memref<!tpu.dma_semaphore, #tpu.memory_space<semaphore_mem>>) src(%dma_wait3A_43 : memref<200xi32, #tpu.memory_space<hbm>>) dst(%arg12 : memref<200xi32, #tpu.memory_space<vmem>>)
      tpu.yield
    }) : () -> ()
    %dma_start3A = arith.constant 0 : i32
    %dma_start3A_5 = arith.constant 0 : i32
    %dma_start3A_6 = tpu.memref_slice %arg2[%dma_start3A, %dma_start3A_5] : memref<10000x128xf32, #tpu.memory_space<hbm>> -> memref<10000x128xf32, #tpu.memory_space<hbm>>
    tpu.enqueue_indirect_dma source(%dma_start3A_6 : memref<10000x128xf32, #tpu.memory_space<hbm>>) target(%arg16 : memref<200x128xf32, #tpu.memory_space<vmem>>) offsets(%arg12 : memref<200xi32, #tpu.memory_space<vmem>>) semaphore(%arg20 : memref<!tpu.dma_semaphore, #tpu.memory_space<semaphore_mem>>)
    %scan3A = arith.constant 0 : i32
    %scan3A_7 = arith.constant 13 : i32
    %scan3A_8 = arith.addi %scan3A, %scan3A_7 : i32
    %scan3A_9 = arith.constant 1 : i32
    scf.for %scan3A_41 = %scan3A to %scan3A_8 step %scan3A_9  : i32 {
      %mul3A_42 = arith.constant 1 : i32
      %mul3A_43 = arith.muli %scan3A_41, %mul3A_42 : i32
      %add3A_44 = arith.constant 0 : i32
      %add3A_45 = arith.addi %add3A_44, %mul3A_43 : i32
      %mul3A_46 = arith.constant 2 : i32
      %mul3A_47 = arith.muli %mul3A_46, %add3A_45 : i32
      %add3A_48 = arith.constant 1 : i32
      %add3A_49 = arith.addi %mul3A_47, %add3A_48 : i32
      %dma_wait3A = arith.constant 0 : i32
      %dma_wait3A_50 = arith.constant 0 : i32
      %dma_wait3A_51 = tpu.memref_slice %arg2[%dma_wait3A, %dma_wait3A_50] : memref<10000x128xf32, #tpu.memory_space<hbm>> -> memref<10000x128xf32, #tpu.memory_space<hbm>>
      tpu.wait_indirect_dma semaphore(%arg20 : memref<!tpu.dma_semaphore, #tpu.memory_space<semaphore_mem>>) src(%dma_wait3A_51 : memref<10000x128xf32, #tpu.memory_space<hbm>>) dst(%arg16 : memref<200x128xf32, #tpu.memory_space<vmem>>)
      %mul3A_52 = arith.constant 200 : i32
      %mul3A_53 = arith.muli %mul3A_47, %mul3A_52 : i32
      %add3A_54 = arith.addi %mul3A_2, %mul3A_53 : i32
      %dma_start3A_55 = arith.constant 0 : i32
      %dma_start3A_56 = tpu.memref_slice %arg8[%add3A_54, %dma_start3A_55] : memref<160000x128xf32, #tpu.memory_space<hbm>> -> memref<200x128xf32, #tpu.memory_space<hbm>>
      %dma_start3A_57 = arith.constant 0 : i32
      %dma_start3A_58 = tpu.memref_slice %arg8[%add3A_54, %dma_start3A_57] : memref<160000x128xf32, #tpu.memory_space<hbm>> -> memref<200x128xf32, #tpu.memory_space<hbm>>
      tpu.enqueue_dma source(%arg16 : memref<200x128xf32, #tpu.memory_space<vmem>>) target(%dma_start3A_58 : memref<200x128xf32, #tpu.memory_space<hbm>>) target_semaphore(%arg22 : memref<!tpu.dma_semaphore, #tpu.memory_space<semaphore_mem>>)
      %lt3A = arith.constant 25 : i32
      %lt3A_59 = arith.cmpi slt, %add3A_49, %lt3A : i32
      %convert_element_type3A = arith.extui %lt3A_59 : i1 to i32
      %cond3A = arith.constant 0 : i32
      %cond3A_60 = arith.cmpi ne, %convert_element_type3A, %cond3A : i32
      scf.if %cond3A_60 {
        %mul3A_80 = arith.constant 200 : i32
        %mul3A_81 = arith.muli %add3A_49, %mul3A_80 : i32
        %add3A_82 = arith.addi %mul3A_2, %mul3A_81 : i32
        "tpu.region"() ({
          %run_scoped3A = tpu.sem_alloc : memref<!tpu.dma_semaphore, #tpu.memory_space<semaphore_mem>>
          %dma_start3A_86 = tpu.memref_slice %arg7[%add3A_82] : memref<160000xi32, #tpu.memory_space<hbm>> -> memref<200xi32, #tpu.memory_space<hbm>>
          %dma_start3A_87 = tpu.memref_slice %arg7[%add3A_82] : memref<160000xi32, #tpu.memory_space<hbm>> -> memref<200xi32, #tpu.memory_space<hbm>>
          tpu.enqueue_dma source(%dma_start3A_87 : memref<200xi32, #tpu.memory_space<hbm>>) target(%arg13 : memref<200xi32, #tpu.memory_space<vmem>>) target_semaphore(%run_scoped3A : memref<!tpu.dma_semaphore, #tpu.memory_space<semaphore_mem>>)
          %dma_wait3A_88 = tpu.memref_slice %arg7[%add3A_82] : memref<160000xi32, #tpu.memory_space<hbm>> -> memref<200xi32, #tpu.memory_space<hbm>>
          %dma_wait3A_89 = tpu.memref_slice %arg7[%add3A_82] : memref<160000xi32, #tpu.memory_space<hbm>> -> memref<200xi32, #tpu.memory_space<hbm>>
          tpu.wait_dma2 semaphore(%run_scoped3A : memref<!tpu.dma_semaphore, #tpu.memory_space<semaphore_mem>>) src(%dma_wait3A_89 : memref<200xi32, #tpu.memory_space<hbm>>) dst(%arg13 : memref<200xi32, #tpu.memory_space<vmem>>)
          tpu.yield
        }) : () -> ()
        %dma_start3A_83 = arith.constant 0 : i32
        %dma_start3A_84 = arith.constant 0 : i32
        %dma_start3A_85 = tpu.memref_slice %arg2[%dma_start3A_83, %dma_start3A_84] : memref<10000x128xf32, #tpu.memory_space<hbm>> -> memref<10000x128xf32, #tpu.memory_space<hbm>>
        tpu.enqueue_indirect_dma source(%dma_start3A_85 : memref<10000x128xf32, #tpu.memory_space<hbm>>) target(%arg17 : memref<200x128xf32, #tpu.memory_space<vmem>>) offsets(%arg13 : memref<200xi32, #tpu.memory_space<vmem>>) semaphore(%arg21 : memref<!tpu.dma_semaphore, #tpu.memory_space<semaphore_mem>>)
      } else {
      }
      %mul3A_61 = arith.constant 200 : i32
      %mul3A_62 = arith.muli %mul3A_47, %mul3A_61 : i32
      %add3A_63 = arith.addi %mul3A_2, %mul3A_62 : i32
      %dma_wait3A_64 = arith.constant 0 : i32
      %dma_wait3A_65 = tpu.memref_slice %arg8[%add3A_63, %dma_wait3A_64] : memref<160000x128xf32, #tpu.memory_space<hbm>> -> memref<200x128xf32, #tpu.memory_space<hbm>>
      %dma_wait3A_66 = arith.constant 0 : i32
      %dma_wait3A_67 = tpu.memref_slice %arg8[%add3A_63, %dma_wait3A_66] : memref<160000x128xf32, #tpu.memory_space<hbm>> -> memref<200x128xf32, #tpu.memory_space<hbm>>
      tpu.wait_dma2 semaphore(%arg22 : memref<!tpu.dma_semaphore, #tpu.memory_space<semaphore_mem>>) src(%arg16 : memref<200x128xf32, #tpu.memory_space<vmem>>) dst(%dma_wait3A_67 : memref<200x128xf32, #tpu.memory_space<hbm>>)
      %add3A_68 = arith.constant 2 : i32
      %add3A_69 = arith.addi %mul3A_47, %add3A_68 : i32
      %lt3A_70 = arith.constant 25 : i32
      %lt3A_71 = arith.cmpi slt, %add3A_69, %lt3A_70 : i32
      %convert_element_type3A_72 = arith.extui %lt3A_71 : i1 to i32
      %cond3A_73 = arith.constant 0 : i32
      %cond3A_74 = arith.cmpi ne, %convert_element_type3A_72, %cond3A_73 : i32
      scf.if %cond3A_74 {
        %add3A_80 = arith.constant 2 : i32
        %add3A_81 = arith.addi %mul3A_47, %add3A_80 : i32
        %mul3A_82 = arith.constant 200 : i32
        %mul3A_83 = arith.muli %add3A_81, %mul3A_82 : i32
        %add3A_84 = arith.addi %mul3A_2, %mul3A_83 : i32
        "tpu.region"() ({
          %run_scoped3A = tpu.sem_alloc : memref<!tpu.dma_semaphore, #tpu.memory_space<semaphore_mem>>
          %dma_start3A_88 = tpu.memref_slice %arg7[%add3A_84] : memref<160000xi32, #tpu.memory_space<hbm>> -> memref<200xi32, #tpu.memory_space<hbm>>
          %dma_start3A_89 = tpu.memref_slice %arg7[%add3A_84] : memref<160000xi32, #tpu.memory_space<hbm>> -> memref<200xi32, #tpu.memory_space<hbm>>
          tpu.enqueue_dma source(%dma_start3A_89 : memref<200xi32, #tpu.memory_space<hbm>>) target(%arg12 : memref<200xi32, #tpu.memory_space<vmem>>) target_semaphore(%run_scoped3A : memref<!tpu.dma_semaphore, #tpu.memory_space<semaphore_mem>>)
          %dma_wait3A_90 = tpu.memref_slice %arg7[%add3A_84] : memref<160000xi32, #tpu.memory_space<hbm>> -> memref<200xi32, #tpu.memory_space<hbm>>
          %dma_wait3A_91 = tpu.memref_slice %arg7[%add3A_84] : memref<160000xi32, #tpu.memory_space<hbm>> -> memref<200xi32, #tpu.memory_space<hbm>>
          tpu.wait_dma2 semaphore(%run_scoped3A : memref<!tpu.dma_semaphore, #tpu.memory_space<semaphore_mem>>) src(%dma_wait3A_91 : memref<200xi32, #tpu.memory_space<hbm>>) dst(%arg12 : memref<200xi32, #tpu.memory_space<vmem>>)
          tpu.yield
        }) : () -> ()
        %dma_start3A_85 = arith.constant 0 : i32
        %dma_start3A_86 = arith.constant 0 : i32
        %dma_start3A_87 = tpu.memref_slice %arg2[%dma_start3A_85, %dma_start3A_86] : memref<10000x128xf32, #tpu.memory_space<hbm>> -> memref<10000x128xf32, #tpu.memory_space<hbm>>
        tpu.enqueue_indirect_dma source(%dma_start3A_87 : memref<10000x128xf32, #tpu.memory_space<hbm>>) target(%arg16 : memref<200x128xf32, #tpu.memory_space<vmem>>) offsets(%arg12 : memref<200xi32, #tpu.memory_space<vmem>>) semaphore(%arg20 : memref<!tpu.dma_semaphore, #tpu.memory_space<semaphore_mem>>)
      } else {
      }
      %lt3A_75 = arith.constant 25 : i32
      %lt3A_76 = arith.cmpi slt, %add3A_49, %lt3A_75 : i32
      %convert_element_type3A_77 = arith.extui %lt3A_76 : i1 to i32
      %cond3A_78 = arith.constant 0 : i32
      %cond3A_79 = arith.cmpi ne, %convert_element_type3A_77, %cond3A_78 : i32
      scf.if %cond3A_79 {
        %dma_wait3A_80 = arith.constant 0 : i32
        %dma_wait3A_81 = arith.constant 0 : i32
        %dma_wait3A_82 = tpu.memref_slice %arg2[%dma_wait3A_80, %dma_wait3A_81] : memref<10000x128xf32, #tpu.memory_space<hbm>> -> memref<10000x128xf32, #tpu.memory_space<hbm>>
        tpu.wait_indirect_dma semaphore(%arg21 : memref<!tpu.dma_semaphore, #tpu.memory_space<semaphore_mem>>) src(%dma_wait3A_82 : memref<10000x128xf32, #tpu.memory_space<hbm>>) dst(%arg17 : memref<200x128xf32, #tpu.memory_space<vmem>>)
        %mul3A_83 = arith.constant 200 : i32
        %mul3A_84 = arith.muli %add3A_49, %mul3A_83 : i32
        %add3A_85 = arith.addi %mul3A_2, %mul3A_84 : i32
        %dma_start3A_86 = arith.constant 0 : i32
        %dma_start3A_87 = tpu.memref_slice %arg8[%add3A_85, %dma_start3A_86] : memref<160000x128xf32, #tpu.memory_space<hbm>> -> memref<200x128xf32, #tpu.memory_space<hbm>>
        %dma_start3A_88 = arith.constant 0 : i32
        %dma_start3A_89 = tpu.memref_slice %arg8[%add3A_85, %dma_start3A_88] : memref<160000x128xf32, #tpu.memory_space<hbm>> -> memref<200x128xf32, #tpu.memory_space<hbm>>
        tpu.enqueue_dma source(%arg17 : memref<200x128xf32, #tpu.memory_space<vmem>>) target(%dma_start3A_89 : memref<200x128xf32, #tpu.memory_space<hbm>>) target_semaphore(%arg23 : memref<!tpu.dma_semaphore, #tpu.memory_space<semaphore_mem>>)
        %mul3A_90 = arith.constant 200 : i32
        %mul3A_91 = arith.muli %add3A_49, %mul3A_90 : i32
        %add3A_92 = arith.addi %mul3A_2, %mul3A_91 : i32
        %dma_wait3A_93 = arith.constant 0 : i32
        %dma_wait3A_94 = tpu.memref_slice %arg8[%add3A_92, %dma_wait3A_93] : memref<160000x128xf32, #tpu.memory_space<hbm>> -> memref<200x128xf32, #tpu.memory_space<hbm>>
        %dma_wait3A_95 = arith.constant 0 : i32
        %dma_wait3A_96 = tpu.memref_slice %arg8[%add3A_92, %dma_wait3A_95] : memref<160000x128xf32, #tpu.memory_space<hbm>> -> memref<200x128xf32, #tpu.memory_space<hbm>>
        tpu.wait_dma2 semaphore(%arg23 : memref<!tpu.dma_semaphore, #tpu.memory_space<semaphore_mem>>) src(%arg17 : memref<200x128xf32, #tpu.memory_space<vmem>>) dst(%dma_wait3A_96 : memref<200x128xf32, #tpu.memory_space<hbm>>)
      } else {
      }
    }
    %scan3A_10 = arith.constant 13 : i32
    %add3A_11 = arith.constant 0 : i32
    %add3A_12 = arith.addi %mul3A_2, %add3A_11 : i32
    "tpu.region"() ({
      %run_scoped3A = tpu.sem_alloc : memref<!tpu.dma_semaphore, #tpu.memory_space<semaphore_mem>>
      %dma_start3A_41 = tpu.memref_slice %arg6[%add3A_12] : memref<160000xi32, #tpu.memory_space<hbm>> -> memref<200xi32, #tpu.memory_space<hbm>>
      %dma_start3A_42 = tpu.memref_slice %arg6[%add3A_12] : memref<160000xi32, #tpu.memory_space<hbm>> -> memref<200xi32, #tpu.memory_space<hbm>>
      tpu.enqueue_dma source(%dma_start3A_42 : memref<200xi32, #tpu.memory_space<hbm>>) target(%arg12 : memref<200xi32, #tpu.memory_space<vmem>>) target_semaphore(%run_scoped3A : memref<!tpu.dma_semaphore, #tpu.memory_space<semaphore_mem>>)
      %dma_wait3A = tpu.memref_slice %arg6[%add3A_12] : memref<160000xi32, #tpu.memory_space<hbm>> -> memref<200xi32, #tpu.memory_space<hbm>>
      %dma_wait3A_43 = tpu.memref_slice %arg6[%add3A_12] : memref<160000xi32, #tpu.memory_space<hbm>> -> memref<200xi32, #tpu.memory_space<hbm>>
      tpu.wait_dma2 semaphore(%run_scoped3A : memref<!tpu.dma_semaphore, #tpu.memory_space<semaphore_mem>>) src(%dma_wait3A_43 : memref<200xi32, #tpu.memory_space<hbm>>) dst(%arg12 : memref<200xi32, #tpu.memory_space<vmem>>)
      tpu.yield
    }) : () -> ()
    %dma_start3A_13 = arith.constant 0 : i32
    %dma_start3A_14 = arith.constant 0 : i32
    %dma_start3A_15 = tpu.memref_slice %arg3[%dma_start3A_13, %dma_start3A_14] : memref<10000x128xf32, #tpu.memory_space<hbm>> -> memref<10000x128xf32, #tpu.memory_space<hbm>>
    tpu.enqueue_indirect_dma source(%dma_start3A_15 : memref<10000x128xf32, #tpu.memory_space<hbm>>) target(%arg16 : memref<200x128xf32, #tpu.memory_space<vmem>>) offsets(%arg12 : memref<200xi32, #tpu.memory_space<vmem>>) semaphore(%arg20 : memref<!tpu.dma_semaphore, #tpu.memory_space<semaphore_mem>>)
    %scan3A_16 = arith.constant 0 : i32
    %scan3A_17 = arith.constant 13 : i32
    %scan3A_18 = arith.addi %scan3A_16, %scan3A_17 : i32
    %scan3A_19 = arith.constant 1 : i32
    scf.for %scan3A_41 = %scan3A_16 to %scan3A_18 step %scan3A_19  : i32 {
      %mul3A_42 = arith.constant 1 : i32
      %mul3A_43 = arith.muli %scan3A_41, %mul3A_42 : i32
      %add3A_44 = arith.constant 0 : i32
      %add3A_45 = arith.addi %add3A_44, %mul3A_43 : i32
      %mul3A_46 = arith.constant 2 : i32
      %mul3A_47 = arith.muli %mul3A_46, %add3A_45 : i32
      %add3A_48 = arith.constant 1 : i32
      %add3A_49 = arith.addi %mul3A_47, %add3A_48 : i32
      %dma_wait3A = arith.constant 0 : i32
      %dma_wait3A_50 = arith.constant 0 : i32
      %dma_wait3A_51 = tpu.memref_slice %arg3[%dma_wait3A, %dma_wait3A_50] : memref<10000x128xf32, #tpu.memory_space<hbm>> -> memref<10000x128xf32, #tpu.memory_space<hbm>>
      tpu.wait_indirect_dma semaphore(%arg20 : memref<!tpu.dma_semaphore, #tpu.memory_space<semaphore_mem>>) src(%dma_wait3A_51 : memref<10000x128xf32, #tpu.memory_space<hbm>>) dst(%arg16 : memref<200x128xf32, #tpu.memory_space<vmem>>)
      %mul3A_52 = arith.constant 200 : i32
      %mul3A_53 = arith.muli %mul3A_47, %mul3A_52 : i32
      %add3A_54 = arith.addi %mul3A_2, %mul3A_53 : i32
      %dma_start3A_55 = arith.constant 0 : i32
      %dma_start3A_56 = tpu.memref_slice %arg9[%add3A_54, %dma_start3A_55] : memref<160000x128xf32, #tpu.memory_space<hbm>> -> memref<200x128xf32, #tpu.memory_space<hbm>>
      %dma_start3A_57 = arith.constant 0 : i32
      %dma_start3A_58 = tpu.memref_slice %arg9[%add3A_54, %dma_start3A_57] : memref<160000x128xf32, #tpu.memory_space<hbm>> -> memref<200x128xf32, #tpu.memory_space<hbm>>
      tpu.enqueue_dma source(%arg16 : memref<200x128xf32, #tpu.memory_space<vmem>>) target(%dma_start3A_58 : memref<200x128xf32, #tpu.memory_space<hbm>>) target_semaphore(%arg22 : memref<!tpu.dma_semaphore, #tpu.memory_space<semaphore_mem>>)
      %lt3A = arith.constant 25 : i32
      %lt3A_59 = arith.cmpi slt, %add3A_49, %lt3A : i32
      %convert_element_type3A = arith.extui %lt3A_59 : i1 to i32
      %cond3A = arith.constant 0 : i32
      %cond3A_60 = arith.cmpi ne, %convert_element_type3A, %cond3A : i32
      scf.if %cond3A_60 {
        %mul3A_80 = arith.constant 200 : i32
        %mul3A_81 = arith.muli %add3A_49, %mul3A_80 : i32
        %add3A_82 = arith.addi %mul3A_2, %mul3A_81 : i32
        "tpu.region"() ({
          %run_scoped3A = tpu.sem_alloc : memref<!tpu.dma_semaphore, #tpu.memory_space<semaphore_mem>>
          %dma_start3A_86 = tpu.memref_slice %arg6[%add3A_82] : memref<160000xi32, #tpu.memory_space<hbm>> -> memref<200xi32, #tpu.memory_space<hbm>>
          %dma_start3A_87 = tpu.memref_slice %arg6[%add3A_82] : memref<160000xi32, #tpu.memory_space<hbm>> -> memref<200xi32, #tpu.memory_space<hbm>>
          tpu.enqueue_dma source(%dma_start3A_87 : memref<200xi32, #tpu.memory_space<hbm>>) target(%arg13 : memref<200xi32, #tpu.memory_space<vmem>>) target_semaphore(%run_scoped3A : memref<!tpu.dma_semaphore, #tpu.memory_space<semaphore_mem>>)
          %dma_wait3A_88 = tpu.memref_slice %arg6[%add3A_82] : memref<160000xi32, #tpu.memory_space<hbm>> -> memref<200xi32, #tpu.memory_space<hbm>>
          %dma_wait3A_89 = tpu.memref_slice %arg6[%add3A_82] : memref<160000xi32, #tpu.memory_space<hbm>> -> memref<200xi32, #tpu.memory_space<hbm>>
          tpu.wait_dma2 semaphore(%run_scoped3A : memref<!tpu.dma_semaphore, #tpu.memory_space<semaphore_mem>>) src(%dma_wait3A_89 : memref<200xi32, #tpu.memory_space<hbm>>) dst(%arg13 : memref<200xi32, #tpu.memory_space<vmem>>)
          tpu.yield
        }) : () -> ()
        %dma_start3A_83 = arith.constant 0 : i32
        %dma_start3A_84 = arith.constant 0 : i32
        %dma_start3A_85 = tpu.memref_slice %arg3[%dma_start3A_83, %dma_start3A_84] : memref<10000x128xf32, #tpu.memory_space<hbm>> -> memref<10000x128xf32, #tpu.memory_space<hbm>>
        tpu.enqueue_indirect_dma source(%dma_start3A_85 : memref<10000x128xf32, #tpu.memory_space<hbm>>) target(%arg17 : memref<200x128xf32, #tpu.memory_space<vmem>>) offsets(%arg13 : memref<200xi32, #tpu.memory_space<vmem>>) semaphore(%arg21 : memref<!tpu.dma_semaphore, #tpu.memory_space<semaphore_mem>>)
      } else {
      }
      %mul3A_61 = arith.constant 200 : i32
      %mul3A_62 = arith.muli %mul3A_47, %mul3A_61 : i32
      %add3A_63 = arith.addi %mul3A_2, %mul3A_62 : i32
      %dma_wait3A_64 = arith.constant 0 : i32
      %dma_wait3A_65 = tpu.memref_slice %arg9[%add3A_63, %dma_wait3A_64] : memref<160000x128xf32, #tpu.memory_space<hbm>> -> memref<200x128xf32, #tpu.memory_space<hbm>>
      %dma_wait3A_66 = arith.constant 0 : i32
      %dma_wait3A_67 = tpu.memref_slice %arg9[%add3A_63, %dma_wait3A_66] : memref<160000x128xf32, #tpu.memory_space<hbm>> -> memref<200x128xf32, #tpu.memory_space<hbm>>
      tpu.wait_dma2 semaphore(%arg22 : memref<!tpu.dma_semaphore, #tpu.memory_space<semaphore_mem>>) src(%arg16 : memref<200x128xf32, #tpu.memory_space<vmem>>) dst(%dma_wait3A_67 : memref<200x128xf32, #tpu.memory_space<hbm>>)
      %add3A_68 = arith.constant 2 : i32
      %add3A_69 = arith.addi %mul3A_47, %add3A_68 : i32
      %lt3A_70 = arith.constant 25 : i32
      %lt3A_71 = arith.cmpi slt, %add3A_69, %lt3A_70 : i32
      %convert_element_type3A_72 = arith.extui %lt3A_71 : i1 to i32
      %cond3A_73 = arith.constant 0 : i32
      %cond3A_74 = arith.cmpi ne, %convert_element_type3A_72, %cond3A_73 : i32
      scf.if %cond3A_74 {
        %add3A_80 = arith.constant 2 : i32
        %add3A_81 = arith.addi %mul3A_47, %add3A_80 : i32
        %mul3A_82 = arith.constant 200 : i32
        %mul3A_83 = arith.muli %add3A_81, %mul3A_82 : i32
        %add3A_84 = arith.addi %mul3A_2, %mul3A_83 : i32
        "tpu.region"() ({
          %run_scoped3A = tpu.sem_alloc : memref<!tpu.dma_semaphore, #tpu.memory_space<semaphore_mem>>
          %dma_start3A_88 = tpu.memref_slice %arg6[%add3A_84] : memref<160000xi32, #tpu.memory_space<hbm>> -> memref<200xi32, #tpu.memory_space<hbm>>
          %dma_start3A_89 = tpu.memref_slice %arg6[%add3A_84] : memref<160000xi32, #tpu.memory_space<hbm>> -> memref<200xi32, #tpu.memory_space<hbm>>
          tpu.enqueue_dma source(%dma_start3A_89 : memref<200xi32, #tpu.memory_space<hbm>>) target(%arg12 : memref<200xi32, #tpu.memory_space<vmem>>) target_semaphore(%run_scoped3A : memref<!tpu.dma_semaphore, #tpu.memory_space<semaphore_mem>>)
          %dma_wait3A_90 = tpu.memref_slice %arg6[%add3A_84] : memref<160000xi32, #tpu.memory_space<hbm>> -> memref<200xi32, #tpu.memory_space<hbm>>
          %dma_wait3A_91 = tpu.memref_slice %arg6[%add3A_84] : memref<160000xi32, #tpu.memory_space<hbm>> -> memref<200xi32, #tpu.memory_space<hbm>>
          tpu.wait_dma2 semaphore(%run_scoped3A : memref<!tpu.dma_semaphore, #tpu.memory_space<semaphore_mem>>) src(%dma_wait3A_91 : memref<200xi32, #tpu.memory_space<hbm>>) dst(%arg12 : memref<200xi32, #tpu.memory_space<vmem>>)
          tpu.yield
        }) : () -> ()
        %dma_start3A_85 = arith.constant 0 : i32
        %dma_start3A_86 = arith.constant 0 : i32
        %dma_start3A_87 = tpu.memref_slice %arg3[%dma_start3A_85, %dma_start3A_86] : memref<10000x128xf32, #tpu.memory_space<hbm>> -> memref<10000x128xf32, #tpu.memory_space<hbm>>
        tpu.enqueue_indirect_dma source(%dma_start3A_87 : memref<10000x128xf32, #tpu.memory_space<hbm>>) target(%arg16 : memref<200x128xf32, #tpu.memory_space<vmem>>) offsets(%arg12 : memref<200xi32, #tpu.memory_space<vmem>>) semaphore(%arg20 : memref<!tpu.dma_semaphore, #tpu.memory_space<semaphore_mem>>)
      } else {
      }
      %lt3A_75 = arith.constant 25 : i32
      %lt3A_76 = arith.cmpi slt, %add3A_49, %lt3A_75 : i32
      %convert_element_type3A_77 = arith.extui %lt3A_76 : i1 to i32
      %cond3A_78 = arith.constant 0 : i32
      %cond3A_79 = arith.cmpi ne, %convert_element_type3A_77, %cond3A_78 : i32
      scf.if %cond3A_79 {
        %dma_wait3A_80 = arith.constant 0 : i32
        %dma_wait3A_81 = arith.constant 0 : i32
        %dma_wait3A_82 = tpu.memref_slice %arg3[%dma_wait3A_80, %dma_wait3A_81] : memref<10000x128xf32, #tpu.memory_space<hbm>> -> memref<10000x128xf32, #tpu.memory_space<hbm>>
        tpu.wait_indirect_dma semaphore(%arg21 : memref<!tpu.dma_semaphore, #tpu.memory_space<semaphore_mem>>) src(%dma_wait3A_82 : memref<10000x128xf32, #tpu.memory_space<hbm>>) dst(%arg17 : memref<200x128xf32, #tpu.memory_space<vmem>>)
        %mul3A_83 = arith.constant 200 : i32
        %mul3A_84 = arith.muli %add3A_49, %mul3A_83 : i32
        %add3A_85 = arith.addi %mul3A_2, %mul3A_84 : i32
        %dma_start3A_86 = arith.constant 0 : i32
        %dma_start3A_87 = tpu.memref_slice %arg9[%add3A_85, %dma_start3A_86] : memref<160000x128xf32, #tpu.memory_space<hbm>> -> memref<200x128xf32, #tpu.memory_space<hbm>>
        %dma_start3A_88 = arith.constant 0 : i32
        %dma_start3A_89 = tpu.memref_slice %arg9[%add3A_85, %dma_start3A_88] : memref<160000x128xf32, #tpu.memory_space<hbm>> -> memref<200x128xf32, #tpu.memory_space<hbm>>
        tpu.enqueue_dma source(%arg17 : memref<200x128xf32, #tpu.memory_space<vmem>>) target(%dma_start3A_89 : memref<200x128xf32, #tpu.memory_space<hbm>>) target_semaphore(%arg23 : memref<!tpu.dma_semaphore, #tpu.memory_space<semaphore_mem>>)
        %mul3A_90 = arith.constant 200 : i32
        %mul3A_91 = arith.muli %add3A_49, %mul3A_90 : i32
        %add3A_92 = arith.addi %mul3A_2, %mul3A_91 : i32
        %dma_wait3A_93 = arith.constant 0 : i32
        %dma_wait3A_94 = tpu.memref_slice %arg9[%add3A_92, %dma_wait3A_93] : memref<160000x128xf32, #tpu.memory_space<hbm>> -> memref<200x128xf32, #tpu.memory_space<hbm>>
        %dma_wait3A_95 = arith.constant 0 : i32
        %dma_wait3A_96 = tpu.memref_slice %arg9[%add3A_92, %dma_wait3A_95] : memref<160000x128xf32, #tpu.memory_space<hbm>> -> memref<200x128xf32, #tpu.memory_space<hbm>>
        tpu.wait_dma2 semaphore(%arg23 : memref<!tpu.dma_semaphore, #tpu.memory_space<semaphore_mem>>) src(%arg17 : memref<200x128xf32, #tpu.memory_space<vmem>>) dst(%dma_wait3A_96 : memref<200x128xf32, #tpu.memory_space<hbm>>)
      } else {
      }
    }
    %scan3A_20 = arith.constant 13 : i32
    %add3A_21 = arith.constant 0 : i32
    %add3A_22 = arith.addi %mul3A_2, %add3A_21 : i32
    "tpu.region"() ({
      %run_scoped3A = tpu.sem_alloc : memref<!tpu.dma_semaphore, #tpu.memory_space<semaphore_mem>>
      %dma_start3A_41 = tpu.memref_slice %arg6[%add3A_22] : memref<160000xi32, #tpu.memory_space<hbm>> -> memref<40xi32, #tpu.memory_space<hbm>>
      %dma_start3A_42 = tpu.memref_slice %arg6[%add3A_22] : memref<160000xi32, #tpu.memory_space<hbm>> -> memref<40xi32, #tpu.memory_space<hbm>>
      tpu.enqueue_dma source(%dma_start3A_42 : memref<40xi32, #tpu.memory_space<hbm>>) target(%arg14 : memref<40xi32, #tpu.memory_space<vmem>>) target_semaphore(%run_scoped3A : memref<!tpu.dma_semaphore, #tpu.memory_space<semaphore_mem>>)
      %dma_wait3A = tpu.memref_slice %arg6[%add3A_22] : memref<160000xi32, #tpu.memory_space<hbm>> -> memref<40xi32, #tpu.memory_space<hbm>>
      %dma_wait3A_43 = tpu.memref_slice %arg6[%add3A_22] : memref<160000xi32, #tpu.memory_space<hbm>> -> memref<40xi32, #tpu.memory_space<hbm>>
      tpu.wait_dma2 semaphore(%run_scoped3A : memref<!tpu.dma_semaphore, #tpu.memory_space<semaphore_mem>>) src(%dma_wait3A_43 : memref<40xi32, #tpu.memory_space<hbm>>) dst(%arg14 : memref<40xi32, #tpu.memory_space<vmem>>)
      tpu.yield
    }) : () -> ()
    %dma_start3A_23 = arith.constant 0 : i32
    %dma_start3A_24 = arith.constant 0 : i32
    %dma_start3A_25 = tpu.memref_slice %arg4[%dma_start3A_23, %dma_start3A_24] : memref<10000x384xf32, #tpu.memory_space<hbm>> -> memref<10000x384xf32, #tpu.memory_space<hbm>>
    tpu.enqueue_indirect_dma source(%dma_start3A_25 : memref<10000x384xf32, #tpu.memory_space<hbm>>) target(%arg18 : memref<40x384xf32, #tpu.memory_space<vmem>>) offsets(%arg14 : memref<40xi32, #tpu.memory_space<vmem>>) semaphore(%arg20 : memref<!tpu.dma_semaphore, #tpu.memory_space<semaphore_mem>>)
    %scan3A_26 = arith.constant 0 : i32
    %scan3A_27 = arith.constant 63 : i32
    %scan3A_28 = arith.addi %scan3A_26, %scan3A_27 : i32
    %scan3A_29 = arith.constant 1 : i32
    scf.for %scan3A_41 = %scan3A_26 to %scan3A_28 step %scan3A_29  : i32 {
      %mul3A_42 = arith.constant 1 : i32
      %mul3A_43 = arith.muli %scan3A_41, %mul3A_42 : i32
      %add3A_44 = arith.constant 0 : i32
      %add3A_45 = arith.addi %add3A_44, %mul3A_43 : i32
      %mul3A_46 = arith.constant 2 : i32
      %mul3A_47 = arith.muli %mul3A_46, %add3A_45 : i32
      %add3A_48 = arith.constant 1 : i32
      %add3A_49 = arith.addi %mul3A_47, %add3A_48 : i32
      %dma_wait3A = arith.constant 0 : i32
      %dma_wait3A_50 = arith.constant 0 : i32
      %dma_wait3A_51 = tpu.memref_slice %arg4[%dma_wait3A, %dma_wait3A_50] : memref<10000x384xf32, #tpu.memory_space<hbm>> -> memref<10000x384xf32, #tpu.memory_space<hbm>>
      tpu.wait_indirect_dma semaphore(%arg20 : memref<!tpu.dma_semaphore, #tpu.memory_space<semaphore_mem>>) src(%dma_wait3A_51 : memref<10000x384xf32, #tpu.memory_space<hbm>>) dst(%arg18 : memref<40x384xf32, #tpu.memory_space<vmem>>)
      %mul3A_52 = arith.constant 40 : i32
      %mul3A_53 = arith.muli %mul3A_47, %mul3A_52 : i32
      %add3A_54 = arith.addi %mul3A_2, %mul3A_53 : i32
      %dma_start3A_55 = arith.constant 0 : i32
      %dma_start3A_56 = tpu.memref_slice %arg10[%add3A_54, %dma_start3A_55] : memref<160000x384xf32, #tpu.memory_space<hbm>> -> memref<40x384xf32, #tpu.memory_space<hbm>>
      %dma_start3A_57 = arith.constant 0 : i32
      %dma_start3A_58 = tpu.memref_slice %arg10[%add3A_54, %dma_start3A_57] : memref<160000x384xf32, #tpu.memory_space<hbm>> -> memref<40x384xf32, #tpu.memory_space<hbm>>
      tpu.enqueue_dma source(%arg18 : memref<40x384xf32, #tpu.memory_space<vmem>>) target(%dma_start3A_58 : memref<40x384xf32, #tpu.memory_space<hbm>>) target_semaphore(%arg22 : memref<!tpu.dma_semaphore, #tpu.memory_space<semaphore_mem>>)
      %lt3A = arith.constant 125 : i32
      %lt3A_59 = arith.cmpi slt, %add3A_49, %lt3A : i32
      %convert_element_type3A = arith.extui %lt3A_59 : i1 to i32
      %cond3A = arith.constant 0 : i32
      %cond3A_60 = arith.cmpi ne, %convert_element_type3A, %cond3A : i32
      scf.if %cond3A_60 {
        %mul3A_80 = arith.constant 40 : i32
        %mul3A_81 = arith.muli %add3A_49, %mul3A_80 : i32
        %add3A_82 = arith.addi %mul3A_2, %mul3A_81 : i32
        "tpu.region"() ({
          %run_scoped3A = tpu.sem_alloc : memref<!tpu.dma_semaphore, #tpu.memory_space<semaphore_mem>>
          %dma_start3A_86 = tpu.memref_slice %arg6[%add3A_82] : memref<160000xi32, #tpu.memory_space<hbm>> -> memref<40xi32, #tpu.memory_space<hbm>>
          %dma_start3A_87 = tpu.memref_slice %arg6[%add3A_82] : memref<160000xi32, #tpu.memory_space<hbm>> -> memref<40xi32, #tpu.memory_space<hbm>>
          tpu.enqueue_dma source(%dma_start3A_87 : memref<40xi32, #tpu.memory_space<hbm>>) target(%arg15 : memref<40xi32, #tpu.memory_space<vmem>>) target_semaphore(%run_scoped3A : memref<!tpu.dma_semaphore, #tpu.memory_space<semaphore_mem>>)
          %dma_wait3A_88 = tpu.memref_slice %arg6[%add3A_82] : memref<160000xi32, #tpu.memory_space<hbm>> -> memref<40xi32, #tpu.memory_space<hbm>>
          %dma_wait3A_89 = tpu.memref_slice %arg6[%add3A_82] : memref<160000xi32, #tpu.memory_space<hbm>> -> memref<40xi32, #tpu.memory_space<hbm>>
          tpu.wait_dma2 semaphore(%run_scoped3A : memref<!tpu.dma_semaphore, #tpu.memory_space<semaphore_mem>>) src(%dma_wait3A_89 : memref<40xi32, #tpu.memory_space<hbm>>) dst(%arg15 : memref<40xi32, #tpu.memory_space<vmem>>)
          tpu.yield
        }) : () -> ()
        %dma_start3A_83 = arith.constant 0 : i32
        %dma_start3A_84 = arith.constant 0 : i32
        %dma_start3A_85 = tpu.memref_slice %arg4[%dma_start3A_83, %dma_start3A_84] : memref<10000x384xf32, #tpu.memory_space<hbm>> -> memref<10000x384xf32, #tpu.memory_space<hbm>>
        tpu.enqueue_indirect_dma source(%dma_start3A_85 : memref<10000x384xf32, #tpu.memory_space<hbm>>) target(%arg19 : memref<40x384xf32, #tpu.memory_space<vmem>>) offsets(%arg15 : memref<40xi32, #tpu.memory_space<vmem>>) semaphore(%arg21 : memref<!tpu.dma_semaphore, #tpu.memory_space<semaphore_mem>>)
      } else {
      }
      %mul3A_61 = arith.constant 40 : i32
      %mul3A_62 = arith.muli %mul3A_47, %mul3A_61 : i32
      %add3A_63 = arith.addi %mul3A_2, %mul3A_62 : i32
      %dma_wait3A_64 = arith.constant 0 : i32
      %dma_wait3A_65 = tpu.memref_slice %arg10[%add3A_63, %dma_wait3A_64] : memref<160000x384xf32, #tpu.memory_space<hbm>> -> memref<40x384xf32, #tpu.memory_space<hbm>>
      %dma_wait3A_66 = arith.constant 0 : i32
      %dma_wait3A_67 = tpu.memref_slice %arg10[%add3A_63, %dma_wait3A_66] : memref<160000x384xf32, #tpu.memory_space<hbm>> -> memref<40x384xf32, #tpu.memory_space<hbm>>
      tpu.wait_dma2 semaphore(%arg22 : memref<!tpu.dma_semaphore, #tpu.memory_space<semaphore_mem>>) src(%arg18 : memref<40x384xf32, #tpu.memory_space<vmem>>) dst(%dma_wait3A_67 : memref<40x384xf32, #tpu.memory_space<hbm>>)
      %add3A_68 = arith.constant 2 : i32
      %add3A_69 = arith.addi %mul3A_47, %add3A_68 : i32
      %lt3A_70 = arith.constant 125 : i32
      %lt3A_71 = arith.cmpi slt, %add3A_69, %lt3A_70 : i32
      %convert_element_type3A_72 = arith.extui %lt3A_71 : i1 to i32
      %cond3A_73 = arith.constant 0 : i32
      %cond3A_74 = arith.cmpi ne, %convert_element_type3A_72, %cond3A_73 : i32
      scf.if %cond3A_74 {
        %add3A_80 = arith.constant 2 : i32
        %add3A_81 = arith.addi %mul3A_47, %add3A_80 : i32
        %mul3A_82 = arith.constant 40 : i32
        %mul3A_83 = arith.muli %add3A_81, %mul3A_82 : i32
        %add3A_84 = arith.addi %mul3A_2, %mul3A_83 : i32
        "tpu.region"() ({
          %run_scoped3A = tpu.sem_alloc : memref<!tpu.dma_semaphore, #tpu.memory_space<semaphore_mem>>
          %dma_start3A_88 = tpu.memref_slice %arg6[%add3A_84] : memref<160000xi32, #tpu.memory_space<hbm>> -> memref<40xi32, #tpu.memory_space<hbm>>
          %dma_start3A_89 = tpu.memref_slice %arg6[%add3A_84] : memref<160000xi32, #tpu.memory_space<hbm>> -> memref<40xi32, #tpu.memory_space<hbm>>
          tpu.enqueue_dma source(%dma_start3A_89 : memref<40xi32, #tpu.memory_space<hbm>>) target(%arg14 : memref<40xi32, #tpu.memory_space<vmem>>) target_semaphore(%run_scoped3A : memref<!tpu.dma_semaphore, #tpu.memory_space<semaphore_mem>>)
          %dma_wait3A_90 = tpu.memref_slice %arg6[%add3A_84] : memref<160000xi32, #tpu.memory_space<hbm>> -> memref<40xi32, #tpu.memory_space<hbm>>
          %dma_wait3A_91 = tpu.memref_slice %arg6[%add3A_84] : memref<160000xi32, #tpu.memory_space<hbm>> -> memref<40xi32, #tpu.memory_space<hbm>>
          tpu.wait_dma2 semaphore(%run_scoped3A : memref<!tpu.dma_semaphore, #tpu.memory_space<semaphore_mem>>) src(%dma_wait3A_91 : memref<40xi32, #tpu.memory_space<hbm>>) dst(%arg14 : memref<40xi32, #tpu.memory_space<vmem>>)
          tpu.yield
        }) : () -> ()
        %dma_start3A_85 = arith.constant 0 : i32
        %dma_start3A_86 = arith.constant 0 : i32
        %dma_start3A_87 = tpu.memref_slice %arg4[%dma_start3A_85, %dma_start3A_86] : memref<10000x384xf32, #tpu.memory_space<hbm>> -> memref<10000x384xf32, #tpu.memory_space<hbm>>
        tpu.enqueue_indirect_dma source(%dma_start3A_87 : memref<10000x384xf32, #tpu.memory_space<hbm>>) target(%arg18 : memref<40x384xf32, #tpu.memory_space<vmem>>) offsets(%arg14 : memref<40xi32, #tpu.memory_space<vmem>>) semaphore(%arg20 : memref<!tpu.dma_semaphore, #tpu.memory_space<semaphore_mem>>)
      } else {
      }
      %lt3A_75 = arith.constant 125 : i32
      %lt3A_76 = arith.cmpi slt, %add3A_49, %lt3A_75 : i32
      %convert_element_type3A_77 = arith.extui %lt3A_76 : i1 to i32
      %cond3A_78 = arith.constant 0 : i32
      %cond3A_79 = arith.cmpi ne, %convert_element_type3A_77, %cond3A_78 : i32
      scf.if %cond3A_79 {
        %dma_wait3A_80 = arith.constant 0 : i32
        %dma_wait3A_81 = arith.constant 0 : i32
        %dma_wait3A_82 = tpu.memref_slice %arg4[%dma_wait3A_80, %dma_wait3A_81] : memref<10000x384xf32, #tpu.memory_space<hbm>> -> memref<10000x384xf32, #tpu.memory_space<hbm>>
        tpu.wait_indirect_dma semaphore(%arg21 : memref<!tpu.dma_semaphore, #tpu.memory_space<semaphore_mem>>) src(%dma_wait3A_82 : memref<10000x384xf32, #tpu.memory_space<hbm>>) dst(%arg19 : memref<40x384xf32, #tpu.memory_space<vmem>>)
        %mul3A_83 = arith.constant 40 : i32
        %mul3A_84 = arith.muli %add3A_49, %mul3A_83 : i32
        %add3A_85 = arith.addi %mul3A_2, %mul3A_84 : i32
        %dma_start3A_86 = arith.constant 0 : i32
        %dma_start3A_87 = tpu.memref_slice %arg10[%add3A_85, %dma_start3A_86] : memref<160000x384xf32, #tpu.memory_space<hbm>> -> memref<40x384xf32, #tpu.memory_space<hbm>>
        %dma_start3A_88 = arith.constant 0 : i32
        %dma_start3A_89 = tpu.memref_slice %arg10[%add3A_85, %dma_start3A_88] : memref<160000x384xf32, #tpu.memory_space<hbm>> -> memref<40x384xf32, #tpu.memory_space<hbm>>
        tpu.enqueue_dma source(%arg19 : memref<40x384xf32, #tpu.memory_space<vmem>>) target(%dma_start3A_89 : memref<40x384xf32, #tpu.memory_space<hbm>>) target_semaphore(%arg23 : memref<!tpu.dma_semaphore, #tpu.memory_space<semaphore_mem>>)
        %mul3A_90 = arith.constant 40 : i32
        %mul3A_91 = arith.muli %add3A_49, %mul3A_90 : i32
        %add3A_92 = arith.addi %mul3A_2, %mul3A_91 : i32
        %dma_wait3A_93 = arith.constant 0 : i32
        %dma_wait3A_94 = tpu.memref_slice %arg10[%add3A_92, %dma_wait3A_93] : memref<160000x384xf32, #tpu.memory_space<hbm>> -> memref<40x384xf32, #tpu.memory_space<hbm>>
        %dma_wait3A_95 = arith.constant 0 : i32
        %dma_wait3A_96 = tpu.memref_slice %arg10[%add3A_92, %dma_wait3A_95] : memref<160000x384xf32, #tpu.memory_space<hbm>> -> memref<40x384xf32, #tpu.memory_space<hbm>>
        tpu.wait_dma2 semaphore(%arg23 : memref<!tpu.dma_semaphore, #tpu.memory_space<semaphore_mem>>) src(%arg19 : memref<40x384xf32, #tpu.memory_space<vmem>>) dst(%dma_wait3A_96 : memref<40x384xf32, #tpu.memory_space<hbm>>)
      } else {
      }
    }
    %scan3A_30 = arith.constant 63 : i32
    %add3A_31 = arith.constant 0 : i32
    %add3A_32 = arith.addi %mul3A_2, %add3A_31 : i32
    "tpu.region"() ({
      %run_scoped3A = tpu.sem_alloc : memref<!tpu.dma_semaphore, #tpu.memory_space<semaphore_mem>>
      %dma_start3A_41 = tpu.memref_slice %arg6[%add3A_32] : memref<160000xi32, #tpu.memory_space<hbm>> -> memref<40xi32, #tpu.memory_space<hbm>>
      %dma_start3A_42 = tpu.memref_slice %arg6[%add3A_32] : memref<160000xi32, #tpu.memory_space<hbm>> -> memref<40xi32, #tpu.memory_space<hbm>>
      tpu.enqueue_dma source(%dma_start3A_42 : memref<40xi32, #tpu.memory_space<hbm>>) target(%arg14 : memref<40xi32, #tpu.memory_space<vmem>>) target_semaphore(%run_scoped3A : memref<!tpu.dma_semaphore, #tpu.memory_space<semaphore_mem>>)
      %dma_wait3A = tpu.memref_slice %arg6[%add3A_32] : memref<160000xi32, #tpu.memory_space<hbm>> -> memref<40xi32, #tpu.memory_space<hbm>>
      %dma_wait3A_43 = tpu.memref_slice %arg6[%add3A_32] : memref<160000xi32, #tpu.memory_space<hbm>> -> memref<40xi32, #tpu.memory_space<hbm>>
      tpu.wait_dma2 semaphore(%run_scoped3A : memref<!tpu.dma_semaphore, #tpu.memory_space<semaphore_mem>>) src(%dma_wait3A_43 : memref<40xi32, #tpu.memory_space<hbm>>) dst(%arg14 : memref<40xi32, #tpu.memory_space<vmem>>)
      tpu.yield
    }) : () -> ()
    %dma_start3A_33 = arith.constant 0 : i32
    %dma_start3A_34 = arith.constant 0 : i32
    %dma_start3A_35 = tpu.memref_slice %arg5[%dma_start3A_33, %dma_start3A_34] : memref<10000x384xf32, #tpu.memory_space<hbm>> -> memref<10000x384xf32, #tpu.memory_space<hbm>>
    tpu.enqueue_indirect_dma source(%dma_start3A_35 : memref<10000x384xf32, #tpu.memory_space<hbm>>) target(%arg18 : memref<40x384xf32, #tpu.memory_space<vmem>>) offsets(%arg14 : memref<40xi32, #tpu.memory_space<vmem>>) semaphore(%arg20 : memref<!tpu.dma_semaphore, #tpu.memory_space<semaphore_mem>>)
    %scan3A_36 = arith.constant 0 : i32
    %scan3A_37 = arith.constant 63 : i32
    %scan3A_38 = arith.addi %scan3A_36, %scan3A_37 : i32
    %scan3A_39 = arith.constant 1 : i32
    scf.for %scan3A_41 = %scan3A_36 to %scan3A_38 step %scan3A_39  : i32 {
      %mul3A_42 = arith.constant 1 : i32
      %mul3A_43 = arith.muli %scan3A_41, %mul3A_42 : i32
      %add3A_44 = arith.constant 0 : i32
      %add3A_45 = arith.addi %add3A_44, %mul3A_43 : i32
      %mul3A_46 = arith.constant 2 : i32
      %mul3A_47 = arith.muli %mul3A_46, %add3A_45 : i32
      %add3A_48 = arith.constant 1 : i32
      %add3A_49 = arith.addi %mul3A_47, %add3A_48 : i32
      %dma_wait3A = arith.constant 0 : i32
      %dma_wait3A_50 = arith.constant 0 : i32
      %dma_wait3A_51 = tpu.memref_slice %arg5[%dma_wait3A, %dma_wait3A_50] : memref<10000x384xf32, #tpu.memory_space<hbm>> -> memref<10000x384xf32, #tpu.memory_space<hbm>>
      tpu.wait_indirect_dma semaphore(%arg20 : memref<!tpu.dma_semaphore, #tpu.memory_space<semaphore_mem>>) src(%dma_wait3A_51 : memref<10000x384xf32, #tpu.memory_space<hbm>>) dst(%arg18 : memref<40x384xf32, #tpu.memory_space<vmem>>)
      %mul3A_52 = arith.constant 40 : i32
      %mul3A_53 = arith.muli %mul3A_47, %mul3A_52 : i32
      %add3A_54 = arith.addi %mul3A_2, %mul3A_53 : i32
      %dma_start3A_55 = arith.constant 0 : i32
      %dma_start3A_56 = tpu.memref_slice %arg11[%add3A_54, %dma_start3A_55] : memref<160000x384xf32, #tpu.memory_space<hbm>> -> memref<40x384xf32, #tpu.memory_space<hbm>>
      %dma_start3A_57 = arith.constant 0 : i32
      %dma_start3A_58 = tpu.memref_slice %arg11[%add3A_54, %dma_start3A_57] : memref<160000x384xf32, #tpu.memory_space<hbm>> -> memref<40x384xf32, #tpu.memory_space<hbm>>
      tpu.enqueue_dma source(%arg18 : memref<40x384xf32, #tpu.memory_space<vmem>>) target(%dma_start3A_58 : memref<40x384xf32, #tpu.memory_space<hbm>>) target_semaphore(%arg22 : memref<!tpu.dma_semaphore, #tpu.memory_space<semaphore_mem>>)
      %lt3A = arith.constant 125 : i32
      %lt3A_59 = arith.cmpi slt, %add3A_49, %lt3A : i32
      %convert_element_type3A = arith.extui %lt3A_59 : i1 to i32
      %cond3A = arith.constant 0 : i32
      %cond3A_60 = arith.cmpi ne, %convert_element_type3A, %cond3A : i32
      scf.if %cond3A_60 {
        %mul3A_80 = arith.constant 40 : i32
        %mul3A_81 = arith.muli %add3A_49, %mul3A_80 : i32
        %add3A_82 = arith.addi %mul3A_2, %mul3A_81 : i32
        "tpu.region"() ({
          %run_scoped3A = tpu.sem_alloc : memref<!tpu.dma_semaphore, #tpu.memory_space<semaphore_mem>>
          %dma_start3A_86 = tpu.memref_slice %arg6[%add3A_82] : memref<160000xi32, #tpu.memory_space<hbm>> -> memref<40xi32, #tpu.memory_space<hbm>>
          %dma_start3A_87 = tpu.memref_slice %arg6[%add3A_82] : memref<160000xi32, #tpu.memory_space<hbm>> -> memref<40xi32, #tpu.memory_space<hbm>>
          tpu.enqueue_dma source(%dma_start3A_87 : memref<40xi32, #tpu.memory_space<hbm>>) target(%arg15 : memref<40xi32, #tpu.memory_space<vmem>>) target_semaphore(%run_scoped3A : memref<!tpu.dma_semaphore, #tpu.memory_space<semaphore_mem>>)
          %dma_wait3A_88 = tpu.memref_slice %arg6[%add3A_82] : memref<160000xi32, #tpu.memory_space<hbm>> -> memref<40xi32, #tpu.memory_space<hbm>>
          %dma_wait3A_89 = tpu.memref_slice %arg6[%add3A_82] : memref<160000xi32, #tpu.memory_space<hbm>> -> memref<40xi32, #tpu.memory_space<hbm>>
          tpu.wait_dma2 semaphore(%run_scoped3A : memref<!tpu.dma_semaphore, #tpu.memory_space<semaphore_mem>>) src(%dma_wait3A_89 : memref<40xi32, #tpu.memory_space<hbm>>) dst(%arg15 : memref<40xi32, #tpu.memory_space<vmem>>)
          tpu.yield
        }) : () -> ()
        %dma_start3A_83 = arith.constant 0 : i32
        %dma_start3A_84 = arith.constant 0 : i32
        %dma_start3A_85 = tpu.memref_slice %arg5[%dma_start3A_83, %dma_start3A_84] : memref<10000x384xf32, #tpu.memory_space<hbm>> -> memref<10000x384xf32, #tpu.memory_space<hbm>>
        tpu.enqueue_indirect_dma source(%dma_start3A_85 : memref<10000x384xf32, #tpu.memory_space<hbm>>) target(%arg19 : memref<40x384xf32, #tpu.memory_space<vmem>>) offsets(%arg15 : memref<40xi32, #tpu.memory_space<vmem>>) semaphore(%arg21 : memref<!tpu.dma_semaphore, #tpu.memory_space<semaphore_mem>>)
      } else {
      }
      %mul3A_61 = arith.constant 40 : i32
      %mul3A_62 = arith.muli %mul3A_47, %mul3A_61 : i32
      %add3A_63 = arith.addi %mul3A_2, %mul3A_62 : i32
      %dma_wait3A_64 = arith.constant 0 : i32
      %dma_wait3A_65 = tpu.memref_slice %arg11[%add3A_63, %dma_wait3A_64] : memref<160000x384xf32, #tpu.memory_space<hbm>> -> memref<40x384xf32, #tpu.memory_space<hbm>>
      %dma_wait3A_66 = arith.constant 0 : i32
      %dma_wait3A_67 = tpu.memref_slice %arg11[%add3A_63, %dma_wait3A_66] : memref<160000x384xf32, #tpu.memory_space<hbm>> -> memref<40x384xf32, #tpu.memory_space<hbm>>
      tpu.wait_dma2 semaphore(%arg22 : memref<!tpu.dma_semaphore, #tpu.memory_space<semaphore_mem>>) src(%arg18 : memref<40x384xf32, #tpu.memory_space<vmem>>) dst(%dma_wait3A_67 : memref<40x384xf32, #tpu.memory_space<hbm>>)
      %add3A_68 = arith.constant 2 : i32
      %add3A_69 = arith.addi %mul3A_47, %add3A_68 : i32
      %lt3A_70 = arith.constant 125 : i32
      %lt3A_71 = arith.cmpi slt, %add3A_69, %lt3A_70 : i32
      %convert_element_type3A_72 = arith.extui %lt3A_71 : i1 to i32
      %cond3A_73 = arith.constant 0 : i32
      %cond3A_74 = arith.cmpi ne, %convert_element_type3A_72, %cond3A_73 : i32
      scf.if %cond3A_74 {
        %add3A_80 = arith.constant 2 : i32
        %add3A_81 = arith.addi %mul3A_47, %add3A_80 : i32
        %mul3A_82 = arith.constant 40 : i32
        %mul3A_83 = arith.muli %add3A_81, %mul3A_82 : i32
        %add3A_84 = arith.addi %mul3A_2, %mul3A_83 : i32
        "tpu.region"() ({
          %run_scoped3A = tpu.sem_alloc : memref<!tpu.dma_semaphore, #tpu.memory_space<semaphore_mem>>
          %dma_start3A_88 = tpu.memref_slice %arg6[%add3A_84] : memref<160000xi32, #tpu.memory_space<hbm>> -> memref<40xi32, #tpu.memory_space<hbm>>
          %dma_start3A_89 = tpu.memref_slice %arg6[%add3A_84] : memref<160000xi32, #tpu.memory_space<hbm>> -> memref<40xi32, #tpu.memory_space<hbm>>
          tpu.enqueue_dma source(%dma_start3A_89 : memref<40xi32, #tpu.memory_space<hbm>>) target(%arg14 : memref<40xi32, #tpu.memory_space<vmem>>) target_semaphore(%run_scoped3A : memref<!tpu.dma_semaphore, #tpu.memory_space<semaphore_mem>>)
          %dma_wait3A_90 = tpu.memref_slice %arg6[%add3A_84] : memref<160000xi32, #tpu.memory_space<hbm>> -> memref<40xi32, #tpu.memory_space<hbm>>
          %dma_wait3A_91 = tpu.memref_slice %arg6[%add3A_84] : memref<160000xi32, #tpu.memory_space<hbm>> -> memref<40xi32, #tpu.memory_space<hbm>>
          tpu.wait_dma2 semaphore(%run_scoped3A : memref<!tpu.dma_semaphore, #tpu.memory_space<semaphore_mem>>) src(%dma_wait3A_91 : memref<40xi32, #tpu.memory_space<hbm>>) dst(%arg14 : memref<40xi32, #tpu.memory_space<vmem>>)
          tpu.yield
        }) : () -> ()
        %dma_start3A_85 = arith.constant 0 : i32
        %dma_start3A_86 = arith.constant 0 : i32
        %dma_start3A_87 = tpu.memref_slice %arg5[%dma_start3A_85, %dma_start3A_86] : memref<10000x384xf32, #tpu.memory_space<hbm>> -> memref<10000x384xf32, #tpu.memory_space<hbm>>
        tpu.enqueue_indirect_dma source(%dma_start3A_87 : memref<10000x384xf32, #tpu.memory_space<hbm>>) target(%arg18 : memref<40x384xf32, #tpu.memory_space<vmem>>) offsets(%arg14 : memref<40xi32, #tpu.memory_space<vmem>>) semaphore(%arg20 : memref<!tpu.dma_semaphore, #tpu.memory_space<semaphore_mem>>)
      } else {
      }
      %lt3A_75 = arith.constant 125 : i32
      %lt3A_76 = arith.cmpi slt, %add3A_49, %lt3A_75 : i32
      %convert_element_type3A_77 = arith.extui %lt3A_76 : i1 to i32
      %cond3A_78 = arith.constant 0 : i32
      %cond3A_79 = arith.cmpi ne, %convert_element_type3A_77, %cond3A_78 : i32
      scf.if %cond3A_79 {
        %dma_wait3A_80 = arith.constant 0 : i32
        %dma_wait3A_81 = arith.constant 0 : i32
        %dma_wait3A_82 = tpu.memref_slice %arg5[%dma_wait3A_80, %dma_wait3A_81] : memref<10000x384xf32, #tpu.memory_space<hbm>> -> memref<10000x384xf32, #tpu.memory_space<hbm>>
        tpu.wait_indirect_dma semaphore(%arg21 : memref<!tpu.dma_semaphore, #tpu.memory_space<semaphore_mem>>) src(%dma_wait3A_82 : memref<10000x384xf32, #tpu.memory_space<hbm>>) dst(%arg19 : memref<40x384xf32, #tpu.memory_space<vmem>>)
        %mul3A_83 = arith.constant 40 : i32
        %mul3A_84 = arith.muli %add3A_49, %mul3A_83 : i32
        %add3A_85 = arith.addi %mul3A_2, %mul3A_84 : i32
        %dma_start3A_86 = arith.constant 0 : i32
        %dma_start3A_87 = tpu.memref_slice %arg11[%add3A_85, %dma_start3A_86] : memref<160000x384xf32, #tpu.memory_space<hbm>> -> memref<40x384xf32, #tpu.memory_space<hbm>>
        %dma_start3A_88 = arith.constant 0 : i32
        %dma_start3A_89 = tpu.memref_slice %arg11[%add3A_85, %dma_start3A_88] : memref<160000x384xf32, #tpu.memory_space<hbm>> -> memref<40x384xf32, #tpu.memory_space<hbm>>
        tpu.enqueue_dma source(%arg19 : memref<40x384xf32, #tpu.memory_space<vmem>>) target(%dma_start3A_89 : memref<40x384xf32, #tpu.memory_space<hbm>>) target_semaphore(%arg23 : memref<!tpu.dma_semaphore, #tpu.memory_space<semaphore_mem>>)
        %mul3A_90 = arith.constant 40 : i32
        %mul3A_91 = arith.muli %add3A_49, %mul3A_90 : i32
        %add3A_92 = arith.addi %mul3A_2, %mul3A_91 : i32
        %dma_wait3A_93 = arith.constant 0 : i32
        %dma_wait3A_94 = tpu.memref_slice %arg11[%add3A_92, %dma_wait3A_93] : memref<160000x384xf32, #tpu.memory_space<hbm>> -> memref<40x384xf32, #tpu.memory_space<hbm>>
        %dma_wait3A_95 = arith.constant 0 : i32
        %dma_wait3A_96 = tpu.memref_slice %arg11[%add3A_92, %dma_wait3A_95] : memref<160000x384xf32, #tpu.memory_space<hbm>> -> memref<40x384xf32, #tpu.memory_space<hbm>>
        tpu.wait_dma2 semaphore(%arg23 : memref<!tpu.dma_semaphore, #tpu.memory_space<semaphore_mem>>) src(%arg19 : memref<40x384xf32, #tpu.memory_space<vmem>>) dst(%dma_wait3A_96 : memref<40x384xf32, #tpu.memory_space<hbm>>)
      } else {
      }
    }
    %scan3A_40 = arith.constant 63 : i32
    return
  }
}

module attributes {stable_mosaic.version = 14 : i64} {
  func.func @_node_dense_body(%arg0: i32, %arg1: memref<400x128xf32, #tpu.memory_space<vmem>>, %arg2: memref<400x384xf32, #tpu.memory_space<vmem>>, %arg3: memref<1x128xf32, #tpu.memory_space<vmem>>, %arg4: memref<1x128xf32, #tpu.memory_space<vmem>>, %arg5: memref<128x128xf32, #tpu.memory_space<vmem>>, %arg6: memref<1x128xf32, #tpu.memory_space<vmem>>, %arg7: memref<128x128xf32, #tpu.memory_space<vmem>>, %arg8: memref<1x128xf32, #tpu.memory_space<vmem>>, %arg9: memref<128x128xf32, #tpu.memory_space<vmem>>, %arg10: memref<1x128xf32, #tpu.memory_space<vmem>>, %arg11: memref<128x384xf32, #tpu.memory_space<vmem>>, %arg12: memref<1x384xf32, #tpu.memory_space<vmem>>, %arg13: memref<128x128xf32, #tpu.memory_space<vmem>>, %arg14: memref<128x128xf32, #tpu.memory_space<vmem>>, %arg15: memref<400x128xf32, #tpu.memory_space<vmem>>, %arg16: memref<400x128xf32, #tpu.memory_space<vmem>>, %arg17: memref<400x384xf32, #tpu.memory_space<vmem>>, %arg18: memref<400x384xf32, #tpu.memory_space<vmem>>, %arg19: memref<400x128xf32, #tpu.memory_space<vmem>>) attributes {dimension_semantics = [#tpu.dimension_semantics<arbitrary>], iteration_bounds = array<i64: 25>, scalar_prefetch = 0 : i64, scratch_operands = 0 : i64, tpu.core_type = #tpu.core_type<tc>, window_params = [{transform_indices = @transform_0, window_bounds = array<i64: 400, 128>}, {transform_indices = @transform_1, window_bounds = array<i64: 400, 384>}, {pipeline_mode = #tpu.pipeline_mode<synchronous>, transform_indices = @transform_2, window_bounds = array<i64: 1, 128>}, {pipeline_mode = #tpu.pipeline_mode<synchronous>, transform_indices = @transform_3, window_bounds = array<i64: 1, 128>}, {pipeline_mode = #tpu.pipeline_mode<synchronous>, transform_indices = @transform_4, window_bounds = array<i64: 128, 128>}, {pipeline_mode = #tpu.pipeline_mode<synchronous>, transform_indices = @transform_5, window_bounds = array<i64: 1, 128>}, {pipeline_mode = #tpu.pipeline_mode<synchronous>, transform_indices = @transform_6, window_bounds = array<i64: 128, 128>}, {pipeline_mode = #tpu.pipeline_mode<synchronous>, transform_indices = @transform_7, window_bounds = array<i64: 1, 128>}, {pipeline_mode = #tpu.pipeline_mode<synchronous>, transform_indices = @transform_8, window_bounds = array<i64: 128, 128>}, {pipeline_mode = #tpu.pipeline_mode<synchronous>, transform_indices = @transform_9, window_bounds = array<i64: 1, 128>}, {pipeline_mode = #tpu.pipeline_mode<synchronous>, transform_indices = @transform_10, window_bounds = array<i64: 128, 384>}, {pipeline_mode = #tpu.pipeline_mode<synchronous>, transform_indices = @transform_11, window_bounds = array<i64: 1, 384>}, {pipeline_mode = #tpu.pipeline_mode<synchronous>, transform_indices = @transform_12, window_bounds = array<i64: 128, 128>}, {pipeline_mode = #tpu.pipeline_mode<synchronous>, transform_indices = @transform_13, window_bounds = array<i64: 128, 128>}, {transform_indices = @transform_14, window_bounds = array<i64: 400, 128>}, {transform_indices = @transform_15, window_bounds = array<i64: 400, 128>}, {transform_indices = @transform_16, window_bounds = array<i64: 400, 384>}, {transform_indices = @transform_17, window_bounds = array<i64: 400, 384>}, {transform_indices = @transform_18, window_bounds = array<i64: 400, 128>}]} {
    %get3A = arith.constant 0 : index
    %get3A_0 = arith.constant 0 : index
    %get3A_1 = vector.load %arg1[%get3A, %get3A_0] : memref<400x128xf32, #tpu.memory_space<vmem>>, vector<400x128xf32>
    %reduce_sum3A = arith.constant dense<0.000000e+00> : vector<400xf32>
    %reduce_sum3A_2 = vector.multi_reduction <add>, %get3A_1, %reduce_sum3A [1] : vector<400x128xf32> to vector<400xf32>
    %broadcast_in_dim3A = vector.shape_cast %reduce_sum3A_2 : vector<400xf32> to vector<400x1xf32>
    %div3A = arith.constant 1.280000e+02 : f32
    %div3A_3 = vector.broadcast %div3A : f32 to vector<400x1xf32>
    %div3A_4 = arith.divf %broadcast_in_dim3A, %div3A_3 : vector<400x1xf32>
    %sub3A = vector.broadcast %div3A_4 : vector<400x1xf32> to vector<400x128xf32>
    %sub3A_5 = arith.subf %get3A_1, %sub3A : vector<400x128xf32>
    %mul3A = arith.mulf %sub3A_5, %sub3A_5 : vector<400x128xf32>
    %reduce_sum3A_6 = arith.constant dense<0.000000e+00> : vector<400xf32>
    %reduce_sum3A_7 = vector.multi_reduction <add>, %mul3A, %reduce_sum3A_6 [1] : vector<400x128xf32> to vector<400xf32>
    %broadcast_in_dim3A_8 = vector.shape_cast %reduce_sum3A_7 : vector<400xf32> to vector<400x1xf32>
    %div3A_9 = arith.constant 1.280000e+02 : f32
    %div3A_10 = vector.broadcast %div3A_9 : f32 to vector<400x1xf32>
    %div3A_11 = arith.divf %broadcast_in_dim3A_8, %div3A_10 : vector<400x1xf32>
    %add3A = arith.constant 9.99999974E-6 : f32
    %add3A_12 = vector.broadcast %add3A : f32 to vector<400x1xf32>
    %add3A_13 = arith.addf %div3A_11, %add3A_12 : vector<400x1xf32>
    %rsqrt3A = math.rsqrt %add3A_13 : vector<400x1xf32>
    %mul3A_14 = vector.broadcast %rsqrt3A : vector<400x1xf32> to vector<400x128xf32>
    %mul3A_15 = arith.mulf %sub3A_5, %mul3A_14 : vector<400x128xf32>
    %get3A_16 = arith.constant 0 : index
    %get3A_17 = arith.constant 0 : index
    %get3A_18 = vector.load %arg3[%get3A_16, %get3A_17] : memref<1x128xf32, #tpu.memory_space<vmem>>, vector<1x128xf32>
    %mul3A_19 = vector.broadcast %get3A_18 : vector<1x128xf32> to vector<400x128xf32>
    %mul3A_20 = arith.mulf %mul3A_15, %mul3A_19 : vector<400x128xf32>
    %get3A_21 = arith.constant 0 : index
    %get3A_22 = arith.constant 0 : index
    %get3A_23 = vector.load %arg4[%get3A_21, %get3A_22] : memref<1x128xf32, #tpu.memory_space<vmem>>, vector<1x128xf32>
    %add3A_24 = vector.broadcast %get3A_23 : vector<1x128xf32> to vector<400x128xf32>
    %add3A_25 = arith.addf %mul3A_20, %add3A_24 : vector<400x128xf32>
    %get3A_26 = arith.constant 0 : index
    %get3A_27 = arith.constant 0 : index
    %get3A_28 = vector.load %arg5[%get3A_26, %get3A_27] : memref<128x128xf32, #tpu.memory_space<vmem>>, vector<128x128xf32>
    %dot_general3A = arith.constant dense<0.000000e+00> : vector<400x128xf32>
    %dot_general3A_29 = tpu.matmul %add3A_25, %get3A_28, %dot_general3A {dimension_numbers = #tpu.dot_dimension_numbers<[1], [0], [0], [1], [0, 0, 1, 1], [], []>, transpose_lhs_hint = false} : vector<400x128xf32>, vector<128x128xf32>, vector<400x128xf32> -> vector<400x128xf32>
    %get3A_30 = arith.constant 0 : index
    %get3A_31 = arith.constant 0 : index
    %get3A_32 = vector.load %arg6[%get3A_30, %get3A_31] : memref<1x128xf32, #tpu.memory_space<vmem>>, vector<1x128xf32>
    %add3A_33 = vector.broadcast %get3A_32 : vector<1x128xf32> to vector<400x128xf32>
    %add3A_34 = arith.addf %dot_general3A_29, %add3A_33 : vector<400x128xf32>
    %swap3A = arith.constant 0 : index
    %swap3A_35 = arith.constant 0 : index
    %swap3A_36 = vector.load %arg15[%swap3A, %swap3A_35] : memref<400x128xf32, #tpu.memory_space<vmem>>, vector<400x128xf32>
    tpu.vector_store %arg15[%swap3A, %swap3A_35], %add3A_34 {strides = array<i32>} : memref<400x128xf32, #tpu.memory_space<vmem>>, vector<400x128xf32>,
    %get3A_37 = arith.constant 0 : index
    %get3A_38 = arith.constant 0 : index
    %get3A_39 = vector.load %arg7[%get3A_37, %get3A_38] : memref<128x128xf32, #tpu.memory_space<vmem>>, vector<128x128xf32>
    %dot_general3A_40 = arith.constant dense<0.000000e+00> : vector<400x128xf32>
    %dot_general3A_41 = tpu.matmul %add3A_25, %get3A_39, %dot_general3A_40 {dimension_numbers = #tpu.dot_dimension_numbers<[1], [0], [0], [1], [0, 0, 1, 1], [], []>, transpose_lhs_hint = false} : vector<400x128xf32>, vector<128x128xf32>, vector<400x128xf32> -> vector<400x128xf32>
    %get3A_42 = arith.constant 0 : index
    %get3A_43 = arith.constant 0 : index
    %get3A_44 = vector.load %arg8[%get3A_42, %get3A_43] : memref<1x128xf32, #tpu.memory_space<vmem>>, vector<1x128xf32>
    %add3A_45 = vector.broadcast %get3A_44 : vector<1x128xf32> to vector<400x128xf32>
    %add3A_46 = arith.addf %dot_general3A_41, %add3A_45 : vector<400x128xf32>
    %swap3A_47 = arith.constant 0 : index
    %swap3A_48 = arith.constant 0 : index
    %swap3A_49 = vector.load %arg16[%swap3A_47, %swap3A_48] : memref<400x128xf32, #tpu.memory_space<vmem>>, vector<400x128xf32>
    tpu.vector_store %arg16[%swap3A_47, %swap3A_48], %add3A_46 {strides = array<i32>} : memref<400x128xf32, #tpu.memory_space<vmem>>, vector<400x128xf32>,
    %get3A_50 = arith.constant 0 : index
    %get3A_51 = arith.constant 0 : index
    %get3A_52 = vector.load %arg9[%get3A_50, %get3A_51] : memref<128x128xf32, #tpu.memory_space<vmem>>, vector<128x128xf32>
    %dot_general3A_53 = arith.constant dense<0.000000e+00> : vector<400x128xf32>
    %dot_general3A_54 = tpu.matmul %add3A_25, %get3A_52, %dot_general3A_53 {dimension_numbers = #tpu.dot_dimension_numbers<[1], [0], [0], [1], [0, 0, 1, 1], [], []>, transpose_lhs_hint = false} : vector<400x128xf32>, vector<128x128xf32>, vector<400x128xf32> -> vector<400x128xf32>
    %get3A_55 = arith.constant 0 : index
    %get3A_56 = arith.constant 0 : index
    %get3A_57 = vector.load %arg10[%get3A_55, %get3A_56] : memref<1x128xf32, #tpu.memory_space<vmem>>, vector<1x128xf32>
    %add3A_58 = vector.broadcast %get3A_57 : vector<1x128xf32> to vector<400x128xf32>
    %add3A_59 = arith.addf %dot_general3A_54, %add3A_58 : vector<400x128xf32>
    %logistic3A = arith.negf %add3A_59 : vector<400x128xf32>
    %logistic3A_60 = math.exp %logistic3A : vector<400x128xf32>
    %logistic3A_61 = arith.constant 1.000000e+00 : f32
    %logistic3A_62 = vector.broadcast %logistic3A_61 : f32 to vector<400x128xf32>
    %logistic3A_63 = arith.addf %logistic3A_62, %logistic3A_60 : vector<400x128xf32>
    %logistic3A_64 = arith.divf %logistic3A_62, %logistic3A_63 : vector<400x128xf32>
    %mul3A_65 = arith.mulf %add3A_59, %logistic3A_64 : vector<400x128xf32>
    %get3A_66 = arith.constant 0 : index
    %get3A_67 = arith.constant 0 : index
    %get3A_68 = vector.load %arg11[%get3A_66, %get3A_67] : memref<128x384xf32, #tpu.memory_space<vmem>>, vector<128x384xf32>
    %dot_general3A_69 = arith.constant dense<0.000000e+00> : vector<400x384xf32>
    %dot_general3A_70 = tpu.matmul %mul3A_65, %get3A_68, %dot_general3A_69 {dimension_numbers = #tpu.dot_dimension_numbers<[1], [0], [0], [1], [0, 0, 1, 1], [], []>, transpose_lhs_hint = false} : vector<400x128xf32>, vector<128x384xf32>, vector<400x384xf32> -> vector<400x384xf32>
    %get3A_71 = arith.constant 0 : index
    %get3A_72 = arith.constant 0 : index
    %get3A_73 = vector.load %arg12[%get3A_71, %get3A_72] : memref<1x384xf32, #tpu.memory_space<vmem>>, vector<1x384xf32>
    %add3A_74 = vector.broadcast %get3A_73 : vector<1x384xf32> to vector<400x384xf32>
    %add3A_75 = arith.addf %dot_general3A_70, %add3A_74 : vector<400x384xf32>
    %swap3A_76 = arith.constant 0 : index
    %swap3A_77 = arith.constant 0 : index
    %swap3A_78 = vector.load %arg17[%swap3A_76, %swap3A_77] : memref<400x384xf32, #tpu.memory_space<vmem>>, vector<400x384xf32>
    tpu.vector_store %arg17[%swap3A_76, %swap3A_77], %add3A_75 {strides = array<i32>} : memref<400x384xf32, #tpu.memory_space<vmem>>, vector<400x384xf32>,
    %get3A_79 = arith.constant 0 : index
    %get3A_80 = arith.constant 0 : index
    %get3A_81 = vector.load %arg2[%get3A_79, %get3A_80] : memref<400x384xf32, #tpu.memory_space<vmem>>, vector<400x384xf32>
    %broadcast_in_dim3A_82 = arith.constant 0.000000e+00 : f32
    %broadcast_in_dim3A_83 = vector.broadcast %broadcast_in_dim3A_82 : f32 to vector<400x128xf32>
    %slice3A = vector.extract_strided_slice %get3A_81 {offsets = [0, 0], sizes = [400, 128], strides = [1, 1]} : vector<400x384xf32> to vector<400x128xf32>
    %get3A_84 = arith.constant 0 : index
    %get3A_85 = arith.constant 0 : index
    %get3A_86 = vector.load %arg13[%get3A_84, %get3A_85] : memref<128x128xf32, #tpu.memory_space<vmem>>, vector<128x128xf32>
    %dot_general3A_87 = arith.constant dense<0.000000e+00> : vector<400x128xf32>
    %dot_general3A_88 = tpu.matmul %slice3A, %get3A_86, %dot_general3A_87 {dimension_numbers = #tpu.dot_dimension_numbers<[1], [0], [0], [1], [0, 0, 1, 1], [], []>, transpose_lhs_hint = false} : vector<400x128xf32>, vector<128x128xf32>, vector<400x128xf32> -> vector<400x128xf32>
    %slice3A_89 = vector.extract_strided_slice %get3A_81 {offsets = [0, 0], sizes = [400, 128], strides = [1, 1]} : vector<400x384xf32> to vector<400x128xf32>
    %get3A_90 = arith.constant 0 : index
    %get3A_91 = arith.constant 0 : index
    %get3A_92 = vector.load %arg14[%get3A_90, %get3A_91] : memref<128x128xf32, #tpu.memory_space<vmem>>, vector<128x128xf32>
    %dot_general3A_93 = arith.constant dense<0.000000e+00> : vector<400x128xf32>
    %dot_general3A_94 = tpu.matmul %slice3A_89, %get3A_92, %dot_general3A_93 {dimension_numbers = #tpu.dot_dimension_numbers<[1], [0], [0], [1], [0, 0, 1, 1], [], []>, transpose_lhs_hint = false} : vector<400x128xf32>, vector<128x128xf32>, vector<400x128xf32> -> vector<400x128xf32>
    %swap3A_95 = arith.constant 0 : index
    %swap3A_96 = arith.constant 0 : index
    %swap3A_97 = vector.load %arg18[%swap3A_95, %swap3A_96] : memref<400x384xf32, #tpu.memory_space<vmem>>, vector<400x128xf32>
    tpu.vector_store %arg18[%swap3A_95, %swap3A_96], %dot_general3A_88 {strides = array<i32>} : memref<400x384xf32, #tpu.memory_space<vmem>>, vector<400x128xf32>,
    %mul3A_98 = arith.mulf %dot_general3A_88, %dot_general3A_94 : vector<400x128xf32>
    %add3A_99 = arith.addf %broadcast_in_dim3A_83, %mul3A_98 : vector<400x128xf32>
    %slice3A_100 = vector.extract_strided_slice %get3A_81 {offsets = [0, 128], sizes = [400, 128], strides = [1, 1]} : vector<400x384xf32> to vector<400x128xf32>
    %get3A_101 = arith.constant 0 : index
    %get3A_102 = arith.constant 0 : index
    %get3A_103 = vector.load %arg13[%get3A_101, %get3A_102] : memref<128x128xf32, #tpu.memory_space<vmem>>, vector<128x128xf32>
    %dot_general3A_104 = arith.constant dense<0.000000e+00> : vector<400x128xf32>
    %dot_general3A_105 = tpu.matmul %slice3A_100, %get3A_103, %dot_general3A_104 {dimension_numbers = #tpu.dot_dimension_numbers<[1], [0], [0], [1], [0, 0, 1, 1], [], []>, transpose_lhs_hint = false} : vector<400x128xf32>, vector<128x128xf32>, vector<400x128xf32> -> vector<400x128xf32>
    %slice3A_106 = vector.extract_strided_slice %get3A_81 {offsets = [0, 128], sizes = [400, 128], strides = [1, 1]} : vector<400x384xf32> to vector<400x128xf32>
    %get3A_107 = arith.constant 0 : index
    %get3A_108 = arith.constant 0 : index
    %get3A_109 = vector.load %arg14[%get3A_107, %get3A_108] : memref<128x128xf32, #tpu.memory_space<vmem>>, vector<128x128xf32>
    %dot_general3A_110 = arith.constant dense<0.000000e+00> : vector<400x128xf32>
    %dot_general3A_111 = tpu.matmul %slice3A_106, %get3A_109, %dot_general3A_110 {dimension_numbers = #tpu.dot_dimension_numbers<[1], [0], [0], [1], [0, 0, 1, 1], [], []>, transpose_lhs_hint = false} : vector<400x128xf32>, vector<128x128xf32>, vector<400x128xf32> -> vector<400x128xf32>
    %swap3A_112 = arith.constant 0 : index
    %swap3A_113 = arith.constant 128 : index
    %swap3A_114 = vector.load %arg18[%swap3A_112, %swap3A_113] : memref<400x384xf32, #tpu.memory_space<vmem>>, vector<400x128xf32>
    tpu.vector_store %arg18[%swap3A_112, %swap3A_113], %dot_general3A_105 {strides = array<i32>} : memref<400x384xf32, #tpu.memory_space<vmem>>, vector<400x128xf32>,
    %mul3A_115 = arith.mulf %dot_general3A_105, %dot_general3A_111 : vector<400x128xf32>
    %add3A_116 = arith.addf %add3A_99, %mul3A_115 : vector<400x128xf32>
    %slice3A_117 = vector.extract_strided_slice %get3A_81 {offsets = [0, 256], sizes = [400, 128], strides = [1, 1]} : vector<400x384xf32> to vector<400x128xf32>
    %get3A_118 = arith.constant 0 : index
    %get3A_119 = arith.constant 0 : index
    %get3A_120 = vector.load %arg13[%get3A_118, %get3A_119] : memref<128x128xf32, #tpu.memory_space<vmem>>, vector<128x128xf32>
    %dot_general3A_121 = arith.constant dense<0.000000e+00> : vector<400x128xf32>
    %dot_general3A_122 = tpu.matmul %slice3A_117, %get3A_120, %dot_general3A_121 {dimension_numbers = #tpu.dot_dimension_numbers<[1], [0], [0], [1], [0, 0, 1, 1], [], []>, transpose_lhs_hint = false} : vector<400x128xf32>, vector<128x128xf32>, vector<400x128xf32> -> vector<400x128xf32>
    %slice3A_123 = vector.extract_strided_slice %get3A_81 {offsets = [0, 256], sizes = [400, 128], strides = [1, 1]} : vector<400x384xf32> to vector<400x128xf32>
    %get3A_124 = arith.constant 0 : index
    %get3A_125 = arith.constant 0 : index
    %get3A_126 = vector.load %arg14[%get3A_124, %get3A_125] : memref<128x128xf32, #tpu.memory_space<vmem>>, vector<128x128xf32>
    %dot_general3A_127 = arith.constant dense<0.000000e+00> : vector<400x128xf32>
    %dot_general3A_128 = tpu.matmul %slice3A_123, %get3A_126, %dot_general3A_127 {dimension_numbers = #tpu.dot_dimension_numbers<[1], [0], [0], [1], [0, 0, 1, 1], [], []>, transpose_lhs_hint = false} : vector<400x128xf32>, vector<128x128xf32>, vector<400x128xf32> -> vector<400x128xf32>
    %swap3A_129 = arith.constant 0 : index
    %swap3A_130 = arith.constant 256 : index
    %swap3A_131 = vector.load %arg18[%swap3A_129, %swap3A_130] : memref<400x384xf32, #tpu.memory_space<vmem>>, vector<400x128xf32>
    tpu.vector_store %arg18[%swap3A_129, %swap3A_130], %dot_general3A_122 {strides = array<i32>} : memref<400x384xf32, #tpu.memory_space<vmem>>, vector<400x128xf32>,
    %mul3A_132 = arith.mulf %dot_general3A_122, %dot_general3A_128 : vector<400x128xf32>
    %add3A_133 = arith.addf %add3A_116, %mul3A_132 : vector<400x128xf32>
    %swap3A_134 = arith.constant 0 : index
    %swap3A_135 = arith.constant 0 : index
    %swap3A_136 = vector.load %arg19[%swap3A_134, %swap3A_135] : memref<400x128xf32, #tpu.memory_space<vmem>>, vector<400x128xf32>
    tpu.vector_store %arg19[%swap3A_134, %swap3A_135], %add3A_133 {strides = array<i32>} : memref<400x128xf32, #tpu.memory_space<vmem>>, vector<400x128xf32>,
    return
  }
  func.func @transform_0(%arg0: i32) -> (i32, i32) {
    %c0_i32 = arith.constant 0 : i32
    %c0_i32_0 = arith.constant 0 : i32
    return %arg0, %c0_i32 : i32, i32
  }
  func.func @transform_1(%arg0: i32) -> (i32, i32) {
    %c0_i32 = arith.constant 0 : i32
    %c0_i32_0 = arith.constant 0 : i32
    return %arg0, %c0_i32 : i32, i32
  }
  func.func @transform_2(%arg0: i32) -> (i32, i32) {
    %c0_i32 = arith.constant 0 : i32
    %c0_i32_0 = arith.constant 0 : i32
    %c0_i32_1 = arith.constant 0 : i32
    return %c0_i32, %c0_i32_0 : i32, i32
  }
  func.func @transform_3(%arg0: i32) -> (i32, i32) {
    %c0_i32 = arith.constant 0 : i32
    %c0_i32_0 = arith.constant 0 : i32
    %c0_i32_1 = arith.constant 0 : i32
    return %c0_i32, %c0_i32_0 : i32, i32
  }
  func.func @transform_4(%arg0: i32) -> (i32, i32) {
    %c0_i32 = arith.constant 0 : i32
    %c0_i32_0 = arith.constant 0 : i32
    %c0_i32_1 = arith.constant 0 : i32
    return %c0_i32, %c0_i32_0 : i32, i32
  }
  func.func @transform_5(%arg0: i32) -> (i32, i32) {
    %c0_i32 = arith.constant 0 : i32
    %c0_i32_0 = arith.constant 0 : i32
    %c0_i32_1 = arith.constant 0 : i32
    return %c0_i32, %c0_i32_0 : i32, i32
  }
  func.func @transform_6(%arg0: i32) -> (i32, i32) {
    %c0_i32 = arith.constant 0 : i32
    %c0_i32_0 = arith.constant 0 : i32
    %c0_i32_1 = arith.constant 0 : i32
    return %c0_i32, %c0_i32_0 : i32, i32
  }
  func.func @transform_7(%arg0: i32) -> (i32, i32) {
    %c0_i32 = arith.constant 0 : i32
    %c0_i32_0 = arith.constant 0 : i32
    %c0_i32_1 = arith.constant 0 : i32
    return %c0_i32, %c0_i32_0 : i32, i32
  }
  func.func @transform_8(%arg0: i32) -> (i32, i32) {
    %c0_i32 = arith.constant 0 : i32
    %c0_i32_0 = arith.constant 0 : i32
    %c0_i32_1 = arith.constant 0 : i32
    return %c0_i32, %c0_i32_0 : i32, i32
  }
  func.func @transform_9(%arg0: i32) -> (i32, i32) {
    %c0_i32 = arith.constant 0 : i32
    %c0_i32_0 = arith.constant 0 : i32
    %c0_i32_1 = arith.constant 0 : i32
    return %c0_i32, %c0_i32_0 : i32, i32
  }
  func.func @transform_10(%arg0: i32) -> (i32, i32) {
    %c0_i32 = arith.constant 0 : i32
    %c0_i32_0 = arith.constant 0 : i32
    %c0_i32_1 = arith.constant 0 : i32
    return %c0_i32, %c0_i32_0 : i32, i32
  }
  func.func @transform_11(%arg0: i32) -> (i32, i32) {
    %c0_i32 = arith.constant 0 : i32
    %c0_i32_0 = arith.constant 0 : i32
    %c0_i32_1 = arith.constant 0 : i32
    return %c0_i32, %c0_i32_0 : i32, i32
  }
  func.func @transform_12(%arg0: i32) -> (i32, i32) {
    %c0_i32 = arith.constant 0 : i32
    %c0_i32_0 = arith.constant 0 : i32
    %c0_i32_1 = arith.constant 0 : i32
    return %c0_i32, %c0_i32_0 : i32, i32
  }
  func.func @transform_13(%arg0: i32) -> (i32, i32) {
    %c0_i32 = arith.constant 0 : i32
    %c0_i32_0 = arith.constant 0 : i32
    %c0_i32_1 = arith.constant 0 : i32
    return %c0_i32, %c0_i32_0 : i32, i32
  }
  func.func @transform_14(%arg0: i32) -> (i32, i32) {
    %c0_i32 = arith.constant 0 : i32
    %c0_i32_0 = arith.constant 0 : i32
    return %arg0, %c0_i32 : i32, i32
  }
  func.func @transform_15(%arg0: i32) -> (i32, i32) {
    %c0_i32 = arith.constant 0 : i32
    %c0_i32_0 = arith.constant 0 : i32
    return %arg0, %c0_i32 : i32, i32
  }
  func.func @transform_16(%arg0: i32) -> (i32, i32) {
    %c0_i32 = arith.constant 0 : i32
    %c0_i32_0 = arith.constant 0 : i32
    return %arg0, %c0_i32 : i32, i32
  }
  func.func @transform_17(%arg0: i32) -> (i32, i32) {
    %c0_i32 = arith.constant 0 : i32
    %c0_i32_0 = arith.constant 0 : i32
    return %arg0, %c0_i32 : i32, i32
  }
  func.func @transform_18(%arg0: i32) -> (i32, i32) {
    %c0_i32 = arith.constant 0 : i32
    %c0_i32_0 = arith.constant 0 : i32
    return %arg0, %c0_i32 : i32, i32
  }
}

module attributes {stable_mosaic.version = 14 : i64} {
  func.func @_edge_body(%arg0: i32, %arg1: memref<400x128xf32, #tpu.memory_space<vmem>>, %arg2: memref<400x128xf32, #tpu.memory_space<vmem>>, %arg3: memref<400x128xf32, #tpu.memory_space<vmem>>, %arg4: memref<400x384xf32, #tpu.memory_space<vmem>>, %arg5: memref<400x384xf32, #tpu.memory_space<vmem>>, %arg6: memref<400x3xf32, #tpu.memory_space<vmem>>, %arg7: memref<400x1xf32, #tpu.memory_space<vmem>>, %arg8: memref<128x128xf32, #tpu.memory_space<vmem>>, %arg9: memref<1x128xf32, #tpu.memory_space<vmem>>, %arg10: memref<128x384xf32, #tpu.memory_space<vmem>>, %arg11: memref<1x384xf32, #tpu.memory_space<vmem>>, %arg12: memref<128x128xf32, #tpu.memory_space<vmem>>, %arg13: memref<400x128xf32, #tpu.memory_space<vmem>>, %arg14: memref<400x128xf32, #tpu.memory_space<vmem>>, %arg15: memref<400x128xf32, #tpu.memory_space<vmem>>, %arg16: memref<400x128xf32, #tpu.memory_space<vmem>>) attributes {dimension_semantics = [#tpu.dimension_semantics<arbitrary>], iteration_bounds = array<i64: 400>, scalar_prefetch = 0 : i64, scratch_operands = 0 : i64, tpu.core_type = #tpu.core_type<tc>, window_params = [{transform_indices = @transform_0, window_bounds = array<i64: 400, 128>}, {transform_indices = @transform_1, window_bounds = array<i64: 400, 128>}, {transform_indices = @transform_2, window_bounds = array<i64: 400, 128>}, {transform_indices = @transform_3, window_bounds = array<i64: 400, 384>}, {transform_indices = @transform_4, window_bounds = array<i64: 400, 384>}, {transform_indices = @transform_5, window_bounds = array<i64: 400, 3>}, {transform_indices = @transform_6, window_bounds = array<i64: 400, 1>}, {pipeline_mode = #tpu.pipeline_mode<synchronous>, transform_indices = @transform_7, window_bounds = array<i64: 128, 128>}, {pipeline_mode = #tpu.pipeline_mode<synchronous>, transform_indices = @transform_8, window_bounds = array<i64: 1, 128>}, {pipeline_mode = #tpu.pipeline_mode<synchronous>, transform_indices = @transform_9, window_bounds = array<i64: 128, 384>}, {pipeline_mode = #tpu.pipeline_mode<synchronous>, transform_indices = @transform_10, window_bounds = array<i64: 1, 384>}, {pipeline_mode = #tpu.pipeline_mode<synchronous>, transform_indices = @transform_11, window_bounds = array<i64: 128, 128>}, {transform_indices = @transform_12, window_bounds = array<i64: 400, 128>}, {transform_indices = @transform_13, window_bounds = array<i64: 400, 128>}, {transform_indices = @transform_14, window_bounds = array<i64: 400, 128>}, {transform_indices = @transform_15, window_bounds = array<i64: 400, 128>}]} {
    %get3A = arith.constant 0 : index
    %get3A_0 = arith.constant 0 : index
    %get3A_1 = vector.load %arg1[%get3A, %get3A_0] : memref<400x128xf32, #tpu.memory_space<vmem>>, vector<400x128xf32>
    %get3A_2 = arith.constant 0 : index
    %get3A_3 = arith.constant 0 : index
    %get3A_4 = vector.load %arg8[%get3A_2, %get3A_3] : memref<128x128xf32, #tpu.memory_space<vmem>>, vector<128x128xf32>
    %dot_general3A = arith.constant dense<0.000000e+00> : vector<400x128xf32>
    %dot_general3A_5 = tpu.matmul %get3A_1, %get3A_4, %dot_general3A {dimension_numbers = #tpu.dot_dimension_numbers<[1], [0], [0], [1], [0, 0, 1, 1], [], []>, transpose_lhs_hint = false} : vector<400x128xf32>, vector<128x128xf32>, vector<400x128xf32> -> vector<400x128xf32>
    %get3A_6 = arith.constant 0 : index
    %get3A_7 = arith.constant 0 : index
    %get3A_8 = vector.load %arg9[%get3A_6, %get3A_7] : memref<1x128xf32, #tpu.memory_space<vmem>>, vector<1x128xf32>
    %add3A = vector.broadcast %get3A_8 : vector<1x128xf32> to vector<400x128xf32>
    %add3A_9 = arith.addf %dot_general3A_5, %add3A : vector<400x128xf32>
    %logistic3A = arith.negf %add3A_9 : vector<400x128xf32>
    %logistic3A_10 = math.exp %logistic3A : vector<400x128xf32>
    %logistic3A_11 = arith.constant 1.000000e+00 : f32
    %logistic3A_12 = vector.broadcast %logistic3A_11 : f32 to vector<400x128xf32>
    %logistic3A_13 = arith.addf %logistic3A_12, %logistic3A_10 : vector<400x128xf32>
    %logistic3A_14 = arith.divf %logistic3A_12, %logistic3A_13 : vector<400x128xf32>
    %mul3A = arith.mulf %add3A_9, %logistic3A_14 : vector<400x128xf32>
    %get3A_15 = arith.constant 0 : index
    %get3A_16 = arith.constant 0 : index
    %get3A_17 = vector.load %arg10[%get3A_15, %get3A_16] : memref<128x384xf32, #tpu.memory_space<vmem>>, vector<128x384xf32>
    %dot_general3A_18 = arith.constant dense<0.000000e+00> : vector<400x384xf32>
    %dot_general3A_19 = tpu.matmul %get3A_1, %get3A_17, %dot_general3A_18 {dimension_numbers = #tpu.dot_dimension_numbers<[1], [0], [0], [1], [0, 0, 1, 1], [], []>, transpose_lhs_hint = false} : vector<400x128xf32>, vector<128x384xf32>, vector<400x384xf32> -> vector<400x384xf32>
    %get3A_20 = arith.constant 0 : index
    %get3A_21 = arith.constant 0 : index
    %get3A_22 = vector.load %arg11[%get3A_20, %get3A_21] : memref<1x384xf32, #tpu.memory_space<vmem>>, vector<1x384xf32>
    %add3A_23 = vector.broadcast %get3A_22 : vector<1x384xf32> to vector<400x384xf32>
    %add3A_24 = arith.addf %dot_general3A_19, %add3A_23 : vector<400x384xf32>
    %get3A_25 = arith.constant 0 : index
    %get3A_26 = arith.constant 0 : index
    %get3A_27 = vector.load %arg2[%get3A_25, %get3A_26] : memref<400x128xf32, #tpu.memory_space<vmem>>, vector<400x128xf32>
    %get3A_28 = arith.constant 0 : index
    %get3A_29 = arith.constant 0 : index
    %get3A_30 = vector.load %arg3[%get3A_28, %get3A_29] : memref<400x128xf32, #tpu.memory_space<vmem>>, vector<400x128xf32>
    %mul3A_31 = arith.mulf %get3A_27, %get3A_30 : vector<400x128xf32>
    %mul3A_32 = arith.mulf %mul3A_31, %mul3A : vector<400x128xf32>
    %get3A_33 = arith.constant 0 : index
    %get3A_34 = arith.constant 0 : index
    %get3A_35 = vector.load %arg12[%get3A_33, %get3A_34] : memref<128x128xf32, #tpu.memory_space<vmem>>, vector<128x128xf32>
    %dot_general3A_36 = arith.constant dense<0.000000e+00> : vector<400x128xf32>
    %dot_general3A_37 = tpu.matmul %mul3A_32, %get3A_35, %dot_general3A_36 {dimension_numbers = #tpu.dot_dimension_numbers<[1], [0], [0], [1], [0, 0, 1, 1], [], []>, transpose_lhs_hint = false} : vector<400x128xf32>, vector<128x128xf32>, vector<400x128xf32> -> vector<400x128xf32>
    %get3A_38 = arith.constant 0 : index
    %get3A_39 = arith.constant 0 : index
    %get3A_40 = vector.load %arg7[%get3A_38, %get3A_39] : memref<400x1xf32, #tpu.memory_space<vmem>>, vector<400x1xf32>
    %mul3A_41 = arith.constant 0.628318548 : f32
    %mul3A_42 = vector.broadcast %mul3A_41 : f32 to vector<400x1xf32>
    %mul3A_43 = arith.mulf %get3A_40, %mul3A_42 : vector<400x1xf32>
    %cos3A = math.cos %mul3A_43 : vector<400x1xf32>
    %add3A_44 = arith.constant 1.000000e+00 : f32
    %add3A_45 = vector.broadcast %add3A_44 : f32 to vector<400x1xf32>
    %add3A_46 = arith.addf %cos3A, %add3A_45 : vector<400x1xf32>
    %mul3A_47 = arith.constant 5.000000e-01 : f32
    %mul3A_48 = vector.broadcast %mul3A_47 : f32 to vector<400x1xf32>
    %mul3A_49 = arith.mulf %mul3A_48, %add3A_46 : vector<400x1xf32>
    %lt3A = arith.constant 5.000000e+00 : f32
    %lt3A_50 = vector.broadcast %lt3A : f32 to vector<400x1xf32>
    %lt3A_51 = arith.cmpf olt, %get3A_40, %lt3A_50 : vector<400x1xf32>
    %convert_element_type3A = arith.extui %lt3A_51 : vector<400x1xi1> to vector<400x1xi32>
    %convert_element_type3A_52 = arith.sitofp %convert_element_type3A : vector<400x1xi32> to vector<400x1xf32>
    %mul3A_53 = arith.mulf %mul3A_49, %convert_element_type3A_52 : vector<400x1xf32>
    %logistic3A_54 = arith.negf %dot_general3A_37 : vector<400x128xf32>
    %logistic3A_55 = math.exp %logistic3A_54 : vector<400x128xf32>
    %logistic3A_56 = arith.constant 1.000000e+00 : f32
    %logistic3A_57 = vector.broadcast %logistic3A_56 : f32 to vector<400x128xf32>
    %logistic3A_58 = arith.addf %logistic3A_57, %logistic3A_55 : vector<400x128xf32>
    %logistic3A_59 = arith.divf %logistic3A_57, %logistic3A_58 : vector<400x128xf32>
    %mul3A_60 = arith.mulf %dot_general3A_37, %logistic3A_59 : vector<400x128xf32>
    %mul3A_61 = vector.broadcast %mul3A_53 : vector<400x1xf32> to vector<400x128xf32>
    %mul3A_62 = arith.mulf %mul3A_60, %mul3A_61 : vector<400x128xf32>
    %get3A_63 = arith.constant 0 : index
    %get3A_64 = arith.constant 0 : index
    %get3A_65 = vector.load %arg4[%get3A_63, %get3A_64] : memref<400x384xf32, #tpu.memory_space<vmem>>, vector<400x384xf32>
    %mul3A_66 = arith.mulf %get3A_65, %add3A_24 : vector<400x384xf32>
    %slice3A = vector.extract_strided_slice %mul3A_66 {offsets = [0, 0], sizes = [400, 128], strides = [1, 1]} : vector<400x384xf32> to vector<400x128xf32>
    %mul3A_67 = arith.mulf %slice3A, %mul3A_62 : vector<400x128xf32>
    %swap3A = arith.constant 0 : index
    %swap3A_68 = arith.constant 0 : index
    %swap3A_69 = vector.load %arg13[%swap3A, %swap3A_68] : memref<400x128xf32, #tpu.memory_space<vmem>>, vector<400x128xf32>
    tpu.vector_store %arg13[%swap3A, %swap3A_68], %mul3A_67 {strides = array<i32>} : memref<400x128xf32, #tpu.memory_space<vmem>>, vector<400x128xf32>,
    %slice3A_70 = vector.extract_strided_slice %mul3A_66 {offsets = [0, 128], sizes = [400, 128], strides = [1, 1]} : vector<400x384xf32> to vector<400x128xf32>
    %slice3A_71 = vector.extract_strided_slice %mul3A_66 {offsets = [0, 256], sizes = [400, 128], strides = [1, 1]} : vector<400x384xf32> to vector<400x128xf32>
    %get3A_72 = arith.constant 0 : index
    %get3A_73 = arith.constant 0 : index
    %get3A_74 = vector.load %arg5[%get3A_72, %get3A_73] : memref<400x384xf32, #tpu.memory_space<vmem>>, vector<400x384xf32>
    %get3A_75 = arith.constant 0 : index
    %get3A_76 = arith.constant 0 : index
    %get3A_77 = vector.load %arg6[%get3A_75, %get3A_76] : memref<400x3xf32, #tpu.memory_space<vmem>>, vector<400x3xf32>
    %slice3A_78 = vector.extract_strided_slice %get3A_74 {offsets = [0, 0], sizes = [400, 128], strides = [1, 1]} : vector<400x384xf32> to vector<400x128xf32>
    %mul3A_79 = arith.mulf %slice3A_78, %slice3A_70 : vector<400x128xf32>
    %slice3A_80 = vector.extract_strided_slice %get3A_77 {offsets = [0, 0], sizes = [400, 1], strides = [1, 1]} : vector<400x3xf32> to vector<400x1xf32>
    %mul3A_81 = vector.broadcast %slice3A_80 : vector<400x1xf32> to vector<400x128xf32>
    %mul3A_82 = arith.mulf %mul3A_81, %slice3A_71 : vector<400x128xf32>
    %add3A_83 = arith.addf %mul3A_79, %mul3A_82 : vector<400x128xf32>
    %swap3A_84 = arith.constant 0 : index
    %swap3A_85 = arith.constant 0 : index
    %swap3A_86 = vector.load %arg14[%swap3A_84, %swap3A_85] : memref<400x128xf32, #tpu.memory_space<vmem>>, vector<400x128xf32>
    tpu.vector_store %arg14[%swap3A_84, %swap3A_85], %add3A_83 {strides = array<i32>} : memref<400x128xf32, #tpu.memory_space<vmem>>, vector<400x128xf32>,
    %slice3A_87 = vector.extract_strided_slice %get3A_74 {offsets = [0, 128], sizes = [400, 128], strides = [1, 1]} : vector<400x384xf32> to vector<400x128xf32>
    %mul3A_88 = arith.mulf %slice3A_87, %slice3A_70 : vector<400x128xf32>
    %slice3A_89 = vector.extract_strided_slice %get3A_77 {offsets = [0, 1], sizes = [400, 1], strides = [1, 1]} : vector<400x3xf32> to vector<400x1xf32>
    %mul3A_90 = vector.broadcast %slice3A_89 : vector<400x1xf32> to vector<400x128xf32>
    %mul3A_91 = arith.mulf %mul3A_90, %slice3A_71 : vector<400x128xf32>
    %add3A_92 = arith.addf %mul3A_88, %mul3A_91 : vector<400x128xf32>
    %swap3A_93 = arith.constant 0 : index
    %swap3A_94 = arith.constant 0 : index
    %swap3A_95 = vector.load %arg15[%swap3A_93, %swap3A_94] : memref<400x128xf32, #tpu.memory_space<vmem>>, vector<400x128xf32>
    tpu.vector_store %arg15[%swap3A_93, %swap3A_94], %add3A_92 {strides = array<i32>} : memref<400x128xf32, #tpu.memory_space<vmem>>, vector<400x128xf32>,
    %slice3A_96 = vector.extract_strided_slice %get3A_74 {offsets = [0, 256], sizes = [400, 128], strides = [1, 1]} : vector<400x384xf32> to vector<400x128xf32>
    %mul3A_97 = arith.mulf %slice3A_96, %slice3A_70 : vector<400x128xf32>
    %slice3A_98 = vector.extract_strided_slice %get3A_77 {offsets = [0, 2], sizes = [400, 1], strides = [1, 1]} : vector<400x3xf32> to vector<400x1xf32>
    %mul3A_99 = vector.broadcast %slice3A_98 : vector<400x1xf32> to vector<400x128xf32>
    %mul3A_100 = arith.mulf %mul3A_99, %slice3A_71 : vector<400x128xf32>
    %add3A_101 = arith.addf %mul3A_97, %mul3A_100 : vector<400x128xf32>
    %swap3A_102 = arith.constant 0 : index
    %swap3A_103 = arith.constant 0 : index
    %swap3A_104 = vector.load %arg16[%swap3A_102, %swap3A_103] : memref<400x128xf32, #tpu.memory_space<vmem>>, vector<400x128xf32>
    tpu.vector_store %arg16[%swap3A_102, %swap3A_103], %add3A_101 {strides = array<i32>} : memref<400x128xf32, #tpu.memory_space<vmem>>, vector<400x128xf32>,
    return
  }
  func.func @transform_0(%arg0: i32) -> (i32, i32) {
    %c0_i32 = arith.constant 0 : i32
    %c0_i32_0 = arith.constant 0 : i32
    return %arg0, %c0_i32 : i32, i32
  }
  func.func @transform_1(%arg0: i32) -> (i32, i32) {
    %c0_i32 = arith.constant 0 : i32
    %c0_i32_0 = arith.constant 0 : i32
    return %arg0, %c0_i32 : i32, i32
  }
  func.func @transform_2(%arg0: i32) -> (i32, i32) {
    %c0_i32 = arith.constant 0 : i32
    %c0_i32_0 = arith.constant 0 : i32
    return %arg0, %c0_i32 : i32, i32
  }
  func.func @transform_3(%arg0: i32) -> (i32, i32) {
    %c0_i32 = arith.constant 0 : i32
    %c0_i32_0 = arith.constant 0 : i32
    return %arg0, %c0_i32 : i32, i32
  }
  func.func @transform_4(%arg0: i32) -> (i32, i32) {
    %c0_i32 = arith.constant 0 : i32
    %c0_i32_0 = arith.constant 0 : i32
    return %arg0, %c0_i32 : i32, i32
  }
  func.func @transform_5(%arg0: i32) -> (i32, i32) {
    %c0_i32 = arith.constant 0 : i32
    %c0_i32_0 = arith.constant 0 : i32
    return %arg0, %c0_i32 : i32, i32
  }
  func.func @transform_6(%arg0: i32) -> (i32, i32) {
    %c0_i32 = arith.constant 0 : i32
    %c0_i32_0 = arith.constant 0 : i32
    return %arg0, %c0_i32 : i32, i32
  }
  func.func @transform_7(%arg0: i32) -> (i32, i32) {
    %c0_i32 = arith.constant 0 : i32
    %c0_i32_0 = arith.constant 0 : i32
    %c0_i32_1 = arith.constant 0 : i32
    return %c0_i32, %c0_i32_0 : i32, i32
  }
  func.func @transform_8(%arg0: i32) -> (i32, i32) {
    %c0_i32 = arith.constant 0 : i32
    %c0_i32_0 = arith.constant 0 : i32
    %c0_i32_1 = arith.constant 0 : i32
    return %c0_i32, %c0_i32_0 : i32, i32
  }
  func.func @transform_9(%arg0: i32) -> (i32, i32) {
    %c0_i32 = arith.constant 0 : i32
    %c0_i32_0 = arith.constant 0 : i32
    %c0_i32_1 = arith.constant 0 : i32
    return %c0_i32, %c0_i32_0 : i32, i32
  }
  func.func @transform_10(%arg0: i32) -> (i32, i32) {
    %c0_i32 = arith.constant 0 : i32
    %c0_i32_0 = arith.constant 0 : i32
    %c0_i32_1 = arith.constant 0 : i32
    return %c0_i32, %c0_i32_0 : i32, i32
  }
  func.func @transform_11(%arg0: i32) -> (i32, i32) {
    %c0_i32 = arith.constant 0 : i32
    %c0_i32_0 = arith.constant 0 : i32
    %c0_i32_1 = arith.constant 0 : i32
    return %c0_i32, %c0_i32_0 : i32, i32
  }
  func.func @transform_12(%arg0: i32) -> (i32, i32) {
    %c0_i32 = arith.constant 0 : i32
    %c0_i32_0 = arith.constant 0 : i32
    return %arg0, %c0_i32 : i32, i32
  }
  func.func @transform_13(%arg0: i32) -> (i32, i32) {
    %c0_i32 = arith.constant 0 : i32
    %c0_i32_0 = arith.constant 0 : i32
    return %arg0, %c0_i32 : i32, i32
  }
  func.func @transform_14(%arg0: i32) -> (i32, i32) {
    %c0_i32 = arith.constant 0 : i32
    %c0_i32_0 = arith.constant 0 : i32
    return %arg0, %c0_i32 : i32, i32
  }
  func.func @transform_15(%arg0: i32) -> (i32, i32) {
    %c0_i32 = arith.constant 0 : i32
    %c0_i32_0 = arith.constant 0 : i32
    return %arg0, %c0_i32 : i32, i32
  }
}

module attributes {stable_mosaic.version = 14 : i64} {
  func.func @_post_body(%arg0: i32, %arg1: memref<400x128xf32, #tpu.memory_space<vmem>>, %arg2: memref<400x128xf32, #tpu.memory_space<vmem>>, %arg3: memref<400x128xf32, #tpu.memory_space<vmem>>, %arg4: memref<400x128xf32, #tpu.memory_space<vmem>>, %arg5: memref<400x128xf32, #tpu.memory_space<vmem>>, %arg6: memref<400x384xf32, #tpu.memory_space<vmem>>, %arg7: memref<400x384xf32, #tpu.memory_space<vmem>>, %arg8: memref<400x128xf32, #tpu.memory_space<vmem>>, %arg9: memref<128x128xf32, #tpu.memory_space<vmem>>, %arg10: memref<1x128xf32, #tpu.memory_space<vmem>>, %arg11: memref<128x384xf32, #tpu.memory_space<vmem>>, %arg12: memref<1x384xf32, #tpu.memory_space<vmem>>, %arg13: memref<400x128xf32, #tpu.memory_space<vmem>>, %arg14: memref<400x3x128xf32, #tpu.memory_space<vmem>>) attributes {dimension_semantics = [#tpu.dimension_semantics<arbitrary>], iteration_bounds = array<i64: 25>, scalar_prefetch = 0 : i64, scratch_operands = 0 : i64, tpu.core_type = #tpu.core_type<tc>, window_params = [{transform_indices = @transform_0, window_bounds = array<i64: 400, 128>}, {transform_indices = @transform_1, window_bounds = array<i64: 400, 128>}, {transform_indices = @transform_2, window_bounds = array<i64: 400, 128>}, {transform_indices = @transform_3, window_bounds = array<i64: 400, 128>}, {transform_indices = @transform_4, window_bounds = array<i64: 400, 128>}, {transform_indices = @transform_5, window_bounds = array<i64: 400, 384>}, {transform_indices = @transform_6, window_bounds = array<i64: 400, 384>}, {transform_indices = @transform_7, window_bounds = array<i64: 400, 128>}, {pipeline_mode = #tpu.pipeline_mode<synchronous>, transform_indices = @transform_8, window_bounds = array<i64: 128, 128>}, {pipeline_mode = #tpu.pipeline_mode<synchronous>, transform_indices = @transform_9, window_bounds = array<i64: 1, 128>}, {pipeline_mode = #tpu.pipeline_mode<synchronous>, transform_indices = @transform_10, window_bounds = array<i64: 128, 384>}, {pipeline_mode = #tpu.pipeline_mode<synchronous>, transform_indices = @transform_11, window_bounds = array<i64: 1, 384>}, {transform_indices = @transform_12, window_bounds = array<i64: 400, 128>}, {transform_indices = @transform_13, window_bounds = array<i64: 400, 3, 128>}]} {
    %get3A = arith.constant 0 : index
    %get3A_0 = arith.constant 0 : index
    %get3A_1 = vector.load %arg1[%get3A, %get3A_0] : memref<400x128xf32, #tpu.memory_space<vmem>>, vector<400x128xf32>
    %get3A_2 = arith.constant 0 : index
    %get3A_3 = arith.constant 0 : index
    %get3A_4 = vector.load %arg9[%get3A_2, %get3A_3] : memref<128x128xf32, #tpu.memory_space<vmem>>, vector<128x128xf32>
    %dot_general3A = arith.constant dense<0.000000e+00> : vector<400x128xf32>
    %dot_general3A_5 = tpu.matmul %get3A_1, %get3A_4, %dot_general3A {dimension_numbers = #tpu.dot_dimension_numbers<[1], [0], [0], [1], [0, 0, 1, 1], [], []>, transpose_lhs_hint = false} : vector<400x128xf32>, vector<128x128xf32>, vector<400x128xf32> -> vector<400x128xf32>
    %get3A_6 = arith.constant 0 : index
    %get3A_7 = arith.constant 0 : index
    %get3A_8 = vector.load %arg10[%get3A_6, %get3A_7] : memref<1x128xf32, #tpu.memory_space<vmem>>, vector<1x128xf32>
    %add3A = vector.broadcast %get3A_8 : vector<1x128xf32> to vector<400x128xf32>
    %add3A_9 = arith.addf %dot_general3A_5, %add3A : vector<400x128xf32>
    %logistic3A = arith.negf %add3A_9 : vector<400x128xf32>
    %logistic3A_10 = math.exp %logistic3A : vector<400x128xf32>
    %logistic3A_11 = arith.constant 1.000000e+00 : f32
    %logistic3A_12 = vector.broadcast %logistic3A_11 : f32 to vector<400x128xf32>
    %logistic3A_13 = arith.addf %logistic3A_12, %logistic3A_10 : vector<400x128xf32>
    %logistic3A_14 = arith.divf %logistic3A_12, %logistic3A_13 : vector<400x128xf32>
    %mul3A = arith.mulf %add3A_9, %logistic3A_14 : vector<400x128xf32>
    %get3A_15 = arith.constant 0 : index
    %get3A_16 = arith.constant 0 : index
    %get3A_17 = vector.load %arg11[%get3A_15, %get3A_16] : memref<128x384xf32, #tpu.memory_space<vmem>>, vector<128x384xf32>
    %dot_general3A_18 = arith.constant dense<0.000000e+00> : vector<400x384xf32>
    %dot_general3A_19 = tpu.matmul %mul3A, %get3A_17, %dot_general3A_18 {dimension_numbers = #tpu.dot_dimension_numbers<[1], [0], [0], [1], [0, 0, 1, 1], [], []>, transpose_lhs_hint = false} : vector<400x128xf32>, vector<128x384xf32>, vector<400x384xf32> -> vector<400x384xf32>
    %get3A_20 = arith.constant 0 : index
    %get3A_21 = arith.constant 0 : index
    %get3A_22 = vector.load %arg12[%get3A_20, %get3A_21] : memref<1x384xf32, #tpu.memory_space<vmem>>, vector<1x384xf32>
    %add3A_23 = vector.broadcast %get3A_22 : vector<1x384xf32> to vector<400x384xf32>
    %add3A_24 = arith.addf %dot_general3A_19, %add3A_23 : vector<400x384xf32>
    %slice3A = vector.extract_strided_slice %add3A_24 {offsets = [0, 0], sizes = [400, 128], strides = [1, 1]} : vector<400x384xf32> to vector<400x128xf32>
    %slice3A_25 = vector.extract_strided_slice %add3A_24 {offsets = [0, 128], sizes = [400, 128], strides = [1, 1]} : vector<400x384xf32> to vector<400x128xf32>
    %slice3A_26 = vector.extract_strided_slice %add3A_24 {offsets = [0, 256], sizes = [400, 128], strides = [1, 1]} : vector<400x384xf32> to vector<400x128xf32>
    %get3A_27 = arith.constant 0 : index
    %get3A_28 = arith.constant 0 : index
    %get3A_29 = vector.load %arg5[%get3A_27, %get3A_28] : memref<400x128xf32, #tpu.memory_space<vmem>>, vector<400x128xf32>
    %add3A_30 = arith.addf %get3A_29, %slice3A_25 : vector<400x128xf32>
    %get3A_31 = arith.constant 0 : index
    %get3A_32 = arith.constant 0 : index
    %get3A_33 = vector.load %arg8[%get3A_31, %get3A_32] : memref<400x128xf32, #tpu.memory_space<vmem>>, vector<400x128xf32>
    %mul3A_34 = arith.mulf %slice3A_26, %get3A_33 : vector<400x128xf32>
    %add3A_35 = arith.addf %add3A_30, %mul3A_34 : vector<400x128xf32>
    %swap3A = arith.constant 0 : index
    %swap3A_36 = arith.constant 0 : index
    %swap3A_37 = vector.load %arg13[%swap3A, %swap3A_36] : memref<400x128xf32, #tpu.memory_space<vmem>>, vector<400x128xf32>
    tpu.vector_store %arg13[%swap3A, %swap3A_36], %add3A_35 {strides = array<i32>} : memref<400x128xf32, #tpu.memory_space<vmem>>, vector<400x128xf32>,
    %get3A_38 = arith.constant 0 : index
    %get3A_39 = arith.constant 0 : index
    %get3A_40 = vector.load %arg6[%get3A_38, %get3A_39] : memref<400x384xf32, #tpu.memory_space<vmem>>, vector<400x384xf32>
    %get3A_41 = arith.constant 0 : index
    %get3A_42 = arith.constant 0 : index
    %get3A_43 = vector.load %arg7[%get3A_41, %get3A_42] : memref<400x384xf32, #tpu.memory_space<vmem>>, vector<400x384xf32>
    %slice3A_44 = vector.extract_strided_slice %get3A_40 {offsets = [0, 0], sizes = [400, 128], strides = [1, 1]} : vector<400x384xf32> to vector<400x128xf32>
    %get3A_45 = arith.constant 0 : index
    %get3A_46 = arith.constant 0 : index
    %get3A_47 = vector.load %arg2[%get3A_45, %get3A_46] : memref<400x128xf32, #tpu.memory_space<vmem>>, vector<400x128xf32>
    %add3A_48 = arith.addf %slice3A_44, %get3A_47 : vector<400x128xf32>
    %slice3A_49 = vector.extract_strided_slice %get3A_43 {offsets = [0, 0], sizes = [400, 128], strides = [1, 1]} : vector<400x384xf32> to vector<400x128xf32>
    %mul3A_50 = arith.mulf %slice3A, %slice3A_49 : vector<400x128xf32>
    %add3A_51 = arith.addf %add3A_48, %mul3A_50 : vector<400x128xf32>
    %swap3A_52 = arith.constant 0 : index
    %swap3A_53 = arith.constant 0 : index
    %swap3A_54 = arith.constant 0 : index
    %swap3A_55 = vector.load %arg14[%swap3A_52, %swap3A_53, %swap3A_54] : memref<400x3x128xf32, #tpu.memory_space<vmem>>, vector<400x1x128xf32>
    %swap3A_56 = vector.shape_cast %swap3A_55 : vector<400x1x128xf32> to vector<400x128xf32>
    %swap3A_57 = vector.shape_cast %add3A_51 : vector<400x128xf32> to vector<400x1x128xf32>
    tpu.vector_store %arg14[%swap3A_52, %swap3A_53, %swap3A_54], %swap3A_57 {strides = array<i32>} : memref<400x3x128xf32, #tpu.memory_space<vmem>>, vector<400x1x128xf32>,
    %slice3A_58 = vector.extract_strided_slice %get3A_40 {offsets = [0, 128], sizes = [400, 128], strides = [1, 1]} : vector<400x384xf32> to vector<400x128xf32>
    %get3A_59 = arith.constant 0 : index
    %get3A_60 = arith.constant 0 : index
    %get3A_61 = vector.load %arg3[%get3A_59, %get3A_60] : memref<400x128xf32, #tpu.memory_space<vmem>>, vector<400x128xf32>
    %add3A_62 = arith.addf %slice3A_58, %get3A_61 : vector<400x128xf32>
    %slice3A_63 = vector.extract_strided_slice %get3A_43 {offsets = [0, 128], sizes = [400, 128], strides = [1, 1]} : vector<400x384xf32> to vector<400x128xf32>
    %mul3A_64 = arith.mulf %slice3A, %slice3A_63 : vector<400x128xf32>
    %add3A_65 = arith.addf %add3A_62, %mul3A_64 : vector<400x128xf32>
    %swap3A_66 = arith.constant 0 : index
    %swap3A_67 = arith.constant 1 : index
    %swap3A_68 = arith.constant 0 : index
    %swap3A_69 = vector.load %arg14[%swap3A_66, %swap3A_67, %swap3A_68] : memref<400x3x128xf32, #tpu.memory_space<vmem>>, vector<400x1x128xf32>
    %swap3A_70 = vector.shape_cast %swap3A_69 : vector<400x1x128xf32> to vector<400x128xf32>
    %swap3A_71 = vector.shape_cast %add3A_65 : vector<400x128xf32> to vector<400x1x128xf32>
    tpu.vector_store %arg14[%swap3A_66, %swap3A_67, %swap3A_68], %swap3A_71 {strides = array<i32>} : memref<400x3x128xf32, #tpu.memory_space<vmem>>, vector<400x1x128xf32>,
    %slice3A_72 = vector.extract_strided_slice %get3A_40 {offsets = [0, 256], sizes = [400, 128], strides = [1, 1]} : vector<400x384xf32> to vector<400x128xf32>
    %get3A_73 = arith.constant 0 : index
    %get3A_74 = arith.constant 0 : index
    %get3A_75 = vector.load %arg4[%get3A_73, %get3A_74] : memref<400x128xf32, #tpu.memory_space<vmem>>, vector<400x128xf32>
    %add3A_76 = arith.addf %slice3A_72, %get3A_75 : vector<400x128xf32>
    %slice3A_77 = vector.extract_strided_slice %get3A_43 {offsets = [0, 256], sizes = [400, 128], strides = [1, 1]} : vector<400x384xf32> to vector<400x128xf32>
    %mul3A_78 = arith.mulf %slice3A, %slice3A_77 : vector<400x128xf32>
    %add3A_79 = arith.addf %add3A_76, %mul3A_78 : vector<400x128xf32>
    %swap3A_80 = arith.constant 0 : index
    %swap3A_81 = arith.constant 2 : index
    %swap3A_82 = arith.constant 0 : index
    %swap3A_83 = vector.load %arg14[%swap3A_80, %swap3A_81, %swap3A_82] : memref<400x3x128xf32, #tpu.memory_space<vmem>>, vector<400x1x128xf32>
    %swap3A_84 = vector.shape_cast %swap3A_83 : vector<400x1x128xf32> to vector<400x128xf32>
    %swap3A_85 = vector.shape_cast %add3A_79 : vector<400x128xf32> to vector<400x1x128xf32>
    tpu.vector_store %arg14[%swap3A_80, %swap3A_81, %swap3A_82], %swap3A_85 {strides = array<i32>} : memref<400x3x128xf32, #tpu.memory_space<vmem>>, vector<400x1x128xf32>,
    return
  }
  func.func @transform_0(%arg0: i32) -> (i32, i32) {
    %c0_i32 = arith.constant 0 : i32
    %c0_i32_0 = arith.constant 0 : i32
    return %arg0, %c0_i32 : i32, i32
  }
  func.func @transform_1(%arg0: i32) -> (i32, i32) {
    %c0_i32 = arith.constant 0 : i32
    %c0_i32_0 = arith.constant 0 : i32
    return %arg0, %c0_i32 : i32, i32
  }
  func.func @transform_2(%arg0: i32) -> (i32, i32) {
    %c0_i32 = arith.constant 0 : i32
    %c0_i32_0 = arith.constant 0 : i32
    return %arg0, %c0_i32 : i32, i32
  }
  func.func @transform_3(%arg0: i32) -> (i32, i32) {
    %c0_i32 = arith.constant 0 : i32
    %c0_i32_0 = arith.constant 0 : i32
    return %arg0, %c0_i32 : i32, i32
  }
  func.func @transform_4(%arg0: i32) -> (i32, i32) {
    %c0_i32 = arith.constant 0 : i32
    %c0_i32_0 = arith.constant 0 : i32
    return %arg0, %c0_i32 : i32, i32
  }
  func.func @transform_5(%arg0: i32) -> (i32, i32) {
    %c0_i32 = arith.constant 0 : i32
    %c0_i32_0 = arith.constant 0 : i32
    return %arg0, %c0_i32 : i32, i32
  }
  func.func @transform_6(%arg0: i32) -> (i32, i32) {
    %c0_i32 = arith.constant 0 : i32
    %c0_i32_0 = arith.constant 0 : i32
    return %arg0, %c0_i32 : i32, i32
  }
  func.func @transform_7(%arg0: i32) -> (i32, i32) {
    %c0_i32 = arith.constant 0 : i32
    %c0_i32_0 = arith.constant 0 : i32
    return %arg0, %c0_i32 : i32, i32
  }
  func.func @transform_8(%arg0: i32) -> (i32, i32) {
    %c0_i32 = arith.constant 0 : i32
    %c0_i32_0 = arith.constant 0 : i32
    %c0_i32_1 = arith.constant 0 : i32
    return %c0_i32, %c0_i32_0 : i32, i32
  }
  func.func @transform_9(%arg0: i32) -> (i32, i32) {
    %c0_i32 = arith.constant 0 : i32
    %c0_i32_0 = arith.constant 0 : i32
    %c0_i32_1 = arith.constant 0 : i32
    return %c0_i32, %c0_i32_0 : i32, i32
  }
  func.func @transform_10(%arg0: i32) -> (i32, i32) {
    %c0_i32 = arith.constant 0 : i32
    %c0_i32_0 = arith.constant 0 : i32
    %c0_i32_1 = arith.constant 0 : i32
    return %c0_i32, %c0_i32_0 : i32, i32
  }
  func.func @transform_11(%arg0: i32) -> (i32, i32) {
    %c0_i32 = arith.constant 0 : i32
    %c0_i32_0 = arith.constant 0 : i32
    %c0_i32_1 = arith.constant 0 : i32
    return %c0_i32, %c0_i32_0 : i32, i32
  }
  func.func @transform_12(%arg0: i32) -> (i32, i32) {
    %c0_i32 = arith.constant 0 : i32
    %c0_i32_0 = arith.constant 0 : i32
    return %arg0, %c0_i32 : i32, i32
  }
  func.func @transform_13(%arg0: i32) -> (i32, i32, i32) {
    %c0_i32 = arith.constant 0 : i32
    %c0_i32_0 = arith.constant 0 : i32
    %c0_i32_1 = arith.constant 0 : i32
    return %arg0, %c0_i32, %c0_i32_0 : i32, i32, i32
  }
}

</mosaic_0001>

<sc_bundles>
// kernel: _impl.10.cloned.1.call-start
scs
__scs_entry_jumppad:
0x0: {  	(pc) =	sbr.rel $0x88, $3  }
0x1: {  	(tag) =	ssettag $0x0;
	lr =	simm.s32 $0x1  }
0x2: {  	[smem:$0x3F87] =	sst lr;
	_ =	strace $0xD0000000  }
0x3: {  	_ = 	snop  }
0x4: {  	_ = 	snop  }
0x5: {  	_ = 	snop  }
0x6: {  	_ = 	snop  }
0x7: {  	_ = 	snop  }
__scs_overlays_trampoline_lowered:
0x8: {  	[smem:$0x3F96] =	sst s0  }
0x9: {  	[smem:$0x3F97] =	sst s1  }
0xa: {  	[smem:$0x3F98] =	sst s2  }
0xb: {  	[smem:$0x3F99] =	sst s3  }
0xc: {  	[smem:$0x3F9A] =	sst s4  }
0xd: {  	[smem:$0x3F9B] =	sst s5  }
0xe: {  	[smem:$0x3F9C] =	sst s6  }
0xf: {  	[smem:$0x3F9D] =	sst s7  }
0x10: {  	[smem:$0x3F9E] =	sst s8  }
0x11: {  	[smem:$0x3F9F] =	sst s9;
	s0 =	simm.s32 @!p0 $0x0  }
0x12: {  	s1 =	sld [smem:$0x3F85];
	s0 =	simm.s32 @p0 $0x1  }
0x13: {  	[smem:$0x3FA0] =	sst s0;
	s0 =	simm.s32 @!p1 $0x0  }
0x14: {  	s2 =	sld [smem:$0x3F84];
	s0 =	simm.s32 @p1 $0x1  }
0x15: {  	[smem:$0x3FA1] =	sst s0;
	s0 =	simm.s32 @!p2 $0x0  }
0x16: {  	s3 =	sld [smem:$0x3FDB];
	s0 =	simm.s32 @p2 $0x1  }
0x17: {  	s4 =	simm.s32 $0x1BF5;
	[smem:$0x3FA3] =	sst s0  }
0x18: {  	s0 =	sld [smem:$0x3F86];
	_ =	swait.ge [sflag:s4], $0x0  }
0x19: {  	s7 =	sld [smem:$0x3F87]  }
0x1a: {  	s8 =	sadd.s32 $0xFFFFE003, lr  }
0x1b: {  	s9 =	sadd.s32 $0xFFFFFEF7, lr;
	s5 =	simm.s32 $0xFFFFFFFF;
	p2 =	slt.u32 s8, $0xFFFFF086  }
0x1c: {  	p1 =	slt.u32 s9, $0xF7A;
	s5 =	simm.s32 @!p2 $0x0  }
0x1d: {  	s5 =	simm.s32 @p1 $0x1;
	p0 =	seq.s32 s7, s2  }
0x1e: {  	s7 =	smul.u32 @!p0 $0xF7A, s2;
	p2 =	seq.s32 @!p0 s5, $0x0  }
0x1f: {  	s9 =	smul.u32 $0xF7A, s1;
	s8 =	simm.s32 @!p0 $0x1BF5;
	p2 =	por !p2, p0  }
0x20: {  	[sflag:s8] =	ssyncset.s32 @!p0 $0xFFFFF086;
	s6 =	sadd.s32 @!p0 s3, s7;
	s7 =	simm.s32 @!p0 $0x108  }
0x21: {  	s3 =	sadd.s32 s3, s9;
	s6 =	sadd.s32 @!p0 $0x88, s6;
	s7 =	simm.s32 @p2 $0x1082  }
0x22: {  	[simem:s7], [sflag:s8] =	dma.local @!p0 [hbm:s6], $0xF7A  }
0x23: {  	s9 =	sor.u32 $0xD0000000, s2;
	s6 =	simm.s32 $0x108;
	_ =	swait.ge @!p0 [sflag:s8], $0x0  }
0x24: {  	s3 =	sadd.s32 $0x88, s3;
	s6 =	simm.s32 @!p1 $0x1082;
	[sflag:s4] =	ssyncset.s32 $0xFFFFF086  }
0x25: {  	[simem:s6], [sflag:s4] =	dma.local [hbm:s3], $0xF7A  }
0x26: {  	[smem:$0x3F87] =	sst s1;
	(tag) =	ssettag s2;
	_ =	strace s9  }
0x27: {  	s1 =	sld [smem:$0x3F97]  }
0x28: {  	s2 =	sld [smem:$0x3F98]  }
0x29: {  	s4 =	sld [smem:$0x3F9A]  }
0x2a: {  	p0 =	seq.s32 s5, $0x0;
	s5 =	sld [smem:$0x3F9B]  }
0x2b: {  	s6 =	sld [smem:$0x3F9C]  }
0x2c: {  	s7 =	sld [smem:$0x3F9D]  }
0x2d: {  	s3 =	simm.s32 $0x108;
	s8 =	sld [smem:$0x3F9E]  }
0x2e: {  	s3 =	simm.s32 @!p0 $0x1082;
	s9 =	sld [smem:$0x3F9F]  }
0x2f: {  	lr =	sadd.s32 s0, s3;
	s0 =	sld [smem:$0x3F96]  }
0x30: {  	s3 =	sld [smem:$0x3F99]  }
0x31: {  	[smem:$0x3FA2] =	sst s10  }
0x32: {  	s10 =	sld [smem:$0x3FA0];
	_ =	sdelay $0x3  }
0x33: {  	p0 =	seq.s32 s10, $0x1;
	s10 =	sld [smem:$0x3FA2];
	_ =	sdelay $0x3  }
0x34: {  	[smem:$0x3FA2] =	sst s10  }
0x35: {  	s10 =	sld [smem:$0x3FA1];
	_ =	sdelay $0x3  }
0x36: {  	p1 =	seq.s32 s10, $0x1;
	s10 =	sld [smem:$0x3FA2];
	_ =	sdelay $0x3  }
0x37: {  	[smem:$0x3FA2] =	sst s10  }
0x38: {  	s10 =	sld [smem:$0x3FA3]  }
0x39: {  	_ = 	snop;
	(pc) =	sbr.ind lr, $3  }
0x3a: {  	_ = 	snop  }
0x3b: {  	_ = 	snop  }
0x3c: {  	p2 =	seq.s32 s10, $0x1;
	s10 =	sld [smem:$0x3FA2]  }
0x3d: {  	_ =	shalt  }
0x3e: {  	_ =	shalt  }
0x3f: {  	_ =	shalt  }
0x40: {  	_ =	shalt  }
0x41: {  	_ =	shalt  }
0x42: {  	_ =	shalt  }
0x43: {  	_ =	shalt  }
0x44: {  	_ =	shalt  }
0x45: {  	_ =	shalt  }
0x46: {  	_ =	shalt  }
0x47: {  	_ =	shalt  }
0x48: {  	_ =	shalt  }
0x49: {  	_ =	shalt  }
0x4a: {  	_ =	shalt  }
0x4b: {  	_ =	shalt  }
0x4c: {  	_ =	shalt  }
0x4d: {  	_ =	shalt  }
0x4e: {  	_ =	shalt  }
0x4f: {  	_ =	shalt  }
0x50: {  	_ =	shalt  }
0x51: {  	_ =	shalt  }
0x52: {  	_ =	shalt  }
0x53: {  	_ =	shalt  }
0x54: {  	_ =	shalt  }
0x55: {  	_ =	shalt  }
0x56: {  	_ =	shalt  }
0x57: {  	_ =	shalt  }
0x58: {  	_ =	shalt  }
0x59: {  	_ =	shalt  }
0x5a: {  	_ =	shalt  }
0x5b: {  	_ =	shalt  }
0x5c: {  	_ =	shalt  }
0x5d: {  	_ =	shalt  }
0x5e: {  	_ =	shalt  }
0x5f: {  	_ =	shalt  }
0x60: {  	_ =	shalt  }
0x61: {  	_ =	shalt  }
0x62: {  	_ =	shalt  }
0x63: {  	_ =	shalt  }
0x64: {  	_ =	shalt  }
0x65: {  	_ =	shalt  }
0x66: {  	_ =	shalt  }
0x67: {  	_ =	shalt  }
0x68: {  	_ =	shalt  }
0x69: {  	_ =	shalt  }
0x6a: {  	_ =	shalt  }
0x6b: {  	_ =	shalt  }
0x6c: {  	_ =	shalt  }
0x6d: {  	_ =	shalt  }
0x6e: {  	_ =	shalt  }
0x6f: {  	_ =	shalt  }
0x70: {  	_ =	shalt  }
0x71: {  	_ =	shalt  }
0x72: {  	_ =	shalt  }
0x73: {  	_ =	shalt  }
0x74: {  	_ =	shalt  }
0x75: {  	_ =	shalt  }
0x76: {  	_ =	shalt  }
0x77: {  	_ =	shalt  }
0x78: {  	_ =	shalt  }
0x79: {  	_ =	shalt  }
0x7a: {  	_ =	shalt  }
0x7b: {  	_ =	shalt  }
0x7c: {  	_ =	shalt  }
0x7d: {  	_ =	shalt  }
0x7e: {  	_ =	shalt  }
0x7f: {  	_ =	shalt  }
0x80: {  	_ =	shalt  }
0x81: {  	_ =	shalt  }
0x82: {  	_ =	shalt  }
0x83: {  	_ =	shalt  }
0x84: {  	_ =	shalt  }
0x85: {  	_ =	shalt  }
0x86: {  	_ =	shalt  }
0x87: {  	_ =	shalt  }
.Lfunc_end0:
.L_simem_size_0:
called_computation.1_lowered:
.L_overlay_start_0:
0x88: {  	s2 =	sld [smem:$0x3FD9]  }
0x89: {  	s3 =	sld [smem:$0x3FFE];
	_ =	sdelay $0x1  }
0x8a: {  	s1 =	srdreg.scid  }
0x8b: {  	s0 =	sand.u32 $0x1, s1  }
0x8c: {  	s14 =	sshll.u32 s0, $0xA;
	s2 =	sadd.s32 s3, s2  }
0x8d: {  	s2 =	sadd.s32 s2, s14  }
0x8e: {  	[smem:$0x3FAE] =	sst s2  }
0x8f: {  	_ = 	snop  }
0x90: {  	s2 =	sld [smem:$0x3FD0];
	_ =	sdelay $0x2  }
0x91: {  	s15 =	simm.s32 $0xA;
	s4 =	simm.s32 $0x10  }
0x92: {  	[smem:s4], [sflag:s15] =	dma.local [hbm:s2], $0x1  }
0x93: {  	_ =	swait.eq [sflag:s15], $0x1  }
0x94: {  	[sflag:s15] =	ssyncset.done $0x0  }
0x95: {  	[sflag:s15] =	ssyncadd.s32 $0xFFFFFFFF  }
0x96: {  	s16 =	sld [smem:$0x10];
	(tm) =	ssettm $0x1  }
0x97: {  	s17 =	sld [smem:$0x3FFB];
	_ =	sdelay $0x3  }
0x98: {  	_ =	strace s17  }
0x99: {  	s3 =	sld [smem:$0x3FFC];
	_ =	sdelay $0x3  }
0x9a: {  	_ =	strace s3  }
0x9b: {  	s3 =	sld [smem:$0x3FFD];
	_ =	sdelay $0x3  }
0x9c: {  	_ =	strace s3  }
0x9d: {  	_ =	strace $0x8FFFFFFF  }
0x9e: {  	s18 =	sld [smem:$0x3FDB];
	_ =	sdelay $0x1  }
0x9f: {  	s19 =	simm.s32 $_scs_section_size  }
0xa0: {  	s5 =	simm.s32 $_size__tile_overlayer_lowered;
	s6 =	simm.s32 $_tile_overlayer_lowered  }
0xa1: {  	s22 =	simm.s32 $0x1BFF;
	s21 =	sshll.u32 s6, $0x1;
	s3 =	sadd.s32 s19, s18  }
0xa2: {  	s7 =	simm.s32 $0x0;
	s20 =	sshll.u32 s5, $0x1;
	s5 =	sadd.s32 s21, s3  }
0xa3: {  	[timem:s7], [sflag:s22] =	dma.local [hbm:s5], s20  }
0xa4: {  	_ =	swait.ge [sflag:s22], s20  }
0xa5: {  	s4 =	ssub.s32 $0x0, s20;
	[sflag:s22] =	ssyncset.done $0x0  }
0xa6: {  	[sflag:s22] =	ssyncadd.s32 s4;
	_ =	sdelay $0x1  }
0xa7: {  	s23 =	simm.s32 $0x1B8B  }
0xa8: {  	_ =	swait.ge [sflag:s23], $0x1  }
0xa9: {  	[sflag:s23] =	ssyncset.done $0x0  }
0xaa: {  	s25 =	simm.s32 $0x1B8E;
	s24 =	sld [smem:$0x3FFE];
	[sflag:s23] =	ssyncadd.s32 $0xFFFFFFFF  }
0xab: {  	s26 =	simm.s32 $execute0_lowered;
	[smem:$0x3FD2] =	sst s25  }
0xac: {  	s5 =	sshll.u32 s26, $0x1;
	_ =	strace $0x80000049;
	[dreg:$0x1] =	wrdreg $0xFFFFFFFF  }
0xad: {  	s28 =	simm.s32 $_size_execute0_lowered;
	s3 =	sadd.s32 s3, s5;
	[dreg:$0x0] =	wrdreg $0x0  }
0xae: {  	s5 =	sshll.u32 s28, $0x1;
	[dreg:$0x2] =	wrdreg s3  }
0xaf: {  	[dreg:$0x3] =	wrdreg s5  }
0xb0: {  	[dreg:$0x4] =	wrdreg $0xC0  }
0xb1: {  	_ =	task [dreg:s7], $0x5FFFF  }
0xb2: {  	[dreg:$0x1] =	wrdreg $0xFFFFFFFF  }
0xb3: {  	[dreg:$0x0] =	wrdreg $0x60  }
0xb4: {  	[dreg:$0x2] =	wrdreg s24  }
0xb5: {  	[dreg:$0x3] =	wrdreg s16  }
0xb6: {  	[dreg:$0x4] =	wrdreg $0x69000  }
0xb7: {  	[dreg:$0x5] =	wrdreg $0x9  }
0xb8: {  	_ =	task.clear_ibuf [dreg:s7], $0x6FFFF;
	_ =	strace $0x90000049  }
0xb9: {  	s29 =	simm.s32 $0x9;
	_ =	strace $0x8000004B  }
0xba: {  	_ =	swait.ge [sflag:s29], $0x1  }
0xbb: {  	[sflag:s29] =	ssyncadd.s32 $0xFFFFFFFF  }
0xbc: {  	_ =	strace $0x9000004B  }
0xbd: {  	_ =	sfence  }
0xbe: {  	s30 =	sld [smem:$0x0];
	_ =	sdelay $0x2  }
0xbf: {  	s31 =	sshll.u32 s1, $0xD;
	s1 =	sshrl.u32 s1, $0x2  }
0xc0: {  	s3 =	sand.u32 $0x4000, s31;
	s1 =	sadd.s32 s1, s30  }
0xc1: {  	s0 =	sor.u32 s3, s0;
	s1 =	sshll.u32 s1, $0x11  }
0xc2: {  	s0 =	sor.u32 s1, s0  }
0xc3: {  	s0 =	sadd.s32 $0x8F2B, s0  }
0xc4: {  	[sflag:s0] =	ssyncadd.remote.s32 $0x1  }
0xc5: {  	_ =	sfence.sel $0xFFFF  }
0xc6: {  	[dreg:$0x0] =	wrdreg $0xFFFFFFFF;
	(pc) =	sbr.abs _section_cstart, $3  }
0xc7: {  	[dreg:$0x1] =	wrdreg $0xFFFFFFFF  }
0xc8: {  	_ =	task.clear_ibuf [dreg:s7], $0x2FFFF;
	_ =	strace $0x9FFFFFFF  }
0xc9: {  	(tm) =	ssettm $0x7FFFFFFF  }
tec
execute0_lowered:
.L_overlay_start_1:
0x0: {  	(tag) =	ssettag $0x1  }
0x1: {  	s0 =	rddreg [dreg:$0x0]  }
0x2: {  	s3 =	rddreg [dreg:$0x1];
	s13 =	stileid.u32  }
0x3: {  	s1 =	rddreg [dreg:$0x2];
	s4 =	smul.u32 $0x27100, s13  }
0x4: {  	s2 =	simm.s32 $0x0;
	s6 =	srdreg.scid;
	s5 =	smul.u32 $0x2700, s13  }
0x5: {  	[smem:$0x7FF] =	sst s2;
	s9 =	smul.u32 $0x2710, s13  }
0x6: {  	s7 =	sadd.s32 $0xA200, s0;
	s14 =	sadd.s32 $0xF9A00, s0;
	s12 =	smul.u32 $0x4E000, s13  }
0x7: {  	s6 =	sand.u32 $0x1, s6;
	s15 =	sadd.s32 $0x36400, s0;
	s19 =	smul.u32 $0x4E2, s13  }
0x8: {  	p2 =	seq.s32 s13, $0x0;
	p1 =	sne.s32 s13, $0x0;
	_ =	strace $0x8000004A  }
0x9: {  	s8 =	ssub.s32 $0x2, s6;
	p0 =	seq.s32 s6, $0x1;
	[dreg:$0x4] =	wrdreg s14  }
0xa: {  	s6 =	sadd.s32 $0x138000, s1;
	[dreg:$0x5] =	wrdreg s15;
	s4 =	sadd.s32 s4, s0  }
0xb: {  	s10 =	sadd.s32 s5, s0;
	s11 =	sshrl.u32 s8, $0x1;
	s26 =	sadd.s32 s3, s5  }
0xc: {  	s23 =	sshrl.u32 s9, $0x3;
	s3 =	sadd.s32 $0x27000, s3;
	[dreg:$0x8] =	wrdreg s26  }
0xd: {  	s24 =	sshrl.u32 s12, $0x2;
	s14 =	sadd.s32 s14, s5;
	[dreg:$0x9] =	wrdreg s3  }
0xe: {  	s0 =	sadd.s32 $0x36200, s0;
	s20 =	sadd.s32 s15, s5;
	[dreg:$0xb] =	wrdreg s14  }
0xf: {  	s15 =	simm.s32 $0x3;
	s5 =	simm.s32 $0x80;
	[dreg:$0xe] =	wrdreg s0  }
0x10: {  	s11 =	ssub.s32 s8, s11;
	s25 =	sadd.s32 $0x19B1E00, s4;
	[dreg:$0x10] =	wrdreg s20  }
0x11: {  	s8 =	sadd.s32 s7, s23;
	s12 =	sadd.s32 $0x1C22E00, s4;
	[dreg:$0x6] =	wrdreg s25  }
0x12: {  	s9 =	sadd.s32 s24, s1;
	s16 =	sadd.s32 $0x1E93E00, s4;
	[dreg:$0xa] =	wrdreg s12  }
0x13: {  	s17 =	sadd.s32 $0xF200, s10;
	s18 =	sadd.s32 $0x2104E00, s4;
	[dreg:$0xc] =	wrdreg s16  }
0x14: {  	s23 =	sadd.s32 $0x19B2800, s4;
	s24 =	sadd.s32 $0x1C23800, s4;
	[dreg:$0xd] =	wrdreg s17  }
0x15: {  	s26 =	sadd.s32 $0x2105800, s4;
	s14 =	simm.s32 $0x5100;
	[dreg:$0xf] =	wrdreg s18  }
0x16: {  	s3 =	simm.s32 $0x2;
	s8 =	sadd.s32 $0x4D8, s8;
	[dreg:$0x13] =	wrdreg s23  }
0x17: {  	s21 =	smax.u32 s11, $0x1;
	s22 =	sadd.s32 $0x1800, s9;
	[dreg:$0x14] =	wrdreg s24  }
0x18: {  	s25 =	sadd.s32 $0x1E94800, s4;
	[dreg:$0x16] =	wrdreg s26;
	s26 =	sadd.s32 $0x3000, s9  }
0x19: {  	s28 =	sadd.s32 $0x4800, s9;
	s29 =	sadd.s32 $0x6000, s9;
	s30 =	sadd.s32 $0x7800, s9  }
0x1a: {  	s31 =	sadd.s32 $0x9000, s9;
	s0 =	sadd.s32 $0xA800, s9;
	s10 =	sadd.s32 $0xD800, s9  }
.Ltmp0:
0x1b: {  	s11 =	sadd.s32 $0xF000, s9;
	s12 =	sadd.s32 $0x10800, s9;
	(pc) =	sbr.rel .LBB2_1-.Ltmp0, $4  }
0x1c: {  	s13 =	sadd.s32 $0x12000, s9;
	s16 =	simm.s32 $0x100;
	[dreg:$0x7] =	wrdreg s8  }
0x1d: {  	s17 =	simm.s32 $0x1;
	s18 =	simm.s32 $0x2900;
	[dreg:$0x11] =	wrdreg s21  }
0x1e: {  	s4 =	simm.s32 $0x50;
	[dreg:$0x12] =	wrdreg s22;
	s22 =	sadd.s32 s19, s7  }
0x1f: {  	v0 =	vimm.f32 $0.0e+00;
	[dreg:$0x15] =	wrdreg s25;
	s7 =	sadd.s32 $0xC000, s9;
	s19 =	simm.s32 $0x0  }
.LBB2_14:
0x20: {  	s8 =	sadd.s32 $0x27000, s23;
	s20 =	sshrl.u32 s6, $0x3  }
0x21: {  	[hbm:s8], [sflag:s21] =	dma.local [spmem:s20], $0x100  }
0x22: {  	_ =	swait.ge [sflag:s15], $0x100  }
0x23: {  	[sflag:s15] =	ssyncset.done $0x0  }
0x24: {  	[sflag:s15] =	ssyncadd.s32 $0xFFFFFF00  }
.LBB2_15:
0x25: {  	s19 =	sadd.s32 $0x1, s19;
	s8 =	rddreg [dreg:$0x11]  }
0x26: {  	p3 =	sne.s32 s19, s8  }
.Ltmp1:
0x27: {  	_ = 	snop;
	(pc) =	sbr.rel @!p3 .LBB2_16-.Ltmp1, $2  }
0x28: {  	_ =	sdelay $0x1  }
0x29: {  	[bflag:$0x0] =	sbarrier.arrive $0xFFFF;
	_ =	sdelay $0x1  }
.LBB2_1:
0x2a: {  	s21 =	simm.s32 $0x70;
	s23 =	simm.s32 $0x3C0  }
.LBB2_2:
0x2b: {  	p3 =	sne.s32 s23, $0x5FC0;
	[tilespmem:s21+$0x5100] =	vst v0  }
0x2c: {  	[tilespmem:s21+$0x5090] =	vst v0  }
0x2d: {  	[tilespmem:s21+$0x50A0] =	vst v0  }
.Ltmp2:
0x2e: {  	[tilespmem:s21+$0x50B0] =	vst v0;
	(pc) =	sbr.rel @p3 .LBB2_2-.Ltmp2, $4  }
0x2f: {  	[tilespmem:s21+$0x50C0] =	vst v0  }
0x30: {  	[tilespmem:s21+$0x50D0] =	vst v0  }
0x31: {  	[tilespmem:s21+$0x50E0] =	vst v0  }
0x32: {  	[tilespmem:s21+$0x50F0] =	vst v0;
	s21 =	sshra.s32 s23, $0x2;
	s23 =	sadd.s32 $0x200, s23  }
0x33: {  	[tilespmem:s21+$0x5100] =	vst v0  }
0x34: {  	[tilespmem:s21+$0x5090] =	vst v0  }
0x35: {  	[tilespmem:s21+$0x50A0] =	vst v0  }
.Ltmp3:
0x36: {  	[tilespmem:s21+$0x50B0] =	vst v0;
	(pc) =	sbr.rel @!p0 .LBB2_4-.Ltmp3, $4  }
0x37: {  	[tilespmem:s21+$0x50C0] =	vst v0  }
0x38: {  	[tilespmem:s21+$0x50D0] =	vst v0  }
0x39: {  	[tilespmem:s21+$0x50E0] =	vst v0  }
0x3a: {  	[tilespmem:s21+$0x50F0] =	vst v0;
	s23 =	sshrl.u32 @!p1 s6, $0x3  }
0x3b: {  	[spmem:s9] =	stream.linear.scatter [tilespmem:s14], [sflag:$0x3], $0x1800, $0x38;
	[tilespmem:$0x1A180] =	vst v63  }
0x3c: {  	_ =	swait.ge [sflag:s15], $0x1800  }
0x3d: {  	[sflag:s15] =	ssyncset.done $0x0  }
0x3e: {  	s8 =	rddreg [dreg:$0x12];
	[sflag:s15] =	ssyncadd.s32 $0xFFFFE800  }
0x3f: {  	[spmem:s8] =	stream.linear.scatter [tilespmem:s14], [sflag:$0x3], $0x1800, $0x38;
	[tilespmem:$0x1A180] =	vst v63  }
0x40: {  	_ =	swait.ge [sflag:s15], $0x1800  }
0x41: {  	[sflag:s15] =	ssyncset.done $0x0  }
0x42: {  	[sflag:s15] =	ssyncadd.s32 $0xFFFFE800  }
0x43: {  	[spmem:s26] =	stream.linear.scatter [tilespmem:s14], [sflag:$0x3], $0x1800, $0x38;
	[tilespmem:$0x1A180] =	vst v63  }
0x44: {  	_ =	swait.ge [sflag:s15], $0x1800  }
0x45: {  	[sflag:s15] =	ssyncset.done $0x0  }
0x46: {  	[sflag:s15] =	ssyncadd.s32 $0xFFFFE800  }
0x47: {  	[spmem:s28] =	stream.linear.scatter [tilespmem:s14], [sflag:$0x3], $0x1800, $0x38;
	[tilespmem:$0x1A180] =	vst v63  }
0x48: {  	_ =	swait.ge [sflag:s15], $0x1800  }
0x49: {  	[sflag:s15] =	ssyncset.done $0x0  }
0x4a: {  	[sflag:s15] =	ssyncadd.s32 $0xFFFFE800  }
0x4b: {  	[spmem:s29] =	stream.linear.scatter [tilespmem:s14], [sflag:$0x3], $0x1800, $0x38;
	[tilespmem:$0x1A180] =	vst v63  }
0x4c: {  	_ =	swait.ge [sflag:s15], $0x1800  }
0x4d: {  	[sflag:s15] =	ssyncset.done $0x0  }
0x4e: {  	[sflag:s15] =	ssyncadd.s32 $0xFFFFE800  }
0x4f: {  	[spmem:s30] =	stream.linear.scatter [tilespmem:s14], [sflag:$0x3], $0x1800, $0x38;
	[tilespmem:$0x1A180] =	vst v63  }
0x50: {  	_ =	swait.ge [sflag:s15], $0x1800  }
0x51: {  	[sflag:s15] =	ssyncset.done $0x0  }
0x52: {  	[sflag:s15] =	ssyncadd.s32 $0xFFFFE800  }
0x53: {  	[spmem:s31] =	stream.linear.scatter [tilespmem:s14], [sflag:$0x3], $0x1800, $0x38;
	[tilespmem:$0x1A180] =	vst v63  }
0x54: {  	_ =	swait.ge [sflag:s15], $0x1800  }
0x55: {  	[sflag:s15] =	ssyncset.done $0x0  }
0x56: {  	[sflag:s15] =	ssyncadd.s32 $0xFFFFE800  }
0x57: {  	[spmem:s0] =	stream.linear.scatter [tilespmem:s14], [sflag:$0x3], $0x1800, $0x38;
	[tilespmem:$0x1A180] =	vst v63  }
0x58: {  	_ =	swait.ge [sflag:s15], $0x1800  }
0x59: {  	[sflag:s15] =	ssyncset.done $0x0  }
0x5a: {  	[sflag:s15] =	ssyncadd.s32 $0xFFFFE800  }
0x5b: {  	[spmem:s7] =	stream.linear.scatter [tilespmem:s14], [sflag:$0x3], $0x1800, $0x38;
	[tilespmem:$0x1A180] =	vst v63  }
0x5c: {  	_ =	swait.ge [sflag:s15], $0x1800  }
0x5d: {  	[sflag:s15] =	ssyncset.done $0x0  }
0x5e: {  	[sflag:s15] =	ssyncadd.s32 $0xFFFFE800  }
0x5f: {  	[spmem:s10] =	stream.linear.scatter [tilespmem:s14], [sflag:$0x3], $0x1800, $0x38;
	[tilespmem:$0x1A180] =	vst v63  }
0x60: {  	_ =	swait.ge [sflag:s15], $0x1800  }
0x61: {  	[sflag:s15] =	ssyncset.done $0x0  }
0x62: {  	[sflag:s15] =	ssyncadd.s32 $0xFFFFE800  }
0x63: {  	[spmem:s11] =	stream.linear.scatter [tilespmem:s14], [sflag:$0x3], $0x1800, $0x38;
	[tilespmem:$0x1A180] =	vst v63  }
0x64: {  	_ =	swait.ge [sflag:s15], $0x1800  }
0x65: {  	[sflag:s15] =	ssyncset.done $0x0  }
0x66: {  	[sflag:s15] =	ssyncadd.s32 $0xFFFFE800  }
0x67: {  	[spmem:s12] =	stream.linear.scatter [tilespmem:s14], [sflag:$0x3], $0x1800, $0x38;
	[tilespmem:$0x1A180] =	vst v63  }
0x68: {  	_ =	swait.ge [sflag:s15], $0x1800  }
0x69: {  	[sflag:s15] =	ssyncset.done $0x0  }
0x6a: {  	[sflag:s15] =	ssyncadd.s32 $0xFFFFE800  }
0x6b: {  	[spmem:s13] =	stream.linear.scatter [tilespmem:s14], [sflag:$0x3], $0x1800, $0x38;
	[tilespmem:$0x1A180] =	vst v63  }
0x6c: {  	_ =	swait.ge [sflag:s15], $0x1800  }
0x6d: {  	[sflag:s15] =	ssyncset.done $0x0  }
0x6e: {  	s21 =	simm.s32 @p2 $0x5100;
	[sflag:s15] =	ssyncadd.s32 $0xFFFFE800  }
0x6f: {  	[spmem:s6] =	stream.linear.scatter @p2 [tilespmem:s21], [sflag:$0x3], $0x800, $0x38;
	[tilespmem:$0x1A180] =	vst v63  }
0x70: {  	s21 =	simm.s32 @p2 $0x3  }
0x71: {  	_ =	swait.ge @p2 [sflag:s21], $0x800  }
0x72: {  	[sflag:s21] =	ssyncset.done @p2 $0x0  }
0x73: {  	[sflag:s21] =	ssyncadd.s32 @p2 $0xFFFFF800  }
0x74: {  	[bflag:$0x0] =	sbarrier.arrive $0xFFFF  }
0x75: {  	s25 =	simm.s32 $0x0;
	s20 =	rddreg [dreg:$0xc]  }
0x76: {  	[tilespmem:s16], [sflag:$0x1] =	stream.linear.gather [hbm4b:s20+s25], $0x2800, $0x38;
	[tilespmem:$0x1A180] =	vst v63  }
0x77: {  	s21 =	sadd.s32 $0x0, s22  }
0x78: {  	[tilespmem:s2], [sflag:$0x3] =	stream.linear.gather [hbm4b:s21+s2], $0x50, $0x38;
	[tilespmem:$0x1A180] =	vst v63  }
0x79: {  	_ =	swait.ge [sflag:s15], $0x50  }
0x7a: {  	[sflag:s15] =	ssyncset.done $0x0  }
0x7b: {  	[sflag:s15] =	ssyncadd.s32 $0xFFFFFFB0  }
0x7c: {  	_ =	swait.ge [sflag:s17], $0x2800  }
0x7d: {  	[sflag:s17] =	ssyncset.done $0x0;
	s24 =	rddreg [dreg:$0x15]  }
0x7e: {  	[sflag:s17] =	ssyncadd.s32 $0xFFFFD800;
	s25 =	sadd.s32 $0xFFFFFB00, s24  }
0x7f: {  	[tilespmem:s18], [sflag:$0x2] =	stream.linear.gather [hbm4b:s25+s2], $0x2800, $0x38;
	[tilespmem:$0x1A180] =	vst v63  }
0x80: {  	_ = 	snop  }
0x81: {  	[spmem:s1] =	stream.indirect.scatter.add.f32 [tilespmem:s16], [sflag:$0x3], $0x80, s2, s4, $0xb8;
	[tilespmem:$0x1A180] =	vst v63  }
0x82: {  	_ =	swait.ge [sflag:s15], $0x2800  }
0x83: {  	[sflag:s15] =	ssyncset.done $0x0  }
0x84: {  	s8 =	sadd.s32 $0xA, s21;
	[sflag:s15] =	ssyncadd.s32 $0xFFFFD800  }
0x85: {  	[tilespmem:s5], [sflag:$0x3] =	stream.linear.gather [hbm4b:s8+s2], $0x50, $0x38;
	[tilespmem:$0x1A180] =	vst v63  }
0x86: {  	_ =	swait.ge [sflag:s15], $0x50  }
0x87: {  	[sflag:s15] =	ssyncset.done $0x0  }
0x88: {  	[sflag:s15] =	ssyncadd.s32 $0xFFFFFFB0  }
0x89: {  	_ =	swait.ge [sflag:s3], $0x2800  }
0x8a: {  	[sflag:s3] =	ssyncset.done $0x0  }
0x8b: {  	[sflag:s3] =	ssyncadd.s32 $0xFFFFD800  }
0x8c: {  	[tilespmem:s16], [sflag:$0x1] =	stream.linear.gather [hbm4b:s24+s2], $0x2800, $0x38;
	[tilespmem:$0x1A180] =	vst v63  }
0x8d: {  	_ = 	snop  }
0x8e: {  	[spmem:s1] =	stream.indirect.scatter.add.f32 [tilespmem:s18], [sflag:$0x3], $0x80, s5, s4, $0xb8;
	[tilespmem:$0x1A180] =	vst v63  }
0x8f: {  	_ =	swait.ge [sflag:s15], $0x2800  }
0x90: {  	s21 =	simm.s32 $0x14;
	[sflag:s15] =	ssyncset.done $0x0  }
.LBB2_10:
0x91: {  	p3 =	sne.s32 s21, $0x4C4;
	[sflag:s15] =	ssyncadd.s32 $0xFFFFD800;
	s24 =	sadd.s32 $0xA00, s24  }
0x92: {  	s8 =	sadd.s32 s21, s22;
	s21 =	sadd.s32 $0x14, s21  }
0x93: {  	[tilespmem:s2], [sflag:$0x3] =	stream.linear.gather [hbm4b:s8+s2], $0x50, $0x38;
	[tilespmem:$0x1A180] =	vst v63  }
0x94: {  	_ =	swait.ge [sflag:s15], $0x50  }
0x95: {  	[sflag:s15] =	ssyncset.done $0x0  }
0x96: {  	[sflag:s15] =	ssyncadd.s32 $0xFFFFFFB0  }
0x97: {  	_ =	swait.ge [sflag:s17], $0x2800  }
0x98: {  	[sflag:s17] =	ssyncset.done $0x0  }
0x99: {  	s20 =	sadd.s32 $0xFFFFFB00, s24;
	[sflag:s17] =	ssyncadd.s32 $0xFFFFD800  }
0x9a: {  	[tilespmem:s18], [sflag:$0x2] =	stream.linear.gather [hbm4b:s20+s2], $0x2800, $0x38;
	[tilespmem:$0x1A180] =	vst v63  }
0x9b: {  	_ = 	snop  }
0x9c: {  	[spmem:s1] =	stream.indirect.scatter.add.f32 [tilespmem:s16], [sflag:$0x3], $0x80, s2, s4, $0xb8;
	[tilespmem:$0x1A180] =	vst v63  }
0x9d: {  	_ =	swait.ge [sflag:s15], $0x2800  }
0x9e: {  	[sflag:s15] =	ssyncset.done $0x0  }
0x9f: {  	s8 =	sadd.s32 $0xA, s8;
	[sflag:s15] =	ssyncadd.s32 $0xFFFFD800  }
0xa0: {  	[tilespmem:s5], [sflag:$0x3] =	stream.linear.gather [hbm4b:s8+s2], $0x50, $0x38;
	[tilespmem:$0x1A180] =	vst v63  }
0xa1: {  	_ =	swait.ge [sflag:s15], $0x50  }
0xa2: {  	[sflag:s15] =	ssyncset.done $0x0  }
0xa3: {  	[sflag:s15] =	ssyncadd.s32 $0xFFFFFFB0  }
0xa4: {  	_ =	swait.ge [sflag:s3], $0x2800  }
0xa5: {  	[sflag:s3] =	ssyncset.done $0x0  }
0xa6: {  	[sflag:s3] =	ssyncadd.s32 $0xFFFFD800  }
0xa7: {  	[tilespmem:s16], [sflag:$0x1] =	stream.linear.gather [hbm4b:s24+s2], $0x2800, $0x38;
	[tilespmem:$0x1A180] =	vst v63  }
.Ltmp4:
0xa8: {  	_ = 	snop;
	(pc) =	sbr.rel @p3 .LBB2_10-.Ltmp4, $4  }
0xa9: {  	_ = 	snop  }
0xaa: {  	[spmem:s1] =	stream.indirect.scatter.add.f32 [tilespmem:s18], [sflag:$0x3], $0x80, s5, s4, $0xb8;
	[tilespmem:$0x1A180] =	vst v63  }
0xab: {  	_ =	swait.ge [sflag:s15], $0x2800  }
0xac: {  	[sflag:s15] =	ssyncset.done $0x0  }
0xad: {  	[sflag:s15] =	ssyncadd.s32 $0xFFFFD800;
	s8 =	rddreg [dreg:$0x7]  }
0xae: {  	[tilespmem:s2], [sflag:$0x3] =	stream.linear.gather [hbm4b:s8+s2], $0x50, $0x38;
	[tilespmem:$0x1A180] =	vst v63  }
0xaf: {  	_ =	swait.ge [sflag:s15], $0x50  }
0xb0: {  	[sflag:s15] =	ssyncset.done $0x0  }
0xb1: {  	[sflag:s15] =	ssyncadd.s32 $0xFFFFFFB0  }
0xb2: {  	_ =	swait.ge [sflag:s17], $0x2800  }
0xb3: {  	[sflag:s17] =	ssyncset.done $0x0  }
0xb4: {  	[sflag:s17] =	ssyncadd.s32 $0xFFFFD800  }
0xb5: {  	[spmem:s1] =	stream.indirect.scatter.add.f32 [tilespmem:s16], [sflag:$0x3], $0x80, s2, s4, $0xb8;
	[tilespmem:$0x1A180] =	vst v63  }
0xb6: {  	_ =	swait.ge [sflag:s15], $0x2800  }
0xb7: {  	[sflag:s15] =	ssyncset.done $0x0  }
0xb8: {  	s25 =	stileid.u32;
	[sflag:s15] =	ssyncadd.s32 $0xFFFFD800  }
0xb9: {  	s8 =	sshll.u32 s25, $0x6;
	[bflag:$0x0] =	sbarrier.arrive $0xFFFF  }
0xba: {  	s24 =	sshrl.u32 s9, $0x3;
	s21 =	sor.u32 $0x1C03, s8;
	s20 =	rddreg [dreg:$0xd]  }
0xbb: {  	[hbm:s20], [sflag:s21] =	dma.local [spmem:s24], $0x2700  }
0xbc: {  	_ =	swait.ge [sflag:s15], $0x2700  }
0xbd: {  	[sflag:s15] =	ssyncset.done $0x0  }
0xbe: {  	s8 =	rddreg [dreg:$0xe];
	[sflag:s15] =	ssyncadd.s32 $0xFFFFD900  }
0xbf: {  	[hbm:s8], [sflag:s21] =	dma.local @!p1 [spmem:s23], $0x100  }
0xc0: {  	s8 =	simm.s32 @!p1 $0x3  }
0xc1: {  	_ =	swait.ge @!p1 [sflag:s8], $0x100  }
0xc2: {  	[sflag:s8] =	ssyncset.done @!p1 $0x0  }
0xc3: {  	[sflag:s8] =	ssyncadd.s32 @!p1 $0xFFFFFF00  }
0xc4: {  	[bflag:$0x0] =	sbarrier.arrive $0xFFFF  }
0xc5: {  	[spmem:s9] =	stream.linear.scatter [tilespmem:s14], [sflag:$0x3], $0x1800, $0x38;
	[tilespmem:$0x1A180] =	vst v63  }
0xc6: {  	_ =	swait.ge [sflag:s15], $0x1800  }
0xc7: {  	[sflag:s15] =	ssyncset.done $0x0  }
0xc8: {  	s20 =	rddreg [dreg:$0x12];
	[sflag:s15] =	ssyncadd.s32 $0xFFFFE800  }
0xc9: {  	[spmem:s20] =	stream.linear.scatter [tilespmem:s14], [sflag:$0x3], $0x1800, $0x38;
	[tilespmem:$0x1A180] =	vst v63  }
0xca: {  	_ =	swait.ge [sflag:s15], $0x1800  }
0xcb: {  	[sflag:s15] =	ssyncset.done $0x0  }
0xcc: {  	[sflag:s15] =	ssyncadd.s32 $0xFFFFE800  }
0xcd: {  	[spmem:s26] =	stream.linear.scatter [tilespmem:s14], [sflag:$0x3], $0x1800, $0x38;
	[tilespmem:$0x1A180] =	vst v63  }
0xce: {  	_ =	swait.ge [sflag:s15], $0x1800  }
0xcf: {  	[sflag:s15] =	ssyncset.done $0x0  }
0xd0: {  	[sflag:s15] =	ssyncadd.s32 $0xFFFFE800  }
0xd1: {  	[spmem:s28] =	stream.linear.scatter [tilespmem:s14], [sflag:$0x3], $0x1800, $0x38;
	[tilespmem:$0x1A180] =	vst v63  }
0xd2: {  	_ =	swait.ge [sflag:s15], $0x1800  }
0xd3: {  	[sflag:s15] =	ssyncset.done $0x0  }
0xd4: {  	[sflag:s15] =	ssyncadd.s32 $0xFFFFE800  }
0xd5: {  	[spmem:s29] =	stream.linear.scatter [tilespmem:s14], [sflag:$0x3], $0x1800, $0x38;
	[tilespmem:$0x1A180] =	vst v63  }
0xd6: {  	_ =	swait.ge [sflag:s15], $0x1800  }
0xd7: {  	[sflag:s15] =	ssyncset.done $0x0  }
0xd8: {  	[sflag:s15] =	ssyncadd.s32 $0xFFFFE800  }
0xd9: {  	[spmem:s30] =	stream.linear.scatter [tilespmem:s14], [sflag:$0x3], $0x1800, $0x38;
	[tilespmem:$0x1A180] =	vst v63  }
0xda: {  	_ =	swait.ge [sflag:s15], $0x1800  }
0xdb: {  	[sflag:s15] =	ssyncset.done $0x0  }
0xdc: {  	[sflag:s15] =	ssyncadd.s32 $0xFFFFE800  }
0xdd: {  	[spmem:s31] =	stream.linear.scatter [tilespmem:s14], [sflag:$0x3], $0x1800, $0x38;
	[tilespmem:$0x1A180] =	vst v63  }
0xde: {  	_ =	swait.ge [sflag:s15], $0x1800  }
0xdf: {  	[sflag:s15] =	ssyncset.done $0x0  }
0xe0: {  	[sflag:s15] =	ssyncadd.s32 $0xFFFFE800  }
0xe1: {  	[spmem:s0] =	stream.linear.scatter [tilespmem:s14], [sflag:$0x3], $0x1800, $0x38;
	[tilespmem:$0x1A180] =	vst v63  }
0xe2: {  	_ =	swait.ge [sflag:s15], $0x1800  }
0xe3: {  	[sflag:s15] =	ssyncset.done $0x0  }
0xe4: {  	[sflag:s15] =	ssyncadd.s32 $0xFFFFE800  }
0xe5: {  	[spmem:s7] =	stream.linear.scatter [tilespmem:s14], [sflag:$0x3], $0x1800, $0x38;
	[tilespmem:$0x1A180] =	vst v63  }
0xe6: {  	_ =	swait.ge [sflag:s15], $0x1800  }
0xe7: {  	[sflag:s15] =	ssyncset.done $0x0  }
0xe8: {  	[sflag:s15] =	ssyncadd.s32 $0xFFFFE800  }
0xe9: {  	[spmem:s10] =	stream.linear.scatter [tilespmem:s14], [sflag:$0x3], $0x1800, $0x38;
	[tilespmem:$0x1A180] =	vst v63  }
0xea: {  	_ =	swait.ge [sflag:s15], $0x1800  }
0xeb: {  	[sflag:s15] =	ssyncset.done $0x0  }
0xec: {  	[sflag:s15] =	ssyncadd.s32 $0xFFFFE800  }
0xed: {  	[spmem:s11] =	stream.linear.scatter [tilespmem:s14], [sflag:$0x3], $0x1800, $0x38;
	[tilespmem:$0x1A180] =	vst v63  }
0xee: {  	_ =	swait.ge [sflag:s15], $0x1800  }
0xef: {  	[sflag:s15] =	ssyncset.done $0x0  }
0xf0: {  	[sflag:s15] =	ssyncadd.s32 $0xFFFFE800  }
0xf1: {  	[spmem:s12] =	stream.linear.scatter [tilespmem:s14], [sflag:$0x3], $0x1800, $0x38;
	[tilespmem:$0x1A180] =	vst v63  }
0xf2: {  	_ =	swait.ge [sflag:s15], $0x1800  }
0xf3: {  	[sflag:s15] =	ssyncset.done $0x0  }
0xf4: {  	[sflag:s15] =	ssyncadd.s32 $0xFFFFE800  }
0xf5: {  	[spmem:s13] =	stream.linear.scatter [tilespmem:s14], [sflag:$0x3], $0x1800, $0x38;
	[tilespmem:$0x1A180] =	vst v63  }
0xf6: {  	_ =	swait.ge [sflag:s15], $0x1800  }
0xf7: {  	[sflag:s15] =	ssyncset.done $0x0  }
0xf8: {  	s20 =	simm.s32 @!p1 $0x5100;
	[sflag:s15] =	ssyncadd.s32 $0xFFFFE800  }
0xf9: {  	[spmem:s6] =	stream.linear.scatter @!p1 [tilespmem:s20], [sflag:$0x3], $0x800, $0x38;
	[tilespmem:$0x1A180] =	vst v63  }
0xfa: {  	_ =	swait.ge @!p1 [sflag:s8], $0x800  }
0xfb: {  	[sflag:s8] =	ssyncset.done @!p1 $0x0  }
0xfc: {  	[sflag:s8] =	ssyncadd.s32 @!p1 $0xFFFFF800  }
0xfd: {  	[bflag:$0x0] =	sbarrier.arrive $0xFFFF  }
0xfe: {  	s23 =	simm.s32 $0x0;
	s25 =	rddreg [dreg:$0xf]  }
0xff: {  	[tilespmem:s16], [sflag:$0x1] =	stream.linear.gather [hbm4b:s25+s23], $0x2800, $0x38;
	[tilespmem:$0x1A180] =	vst v63  }
0x100: {  	s8 =	sadd.s32 $0x0, s22  }
0x101: {  	[tilespmem:s2], [sflag:$0x3] =	stream.linear.gather [hbm4b:s8+s2], $0x50, $0x38;
	[tilespmem:$0x1A180] =	vst v63  }
0x102: {  	_ =	swait.ge [sflag:s15], $0x50  }
0x103: {  	[sflag:s15] =	ssyncset.done $0x0  }
0x104: {  	[sflag:s15] =	ssyncadd.s32 $0xFFFFFFB0  }
0x105: {  	_ =	swait.ge [sflag:s17], $0x2800  }
0x106: {  	[sflag:s17] =	ssyncset.done $0x0;
	s25 =	rddreg [dreg:$0x16]  }
0x107: {  	[sflag:s17] =	ssyncadd.s32 $0xFFFFD800;
	s23 =	sadd.s32 $0xFFFFFB00, s25  }
0x108: {  	[tilespmem:s18], [sflag:$0x2] =	stream.linear.gather [hbm4b:s23+s2], $0x2800, $0x38;
	[tilespmem:$0x1A180] =	vst v63  }
0x109: {  	_ = 	snop  }
0x10a: {  	[spmem:s1] =	stream.indirect.scatter.add.f32 [tilespmem:s16], [sflag:$0x3], $0x80, s2, s4, $0xb8;
	[tilespmem:$0x1A180] =	vst v63  }
0x10b: {  	_ =	swait.ge [sflag:s15], $0x2800  }
0x10c: {  	[sflag:s15] =	ssyncset.done $0x0  }
0x10d: {  	s8 =	sadd.s32 $0xA, s8;
	[sflag:s15] =	ssyncadd.s32 $0xFFFFD800  }
0x10e: {  	[tilespmem:s5], [sflag:$0x3] =	stream.linear.gather [hbm4b:s8+s2], $0x50, $0x38;
	[tilespmem:$0x1A180] =	vst v63  }
0x10f: {  	_ =	swait.ge [sflag:s15], $0x50  }
0x110: {  	[sflag:s15] =	ssyncset.done $0x0  }
0x111: {  	[sflag:s15] =	ssyncadd.s32 $0xFFFFFFB0  }
0x112: {  	_ =	swait.ge [sflag:s3], $0x2800  }
0x113: {  	[sflag:s3] =	ssyncset.done $0x0  }
0x114: {  	[sflag:s3] =	ssyncadd.s32 $0xFFFFD800  }
0x115: {  	[tilespmem:s16], [sflag:$0x1] =	stream.linear.gather [hbm4b:s25+s2], $0x2800, $0x38;
	[tilespmem:$0x1A180] =	vst v63  }
0x116: {  	_ = 	snop  }
0x117: {  	[spmem:s1] =	stream.indirect.scatter.add.f32 [tilespmem:s18], [sflag:$0x3], $0x80, s5, s4, $0xb8;
	[tilespmem:$0x1A180] =	vst v63  }
0x118: {  	_ =	swait.ge [sflag:s15], $0x2800  }
0x119: {  	s23 =	simm.s32 $0x14;
	[sflag:s15] =	ssyncset.done $0x0  }
.LBB2_12:
0x11a: {  	p3 =	sne.s32 s23, $0x4C4;
	[sflag:s15] =	ssyncadd.s32 $0xFFFFD800;
	s25 =	sadd.s32 $0xA00, s25  }
0x11b: {  	s8 =	sadd.s32 s23, s22;
	s23 =	sadd.s32 $0x14, s23  }
0x11c: {  	[tilespmem:s2], [sflag:$0x3] =	stream.linear.gather [hbm4b:s8+s2], $0x50, $0x38;
	[tilespmem:$0x1A180] =	vst v63  }
0x11d: {  	_ =	swait.ge [sflag:s15], $0x50  }
0x11e: {  	[sflag:s15] =	ssyncset.done $0x0  }
0x11f: {  	[sflag:s15] =	ssyncadd.s32 $0xFFFFFFB0  }
0x120: {  	_ =	swait.ge [sflag:s17], $0x2800  }
0x121: {  	[sflag:s17] =	ssyncset.done $0x0  }
0x122: {  	s20 =	sadd.s32 $0xFFFFFB00, s25;
	[sflag:s17] =	ssyncadd.s32 $0xFFFFD800  }
0x123: {  	[tilespmem:s18], [sflag:$0x2] =	stream.linear.gather [hbm4b:s20+s2], $0x2800, $0x38;
	[tilespmem:$0x1A180] =	vst v63  }
0x124: {  	_ = 	snop  }
0x125: {  	[spmem:s1] =	stream.indirect.scatter.add.f32 [tilespmem:s16], [sflag:$0x3], $0x80, s2, s4, $0xb8;
	[tilespmem:$0x1A180] =	vst v63  }
0x126: {  	_ =	swait.ge [sflag:s15], $0x2800  }
0x127: {  	[sflag:s15] =	ssyncset.done $0x0  }
0x128: {  	s8 =	sadd.s32 $0xA, s8;
	[sflag:s15] =	ssyncadd.s32 $0xFFFFD800  }
0x129: {  	[tilespmem:s5], [sflag:$0x3] =	stream.linear.gather [hbm4b:s8+s2], $0x50, $0x38;
	[tilespmem:$0x1A180] =	vst v63  }
0x12a: {  	_ =	swait.ge [sflag:s15], $0x50  }
0x12b: {  	[sflag:s15] =	ssyncset.done $0x0  }
0x12c: {  	[sflag:s15] =	ssyncadd.s32 $0xFFFFFFB0  }
0x12d: {  	_ =	swait.ge [sflag:s3], $0x2800  }
0x12e: {  	[sflag:s3] =	ssyncset.done $0x0  }
0x12f: {  	[sflag:s3] =	ssyncadd.s32 $0xFFFFD800  }
0x130: {  	[tilespmem:s16], [sflag:$0x1] =	stream.linear.gather [hbm4b:s25+s2], $0x2800, $0x38;
	[tilespmem:$0x1A180] =	vst v63  }
.Ltmp5:
0x131: {  	_ = 	snop;
	(pc) =	sbr.rel @p3 .LBB2_12-.Ltmp5, $4  }
0x132: {  	_ = 	snop  }
0x133: {  	[spmem:s1] =	stream.indirect.scatter.add.f32 [tilespmem:s18], [sflag:$0x3], $0x80, s5, s4, $0xb8;
	[tilespmem:$0x1A180] =	vst v63  }
0x134: {  	_ =	swait.ge [sflag:s15], $0x2800  }
0x135: {  	[sflag:s15] =	ssyncset.done $0x0  }
0x136: {  	[sflag:s15] =	ssyncadd.s32 $0xFFFFD800;
	s8 =	rddreg [dreg:$0x7]  }
0x137: {  	[tilespmem:s2], [sflag:$0x3] =	stream.linear.gather [hbm4b:s8+s2], $0x50, $0x38;
	[tilespmem:$0x1A180] =	vst v63  }
0x138: {  	_ =	swait.ge [sflag:s15], $0x50  }
0x139: {  	[sflag:s15] =	ssyncset.done $0x0  }
0x13a: {  	[sflag:s15] =	ssyncadd.s32 $0xFFFFFFB0  }
0x13b: {  	_ =	swait.ge [sflag:s17], $0x2800  }
0x13c: {  	[sflag:s17] =	ssyncset.done $0x0  }
0x13d: {  	[sflag:s17] =	ssyncadd.s32 $0xFFFFD800  }
0x13e: {  	[spmem:s1] =	stream.indirect.scatter.add.f32 [tilespmem:s16], [sflag:$0x3], $0x80, s2, s4, $0xb8;
	[tilespmem:$0x1A180] =	vst v63  }
0x13f: {  	_ =	swait.ge [sflag:s15], $0x2800  }
0x140: {  	[sflag:s15] =	ssyncset.done $0x0  }
0x141: {  	[sflag:s15] =	ssyncadd.s32 $0xFFFFD800  }
0x142: {  	[bflag:$0x0] =	sbarrier.arrive $0xFFFF  }
0x143: {  	s25 =	rddreg [dreg:$0x10]  }
0x144: {  	[hbm:s25], [sflag:s21] =	dma.local [spmem:s24], $0x2700  }
.Ltmp6:
0x145: {  	_ = 	snop;
	(pc) =	sbr.rel @p1 .LBB2_15-.Ltmp6, $4  }
.Ltmp7:
0x146: {  	_ = 	snop;
	(pc) =	sbr.rel @!p1 .LBB2_14-.Ltmp7, $4  }
0x147: {  	_ =	swait.ge [sflag:s15], $0x2700  }
0x148: {  	[sflag:s15] =	ssyncset.done $0x0  }
0x149: {  	s23 =	rddreg [dreg:$0x5];
	[sflag:s15] =	ssyncadd.s32 $0xFFFFD900  }
0x14a: {  	_ = 	snop  }
.LBB2_4:
0x14b: {  	[spmem:s9] =	stream.linear.scatter [tilespmem:s14], [sflag:$0x3], $0x1800, $0x38;
	[tilespmem:$0x1A180] =	vst v63  }
0x14c: {  	_ =	swait.ge [sflag:s15], $0x1800  }
0x14d: {  	[sflag:s15] =	ssyncset.done $0x0  }
0x14e: {  	s8 =	rddreg [dreg:$0x12];
	[sflag:s15] =	ssyncadd.s32 $0xFFFFE800  }
0x14f: {  	[spmem:s8] =	stream.linear.scatter [tilespmem:s14], [sflag:$0x3], $0x1800, $0x38;
	[tilespmem:$0x1A180] =	vst v63  }
0x150: {  	_ =	swait.ge [sflag:s15], $0x1800  }
0x151: {  	[sflag:s15] =	ssyncset.done $0x0  }
0x152: {  	[sflag:s15] =	ssyncadd.s32 $0xFFFFE800  }
0x153: {  	[spmem:s26] =	stream.linear.scatter [tilespmem:s14], [sflag:$0x3], $0x1800, $0x38;
	[tilespmem:$0x1A180] =	vst v63  }
0x154: {  	_ =	swait.ge [sflag:s15], $0x1800  }
0x155: {  	[sflag:s15] =	ssyncset.done $0x0  }
0x156: {  	[sflag:s15] =	ssyncadd.s32 $0xFFFFE800  }
0x157: {  	[spmem:s28] =	stream.linear.scatter [tilespmem:s14], [sflag:$0x3], $0x1800, $0x38;
	[tilespmem:$0x1A180] =	vst v63  }
0x158: {  	_ =	swait.ge [sflag:s15], $0x1800  }
0x159: {  	[sflag:s15] =	ssyncset.done $0x0  }
0x15a: {  	[sflag:s15] =	ssyncadd.s32 $0xFFFFE800  }
0x15b: {  	[spmem:s29] =	stream.linear.scatter [tilespmem:s14], [sflag:$0x3], $0x1800, $0x38;
	[tilespmem:$0x1A180] =	vst v63  }
0x15c: {  	_ =	swait.ge [sflag:s15], $0x1800  }
0x15d: {  	[sflag:s15] =	ssyncset.done $0x0  }
0x15e: {  	[sflag:s15] =	ssyncadd.s32 $0xFFFFE800  }
0x15f: {  	[spmem:s30] =	stream.linear.scatter [tilespmem:s14], [sflag:$0x3], $0x1800, $0x38;
	[tilespmem:$0x1A180] =	vst v63  }
0x160: {  	_ =	swait.ge [sflag:s15], $0x1800  }
0x161: {  	[sflag:s15] =	ssyncset.done $0x0  }
0x162: {  	[sflag:s15] =	ssyncadd.s32 $0xFFFFE800  }
0x163: {  	[spmem:s31] =	stream.linear.scatter [tilespmem:s14], [sflag:$0x3], $0x1800, $0x38;
	[tilespmem:$0x1A180] =	vst v63  }
0x164: {  	_ =	swait.ge [sflag:s15], $0x1800  }
0x165: {  	[sflag:s15] =	ssyncset.done $0x0  }
0x166: {  	[sflag:s15] =	ssyncadd.s32 $0xFFFFE800  }
0x167: {  	[spmem:s0] =	stream.linear.scatter [tilespmem:s14], [sflag:$0x3], $0x1800, $0x38;
	[tilespmem:$0x1A180] =	vst v63  }
0x168: {  	_ =	swait.ge [sflag:s15], $0x1800  }
0x169: {  	[sflag:s15] =	ssyncset.done $0x0  }
0x16a: {  	[sflag:s15] =	ssyncadd.s32 $0xFFFFE800  }
0x16b: {  	[spmem:s7] =	stream.linear.scatter [tilespmem:s14], [sflag:$0x3], $0x1800, $0x38;
	[tilespmem:$0x1A180] =	vst v63  }
0x16c: {  	_ =	swait.ge [sflag:s15], $0x1800  }
0x16d: {  	[sflag:s15] =	ssyncset.done $0x0  }
0x16e: {  	[sflag:s15] =	ssyncadd.s32 $0xFFFFE800  }
0x16f: {  	[spmem:s10] =	stream.linear.scatter [tilespmem:s14], [sflag:$0x3], $0x1800, $0x38;
	[tilespmem:$0x1A180] =	vst v63  }
0x170: {  	_ =	swait.ge [sflag:s15], $0x1800  }
0x171: {  	[sflag:s15] =	ssyncset.done $0x0  }
0x172: {  	[sflag:s15] =	ssyncadd.s32 $0xFFFFE800  }
0x173: {  	[spmem:s11] =	stream.linear.scatter [tilespmem:s14], [sflag:$0x3], $0x1800, $0x38;
	[tilespmem:$0x1A180] =	vst v63  }
0x174: {  	_ =	swait.ge [sflag:s15], $0x1800  }
0x175: {  	[sflag:s15] =	ssyncset.done $0x0  }
0x176: {  	[sflag:s15] =	ssyncadd.s32 $0xFFFFE800  }
0x177: {  	[spmem:s12] =	stream.linear.scatter [tilespmem:s14], [sflag:$0x3], $0x1800, $0x38;
	[tilespmem:$0x1A180] =	vst v63  }
0x178: {  	_ =	swait.ge [sflag:s15], $0x1800  }
0x179: {  	[sflag:s15] =	ssyncset.done $0x0  }
0x17a: {  	[sflag:s15] =	ssyncadd.s32 $0xFFFFE800  }
0x17b: {  	[spmem:s13] =	stream.linear.scatter [tilespmem:s14], [sflag:$0x3], $0x1800, $0x38;
	[tilespmem:$0x1A180] =	vst v63  }
0x17c: {  	_ =	swait.ge [sflag:s15], $0x1800  }
0x17d: {  	[sflag:s15] =	ssyncset.done $0x0  }
0x17e: {  	s21 =	simm.s32 @p2 $0x5100;
	[sflag:s15] =	ssyncadd.s32 $0xFFFFE800  }
0x17f: {  	[spmem:s6] =	stream.linear.scatter @p2 [tilespmem:s21], [sflag:$0x3], $0x800, $0x38;
	[tilespmem:$0x1A180] =	vst v63  }
0x180: {  	s21 =	simm.s32 @p2 $0x3  }
0x181: {  	_ =	swait.ge @p2 [sflag:s21], $0x800  }
0x182: {  	[sflag:s21] =	ssyncset.done @p2 $0x0  }
0x183: {  	[sflag:s21] =	ssyncadd.s32 @p2 $0xFFFFF800  }
0x184: {  	[bflag:$0x0] =	sbarrier.arrive $0xFFFF  }
0x185: {  	s24 =	simm.s32 $0x0;
	s25 =	rddreg [dreg:$0x6]  }
0x186: {  	[tilespmem:s16], [sflag:$0x1] =	stream.linear.gather [hbm4b:s25+s24], $0x2800, $0x38;
	[tilespmem:$0x1A180] =	vst v63  }
0x187: {  	s20 =	sadd.s32 $0x0, s22  }
0x188: {  	[tilespmem:s2], [sflag:$0x3] =	stream.linear.gather [hbm4b:s20+s2], $0x50, $0x38;
	[tilespmem:$0x1A180] =	vst v63  }
0x189: {  	_ =	swait.ge [sflag:s15], $0x50  }
0x18a: {  	[sflag:s15] =	ssyncset.done $0x0  }
0x18b: {  	[sflag:s15] =	ssyncadd.s32 $0xFFFFFFB0  }
0x18c: {  	_ =	swait.ge [sflag:s17], $0x2800  }
0x18d: {  	[sflag:s17] =	ssyncset.done $0x0;
	s25 =	rddreg [dreg:$0x13]  }
0x18e: {  	[sflag:s17] =	ssyncadd.s32 $0xFFFFD800;
	s24 =	sadd.s32 $0xFFFFFB00, s25  }
0x18f: {  	[tilespmem:s18], [sflag:$0x2] =	stream.linear.gather [hbm4b:s24+s2], $0x2800, $0x38;
	[tilespmem:$0x1A180] =	vst v63  }
0x190: {  	_ = 	snop  }
0x191: {  	[spmem:s1] =	stream.indirect.scatter.add.f32 [tilespmem:s16], [sflag:$0x3], $0x80, s2, s4, $0xb8;
	[tilespmem:$0x1A180] =	vst v63  }
0x192: {  	_ =	swait.ge [sflag:s15], $0x2800  }
0x193: {  	[sflag:s15] =	ssyncset.done $0x0  }
0x194: {  	s21 =	sadd.s32 $0xA, s20;
	[sflag:s15] =	ssyncadd.s32 $0xFFFFD800  }
0x195: {  	[tilespmem:s5], [sflag:$0x3] =	stream.linear.gather [hbm4b:s21+s2], $0x50, $0x38;
	[tilespmem:$0x1A180] =	vst v63  }
0x196: {  	_ =	swait.ge [sflag:s15], $0x50  }
0x197: {  	[sflag:s15] =	ssyncset.done $0x0  }
0x198: {  	[sflag:s15] =	ssyncadd.s32 $0xFFFFFFB0  }
0x199: {  	_ =	swait.ge [sflag:s3], $0x2800  }
0x19a: {  	[sflag:s3] =	ssyncset.done $0x0  }
0x19b: {  	[sflag:s3] =	ssyncadd.s32 $0xFFFFD800  }
0x19c: {  	[tilespmem:s16], [sflag:$0x1] =	stream.linear.gather [hbm4b:s25+s2], $0x2800, $0x38;
	[tilespmem:$0x1A180] =	vst v63  }
0x19d: {  	_ = 	snop  }
0x19e: {  	[spmem:s1] =	stream.indirect.scatter.add.f32 [tilespmem:s18], [sflag:$0x3], $0x80, s5, s4, $0xb8;
	[tilespmem:$0x1A180] =	vst v63  }
0x19f: {  	_ =	swait.ge [sflag:s15], $0x2800  }
0x1a0: {  	s24 =	smov.u32 s25;
	s21 =	simm.s32 $0x14;
	[sflag:s15] =	ssyncset.done $0x0  }
.LBB2_5:
0x1a1: {  	p3 =	sne.s32 s21, $0x4C4;
	[sflag:s15] =	ssyncadd.s32 $0xFFFFD800;
	s24 =	sadd.s32 $0xA00, s24  }
0x1a2: {  	s25 =	sadd.s32 s21, s22;
	s21 =	sadd.s32 $0x14, s21  }
0x1a3: {  	[tilespmem:s2], [sflag:$0x3] =	stream.linear.gather [hbm4b:s25+s2], $0x50, $0x38;
	[tilespmem:$0x1A180] =	vst v63  }
0x1a4: {  	_ =	swait.ge [sflag:s15], $0x50  }
0x1a5: {  	[sflag:s15] =	ssyncset.done $0x0  }
0x1a6: {  	[sflag:s15] =	ssyncadd.s32 $0xFFFFFFB0  }
0x1a7: {  	_ =	swait.ge [sflag:s17], $0x2800  }
0x1a8: {  	[sflag:s17] =	ssyncset.done $0x0  }
0x1a9: {  	s8 =	sadd.s32 $0xFFFFFB00, s24;
	[sflag:s17] =	ssyncadd.s32 $0xFFFFD800  }
0x1aa: {  	[tilespmem:s18], [sflag:$0x2] =	stream.linear.gather [hbm4b:s8+s2], $0x2800, $0x38;
	[tilespmem:$0x1A180] =	vst v63  }
0x1ab: {  	_ = 	snop  }
0x1ac: {  	[spmem:s1] =	stream.indirect.scatter.add.f32 [tilespmem:s16], [sflag:$0x3], $0x80, s2, s4, $0xb8;
	[tilespmem:$0x1A180] =	vst v63  }
0x1ad: {  	_ =	swait.ge [sflag:s15], $0x2800  }
0x1ae: {  	[sflag:s15] =	ssyncset.done $0x0  }
0x1af: {  	s8 =	sadd.s32 $0xA, s25;
	[sflag:s15] =	ssyncadd.s32 $0xFFFFD800  }
0x1b0: {  	[tilespmem:s5], [sflag:$0x3] =	stream.linear.gather [hbm4b:s8+s2], $0x50, $0x38;
	[tilespmem:$0x1A180] =	vst v63  }
0x1b1: {  	_ =	swait.ge [sflag:s15], $0x50  }
0x1b2: {  	[sflag:s15] =	ssyncset.done $0x0  }
0x1b3: {  	[sflag:s15] =	ssyncadd.s32 $0xFFFFFFB0  }
0x1b4: {  	_ =	swait.ge [sflag:s3], $0x2800  }
0x1b5: {  	[sflag:s3] =	ssyncset.done $0x0  }
0x1b6: {  	[sflag:s3] =	ssyncadd.s32 $0xFFFFD800  }
0x1b7: {  	[tilespmem:s16], [sflag:$0x1] =	stream.linear.gather [hbm4b:s24+s2], $0x2800, $0x38;
	[tilespmem:$0x1A180] =	vst v63  }
.Ltmp8:
0x1b8: {  	_ = 	snop;
	(pc) =	sbr.rel @p3 .LBB2_5-.Ltmp8, $4  }
0x1b9: {  	_ = 	snop  }
0x1ba: {  	[spmem:s1] =	stream.indirect.scatter.add.f32 [tilespmem:s18], [sflag:$0x3], $0x80, s5, s4, $0xb8;
	[tilespmem:$0x1A180] =	vst v63  }
0x1bb: {  	_ =	swait.ge [sflag:s15], $0x2800  }
0x1bc: {  	[sflag:s15] =	ssyncset.done $0x0  }
0x1bd: {  	[sflag:s15] =	ssyncadd.s32 $0xFFFFD800;
	s8 =	rddreg [dreg:$0x7]  }
0x1be: {  	[tilespmem:s2], [sflag:$0x3] =	stream.linear.gather [hbm4b:s8+s2], $0x50, $0x38;
	[tilespmem:$0x1A180] =	vst v63  }
0x1bf: {  	_ =	swait.ge [sflag:s15], $0x50  }
0x1c0: {  	[sflag:s15] =	ssyncset.done $0x0  }
0x1c1: {  	[sflag:s15] =	ssyncadd.s32 $0xFFFFFFB0  }
0x1c2: {  	_ =	swait.ge [sflag:s17], $0x2800  }
0x1c3: {  	[sflag:s17] =	ssyncset.done $0x0  }
0x1c4: {  	[sflag:s17] =	ssyncadd.s32 $0xFFFFD800  }
0x1c5: {  	[spmem:s1] =	stream.indirect.scatter.add.f32 [tilespmem:s16], [sflag:$0x3], $0x80, s2, s4, $0xb8;
	[tilespmem:$0x1A180] =	vst v63  }
0x1c6: {  	_ =	swait.ge [sflag:s15], $0x2800  }
0x1c7: {  	[sflag:s15] =	ssyncset.done $0x0  }
0x1c8: {  	s25 =	stileid.u32;
	[sflag:s15] =	ssyncadd.s32 $0xFFFFD800  }
0x1c9: {  	s8 =	sshll.u32 s25, $0x6;
	[bflag:$0x0] =	sbarrier.arrive $0xFFFF  }
0x1ca: {  	s24 =	sshrl.u32 s9, $0x3;
	s21 =	sor.u32 $0x1C03, s8;
	s20 =	rddreg [dreg:$0x8]  }
0x1cb: {  	[hbm:s20], [sflag:s21] =	dma.local [spmem:s24], $0x2700  }
0x1cc: {  	_ =	swait.ge [sflag:s15], $0x2700  }
0x1cd: {  	[sflag:s15] =	ssyncset.done $0x0  }
0x1ce: {  	s8 =	rddreg [dreg:$0x9];
	[sflag:s15] =	ssyncadd.s32 $0xFFFFD900  }
0x1cf: {  	[hbm:s8], [sflag:s21] =	dma.local @!p1 [spmem:s23], $0x100  }
0x1d0: {  	s8 =	simm.s32 @!p1 $0x3  }
0x1d1: {  	_ =	swait.ge @!p1 [sflag:s8], $0x100  }
0x1d2: {  	[sflag:s8] =	ssyncset.done @!p1 $0x0  }
0x1d3: {  	[sflag:s8] =	ssyncadd.s32 @!p1 $0xFFFFFF00  }
0x1d4: {  	[bflag:$0x0] =	sbarrier.arrive $0xFFFF  }
0x1d5: {  	[spmem:s9] =	stream.linear.scatter [tilespmem:s14], [sflag:$0x3], $0x1800, $0x38;
	[tilespmem:$0x1A180] =	vst v63  }
0x1d6: {  	_ =	swait.ge [sflag:s15], $0x1800  }
0x1d7: {  	[sflag:s15] =	ssyncset.done $0x0  }
0x1d8: {  	s20 =	rddreg [dreg:$0x12];
	[sflag:s15] =	ssyncadd.s32 $0xFFFFE800  }
0x1d9: {  	[spmem:s20] =	stream.linear.scatter [tilespmem:s14], [sflag:$0x3], $0x1800, $0x38;
	[tilespmem:$0x1A180] =	vst v63  }
0x1da: {  	_ =	swait.ge [sflag:s15], $0x1800  }
0x1db: {  	[sflag:s15] =	ssyncset.done $0x0  }
0x1dc: {  	[sflag:s15] =	ssyncadd.s32 $0xFFFFE800  }
0x1dd: {  	[spmem:s26] =	stream.linear.scatter [tilespmem:s14], [sflag:$0x3], $0x1800, $0x38;
	[tilespmem:$0x1A180] =	vst v63  }
0x1de: {  	_ =	swait.ge [sflag:s15], $0x1800  }
0x1df: {  	[sflag:s15] =	ssyncset.done $0x0  }
0x1e0: {  	[sflag:s15] =	ssyncadd.s32 $0xFFFFE800  }
0x1e1: {  	[spmem:s28] =	stream.linear.scatter [tilespmem:s14], [sflag:$0x3], $0x1800, $0x38;
	[tilespmem:$0x1A180] =	vst v63  }
0x1e2: {  	_ =	swait.ge [sflag:s15], $0x1800  }
0x1e3: {  	[sflag:s15] =	ssyncset.done $0x0  }
0x1e4: {  	[sflag:s15] =	ssyncadd.s32 $0xFFFFE800  }
0x1e5: {  	[spmem:s29] =	stream.linear.scatter [tilespmem:s14], [sflag:$0x3], $0x1800, $0x38;
	[tilespmem:$0x1A180] =	vst v63  }
0x1e6: {  	_ =	swait.ge [sflag:s15], $0x1800  }
0x1e7: {  	[sflag:s15] =	ssyncset.done $0x0  }
0x1e8: {  	[sflag:s15] =	ssyncadd.s32 $0xFFFFE800  }
0x1e9: {  	[spmem:s30] =	stream.linear.scatter [tilespmem:s14], [sflag:$0x3], $0x1800, $0x38;
	[tilespmem:$0x1A180] =	vst v63  }
0x1ea: {  	_ =	swait.ge [sflag:s15], $0x1800  }
0x1eb: {  	[sflag:s15] =	ssyncset.done $0x0  }
0x1ec: {  	[sflag:s15] =	ssyncadd.s32 $0xFFFFE800  }
0x1ed: {  	[spmem:s31] =	stream.linear.scatter [tilespmem:s14], [sflag:$0x3], $0x1800, $0x38;
	[tilespmem:$0x1A180] =	vst v63  }
0x1ee: {  	_ =	swait.ge [sflag:s15], $0x1800  }
0x1ef: {  	[sflag:s15] =	ssyncset.done $0x0  }
0x1f0: {  	[sflag:s15] =	ssyncadd.s32 $0xFFFFE800  }
0x1f1: {  	[spmem:s0] =	stream.linear.scatter [tilespmem:s14], [sflag:$0x3], $0x1800, $0x38;
	[tilespmem:$0x1A180] =	vst v63  }
0x1f2: {  	_ =	swait.ge [sflag:s15], $0x1800  }
0x1f3: {  	[sflag:s15] =	ssyncset.done $0x0  }
0x1f4: {  	[sflag:s15] =	ssyncadd.s32 $0xFFFFE800  }
0x1f5: {  	[spmem:s7] =	stream.linear.scatter [tilespmem:s14], [sflag:$0x3], $0x1800, $0x38;
	[tilespmem:$0x1A180] =	vst v63  }
0x1f6: {  	_ =	swait.ge [sflag:s15], $0x1800  }
0x1f7: {  	[sflag:s15] =	ssyncset.done $0x0  }
0x1f8: {  	[sflag:s15] =	ssyncadd.s32 $0xFFFFE800  }
0x1f9: {  	[spmem:s10] =	stream.linear.scatter [tilespmem:s14], [sflag:$0x3], $0x1800, $0x38;
	[tilespmem:$0x1A180] =	vst v63  }
0x1fa: {  	_ =	swait.ge [sflag:s15], $0x1800  }
0x1fb: {  	[sflag:s15] =	ssyncset.done $0x0  }
0x1fc: {  	[sflag:s15] =	ssyncadd.s32 $0xFFFFE800  }
0x1fd: {  	[spmem:s11] =	stream.linear.scatter [tilespmem:s14], [sflag:$0x3], $0x1800, $0x38;
	[tilespmem:$0x1A180] =	vst v63  }
0x1fe: {  	_ =	swait.ge [sflag:s15], $0x1800  }
0x1ff: {  	[sflag:s15] =	ssyncset.done $0x0  }
0x200: {  	[sflag:s15] =	ssyncadd.s32 $0xFFFFE800  }
0x201: {  	[spmem:s12] =	stream.linear.scatter [tilespmem:s14], [sflag:$0x3], $0x1800, $0x38;
	[tilespmem:$0x1A180] =	vst v63  }
0x202: {  	_ =	swait.ge [sflag:s15], $0x1800  }
0x203: {  	[sflag:s15] =	ssyncset.done $0x0  }
0x204: {  	[sflag:s15] =	ssyncadd.s32 $0xFFFFE800  }
0x205: {  	[spmem:s13] =	stream.linear.scatter [tilespmem:s14], [sflag:$0x3], $0x1800, $0x38;
	[tilespmem:$0x1A180] =	vst v63  }
0x206: {  	_ =	swait.ge [sflag:s15], $0x1800  }
0x207: {  	[sflag:s15] =	ssyncset.done $0x0  }
0x208: {  	s23 =	simm.s32 @!p1 $0x5100;
	[sflag:s15] =	ssyncadd.s32 $0xFFFFE800  }
0x209: {  	[spmem:s6] =	stream.linear.scatter @!p1 [tilespmem:s23], [sflag:$0x3], $0x800, $0x38;
	[tilespmem:$0x1A180] =	vst v63  }
0x20a: {  	_ =	swait.ge @!p1 [sflag:s8], $0x800  }
0x20b: {  	[sflag:s8] =	ssyncset.done @!p1 $0x0  }
0x20c: {  	[sflag:s8] =	ssyncadd.s32 @!p1 $0xFFFFF800  }
0x20d: {  	[bflag:$0x0] =	sbarrier.arrive $0xFFFF  }
0x20e: {  	s23 =	simm.s32 $0x0;
	s25 =	rddreg [dreg:$0xa]  }
0x20f: {  	[tilespmem:s16], [sflag:$0x1] =	stream.linear.gather [hbm4b:s25+s23], $0x2800, $0x38;
	[tilespmem:$0x1A180] =	vst v63  }
0x210: {  	s8 =	sadd.s32 $0x0, s22  }
0x211: {  	[tilespmem:s2], [sflag:$0x3] =	stream.linear.gather [hbm4b:s8+s2], $0x50, $0x38;
	[tilespmem:$0x1A180] =	vst v63  }
0x212: {  	_ =	swait.ge [sflag:s15], $0x50  }
0x213: {  	[sflag:s15] =	ssyncset.done $0x0  }
0x214: {  	[sflag:s15] =	ssyncadd.s32 $0xFFFFFFB0  }
0x215: {  	_ =	swait.ge [sflag:s17], $0x2800  }
0x216: {  	[sflag:s17] =	ssyncset.done $0x0;
	s25 =	rddreg [dreg:$0x14]  }
0x217: {  	[sflag:s17] =	ssyncadd.s32 $0xFFFFD800;
	s20 =	sadd.s32 $0xFFFFFB00, s25  }
0x218: {  	[tilespmem:s18], [sflag:$0x2] =	stream.linear.gather [hbm4b:s20+s2], $0x2800, $0x38;
	[tilespmem:$0x1A180] =	vst v63  }
0x219: {  	_ = 	snop  }
0x21a: {  	[spmem:s1] =	stream.indirect.scatter.add.f32 [tilespmem:s16], [sflag:$0x3], $0x80, s2, s4, $0xb8;
	[tilespmem:$0x1A180] =	vst v63  }
0x21b: {  	_ =	swait.ge [sflag:s15], $0x2800  }
0x21c: {  	[sflag:s15] =	ssyncset.done $0x0  }
0x21d: {  	s8 =	sadd.s32 $0xA, s8;
	[sflag:s15] =	ssyncadd.s32 $0xFFFFD800  }
0x21e: {  	[tilespmem:s5], [sflag:$0x3] =	stream.linear.gather [hbm4b:s8+s2], $0x50, $0x38;
	[tilespmem:$0x1A180] =	vst v63  }
0x21f: {  	_ =	swait.ge [sflag:s15], $0x50  }
0x220: {  	[sflag:s15] =	ssyncset.done $0x0  }
0x221: {  	[sflag:s15] =	ssyncadd.s32 $0xFFFFFFB0  }
0x222: {  	_ =	swait.ge [sflag:s3], $0x2800  }
0x223: {  	[sflag:s3] =	ssyncset.done $0x0  }
0x224: {  	[sflag:s3] =	ssyncadd.s32 $0xFFFFD800  }
0x225: {  	[tilespmem:s16], [sflag:$0x1] =	stream.linear.gather [hbm4b:s25+s2], $0x2800, $0x38;
	[tilespmem:$0x1A180] =	vst v63  }
0x226: {  	_ = 	snop  }
0x227: {  	[spmem:s1] =	stream.indirect.scatter.add.f32 [tilespmem:s18], [sflag:$0x3], $0x80, s5, s4, $0xb8;
	[tilespmem:$0x1A180] =	vst v63  }
0x228: {  	_ =	swait.ge [sflag:s15], $0x2800  }
0x229: {  	s23 =	simm.s32 $0x14;
	[sflag:s15] =	ssyncset.done $0x0  }
.LBB2_7:
0x22a: {  	p3 =	sne.s32 s23, $0x4C4;
	[sflag:s15] =	ssyncadd.s32 $0xFFFFD800;
	s25 =	sadd.s32 $0xA00, s25  }
0x22b: {  	s8 =	sadd.s32 s23, s22;
	s23 =	sadd.s32 $0x14, s23  }
0x22c: {  	[tilespmem:s2], [sflag:$0x3] =	stream.linear.gather [hbm4b:s8+s2], $0x50, $0x38;
	[tilespmem:$0x1A180] =	vst v63  }
0x22d: {  	_ =	swait.ge [sflag:s15], $0x50  }
0x22e: {  	[sflag:s15] =	ssyncset.done $0x0  }
0x22f: {  	[sflag:s15] =	ssyncadd.s32 $0xFFFFFFB0  }
0x230: {  	_ =	swait.ge [sflag:s17], $0x2800  }
0x231: {  	[sflag:s17] =	ssyncset.done $0x0  }
0x232: {  	s20 =	sadd.s32 $0xFFFFFB00, s25;
	[sflag:s17] =	ssyncadd.s32 $0xFFFFD800  }
0x233: {  	[tilespmem:s18], [sflag:$0x2] =	stream.linear.gather [hbm4b:s20+s2], $0x2800, $0x38;
	[tilespmem:$0x1A180] =	vst v63  }
0x234: {  	_ = 	snop  }
0x235: {  	[spmem:s1] =	stream.indirect.scatter.add.f32 [tilespmem:s16], [sflag:$0x3], $0x80, s2, s4, $0xb8;
	[tilespmem:$0x1A180] =	vst v63  }
0x236: {  	_ =	swait.ge [sflag:s15], $0x2800  }
0x237: {  	[sflag:s15] =	ssyncset.done $0x0  }
0x238: {  	s8 =	sadd.s32 $0xA, s8;
	[sflag:s15] =	ssyncadd.s32 $0xFFFFD800  }
0x239: {  	[tilespmem:s5], [sflag:$0x3] =	stream.linear.gather [hbm4b:s8+s2], $0x50, $0x38;
	[tilespmem:$0x1A180] =	vst v63  }
0x23a: {  	_ =	swait.ge [sflag:s15], $0x50  }
0x23b: {  	[sflag:s15] =	ssyncset.done $0x0  }
0x23c: {  	[sflag:s15] =	ssyncadd.s32 $0xFFFFFFB0  }
0x23d: {  	_ =	swait.ge [sflag:s3], $0x2800  }
0x23e: {  	[sflag:s3] =	ssyncset.done $0x0  }
0x23f: {  	[sflag:s3] =	ssyncadd.s32 $0xFFFFD800  }
0x240: {  	[tilespmem:s16], [sflag:$0x1] =	stream.linear.gather [hbm4b:s25+s2], $0x2800, $0x38;
	[tilespmem:$0x1A180] =	vst v63  }
.Ltmp9:
0x241: {  	_ = 	snop;
	(pc) =	sbr.rel @p3 .LBB2_7-.Ltmp9, $4  }
0x242: {  	_ = 	snop  }
0x243: {  	[spmem:s1] =	stream.indirect.scatter.add.f32 [tilespmem:s18], [sflag:$0x3], $0x80, s5, s4, $0xb8;
	[tilespmem:$0x1A180] =	vst v63  }
0x244: {  	_ =	swait.ge [sflag:s15], $0x2800  }
0x245: {  	[sflag:s15] =	ssyncset.done $0x0  }
0x246: {  	[sflag:s15] =	ssyncadd.s32 $0xFFFFD800;
	s8 =	rddreg [dreg:$0x7]  }
0x247: {  	[tilespmem:s2], [sflag:$0x3] =	stream.linear.gather [hbm4b:s8+s2], $0x50, $0x38;
	[tilespmem:$0x1A180] =	vst v63  }
0x248: {  	_ =	swait.ge [sflag:s15], $0x50  }
0x249: {  	[sflag:s15] =	ssyncset.done $0x0  }
0x24a: {  	[sflag:s15] =	ssyncadd.s32 $0xFFFFFFB0  }
0x24b: {  	_ =	swait.ge [sflag:s17], $0x2800  }
0x24c: {  	[sflag:s17] =	ssyncset.done $0x0  }
0x24d: {  	[sflag:s17] =	ssyncadd.s32 $0xFFFFD800  }
0x24e: {  	[spmem:s1] =	stream.indirect.scatter.add.f32 [tilespmem:s16], [sflag:$0x3], $0x80, s2, s4, $0xb8;
	[tilespmem:$0x1A180] =	vst v63  }
0x24f: {  	_ =	swait.ge [sflag:s15], $0x2800  }
0x250: {  	[sflag:s15] =	ssyncset.done $0x0  }
0x251: {  	[sflag:s15] =	ssyncadd.s32 $0xFFFFD800  }
0x252: {  	[bflag:$0x0] =	sbarrier.arrive $0xFFFF  }
0x253: {  	s25 =	rddreg [dreg:$0xb]  }
0x254: {  	[hbm:s25], [sflag:s21] =	dma.local [spmem:s24], $0x2700  }
.Ltmp10:
0x255: {  	_ = 	snop;
	(pc) =	sbr.rel @!p2 .LBB2_15-.Ltmp10, $4  }
.Ltmp11:
0x256: {  	_ = 	snop;
	(pc) =	sbr.rel @p2 .LBB2_14-.Ltmp11, $4  }
0x257: {  	_ =	swait.ge [sflag:s15], $0x2700  }
0x258: {  	[sflag:s15] =	ssyncset.done $0x0  }
0x259: {  	s23 =	rddreg [dreg:$0x4];
	[sflag:s15] =	ssyncadd.s32 $0xFFFFD900  }
0x25a: {  	_ = 	snop  }
.LBB2_16:
0x25b: {  	_ =	sfence.sel $0x180000  }
0x25c: {  	[bflag:$0x0] =	sbarrier.arrive $0xFFFF  }
0x25d: {  	_ =	strace $0x9000004A  }
0x25e: {  	[bflag:$0x2] =	sbarrier.arrive $0xFFFF  }
0x25f: {  	s0 =	rddreg [dreg:$0x3]  }
0x260: {  	s0 =	sadd.s32 @!p1 $0x100000, s0  }
0x261: {  	[sflag:s0] =	ssyncadd.tile.s32 @!p1 $0x1;
	_ =	shalt  }
.Lfunc_end2:
_tile_overlayer_lowered:
.L_overlay_start_2:
0x262: {  	(tag) =	ssettag $0x2  }
0x263: {  	s0 =	rddreg [dreg:$0x0];
	s2 =	stileid.u32  }
0x264: {  	s1 =	rddreg [dreg:$0x1];
	p0 =	sne.s32 s2, $0x0  }
0x265: {  	s3 =	rddreg [dreg:$0x2];
	[bflag:$0x3] =	sbarrier.arrive $0xFFFF;
	s2 =	simm.s32 @!p0 $0x1C03  }
0x266: {  	[timem:s3], [sflag:s2] =	dma.local @!p0 [hbm:s0], s1  }
0x267: {  	s0 =	simm.s32 @!p0 $0x3  }
0x268: {  	_ =	swait.ge @!p0 [sflag:s0], s1  }
0x269: {  	s1 =	ssub.s32 @!p0 $0x0, s1;
	[sflag:s0] =	ssyncset.done @!p0 $0x0  }
0x26a: {  	[sflag:s0] =	ssyncadd.s32 @!p0 s1  }
0x26b: {  	[bflag:$0x3] =	sbarrier.arrive $0xFFFF  }
0x26c: {  	_ =	shalt  }

// kernel: _impl.7.cloned.1.call-start
scs
__scs_entry_jumppad:
0x0: {  	(pc) =	sbr.rel $0x88, $3  }
0x1: {  	(tag) =	ssettag $0x0;
	lr =	simm.s32 $0x1  }
0x2: {  	[smem:$0x3F87] =	sst lr;
	_ =	strace $0xD0000000  }
0x3: {  	_ = 	snop  }
0x4: {  	_ = 	snop  }
0x5: {  	_ = 	snop  }
0x6: {  	_ = 	snop  }
0x7: {  	_ = 	snop  }
__scs_overlays_trampoline_lowered:
0x8: {  	[smem:$0x3F96] =	sst s0  }
0x9: {  	[smem:$0x3F97] =	sst s1  }
0xa: {  	[smem:$0x3F98] =	sst s2  }
0xb: {  	[smem:$0x3F99] =	sst s3  }
0xc: {  	[smem:$0x3F9A] =	sst s4  }
0xd: {  	[smem:$0x3F9B] =	sst s5  }
0xe: {  	[smem:$0x3F9C] =	sst s6  }
0xf: {  	[smem:$0x3F9D] =	sst s7  }
0x10: {  	[smem:$0x3F9E] =	sst s8  }
0x11: {  	[smem:$0x3F9F] =	sst s9;
	s0 =	simm.s32 @!p0 $0x0  }
0x12: {  	s1 =	sld [smem:$0x3F85];
	s0 =	simm.s32 @p0 $0x1  }
0x13: {  	[smem:$0x3FA0] =	sst s0;
	s0 =	simm.s32 @!p1 $0x0  }
0x14: {  	s2 =	sld [smem:$0x3F84];
	s0 =	simm.s32 @p1 $0x1  }
0x15: {  	[smem:$0x3FA1] =	sst s0;
	s0 =	simm.s32 @!p2 $0x0  }
0x16: {  	s3 =	sld [smem:$0x3FDB];
	s0 =	simm.s32 @p2 $0x1  }
0x17: {  	s4 =	simm.s32 $0x1BF5;
	[smem:$0x3FA3] =	sst s0  }
0x18: {  	s0 =	sld [smem:$0x3F86];
	_ =	swait.ge [sflag:s4], $0x0  }
0x19: {  	s7 =	sld [smem:$0x3F87]  }
0x1a: {  	s8 =	sadd.s32 $0xFFFFE003, lr  }
0x1b: {  	s9 =	sadd.s32 $0xFFFFFEF7, lr;
	s5 =	simm.s32 $0xFFFFFFFF;
	p2 =	slt.u32 s8, $0xFFFFF086  }
0x1c: {  	p1 =	slt.u32 s9, $0xF7A;
	s5 =	simm.s32 @!p2 $0x0  }
0x1d: {  	s5 =	simm.s32 @p1 $0x1;
	p0 =	seq.s32 s7, s2  }
0x1e: {  	s7 =	smul.u32 @!p0 $0xF7A, s2;
	p2 =	seq.s32 @!p0 s5, $0x0  }
0x1f: {  	s9 =	smul.u32 $0xF7A, s1;
	s8 =	simm.s32 @!p0 $0x1BF5;
	p2 =	por !p2, p0  }
0x20: {  	[sflag:s8] =	ssyncset.s32 @!p0 $0xFFFFF086;
	s6 =	sadd.s32 @!p0 s3, s7;
	s7 =	simm.s32 @!p0 $0x108  }
0x21: {  	s3 =	sadd.s32 s3, s9;
	s6 =	sadd.s32 @!p0 $0x88, s6;
	s7 =	simm.s32 @p2 $0x1082  }
0x22: {  	[simem:s7], [sflag:s8] =	dma.local @!p0 [hbm:s6], $0xF7A  }
0x23: {  	s9 =	sor.u32 $0xD0000000, s2;
	s6 =	simm.s32 $0x108;
	_ =	swait.ge @!p0 [sflag:s8], $0x0  }
0x24: {  	s3 =	sadd.s32 $0x88, s3;
	s6 =	simm.s32 @!p1 $0x1082;
	[sflag:s4] =	ssyncset.s32 $0xFFFFF086  }
0x25: {  	[simem:s6], [sflag:s4] =	dma.local [hbm:s3], $0xF7A  }
0x26: {  	[smem:$0x3F87] =	sst s1;
	(tag) =	ssettag s2;
	_ =	strace s9  }
0x27: {  	s1 =	sld [smem:$0x3F97]  }
0x28: {  	s2 =	sld [smem:$0x3F98]  }
0x29: {  	s4 =	sld [smem:$0x3F9A]  }
0x2a: {  	p0 =	seq.s32 s5, $0x0;
	s5 =	sld [smem:$0x3F9B]  }
0x2b: {  	s6 =	sld [smem:$0x3F9C]  }
0x2c: {  	s7 =	sld [smem:$0x3F9D]  }
0x2d: {  	s3 =	simm.s32 $0x108;
	s8 =	sld [smem:$0x3F9E]  }
0x2e: {  	s3 =	simm.s32 @!p0 $0x1082;
	s9 =	sld [smem:$0x3F9F]  }
0x2f: {  	lr =	sadd.s32 s0, s3;
	s0 =	sld [smem:$0x3F96]  }
0x30: {  	s3 =	sld [smem:$0x3F99]  }
0x31: {  	[smem:$0x3FA2] =	sst s10  }
0x32: {  	s10 =	sld [smem:$0x3FA0];
	_ =	sdelay $0x3  }
0x33: {  	p0 =	seq.s32 s10, $0x1;
	s10 =	sld [smem:$0x3FA2];
	_ =	sdelay $0x3  }
0x34: {  	[smem:$0x3FA2] =	sst s10  }
0x35: {  	s10 =	sld [smem:$0x3FA1];
	_ =	sdelay $0x3  }
0x36: {  	p1 =	seq.s32 s10, $0x1;
	s10 =	sld [smem:$0x3FA2];
	_ =	sdelay $0x3  }
0x37: {  	[smem:$0x3FA2] =	sst s10  }
0x38: {  	s10 =	sld [smem:$0x3FA3]  }
0x39: {  	_ = 	snop;
	(pc) =	sbr.ind lr, $3  }
0x3a: {  	_ = 	snop  }
0x3b: {  	_ = 	snop  }
0x3c: {  	p2 =	seq.s32 s10, $0x1;
	s10 =	sld [smem:$0x3FA2]  }
0x3d: {  	_ =	shalt  }
0x3e: {  	_ =	shalt  }
0x3f: {  	_ =	shalt  }
0x40: {  	_ =	shalt  }
0x41: {  	_ =	shalt  }
0x42: {  	_ =	shalt  }
0x43: {  	_ =	shalt  }
0x44: {  	_ =	shalt  }
0x45: {  	_ =	shalt  }
0x46: {  	_ =	shalt  }
0x47: {  	_ =	shalt  }
0x48: {  	_ =	shalt  }
0x49: {  	_ =	shalt  }
0x4a: {  	_ =	shalt  }
0x4b: {  	_ =	shalt  }
0x4c: {  	_ =	shalt  }
0x4d: {  	_ =	shalt  }
0x4e: {  	_ =	shalt  }
0x4f: {  	_ =	shalt  }
0x50: {  	_ =	shalt  }
0x51: {  	_ =	shalt  }
0x52: {  	_ =	shalt  }
0x53: {  	_ =	shalt  }
0x54: {  	_ =	shalt  }
0x55: {  	_ =	shalt  }
0x56: {  	_ =	shalt  }
0x57: {  	_ =	shalt  }
0x58: {  	_ =	shalt  }
0x59: {  	_ =	shalt  }
0x5a: {  	_ =	shalt  }
0x5b: {  	_ =	shalt  }
0x5c: {  	_ =	shalt  }
0x5d: {  	_ =	shalt  }
0x5e: {  	_ =	shalt  }
0x5f: {  	_ =	shalt  }
0x60: {  	_ =	shalt  }
0x61: {  	_ =	shalt  }
0x62: {  	_ =	shalt  }
0x63: {  	_ =	shalt  }
0x64: {  	_ =	shalt  }
0x65: {  	_ =	shalt  }
0x66: {  	_ =	shalt  }
0x67: {  	_ =	shalt  }
0x68: {  	_ =	shalt  }
0x69: {  	_ =	shalt  }
0x6a: {  	_ =	shalt  }
0x6b: {  	_ =	shalt  }
0x6c: {  	_ =	shalt  }
0x6d: {  	_ =	shalt  }
0x6e: {  	_ =	shalt  }
0x6f: {  	_ =	shalt  }
0x70: {  	_ =	shalt  }
0x71: {  	_ =	shalt  }
0x72: {  	_ =	shalt  }
0x73: {  	_ =	shalt  }
0x74: {  	_ =	shalt  }
0x75: {  	_ =	shalt  }
0x76: {  	_ =	shalt  }
0x77: {  	_ =	shalt  }
0x78: {  	_ =	shalt  }
0x79: {  	_ =	shalt  }
0x7a: {  	_ =	shalt  }
0x7b: {  	_ =	shalt  }
0x7c: {  	_ =	shalt  }
0x7d: {  	_ =	shalt  }
0x7e: {  	_ =	shalt  }
0x7f: {  	_ =	shalt  }
0x80: {  	_ =	shalt  }
0x81: {  	_ =	shalt  }
0x82: {  	_ =	shalt  }
0x83: {  	_ =	shalt  }
0x84: {  	_ =	shalt  }
0x85: {  	_ =	shalt  }
0x86: {  	_ =	shalt  }
0x87: {  	_ =	shalt  }
.Lfunc_end0:
.L_simem_size_0:
called_computation_lowered:
.L_overlay_start_0:
0x88: {  	s2 =	sld [smem:$0x3FD9]  }
0x89: {  	s3 =	sld [smem:$0x3FFE];
	_ =	sdelay $0x1  }
0x8a: {  	s1 =	srdreg.scid  }
0x8b: {  	s0 =	sand.u32 $0x1, s1  }
0x8c: {  	s14 =	sshll.u32 s0, $0xA;
	s2 =	sadd.s32 s3, s2  }
0x8d: {  	s2 =	sadd.s32 s2, s14  }
0x8e: {  	[smem:$0x3FAE] =	sst s2  }
0x8f: {  	_ = 	snop  }
0x90: {  	s2 =	sld [smem:$0x3FD0];
	_ =	sdelay $0x2  }
0x91: {  	s15 =	simm.s32 $0xA;
	s4 =	simm.s32 $0x10  }
0x92: {  	[smem:s4], [sflag:s15] =	dma.local [hbm:s2], $0x1  }
0x93: {  	_ =	swait.eq [sflag:s15], $0x1  }
0x94: {  	[sflag:s15] =	ssyncset.done $0x0  }
0x95: {  	s16 =	sld [smem:$0x10];
	[sflag:s15] =	ssyncadd.s32 $0xFFFFFFFF  }
0x96: {  	s17 =	sld [smem:$0x11];
	(tm) =	ssettm $0x1  }
0x97: {  	s18 =	sld [smem:$0x3FFB];
	_ =	sdelay $0x3  }
0x98: {  	_ =	strace s18  }
0x99: {  	s4 =	sld [smem:$0x3FFC];
	_ =	sdelay $0x3  }
0x9a: {  	_ =	strace s4  }
0x9b: {  	s4 =	sld [smem:$0x3FFD];
	_ =	sdelay $0x3  }
0x9c: {  	_ =	strace s4  }
0x9d: {  	_ =	strace $0x8FFFFFFF  }
0x9e: {  	s19 =	sld [smem:$0x3FDB];
	_ =	sdelay $0x1  }
0x9f: {  	s5 =	simm.s32 $_scs_section_size  }
0xa0: {  	s6 =	simm.s32 $_size__tile_overlayer_lowered;
	s7 =	simm.s32 $_tile_overlayer_lowered  }
0xa1: {  	s22 =	simm.s32 $0x1BFF;
	s21 =	sshll.u32 s7, $0x1;
	s4 =	sadd.s32 s5, s19  }
0xa2: {  	s8 =	simm.s32 $0x0;
	s20 =	sshll.u32 s6, $0x1;
	s6 =	sadd.s32 s21, s4  }
0xa3: {  	[timem:s8], [sflag:s22] =	dma.local [hbm:s6], s20  }
0xa4: {  	_ =	swait.ge [sflag:s22], s20  }
0xa5: {  	s5 =	ssub.s32 $0x0, s20;
	[sflag:s22] =	ssyncset.done $0x0  }
0xa6: {  	[sflag:s22] =	ssyncadd.s32 s5;
	_ =	sdelay $0x1  }
0xa7: {  	s23 =	simm.s32 $0x1B8B  }
0xa8: {  	_ =	swait.ge [sflag:s23], $0x1  }
0xa9: {  	[sflag:s23] =	ssyncset.done $0x0  }
0xaa: {  	s25 =	simm.s32 $0x1B8E;
	s24 =	sld [smem:$0x3FFE];
	[sflag:s23] =	ssyncadd.s32 $0xFFFFFFFF  }
0xab: {  	s26 =	simm.s32 $execute0_lowered;
	[smem:$0x3FD2] =	sst s25  }
0xac: {  	s6 =	sshll.u32 s26, $0x1;
	_ =	strace $0x80000046;
	[dreg:$0x1] =	wrdreg $0xFFFFFFFF  }
0xad: {  	s28 =	simm.s32 $_size_execute0_lowered;
	s4 =	sadd.s32 s4, s6;
	[dreg:$0x0] =	wrdreg $0x0  }
0xae: {  	s6 =	sshll.u32 s28, $0x1;
	[dreg:$0x2] =	wrdreg s4  }
0xaf: {  	[dreg:$0x3] =	wrdreg s6  }
0xb0: {  	[dreg:$0x4] =	wrdreg $0xC0  }
0xb1: {  	_ =	task [dreg:s8], $0x5FFFF  }
0xb2: {  	[dreg:$0x1] =	wrdreg $0xFFFFFFFF  }
0xb3: {  	[dreg:$0x0] =	wrdreg $0x60  }
0xb4: {  	[dreg:$0x2] =	wrdreg s16  }
0xb5: {  	[dreg:$0x3] =	wrdreg s24  }
0xb6: {  	[dreg:$0x4] =	wrdreg s17  }
0xb7: {  	[dreg:$0x5] =	wrdreg $0x9  }
0xb8: {  	_ =	task.clear_ibuf [dreg:s8], $0x6FFFF;
	_ =	strace $0x90000046  }
0xb9: {  	s29 =	simm.s32 $0x9;
	_ =	strace $0x80000048  }
0xba: {  	_ =	swait.ge [sflag:s29], $0x1  }
0xbb: {  	[sflag:s29] =	ssyncadd.s32 $0xFFFFFFFF  }
0xbc: {  	_ =	strace $0x90000048  }
0xbd: {  	_ =	sfence  }
0xbe: {  	s30 =	sld [smem:$0x0];
	_ =	sdelay $0x2  }
0xbf: {  	s31 =	sshll.u32 s1, $0xD;
	s1 =	sshrl.u32 s1, $0x2  }
0xc0: {  	s3 =	sand.u32 $0x4000, s31;
	s1 =	sadd.s32 s1, s30  }
0xc1: {  	s0 =	sor.u32 s3, s0;
	s1 =	sshll.u32 s1, $0x11  }
0xc2: {  	s0 =	sor.u32 s1, s0  }
0xc3: {  	s0 =	sadd.s32 $0x8F2B, s0  }
0xc4: {  	[sflag:s0] =	ssyncadd.remote.s32 $0x1  }
0xc5: {  	_ =	sfence.sel $0xFFFF  }
0xc6: {  	[dreg:$0x0] =	wrdreg $0xFFFFFFFF;
	(pc) =	sbr.abs _section_cstart, $3  }
0xc7: {  	[dreg:$0x1] =	wrdreg $0xFFFFFFFF  }
0xc8: {  	_ =	task.clear_ibuf [dreg:s8], $0x2FFFF;
	_ =	strace $0x9FFFFFFF  }
0xc9: {  	(tm) =	ssettm $0x7FFFFFFF  }
tec
execute0_lowered:
.L_overlay_start_1:
0x0: {  	(tag) =	ssettag $0x1  }
0x1: {  	s1 =	rddreg [dreg:$0x0]  }
0x2: {  	s0 =	rddreg [dreg:$0x1]  }
0x3: {  	s2 =	rddreg [dreg:$0x2];
	s3 =	simm.s32 $0x0  }
0x4: {  	s4 =	srdreg.scid;
	s19 =	stileid.u32;
	s28 =	simm.s32 $0x100  }
0x5: {  	s29 =	simm.s32 $0x6700;
	s30 =	simm.s32 $0x3;
	s31 =	simm.s32 $0x2  }
0x6: {  	[smem:$0x7FF] =	sst s3;
	s5 =	sadd.s32 $0xF9A00, s0;
	s9 =	sadd.s32 $0x147E00, s0  }
0x7: {  	s6 =	sadd.s32 $0xF200, s0;
	s10 =	sadd.s32 $0x3B8E00, s0;
	s17 =	smul.u32 $0x2710, s19  }
0x8: {  	s4 =	sand.u32 $0x1, s4;
	s13 =	sadd.s32 $0x629E00, s0;
	s25 =	smul.u32 $0x27100, s19  }
0x9: {  	s8 =	sshll.u32 s19, $0x1;
	s14 =	sadd.s32 $0xD7CE00, s0;
	s18 =	smul.u32 $0x1388, s4  }
0xa: {  	s11 =	sor.u32 s4, s8;
	s15 =	ssub.s32 $0x2, s4;
	s4 =	smul.u32 $0x13880, s4  }
0xb: {  	s7 =	sadd.s32 $0x5200, s0;
	_ =	strace $0x80000047;
	s12 =	smul.u32 $0x1388, s11  }
0xc: {  	s8 =	sadd.s32 $0xA200, s0;
	s16 =	smul.u32 $0x13880, s11;
	s20 =	sshrl.u32 s15, $0x1  }
0xd: {  	s11 =	sadd.s32 $0xF300, s0;
	s15 =	ssub.s32 s15, s20;
	s12 =	sshrl.u32 s12, $0x3  }
0xe: {  	s23 =	smax.u32 s15, $0x1;
	s24 =	sadd.s32 $0x12C00, s16;
	s15 =	sadd.s32 s18, s17  }
0xf: {  	s21 =	sadd.s32 s8, s12;
	s22 =	sadd.s32 s7, s12;
	s12 =	sadd.s32 $0x100, s2  }
0x10: {  	[dreg:$0xa] =	wrdreg s23;
	s16 =	sadd.s32 s9, s24;
	s17 =	sshrl.u32 s15, $0x3  }
0x11: {  	s0 =	sadd.s32 s10, s24;
	s18 =	sadd.s32 $0x28, s15;
	[dreg:$0x8] =	wrdreg s21  }
0x12: {  	s9 =	sadd.s32 s25, s9;
	s10 =	sadd.s32 s25, s10;
	[dreg:$0x9] =	wrdreg s22  }
0x13: {  	s20 =	sadd.s32 $0xC8, s15;
	s25 =	sadd.s32 $0x50, s15;
	[dreg:$0xb] =	wrdreg s16  }
0x14: {  	[dreg:$0xc] =	wrdreg s0;
	s26 =	smul.u32 $0x180, s17;
	s21 =	sshrl.u32 s18, $0x3  }
0x15: {  	s9 =	sadd.s32 s4, s9;
	s23 =	sshrl.u32 s20, $0x3;
	s4 =	sadd.s32 s4, s10  }
0x16: {  	s16 =	sadd.s32 $0x190, s15;
	[dreg:$0x10] =	wrdreg s25;
	s25 =	simm.s32 $0x300  }
0x17: {  	s22 =	smul.u32 $0x180, s21;
	s9 =	sadd.s32 $0xC80, s9;
	[dreg:$0xe] =	wrdreg s16  }
0x18: {  	s17 =	sadd.s32 s23, s8;
	s4 =	sadd.s32 $0xC80, s4;
	[dreg:$0xd] =	wrdreg s9  }
0x19: {  	s20 =	sadd.s32 s23, s7;
	s19 =	sadd.s32 s26, s13;
	[dreg:$0xf] =	wrdreg s4  }
0x1a: {  	s23 =	simm.s32 $0x5;
	s0 =	sadd.s32 s26, s14;
	[dreg:$0x4] =	wrdreg s19  }
0x1b: {  	s26 =	sadd.s32 s21, s7;
	s9 =	simm.s32 $0xCB00;
	[dreg:$0x6] =	wrdreg s0  }
0x1c: {  	v2 =	vlaneseq.u32;
	s13 =	sadd.s32 s22, s13;
	s24 =	sadd.s32 s22, s14;
	[dreg:$0x11] =	wrdreg s26  }
0x1d: {  	vm0 =	vmmov $0xffff;
	vm1 =	vmmov $0xff;
	v1 =	vshrl.u32 v2, $0x3;
	s26 =	simm.s32 $0x1;
	s0 =	simm.s32 $0x4;
	[dreg:$0x5] =	wrdreg s13  }
0x1e: {  	v0 =	vand.u32 $0x7, v2;
	v2 =	vor.u32 $0x8, v2;
	v1 =	vmul.u32 $0x8, v1;
	s14 =	simm.s32 $0x0;
	[dreg:$0x7] =	wrdreg s24;
	s24 =	simm.s32 $0xC8  }
.LBB2_1:
0x1f: {  	s4 =	rddreg [dreg:$0x8]  }
0x20: {  	[tilespmem:s3], [sflag:$0x5] =	stream.linear.gather [hbm4b:s4+s3], $0xC8, $0x38;
	[tilespmem:$0x14300] =	vst v63  }
0x21: {  	_ =	swait.ge [sflag:s23], $0xC8  }
0x22: {  	[sflag:s23] =	ssyncset.done $0x0  }
0x23: {  	[sflag:s23] =	ssyncadd.s32 $0xFFFFFF38  }
0x24: {  	[tilespmem:s25], [sflag:$0x1] =	stream.indirect.gather [hbm4b:s1+s24], $0x80, s3, s24, $0xb8;
	[tilespmem:$0x14300] =	vst v63  }
0x25: {  	_ =	swait.ge [sflag:s26], $0x6400  }
0x26: {  	[sflag:s26] =	ssyncset.done $0x0;
	s13 =	rddreg [dreg:$0xd]  }
0x27: {  	[sflag:s26] =	ssyncadd.s32 $0xFFFF9C00;
	s21 =	sadd.s32 $0xFFFFF380, s13  }
0x28: {  	[hbm4b:s21+s3] =	stream.linear.scatter [tilespmem:s25], [sflag:$0x3], $0x6400, $0x38;
	[tilespmem:$0x14300] =	vst v63  }
0x29: {  	s22 =	sadd.s32 $0x0, s17  }
0x2a: {  	[tilespmem:s28], [sflag:$0x5] =	stream.linear.gather [hbm4b:s22+s3], $0xC8, $0x38;
	[tilespmem:$0x14300] =	vst v63  }
0x2b: {  	_ =	swait.ge [sflag:s23], $0xC8  }
0x2c: {  	[sflag:s23] =	ssyncset.done $0x0  }
0x2d: {  	[sflag:s23] =	ssyncadd.s32 $0xFFFFFF38  }
0x2e: {  	[tilespmem:s29], [sflag:$0x2] =	stream.indirect.gather [hbm4b:s1+s24], $0x80, s28, s24, $0xb8;
	[tilespmem:$0x14300] =	vst v63  }
0x2f: {  	_ =	swait.ge [sflag:s30], $0x6400  }
0x30: {  	s4 =	sshrl.u32 s16, $0x3;
	[sflag:s30] =	ssyncset.done $0x0  }
0x31: {  	s10 =	sadd.s32 s8, s4;
	[sflag:s30] =	ssyncadd.s32 $0xFFFF9C00  }
0x32: {  	[tilespmem:s3], [sflag:$0x5] =	stream.linear.gather [hbm4b:s10+s3], $0xC8, $0x38;
	[tilespmem:$0x14300] =	vst v63  }
0x33: {  	_ =	swait.ge [sflag:s23], $0xC8  }
0x34: {  	[sflag:s23] =	ssyncset.done $0x0  }
0x35: {  	[sflag:s23] =	ssyncadd.s32 $0xFFFFFF38  }
0x36: {  	[tilespmem:s25], [sflag:$0x1] =	stream.indirect.gather [hbm4b:s1+s24], $0x80, s3, s24, $0xb8;
	[tilespmem:$0x14300] =	vst v63  }
0x37: {  	_ =	swait.ge [sflag:s31], $0x6400  }
0x38: {  	[sflag:s31] =	ssyncset.done $0x0  }
0x39: {  	[sflag:s31] =	ssyncadd.s32 $0xFFFF9C00  }
0x3a: {  	[hbm4b:s13+s3] =	stream.linear.scatter [tilespmem:s29], [sflag:$0x4], $0x6400, $0x38;
	[tilespmem:$0x14300] =	vst v63  }
0x3b: {  	_ =	swait.ge [sflag:s0], $0x6400  }
0x3c: {  	s15 =	smov.u32 s16;
	s10 =	simm.s32 $0x32;
	[sflag:s0] =	ssyncset.done $0x0  }
.LBB2_2:
0x3d: {  	[sflag:s0] =	ssyncadd.s32 $0xFFFF9C00  }
0x3e: {  	s13 =	sadd.s32 $0x1900, s13;
	s15 =	sadd.s32 $0x190, s15;
	s21 =	smov.u32 s10  }
0x3f: {  	p0 =	sne.s32 s10, $0x226;
	s10 =	sadd.s32 $0x32, s10;
	_ =	swait.ge [sflag:s26], $0x6400  }
0x40: {  	[sflag:s26] =	ssyncset.done $0x0  }
0x41: {  	s22 =	sadd.s32 $0xFFFFF380, s13;
	[sflag:s26] =	ssyncadd.s32 $0xFFFF9C00  }
0x42: {  	[hbm4b:s22+s3] =	stream.linear.scatter [tilespmem:s25], [sflag:$0x3], $0x6400, $0x38;
	[tilespmem:$0x14300] =	vst v63  }
0x43: {  	s21 =	sadd.s32 s21, s17  }
0x44: {  	[tilespmem:s28], [sflag:$0x5] =	stream.linear.gather [hbm4b:s21+s3], $0xC8, $0x38;
	[tilespmem:$0x14300] =	vst v63  }
0x45: {  	_ =	swait.ge [sflag:s23], $0xC8  }
0x46: {  	[sflag:s23] =	ssyncset.done $0x0  }
0x47: {  	[sflag:s23] =	ssyncadd.s32 $0xFFFFFF38  }
0x48: {  	[tilespmem:s29], [sflag:$0x2] =	stream.indirect.gather [hbm4b:s1+s24], $0x80, s28, s24, $0xb8;
	[tilespmem:$0x14300] =	vst v63  }
0x49: {  	_ =	swait.ge [sflag:s30], $0x6400  }
0x4a: {  	s21 =	sshrl.u32 s15, $0x3;
	[sflag:s30] =	ssyncset.done $0x0  }
0x4b: {  	s21 =	sadd.s32 s8, s21;
	[sflag:s30] =	ssyncadd.s32 $0xFFFF9C00  }
0x4c: {  	[tilespmem:s3], [sflag:$0x5] =	stream.linear.gather [hbm4b:s21+s3], $0xC8, $0x38;
	[tilespmem:$0x14300] =	vst v63  }
0x4d: {  	_ =	swait.ge [sflag:s23], $0xC8  }
0x4e: {  	[sflag:s23] =	ssyncset.done $0x0  }
0x4f: {  	[sflag:s23] =	ssyncadd.s32 $0xFFFFFF38  }
0x50: {  	[tilespmem:s25], [sflag:$0x1] =	stream.indirect.gather [hbm4b:s1+s24], $0x80, s3, s24, $0xb8;
	[tilespmem:$0x14300] =	vst v63  }
0x51: {  	_ =	swait.ge [sflag:s31], $0x6400  }
.Ltmp0:
0x52: {  	[sflag:s31] =	ssyncset.done $0x0;
	(pc) =	sbr.rel @p0 .LBB2_2-.Ltmp0, $4  }
0x53: {  	[sflag:s31] =	ssyncadd.s32 $0xFFFF9C00  }
0x54: {  	[hbm4b:s13+s3] =	stream.linear.scatter [tilespmem:s29], [sflag:$0x4], $0x6400, $0x38;
	[tilespmem:$0x14300] =	vst v63  }
0x55: {  	_ =	swait.ge [sflag:s0], $0x6400  }
0x56: {  	[sflag:s0] =	ssyncset.done $0x0  }
0x57: {  	[sflag:s0] =	ssyncadd.s32 $0xFFFF9C00  }
0x58: {  	_ =	swait.ge [sflag:s26], $0x6400  }
0x59: {  	[sflag:s26] =	ssyncset.done $0x0  }
0x5a: {  	s10 =	simm.s32 $0x0;
	s13 =	rddreg [dreg:$0xb];
	[sflag:s26] =	ssyncadd.s32 $0xFFFF9C00  }
0x5b: {  	[hbm4b:s13+s10] =	stream.linear.scatter [tilespmem:s25], [sflag:$0x3], $0x6400, $0x38;
	[tilespmem:$0x14300] =	vst v63  }
0x5c: {  	_ =	swait.ge [sflag:s30], $0x6400  }
0x5d: {  	[sflag:s30] =	ssyncset.done $0x0  }
0x5e: {  	s18 =	rddreg [dreg:$0x9];
	[sflag:s30] =	ssyncadd.s32 $0xFFFF9C00  }
0x5f: {  	[tilespmem:s10], [sflag:$0x5] =	stream.linear.gather [hbm4b:s18+s10], $0xC8, $0x38;
	[tilespmem:$0x14300] =	vst v63  }
0x60: {  	_ =	swait.ge [sflag:s23], $0xC8  }
0x61: {  	[sflag:s23] =	ssyncset.done $0x0  }
0x62: {  	[sflag:s23] =	ssyncadd.s32 $0xFFFFFF38  }
0x63: {  	[tilespmem:s25], [sflag:$0x1] =	stream.indirect.gather [hbm4b:s5+s24], $0x80, s10, s24, $0xb8;
	[tilespmem:$0x14300] =	vst v63  }
0x64: {  	_ =	swait.ge [sflag:s26], $0x6400  }
0x65: {  	[sflag:s26] =	ssyncset.done $0x0;
	s19 =	rddreg [dreg:$0xf]  }
0x66: {  	[sflag:s26] =	ssyncadd.s32 $0xFFFF9C00;
	s21 =	sadd.s32 $0xFFFFF380, s19  }
0x67: {  	[hbm4b:s21+s3] =	stream.linear.scatter [tilespmem:s25], [sflag:$0x3], $0x6400, $0x38;
	[tilespmem:$0x14300] =	vst v63  }
0x68: {  	s22 =	sadd.s32 $0x0, s20  }
0x69: {  	[tilespmem:s28], [sflag:$0x5] =	stream.linear.gather [hbm4b:s22+s3], $0xC8, $0x38;
	[tilespmem:$0x14300] =	vst v63  }
0x6a: {  	_ =	swait.ge [sflag:s23], $0xC8  }
0x6b: {  	[sflag:s23] =	ssyncset.done $0x0  }
0x6c: {  	[sflag:s23] =	ssyncadd.s32 $0xFFFFFF38  }
0x6d: {  	[tilespmem:s29], [sflag:$0x2] =	stream.indirect.gather [hbm4b:s5+s24], $0x80, s28, s24, $0xb8;
	[tilespmem:$0x14300] =	vst v63  }
0x6e: {  	_ =	swait.ge [sflag:s30], $0x6400  }
0x6f: {  	[sflag:s30] =	ssyncset.done $0x0  }
0x70: {  	s4 =	sadd.s32 s7, s4;
	[sflag:s30] =	ssyncadd.s32 $0xFFFF9C00  }
0x71: {  	[tilespmem:s3], [sflag:$0x5] =	stream.linear.gather [hbm4b:s4+s3], $0xC8, $0x38;
	[tilespmem:$0x14300] =	vst v63  }
0x72: {  	_ =	swait.ge [sflag:s23], $0xC8  }
0x73: {  	[sflag:s23] =	ssyncset.done $0x0  }
0x74: {  	[sflag:s23] =	ssyncadd.s32 $0xFFFFFF38  }
0x75: {  	[tilespmem:s25], [sflag:$0x1] =	stream.indirect.gather [hbm4b:s5+s24], $0x80, s3, s24, $0xb8;
	[tilespmem:$0x14300] =	vst v63  }
0x76: {  	_ =	swait.ge [sflag:s31], $0x6400  }
0x77: {  	[sflag:s31] =	ssyncset.done $0x0  }
0x78: {  	[sflag:s31] =	ssyncadd.s32 $0xFFFF9C00  }
0x79: {  	[hbm4b:s19+s3] =	stream.linear.scatter [tilespmem:s29], [sflag:$0x4], $0x6400, $0x38;
	[tilespmem:$0x14300] =	vst v63  }
0x7a: {  	s13 =	smov.u32 s16;
	_ =	swait.ge [sflag:s0], $0x6400  }
0x7b: {  	s10 =	smov.u32 s19;
	s4 =	simm.s32 $0x32;
	[sflag:s0] =	ssyncset.done $0x0  }
.LBB2_4:
0x7c: {  	[sflag:s0] =	ssyncadd.s32 $0xFFFF9C00  }
0x7d: {  	s10 =	sadd.s32 $0x1900, s10;
	s13 =	sadd.s32 $0x190, s13;
	s15 =	smov.u32 s4  }
0x7e: {  	p0 =	sne.s32 s4, $0x226;
	s4 =	sadd.s32 $0x32, s4;
	_ =	swait.ge [sflag:s26], $0x6400  }
0x7f: {  	[sflag:s26] =	ssyncset.done $0x0  }
0x80: {  	s21 =	sadd.s32 $0xFFFFF380, s10;
	[sflag:s26] =	ssyncadd.s32 $0xFFFF9C00  }
0x81: {  	[hbm4b:s21+s3] =	stream.linear.scatter [tilespmem:s25], [sflag:$0x3], $0x6400, $0x38;
	[tilespmem:$0x14300] =	vst v63  }
0x82: {  	s15 =	sadd.s32 s15, s20  }
0x83: {  	[tilespmem:s28], [sflag:$0x5] =	stream.linear.gather [hbm4b:s15+s3], $0xC8, $0x38;
	[tilespmem:$0x14300] =	vst v63  }
0x84: {  	_ =	swait.ge [sflag:s23], $0xC8  }
0x85: {  	[sflag:s23] =	ssyncset.done $0x0  }
0x86: {  	[sflag:s23] =	ssyncadd.s32 $0xFFFFFF38  }
0x87: {  	[tilespmem:s29], [sflag:$0x2] =	stream.indirect.gather [hbm4b:s5+s24], $0x80, s28, s24, $0xb8;
	[tilespmem:$0x14300] =	vst v63  }
0x88: {  	_ =	swait.ge [sflag:s30], $0x6400  }
0x89: {  	s15 =	sshrl.u32 s13, $0x3;
	[sflag:s30] =	ssyncset.done $0x0  }
0x8a: {  	s15 =	sadd.s32 s7, s15;
	[sflag:s30] =	ssyncadd.s32 $0xFFFF9C00  }
0x8b: {  	[tilespmem:s3], [sflag:$0x5] =	stream.linear.gather [hbm4b:s15+s3], $0xC8, $0x38;
	[tilespmem:$0x14300] =	vst v63  }
0x8c: {  	_ =	swait.ge [sflag:s23], $0xC8  }
0x8d: {  	[sflag:s23] =	ssyncset.done $0x0  }
0x8e: {  	[sflag:s23] =	ssyncadd.s32 $0xFFFFFF38  }
0x8f: {  	[tilespmem:s25], [sflag:$0x1] =	stream.indirect.gather [hbm4b:s5+s24], $0x80, s3, s24, $0xb8;
	[tilespmem:$0x14300] =	vst v63  }
0x90: {  	_ =	swait.ge [sflag:s31], $0x6400  }
.Ltmp1:
0x91: {  	[sflag:s31] =	ssyncset.done $0x0;
	(pc) =	sbr.rel @p0 .LBB2_4-.Ltmp1, $4  }
0x92: {  	[sflag:s31] =	ssyncadd.s32 $0xFFFF9C00  }
0x93: {  	[hbm4b:s10+s3] =	stream.linear.scatter [tilespmem:s29], [sflag:$0x4], $0x6400, $0x38;
	[tilespmem:$0x14300] =	vst v63  }
0x94: {  	_ =	swait.ge [sflag:s0], $0x6400  }
0x95: {  	[sflag:s0] =	ssyncset.done $0x0  }
0x96: {  	[sflag:s0] =	ssyncadd.s32 $0xFFFF9C00;
	s15 =	simm.s32 $0x1  }
0x97: {  	_ =	swait.ge [sflag:s15], $0x6400  }
0x98: {  	[sflag:s15] =	ssyncset.done $0x0  }
0x99: {  	s4 =	simm.s32 $0x0;
	s10 =	rddreg [dreg:$0xc];
	[sflag:s15] =	ssyncadd.s32 $0xFFFF9C00  }
0x9a: {  	[hbm4b:s10+s4] =	stream.linear.scatter [tilespmem:s25], [sflag:$0x3], $0x6400, $0x38;
	[tilespmem:$0x14300] =	vst v63  }
0x9b: {  	_ =	swait.ge [sflag:s30], $0x6400  }
0x9c: {  	[sflag:s30] =	ssyncset.done $0x0  }
0x9d: {  	s13 =	simm.s32 $0x200;
	s18 =	rddreg [dreg:$0x9];
	[sflag:s30] =	ssyncadd.s32 $0xFFFF9C00  }
0x9e: {  	[tilespmem:s13], [sflag:$0x5] =	stream.linear.gather [hbm4b:s18+s4], $0x28, $0x38;
	[tilespmem:$0x14300] =	vst v63  }
0x9f: {  	_ =	swait.ge [sflag:s23], $0x28  }
0xa0: {  	[sflag:s23] =	ssyncset.done $0x0  }
0xa1: {  	[sflag:s23] =	ssyncadd.s32 $0xFFFFFFD8  }
0xa2: {  	v3 =	vld [tilespmem:$0x200];
	_ =	sdelay $0x4  }
0xa3: {  	v4 =	vshrl.u32 v3, $0x3  }
0xa4: {  	v4 =	vmul.u32 $0x18, v4  }
0xa5: {  	v3 =	vand.u32 $0x7, v3  }
0xa6: {  	v3 =	vor.u32 v3, v4  }
0xa7: {  	v4 =	vperm.xlane v3, v0;
	_ =	sdelay $0x1  }
0xa8: {  	v4 =	vadd.s32 v1, v4;
	_ =	sdelay $0x1  }
0xa9: {  	v3 =	vperm.xlane v3, v2;
	_ =	sdelay $0x1  }
0xaa: {  	v3 =	vadd.s32 v1, v3  }
0xab: {  	[tilespmem:s9], [sflag:$0x1] =	stream.indirect_vreg.gather [hbm4b:s6+s4], $0x80, v4, vm0, $0xb8;
	[tilespmem:$0x14300] =	vst v63  }
0xac: {  	s19 =	simm.s32 $0xD300  }
0xad: {  	[tilespmem:s19], [sflag:$0x1] =	stream.indirect_vreg.gather [hbm4b:s11+s4], $0x80, v4, vm1, $0xb8;
	[tilespmem:$0x14300] =	vst v63  }
0xae: {  	s21 =	simm.s32 $0xD700  }
0xaf: {  	[tilespmem:s21], [sflag:$0x1] =	stream.indirect_vreg.gather [hbm4b:s6+s4], $0x80, v3, vm0, $0xb8;
	[tilespmem:$0x14300] =	vst v63  }
0xb0: {  	s22 =	simm.s32 $0xDF00  }
0xb1: {  	[tilespmem:s22], [sflag:$0x1] =	stream.indirect_vreg.gather [hbm4b:s11+s4], $0x80, v3, vm1, $0xb8;
	[tilespmem:$0x14300] =	vst v63  }
0xb2: {  	v3 =	vld [tilespmem:$0x210];
	_ =	sdelay $0x4  }
0xb3: {  	v62 =	vshrl.u32 v3, $0x3  }
0xb4: {  	v4 =	vmul.u32 $0x18, v62  }
0xb5: {  	v3 =	vand.u32 $0x7, v3  }
0xb6: {  	v3 =	vor.u32 v3, v4  }
0xb7: {  	v4 =	vperm.xlane v3, v0;
	_ =	sdelay $0x1  }
0xb8: {  	v4 =	vadd.s32 v1, v4;
	_ =	sdelay $0x1  }
0xb9: {  	v3 =	vperm.xlane v3, v2;
	_ =	sdelay $0x1  }
0xba: {  	s13 =	simm.s32 $0xE300;
	v3 =	vadd.s32 v1, v3  }
0xbb: {  	[tilespmem:s13], [sflag:$0x1] =	stream.indirect_vreg.gather [hbm4b:s6+s4], $0x80, v4, vm0, $0xb8;
	[tilespmem:$0x14300] =	vst v63  }
0xbc: {  	s16 =	simm.s32 $0xEB00  }
0xbd: {  	[tilespmem:s16], [sflag:$0x1] =	stream.indirect_vreg.gather [hbm4b:s11+s4], $0x80, v4, vm1, $0xb8;
	[tilespmem:$0x14300] =	vst v63  }
0xbe: {  	s18 =	simm.s32 $0xEF00  }
0xbf: {  	[tilespmem:s18], [sflag:$0x1] =	stream.indirect_vreg.gather [hbm4b:s6+s4], $0x80, v3, vm0, $0xb8;
	[tilespmem:$0x14300] =	vst v63  }
0xc0: {  	s19 =	simm.s32 $0xF700  }
0xc1: {  	[tilespmem:s19], [sflag:$0x1] =	stream.indirect_vreg.gather [hbm4b:s11+s4], $0x80, v3, vm1, $0xb8;
	[tilespmem:$0x14300] =	vst v63  }
0xc2: {  	v3 =	vld.msk [tilespmem:$0x220], $0xff;
	_ =	sdelay $0x4  }
0xc3: {  	v63 =	vshrl.u32 v3, $0x3  }
0xc4: {  	v4 =	vmul.u32 $0x18, v63  }
0xc5: {  	v3 =	vand.u32 $0x7, v3  }
0xc6: {  	v3 =	vor.u32 v3, v4  }
0xc7: {  	v3 =	vperm.xlane v3, v0;
	_ =	sdelay $0x1  }
0xc8: {  	v3 =	vadd.s32 v1, v3;
	_ =	sdelay $0x3  }
0xc9: {  	s21 =	simm.s32 $0xFB00  }
0xca: {  	[tilespmem:s21], [sflag:$0x1] =	stream.indirect_vreg.gather [hbm4b:s6+s4], $0x80, v3, vm0, $0xb8;
	[tilespmem:$0x14300] =	vst v63  }
0xcb: {  	s22 =	simm.s32 $0x10300;
	s21 =	rddreg [dreg:$0x10]  }
0xcc: {  	[tilespmem:s22], [sflag:$0x1] =	stream.indirect_vreg.gather [hbm4b:s11+s4], $0x80, v3, vm1, $0xb8;
	[tilespmem:$0x14300] =	vst v63  }
0xcd: {  	s22 =	rddreg [dreg:$0x11]  }
.LBB2_6:
0xce: {  	_ =	swait.ge [sflag:s26], $0x3C00  }
0xcf: {  	s10 =	rddreg [dreg:$0x4];
	[sflag:s26] =	ssyncset.done $0x0  }
0xd0: {  	p0 =	sgt.u32 s15, $0x7C;
	[sflag:s26] =	ssyncadd.s32 $0xFFFFC400;
	s10 =	sadd.s32 s4, s10  }
0xd1: {  	[hbm4b:s10+s3] =	stream.linear.scatter [tilespmem:s9], [sflag:$0x3], $0x3C00, $0x38;
	[tilespmem:$0x14300] =	vst v63  }
0xd2: {  	s13 =	simm.s32 @!p0 $0x0;
	s10 =	simm.s32 @!p0 $0x280  }
0xd3: {  	[tilespmem:s10], [sflag:$0x5] =	stream.linear.gather @!p0 [hbm4b:s22+s13], $0x28, $0x38;
	[tilespmem:$0x14300] =	vst v63  }
0xd4: {  	s10 =	simm.s32 @!p0 $0x5  }
0xd5: {  	_ =	swait.ge @!p0 [sflag:s10], $0x28  }
0xd6: {  	[sflag:s10] =	ssyncset.done @!p0 $0x0  }
0xd7: {  	[sflag:s10] =	ssyncadd.s32 @!p0 $0xFFFFFFD8  }
0xd8: {  	v3 =	vld @!p0 [tilespmem:$0x280];
	_ =	sdelay $0x4  }
0xd9: {  	v4 =	vshrl.u32 @!p0 v3, $0x3  }
0xda: {  	v4 =	vmul.u32 @!p0 $0x18, v4  }
0xdb: {  	v5 =	vlaneseq.u32 @!p0;
	v3 =	vand.u32 @!p0 $0x7, v3  }
0xdc: {  	v6 =	vshrl.u32 @!p0 v5, $0x3;
	v3 =	vor.u32 @!p0 v3, v4;
	v4 =	vand.u32 @!p0 $0x7, v5  }
0xdd: {  	v6 =	vmul.u32 @!p0 $0x8, v6;
	v7 =	vperm.xlane @!p0 v3, v4;
	_ =	sdelay $0x1  }
0xde: {  	v7 =	vadd.s32 @!p0 v6, v7  }
0xdf: {  	v5 =	vor.u32 @!p0 $0x8, v5  }
0xe0: {  	v3 =	vperm.xlane @!p0 v3, v5;
	_ =	sdelay $0x1  }
0xe1: {  	vm2 =	vmmov @!p0 $0xffff;
	s10 =	simm.s32 @!p0 $0x10700;
	v3 =	vadd.s32 @!p0 v6, v3  }
0xe2: {  	[tilespmem:s10], [sflag:$0x2] =	stream.indirect_vreg.gather @!p0 [hbm4b:s6+s13], $0x80, v7, vm2, $0xb8;
	[tilespmem:$0x14300] =	vst v63  }
0xe3: {  	vm3 =	vmmov @!p0 $0xff;
	s16 =	simm.s32 @!p0 $0x10F00  }
0xe4: {  	[tilespmem:s16], [sflag:$0x2] =	stream.indirect_vreg.gather @!p0 [hbm4b:s11+s13], $0x80, v7, vm3, $0xb8;
	[tilespmem:$0x14300] =	vst v63  }
0xe5: {  	s16 =	simm.s32 @!p0 $0x11300  }
0xe6: {  	[tilespmem:s16], [sflag:$0x2] =	stream.indirect_vreg.gather @!p0 [hbm4b:s6+s13], $0x80, v3, vm2, $0xb8;
	[tilespmem:$0x14300] =	vst v63  }
0xe7: {  	s16 =	simm.s32 @!p0 $0x11B00  }
0xe8: {  	[tilespmem:s16], [sflag:$0x2] =	stream.indirect_vreg.gather @!p0 [hbm4b:s11+s13], $0x80, v3, vm3, $0xb8;
	[tilespmem:$0x14300] =	vst v63  }
0xe9: {  	v3 =	vld @!p0 [tilespmem:$0x290];
	_ =	sdelay $0x4  }
0xea: {  	v7 =	vshrl.u32 @!p0 v3, $0x3  }
0xeb: {  	v7 =	vmul.u32 @!p0 $0x18, v7  }
0xec: {  	v3 =	vand.u32 @!p0 $0x7, v3  }
0xed: {  	v3 =	vor.u32 @!p0 v3, v7  }
0xee: {  	v7 =	vperm.xlane @!p0 v3, v4;
	_ =	sdelay $0x1  }
0xef: {  	v7 =	vadd.s32 @!p0 v6, v7;
	_ =	sdelay $0x1  }
0xf0: {  	v3 =	vperm.xlane @!p0 v3, v5;
	_ =	sdelay $0x1  }
0xf1: {  	s16 =	simm.s32 @!p0 $0x11F00;
	v3 =	vadd.s32 @!p0 v6, v3  }
0xf2: {  	[tilespmem:s16], [sflag:$0x2] =	stream.indirect_vreg.gather @!p0 [hbm4b:s6+s13], $0x80, v7, vm2, $0xb8;
	[tilespmem:$0x14300] =	vst v63  }
0xf3: {  	s16 =	simm.s32 @!p0 $0x12700  }
0xf4: {  	[tilespmem:s16], [sflag:$0x2] =	stream.indirect_vreg.gather @!p0 [hbm4b:s11+s13], $0x80, v7, vm3, $0xb8;
	[tilespmem:$0x14300] =	vst v63  }
0xf5: {  	s16 =	simm.s32 @!p0 $0x12B00  }
0xf6: {  	[tilespmem:s16], [sflag:$0x2] =	stream.indirect_vreg.gather @!p0 [hbm4b:s6+s13], $0x80, v3, vm2, $0xb8;
	[tilespmem:$0x14300] =	vst v63  }
0xf7: {  	s16 =	simm.s32 @!p0 $0x13300  }
0xf8: {  	[tilespmem:s16], [sflag:$0x2] =	stream.indirect_vreg.gather @!p0 [hbm4b:s11+s13], $0x80, v3, vm3, $0xb8;
	[tilespmem:$0x14300] =	vst v63  }
0xf9: {  	v3 =	vld.msk @!p0 [tilespmem:$0x2A0], $0xff;
	_ =	sdelay $0x4  }
0xfa: {  	v5 =	vshrl.u32 @!p0 v3, $0x3  }
0xfb: {  	v5 =	vmul.u32 @!p0 $0x18, v5  }
0xfc: {  	v3 =	vand.u32 @!p0 $0x7, v3  }
0xfd: {  	v3 =	vor.u32 @!p0 v3, v5  }
0xfe: {  	v3 =	vperm.xlane @!p0 v3, v4;
	_ =	sdelay $0x1  }
0xff: {  	v3 =	vadd.s32 @!p0 v6, v3;
	_ =	sdelay $0x3  }
0x100: {  	s16 =	simm.s32 @!p0 $0x13700  }
0x101: {  	[tilespmem:s16], [sflag:$0x2] =	stream.indirect_vreg.gather @!p0 [hbm4b:s6+s13], $0x80, v3, vm2, $0xb8;
	[tilespmem:$0x14300] =	vst v63  }
0x102: {  	s16 =	simm.s32 @!p0 $0x13F00  }
0x103: {  	[tilespmem:s16], [sflag:$0x2] =	stream.indirect_vreg.gather @!p0 [hbm4b:s11+s13], $0x80, v3, vm3, $0xb8;
	[tilespmem:$0x14300] =	vst v63  }
0x104: {  	p1 =	seq.s32 s4, $0x3A200;
	_ =	swait.ge [sflag:s30], $0x3C00  }
0x105: {  	s18 =	simm.s32 @!p1 $0x0;
	s16 =	sshrl.u32 @!p1 s21, $0x3;
	[sflag:s30] =	ssyncset.done $0x0  }
0x106: {  	s19 =	simm.s32 @!p1 $0x200;
	s16 =	sadd.s32 @!p1 s7, s16;
	[sflag:s30] =	ssyncadd.s32 $0xFFFFC400  }
0x107: {  	[tilespmem:s19], [sflag:$0x5] =	stream.linear.gather @!p1 [hbm4b:s16+s18], $0x28, $0x38;
	[tilespmem:$0x14300] =	vst v63  }
0x108: {  	s16 =	simm.s32 @!p1 $0x5  }
0x109: {  	_ =	swait.ge @!p1 [sflag:s16], $0x28  }
0x10a: {  	[sflag:s16] =	ssyncset.done @!p1 $0x0  }
0x10b: {  	[sflag:s16] =	ssyncadd.s32 @!p1 $0xFFFFFFD8  }
0x10c: {  	v3 =	vld @!p1 [tilespmem:$0x200];
	_ =	sdelay $0x4  }
0x10d: {  	v4 =	vshrl.u32 @!p1 v3, $0x3  }
0x10e: {  	v4 =	vmul.u32 @!p1 $0x18, v4  }
0x10f: {  	v5 =	vlaneseq.u32 @!p1;
	v3 =	vand.u32 @!p1 $0x7, v3  }
0x110: {  	v6 =	vshrl.u32 @!p1 v5, $0x3;
	v3 =	vor.u32 @!p1 v3, v4;
	v4 =	vand.u32 @!p1 $0x7, v5  }
0x111: {  	v6 =	vmul.u32 @!p1 $0x8, v6;
	v7 =	vperm.xlane @!p1 v3, v4;
	_ =	sdelay $0x1  }
0x112: {  	v7 =	vadd.s32 @!p1 v6, v7  }
0x113: {  	v5 =	vor.u32 @!p1 $0x8, v5  }
0x114: {  	v3 =	vperm.xlane @!p1 v3, v5;
	_ =	sdelay $0x1  }
0x115: {  	vm2 =	vmmov @!p1 $0xffff;
	s16 =	simm.s32 @!p1 $0xCB00;
	v3 =	vadd.s32 @!p1 v6, v3  }
0x116: {  	[tilespmem:s16], [sflag:$0x1] =	stream.indirect_vreg.gather @!p1 [hbm4b:s6+s18], $0x80, v7, vm2, $0xb8;
	[tilespmem:$0x14300] =	vst v63  }
0x117: {  	vm3 =	vmmov @!p1 $0xff;
	s16 =	simm.s32 @!p1 $0xD300  }
0x118: {  	[tilespmem:s16], [sflag:$0x1] =	stream.indirect_vreg.gather @!p1 [hbm4b:s11+s18], $0x80, v7, vm3, $0xb8;
	[tilespmem:$0x14300] =	vst v63  }
0x119: {  	s16 =	simm.s32 @!p1 $0xD700  }
0x11a: {  	[tilespmem:s16], [sflag:$0x1] =	stream.indirect_vreg.gather @!p1 [hbm4b:s6+s18], $0x80, v3, vm2, $0xb8;
	[tilespmem:$0x14300] =	vst v63  }
0x11b: {  	s16 =	simm.s32 @!p1 $0xDF00  }
0x11c: {  	[tilespmem:s16], [sflag:$0x1] =	stream.indirect_vreg.gather @!p1 [hbm4b:s11+s18], $0x80, v3, vm3, $0xb8;
	[tilespmem:$0x14300] =	vst v63  }
0x11d: {  	v3 =	vld @!p1 [tilespmem:$0x210];
	_ =	sdelay $0x4  }
0x11e: {  	v7 =	vshrl.u32 @!p1 v3, $0x3  }
0x11f: {  	v7 =	vmul.u32 @!p1 $0x18, v7  }
0x120: {  	v3 =	vand.u32 @!p1 $0x7, v3  }
0x121: {  	v3 =	vor.u32 @!p1 v3, v7  }
0x122: {  	v7 =	vperm.xlane @!p1 v3, v4;
	_ =	sdelay $0x1  }
0x123: {  	v7 =	vadd.s32 @!p1 v6, v7;
	_ =	sdelay $0x1  }
0x124: {  	v3 =	vperm.xlane @!p1 v3, v5;
	_ =	sdelay $0x1  }
0x125: {  	s16 =	simm.s32 @!p1 $0xE300;
	v3 =	vadd.s32 @!p1 v6, v3  }
0x126: {  	[tilespmem:s16], [sflag:$0x1] =	stream.indirect_vreg.gather @!p1 [hbm4b:s6+s18], $0x80, v7, vm2, $0xb8;
	[tilespmem:$0x14300] =	vst v63  }
0x127: {  	s16 =	simm.s32 @!p1 $0xEB00  }
0x128: {  	[tilespmem:s16], [sflag:$0x1] =	stream.indirect_vreg.gather @!p1 [hbm4b:s11+s18], $0x80, v7, vm3, $0xb8;
	[tilespmem:$0x14300] =	vst v63  }
0x129: {  	s16 =	simm.s32 @!p1 $0xEF00  }
0x12a: {  	[tilespmem:s16], [sflag:$0x1] =	stream.indirect_vreg.gather @!p1 [hbm4b:s6+s18], $0x80, v3, vm2, $0xb8;
	[tilespmem:$0x14300] =	vst v63  }
0x12b: {  	s16 =	simm.s32 @!p1 $0xF700  }
0x12c: {  	[tilespmem:s16], [sflag:$0x1] =	stream.indirect_vreg.gather @!p1 [hbm4b:s11+s18], $0x80, v3, vm3, $0xb8;
	[tilespmem:$0x14300] =	vst v63  }
0x12d: {  	v3 =	vld.msk @!p1 [tilespmem:$0x220], $0xff;
	_ =	sdelay $0x4  }
0x12e: {  	v5 =	vshrl.u32 @!p1 v3, $0x3  }
0x12f: {  	v5 =	vmul.u32 @!p1 $0x18, v5  }
0x130: {  	v3 =	vand.u32 @!p1 $0x7, v3  }
0x131: {  	v3 =	vor.u32 @!p1 v3, v5  }
0x132: {  	v3 =	vperm.xlane @!p1 v3, v4;
	_ =	sdelay $0x1  }
0x133: {  	v3 =	vadd.s32 @!p1 v6, v3;
	_ =	sdelay $0x3  }
0x134: {  	s16 =	simm.s32 @!p1 $0xFB00  }
0x135: {  	[tilespmem:s16], [sflag:$0x1] =	stream.indirect_vreg.gather @!p1 [hbm4b:s6+s18], $0x80, v3, vm2, $0xb8;
	[tilespmem:$0x14300] =	vst v63  }
0x136: {  	s16 =	simm.s32 @!p1 $0x10300  }
0x137: {  	[tilespmem:s16], [sflag:$0x1] =	stream.indirect_vreg.gather @!p1 [hbm4b:s11+s18], $0x80, v3, vm3, $0xb8;
	[tilespmem:$0x14300] =	vst v63  }
0x138: {  	s16 =	simm.s32 @!p0 $0x2  }
0x139: {  	_ =	swait.ge @!p0 [sflag:s16], $0x3C00  }
0x13a: {  	s18 =	rddreg [dreg:$0x5];
	[sflag:s16] =	ssyncset.done @!p0 $0x0  }
0x13b: {  	[sflag:s16] =	ssyncadd.s32 @!p0 $0xFFFFC400;
	s16 =	sadd.s32 @!p0 s4, s18  }
0x13c: {  	[hbm4b:s16+s13] =	stream.linear.scatter @!p0 [tilespmem:s10], [sflag:$0x4], $0x3C00, $0x38;
	[tilespmem:$0x14300] =	vst v63  }
0x13d: {  	s10 =	simm.s32 @!p0 $0x4  }
0x13e: {  	_ =	swait.ge @!p0 [sflag:s10], $0x3C00  }
0x13f: {  	s4 =	sadd.s32 $0xF00, s4;
	[sflag:s10] =	ssyncset.done @!p0 $0x0  }
0x140: {  	[sflag:s10] =	ssyncadd.s32 @!p0 $0xFFFFC400;
	p0 =	sne.s32 s4, $0x3B100  }
.Ltmp2:
0x141: {  	_ = 	snop;
	(pc) =	sbr.rel @p0 .LBB2_6-.Ltmp2, $2  }
0x142: {  	_ =	sdelay $0x2  }
0x143: {  	s15 =	sadd.s32 $0x2, s15;
	s22 =	sadd.s32 $0xA, s22;
	s21 =	sadd.s32 $0x50, s21  }
0x144: {  	s4 =	simm.s32 $0x0;
	s10 =	rddreg [dreg:$0x9];
	s13 =	simm.s32 $0x200  }
0x145: {  	[tilespmem:s13], [sflag:$0x5] =	stream.linear.gather [hbm4b:s10+s4], $0x28, $0x38;
	[tilespmem:$0x14300] =	vst v63  }
0x146: {  	_ =	swait.ge [sflag:s23], $0x28  }
0x147: {  	[sflag:s23] =	ssyncset.done $0x0  }
0x148: {  	[sflag:s23] =	ssyncadd.s32 $0xFFFFFFD8  }
0x149: {  	v3 =	vld [tilespmem:$0x200];
	_ =	sdelay $0x4  }
0x14a: {  	v4 =	vshrl.u32 v3, $0x3  }
0x14b: {  	v4 =	vmul.u32 $0x18, v4  }
0x14c: {  	v3 =	vand.u32 $0x7, v3  }
0x14d: {  	v3 =	vor.u32 v3, v4  }
0x14e: {  	v4 =	vperm.xlane v3, v0;
	_ =	sdelay $0x1  }
0x14f: {  	v4 =	vadd.s32 v1, v4;
	_ =	sdelay $0x1  }
0x150: {  	v3 =	vperm.xlane v3, v2;
	_ =	sdelay $0x1  }
0x151: {  	v3 =	vadd.s32 v1, v3  }
0x152: {  	[tilespmem:s9], [sflag:$0x1] =	stream.indirect_vreg.gather [hbm4b:s2+s4], $0x80, v4, vm0, $0xb8;
	[tilespmem:$0x14300] =	vst v63  }
0x153: {  	s21 =	simm.s32 $0xD300  }
0x154: {  	[tilespmem:s21], [sflag:$0x1] =	stream.indirect_vreg.gather [hbm4b:s12+s4], $0x80, v4, vm1, $0xb8;
	[tilespmem:$0x14300] =	vst v63  }
0x155: {  	s22 =	simm.s32 $0xD700  }
0x156: {  	[tilespmem:s22], [sflag:$0x1] =	stream.indirect_vreg.gather [hbm4b:s2+s4], $0x80, v3, vm0, $0xb8;
	[tilespmem:$0x14300] =	vst v63  }
0x157: {  	s13 =	simm.s32 $0xDF00  }
0x158: {  	[tilespmem:s13], [sflag:$0x1] =	stream.indirect_vreg.gather [hbm4b:s12+s4], $0x80, v3, vm1, $0xb8;
	[tilespmem:$0x14300] =	vst v63  }
0x159: {  	v3 =	vld [tilespmem:$0x210];
	_ =	sdelay $0x4  }
0x15a: {  	v62 =	vshrl.u32 v3, $0x3  }
0x15b: {  	v4 =	vmul.u32 $0x18, v62  }
0x15c: {  	v3 =	vand.u32 $0x7, v3  }
0x15d: {  	v3 =	vor.u32 v3, v4  }
0x15e: {  	v4 =	vperm.xlane v3, v0;
	_ =	sdelay $0x1  }
0x15f: {  	v4 =	vadd.s32 v1, v4;
	_ =	sdelay $0x1  }
0x160: {  	v3 =	vperm.xlane v3, v2;
	_ =	sdelay $0x1  }
0x161: {  	s15 =	simm.s32 $0xE300;
	v3 =	vadd.s32 v1, v3  }
0x162: {  	[tilespmem:s15], [sflag:$0x1] =	stream.indirect_vreg.gather [hbm4b:s2+s4], $0x80, v4, vm0, $0xb8;
	[tilespmem:$0x14300] =	vst v63  }
0x163: {  	s16 =	simm.s32 $0xEB00  }
0x164: {  	[tilespmem:s16], [sflag:$0x1] =	stream.indirect_vreg.gather [hbm4b:s12+s4], $0x80, v4, vm1, $0xb8;
	[tilespmem:$0x14300] =	vst v63  }
0x165: {  	s18 =	simm.s32 $0xEF00  }
0x166: {  	[tilespmem:s18], [sflag:$0x1] =	stream.indirect_vreg.gather [hbm4b:s2+s4], $0x80, v3, vm0, $0xb8;
	[tilespmem:$0x14300] =	vst v63  }
0x167: {  	s19 =	simm.s32 $0xF700  }
0x168: {  	[tilespmem:s19], [sflag:$0x1] =	stream.indirect_vreg.gather [hbm4b:s12+s4], $0x80, v3, vm1, $0xb8;
	[tilespmem:$0x14300] =	vst v63  }
0x169: {  	v3 =	vld.msk [tilespmem:$0x220], $0xff;
	_ =	sdelay $0x4  }
0x16a: {  	v63 =	vshrl.u32 v3, $0x3  }
0x16b: {  	v4 =	vmul.u32 $0x18, v63  }
0x16c: {  	v3 =	vand.u32 $0x7, v3  }
0x16d: {  	v3 =	vor.u32 v3, v4  }
0x16e: {  	v3 =	vperm.xlane v3, v0;
	_ =	sdelay $0x1  }
0x16f: {  	v3 =	vadd.s32 v1, v3;
	_ =	sdelay $0x3  }
0x170: {  	s21 =	simm.s32 $0xFB00  }
0x171: {  	[tilespmem:s21], [sflag:$0x1] =	stream.indirect_vreg.gather [hbm4b:s2+s4], $0x80, v3, vm0, $0xb8;
	[tilespmem:$0x14300] =	vst v63  }
0x172: {  	s22 =	simm.s32 $0x10300;
	s21 =	rddreg [dreg:$0x10]  }
0x173: {  	[tilespmem:s22], [sflag:$0x1] =	stream.indirect_vreg.gather [hbm4b:s12+s4], $0x80, v3, vm1, $0xb8;
	[tilespmem:$0x14300] =	vst v63  }
0x174: {  	s15 =	simm.s32 $0x1;
	s22 =	rddreg [dreg:$0x11]  }
.LBB2_8:
0x175: {  	_ =	swait.ge [sflag:s26], $0x3C00  }
0x176: {  	s10 =	rddreg [dreg:$0x6];
	[sflag:s26] =	ssyncset.done $0x0  }
0x177: {  	p0 =	sgt.u32 s15, $0x7C;
	[sflag:s26] =	ssyncadd.s32 $0xFFFFC400;
	s10 =	sadd.s32 s4, s10  }
0x178: {  	[hbm4b:s10+s3] =	stream.linear.scatter [tilespmem:s9], [sflag:$0x3], $0x3C00, $0x38;
	[tilespmem:$0x14300] =	vst v63  }
0x179: {  	s13 =	simm.s32 @!p0 $0x0;
	s10 =	simm.s32 @!p0 $0x280  }
0x17a: {  	[tilespmem:s10], [sflag:$0x5] =	stream.linear.gather @!p0 [hbm4b:s22+s13], $0x28, $0x38;
	[tilespmem:$0x14300] =	vst v63  }
0x17b: {  	s10 =	simm.s32 @!p0 $0x5  }
0x17c: {  	_ =	swait.ge @!p0 [sflag:s10], $0x28  }
0x17d: {  	[sflag:s10] =	ssyncset.done @!p0 $0x0  }
0x17e: {  	[sflag:s10] =	ssyncadd.s32 @!p0 $0xFFFFFFD8  }
0x17f: {  	v3 =	vld @!p0 [tilespmem:$0x280];
	_ =	sdelay $0x4  }
0x180: {  	v4 =	vshrl.u32 @!p0 v3, $0x3  }
0x181: {  	v4 =	vmul.u32 @!p0 $0x18, v4  }
0x182: {  	v5 =	vlaneseq.u32 @!p0;
	v3 =	vand.u32 @!p0 $0x7, v3  }
0x183: {  	v6 =	vshrl.u32 @!p0 v5, $0x3;
	v3 =	vor.u32 @!p0 v3, v4;
	v4 =	vand.u32 @!p0 $0x7, v5  }
0x184: {  	v6 =	vmul.u32 @!p0 $0x8, v6;
	v7 =	vperm.xlane @!p0 v3, v4;
	_ =	sdelay $0x1  }
0x185: {  	v7 =	vadd.s32 @!p0 v6, v7  }
0x186: {  	v5 =	vor.u32 @!p0 $0x8, v5  }
0x187: {  	v3 =	vperm.xlane @!p0 v3, v5;
	_ =	sdelay $0x1  }
0x188: {  	vm2 =	vmmov @!p0 $0xffff;
	s10 =	simm.s32 @!p0 $0x10700;
	v3 =	vadd.s32 @!p0 v6, v3  }
0x189: {  	[tilespmem:s10], [sflag:$0x2] =	stream.indirect_vreg.gather @!p0 [hbm4b:s2+s13], $0x80, v7, vm2, $0xb8;
	[tilespmem:$0x14300] =	vst v63  }
0x18a: {  	vm3 =	vmmov @!p0 $0xff;
	s16 =	simm.s32 @!p0 $0x10F00  }
0x18b: {  	[tilespmem:s16], [sflag:$0x2] =	stream.indirect_vreg.gather @!p0 [hbm4b:s12+s13], $0x80, v7, vm3, $0xb8;
	[tilespmem:$0x14300] =	vst v63  }
0x18c: {  	s16 =	simm.s32 @!p0 $0x11300  }
0x18d: {  	[tilespmem:s16], [sflag:$0x2] =	stream.indirect_vreg.gather @!p0 [hbm4b:s2+s13], $0x80, v3, vm2, $0xb8;
	[tilespmem:$0x14300] =	vst v63  }
0x18e: {  	s16 =	simm.s32 @!p0 $0x11B00  }
0x18f: {  	[tilespmem:s16], [sflag:$0x2] =	stream.indirect_vreg.gather @!p0 [hbm4b:s12+s13], $0x80, v3, vm3, $0xb8;
	[tilespmem:$0x14300] =	vst v63  }
0x190: {  	v3 =	vld @!p0 [tilespmem:$0x290];
	_ =	sdelay $0x4  }
0x191: {  	v7 =	vshrl.u32 @!p0 v3, $0x3  }
0x192: {  	v7 =	vmul.u32 @!p0 $0x18, v7  }
0x193: {  	v3 =	vand.u32 @!p0 $0x7, v3  }
0x194: {  	v3 =	vor.u32 @!p0 v3, v7  }
0x195: {  	v7 =	vperm.xlane @!p0 v3, v4;
	_ =	sdelay $0x1  }
0x196: {  	v7 =	vadd.s32 @!p0 v6, v7;
	_ =	sdelay $0x1  }
0x197: {  	v3 =	vperm.xlane @!p0 v3, v5;
	_ =	sdelay $0x1  }
0x198: {  	s16 =	simm.s32 @!p0 $0x11F00;
	v3 =	vadd.s32 @!p0 v6, v3  }
0x199: {  	[tilespmem:s16], [sflag:$0x2] =	stream.indirect_vreg.gather @!p0 [hbm4b:s2+s13], $0x80, v7, vm2, $0xb8;
	[tilespmem:$0x14300] =	vst v63  }
0x19a: {  	s16 =	simm.s32 @!p0 $0x12700  }
0x19b: {  	[tilespmem:s16], [sflag:$0x2] =	stream.indirect_vreg.gather @!p0 [hbm4b:s12+s13], $0x80, v7, vm3, $0xb8;
	[tilespmem:$0x14300] =	vst v63  }
0x19c: {  	s16 =	simm.s32 @!p0 $0x12B00  }
0x19d: {  	[tilespmem:s16], [sflag:$0x2] =	stream.indirect_vreg.gather @!p0 [hbm4b:s2+s13], $0x80, v3, vm2, $0xb8;
	[tilespmem:$0x14300] =	vst v63  }
0x19e: {  	s16 =	simm.s32 @!p0 $0x13300  }
0x19f: {  	[tilespmem:s16], [sflag:$0x2] =	stream.indirect_vreg.gather @!p0 [hbm4b:s12+s13], $0x80, v3, vm3, $0xb8;
	[tilespmem:$0x14300] =	vst v63  }
0x1a0: {  	v3 =	vld.msk @!p0 [tilespmem:$0x2A0], $0xff;
	_ =	sdelay $0x4  }
0x1a1: {  	v5 =	vshrl.u32 @!p0 v3, $0x3  }
0x1a2: {  	v5 =	vmul.u32 @!p0 $0x18, v5  }
0x1a3: {  	v3 =	vand.u32 @!p0 $0x7, v3  }
0x1a4: {  	v3 =	vor.u32 @!p0 v3, v5  }
0x1a5: {  	v3 =	vperm.xlane @!p0 v3, v4;
	_ =	sdelay $0x1  }
0x1a6: {  	v3 =	vadd.s32 @!p0 v6, v3;
	_ =	sdelay $0x3  }
0x1a7: {  	s16 =	simm.s32 @!p0 $0x13700  }
0x1a8: {  	[tilespmem:s16], [sflag:$0x2] =	stream.indirect_vreg.gather @!p0 [hbm4b:s2+s13], $0x80, v3, vm2, $0xb8;
	[tilespmem:$0x14300] =	vst v63  }
0x1a9: {  	s16 =	simm.s32 @!p0 $0x13F00  }
0x1aa: {  	[tilespmem:s16], [sflag:$0x2] =	stream.indirect_vreg.gather @!p0 [hbm4b:s12+s13], $0x80, v3, vm3, $0xb8;
	[tilespmem:$0x14300] =	vst v63  }
0x1ab: {  	p1 =	seq.s32 s4, $0x3A200;
	_ =	swait.ge [sflag:s30], $0x3C00  }
0x1ac: {  	s18 =	simm.s32 @!p1 $0x0;
	s16 =	sshrl.u32 @!p1 s21, $0x3;
	[sflag:s30] =	ssyncset.done $0x0  }
0x1ad: {  	s19 =	simm.s32 @!p1 $0x200;
	s16 =	sadd.s32 @!p1 s7, s16;
	[sflag:s30] =	ssyncadd.s32 $0xFFFFC400  }
0x1ae: {  	[tilespmem:s19], [sflag:$0x5] =	stream.linear.gather @!p1 [hbm4b:s16+s18], $0x28, $0x38;
	[tilespmem:$0x14300] =	vst v63  }
0x1af: {  	s16 =	simm.s32 @!p1 $0x5  }
0x1b0: {  	_ =	swait.ge @!p1 [sflag:s16], $0x28  }
0x1b1: {  	[sflag:s16] =	ssyncset.done @!p1 $0x0  }
0x1b2: {  	[sflag:s16] =	ssyncadd.s32 @!p1 $0xFFFFFFD8  }
0x1b3: {  	v3 =	vld @!p1 [tilespmem:$0x200];
	_ =	sdelay $0x4  }
0x1b4: {  	v4 =	vshrl.u32 @!p1 v3, $0x3  }
0x1b5: {  	v4 =	vmul.u32 @!p1 $0x18, v4  }
0x1b6: {  	v5 =	vlaneseq.u32 @!p1;
	v3 =	vand.u32 @!p1 $0x7, v3  }
0x1b7: {  	v6 =	vshrl.u32 @!p1 v5, $0x3;
	v3 =	vor.u32 @!p1 v3, v4;
	v4 =	vand.u32 @!p1 $0x7, v5  }
0x1b8: {  	v6 =	vmul.u32 @!p1 $0x8, v6;
	v7 =	vperm.xlane @!p1 v3, v4;
	_ =	sdelay $0x1  }
0x1b9: {  	v7 =	vadd.s32 @!p1 v6, v7  }
0x1ba: {  	v5 =	vor.u32 @!p1 $0x8, v5  }
0x1bb: {  	v3 =	vperm.xlane @!p1 v3, v5;
	_ =	sdelay $0x1  }
0x1bc: {  	vm2 =	vmmov @!p1 $0xffff;
	s16 =	simm.s32 @!p1 $0xCB00;
	v3 =	vadd.s32 @!p1 v6, v3  }
0x1bd: {  	[tilespmem:s16], [sflag:$0x1] =	stream.indirect_vreg.gather @!p1 [hbm4b:s2+s18], $0x80, v7, vm2, $0xb8;
	[tilespmem:$0x14300] =	vst v63  }
0x1be: {  	vm3 =	vmmov @!p1 $0xff;
	s16 =	simm.s32 @!p1 $0xD300  }
0x1bf: {  	[tilespmem:s16], [sflag:$0x1] =	stream.indirect_vreg.gather @!p1 [hbm4b:s12+s18], $0x80, v7, vm3, $0xb8;
	[tilespmem:$0x14300] =	vst v63  }
0x1c0: {  	s16 =	simm.s32 @!p1 $0xD700  }
0x1c1: {  	[tilespmem:s16], [sflag:$0x1] =	stream.indirect_vreg.gather @!p1 [hbm4b:s2+s18], $0x80, v3, vm2, $0xb8;
	[tilespmem:$0x14300] =	vst v63  }
0x1c2: {  	s16 =	simm.s32 @!p1 $0xDF00  }
0x1c3: {  	[tilespmem:s16], [sflag:$0x1] =	stream.indirect_vreg.gather @!p1 [hbm4b:s12+s18], $0x80, v3, vm3, $0xb8;
	[tilespmem:$0x14300] =	vst v63  }
0x1c4: {  	v3 =	vld @!p1 [tilespmem:$0x210];
	_ =	sdelay $0x4  }
0x1c5: {  	v7 =	vshrl.u32 @!p1 v3, $0x3  }
0x1c6: {  	v7 =	vmul.u32 @!p1 $0x18, v7  }
0x1c7: {  	v3 =	vand.u32 @!p1 $0x7, v3  }
0x1c8: {  	v3 =	vor.u32 @!p1 v3, v7  }
0x1c9: {  	v7 =	vperm.xlane @!p1 v3, v4;
	_ =	sdelay $0x1  }
0x1ca: {  	v7 =	vadd.s32 @!p1 v6, v7;
	_ =	sdelay $0x1  }
0x1cb: {  	v3 =	vperm.xlane @!p1 v3, v5;
	_ =	sdelay $0x1  }
0x1cc: {  	s16 =	simm.s32 @!p1 $0xE300;
	v3 =	vadd.s32 @!p1 v6, v3  }
0x1cd: {  	[tilespmem:s16], [sflag:$0x1] =	stream.indirect_vreg.gather @!p1 [hbm4b:s2+s18], $0x80, v7, vm2, $0xb8;
	[tilespmem:$0x14300] =	vst v63  }
0x1ce: {  	s16 =	simm.s32 @!p1 $0xEB00  }
0x1cf: {  	[tilespmem:s16], [sflag:$0x1] =	stream.indirect_vreg.gather @!p1 [hbm4b:s12+s18], $0x80, v7, vm3, $0xb8;
	[tilespmem:$0x14300] =	vst v63  }
0x1d0: {  	s16 =	simm.s32 @!p1 $0xEF00  }
0x1d1: {  	[tilespmem:s16], [sflag:$0x1] =	stream.indirect_vreg.gather @!p1 [hbm4b:s2+s18], $0x80, v3, vm2, $0xb8;
	[tilespmem:$0x14300] =	vst v63  }
0x1d2: {  	s16 =	simm.s32 @!p1 $0xF700  }
0x1d3: {  	[tilespmem:s16], [sflag:$0x1] =	stream.indirect_vreg.gather @!p1 [hbm4b:s12+s18], $0x80, v3, vm3, $0xb8;
	[tilespmem:$0x14300] =	vst v63  }
0x1d4: {  	v3 =	vld.msk @!p1 [tilespmem:$0x220], $0xff;
	_ =	sdelay $0x4  }
0x1d5: {  	v5 =	vshrl.u32 @!p1 v3, $0x3  }
0x1d6: {  	v5 =	vmul.u32 @!p1 $0x18, v5  }
0x1d7: {  	v3 =	vand.u32 @!p1 $0x7, v3  }
0x1d8: {  	v3 =	vor.u32 @!p1 v3, v5  }
0x1d9: {  	v3 =	vperm.xlane @!p1 v3, v4;
	_ =	sdelay $0x1  }
0x1da: {  	v3 =	vadd.s32 @!p1 v6, v3;
	_ =	sdelay $0x3  }
0x1db: {  	s16 =	simm.s32 @!p1 $0xFB00  }
0x1dc: {  	[tilespmem:s16], [sflag:$0x1] =	stream.indirect_vreg.gather @!p1 [hbm4b:s2+s18], $0x80, v3, vm2, $0xb8;
	[tilespmem:$0x14300] =	vst v63  }
0x1dd: {  	s16 =	simm.s32 @!p1 $0x10300  }
0x1de: {  	[tilespmem:s16], [sflag:$0x1] =	stream.indirect_vreg.gather @!p1 [hbm4b:s12+s18], $0x80, v3, vm3, $0xb8;
	[tilespmem:$0x14300] =	vst v63  }
0x1df: {  	s16 =	simm.s32 @!p0 $0x2  }
0x1e0: {  	_ =	swait.ge @!p0 [sflag:s16], $0x3C00  }
0x1e1: {  	s18 =	rddreg [dreg:$0x7];
	[sflag:s16] =	ssyncset.done @!p0 $0x0  }
0x1e2: {  	[sflag:s16] =	ssyncadd.s32 @!p0 $0xFFFFC400;
	s16 =	sadd.s32 @!p0 s4, s18  }
0x1e3: {  	[hbm4b:s16+s13] =	stream.linear.scatter @!p0 [tilespmem:s10], [sflag:$0x4], $0x3C00, $0x38;
	[tilespmem:$0x14300] =	vst v63  }
0x1e4: {  	s10 =	simm.s32 @!p0 $0x4  }
0x1e5: {  	_ =	swait.ge @!p0 [sflag:s10], $0x3C00  }
0x1e6: {  	s4 =	sadd.s32 $0xF00, s4;
	[sflag:s10] =	ssyncset.done @!p0 $0x0  }
0x1e7: {  	[sflag:s10] =	ssyncadd.s32 @!p0 $0xFFFFC400;
	p0 =	sne.s32 s4, $0x3B100  }
.Ltmp3:
0x1e8: {  	_ = 	snop;
	(pc) =	sbr.rel @p0 .LBB2_8-.Ltmp3, $2  }
0x1e9: {  	_ =	sdelay $0x2  }
0x1ea: {  	s15 =	sadd.s32 $0x2, s15;
	s22 =	sadd.s32 $0xA, s22;
	s21 =	sadd.s32 $0x50, s21  }
0x1eb: {  	s14 =	sadd.s32 $0x1, s14;
	s4 =	rddreg [dreg:$0xa]  }
0x1ec: {  	p0 =	sne.s32 s14, s4  }
.Ltmp4:
0x1ed: {  	_ = 	snop;
	(pc) =	sbr.rel @p0 .LBB2_1-.Ltmp4, $2  }
0x1ee: {  	_ =	sdelay $0x2  }
0x1ef: {  	s16 =	rddreg [dreg:$0xe]  }
0x1f0: {  	_ =	sfence.sel $0x180000  }
0x1f1: {  	[bflag:$0x0] =	sbarrier.arrive $0xFFFF  }
0x1f2: {  	_ =	strace $0x90000047  }
0x1f3: {  	s0 =	stileid.u32;
	[bflag:$0x2] =	sbarrier.arrive $0xFFFF  }
0x1f4: {  	p0 =	sne.s32 s0, $0x0;
	s0 =	rddreg [dreg:$0x3]  }
0x1f5: {  	s0 =	sadd.s32 @!p0 $0x100000, s0  }
0x1f6: {  	[sflag:s0] =	ssyncadd.tile.s32 @!p0 $0x1;
	_ =	shalt  }
.Lfunc_end2:
_tile_overlayer_lowered:
.L_overlay_start_2:
0x1f7: {  	(tag) =	ssettag $0x2  }
0x1f8: {  	s0 =	rddreg [dreg:$0x0];
	s2 =	stileid.u32  }
0x1f9: {  	s1 =	rddreg [dreg:$0x1];
	p0 =	sne.s32 s2, $0x0  }
0x1fa: {  	s3 =	rddreg [dreg:$0x2];
	[bflag:$0x3] =	sbarrier.arrive $0xFFFF;
	s2 =	simm.s32 @!p0 $0x1C05  }
0x1fb: {  	[timem:s3], [sflag:s2] =	dma.local @!p0 [hbm:s0], s1  }
0x1fc: {  	s0 =	simm.s32 @!p0 $0x5  }
0x1fd: {  	_ =	swait.ge @!p0 [sflag:s0], s1  }
0x1fe: {  	s1 =	ssub.s32 @!p0 $0x0, s1;
	[sflag:s0] =	ssyncset.done @!p0 $0x0  }
0x1ff: {  	[sflag:s0] =	ssyncadd.s32 @!p0 s1  }
0x200: {  	[bflag:$0x3] =	sbarrier.arrive $0xFFFF  }
0x201: {  	_ =	shalt  }

</sc_bundles>
